<compile_context>
chip_gen: v7x
topology: tpu7x:2x2x1
jax: 0.10.2.dev20260603
libtpu: 0.0.44.dev20260713+nightly
codegen_flags: <defaults>
</compile_context>

<pallas_src>
import dataclasses
import functools

import jax
import jax.numpy as jnp
from jax.experimental import pallas as pl
from jax.experimental.pallas import tpu as pltpu
from jax.experimental.pallas import tpu_sc as plsc

_N = 10000
_E = 320000
_EALL = _E + _N
_D = 128

_NC = 2
_NS = 16
_NW = _NC * _NS
_L = 16
_ET = 10320
_E_PAD = _ET * _NW
_N_PAD = 10016
_FPT = _D // _NW

_mesh = plsc.VectorSubcoreMesh(core_axis_name="c", subcore_axis_name="s")

_sc_params = pltpu.CompilerParams()
if "needs_layout_passes" in pltpu.CompilerParams.__dataclass_fields__:
    _sc_params = dataclasses.replace(_sc_params, needs_layout_passes=False)



def _store_dense_outs(xw, asr_ref, adr_ref, xwt_ref, as_ref, ad_ref, am_ref):
    asv = jnp.dot(xw, asr_ref[...], preferred_element_type=jnp.float32)
    adv = jnp.dot(xw, adr_ref[...], preferred_element_type=jnp.float32)
    as_ref[pl.ds(0, _N), :] = asv
    as_ref[pl.ds(_N, _N_PAD - _N), :] = jnp.full(
        (_N_PAD - _N, 1), -1e30, jnp.float32)
    ad_ref[pl.ds(0, _N), :] = adv
    ad_ref[pl.ds(_N, _N_PAD - _N), :] = jnp.zeros((_N_PAD - _N, 1), jnp.float32)
    am_ref[...] = jnp.max(asv).reshape(1, 1)
    xwt_ref[:, pl.ds(0, _N)] = xw.T


_dense_out_types = (
    jax.ShapeDtypeStruct((_D, _N_PAD), jnp.float32),
    jax.ShapeDtypeStruct((_N_PAD, 1), jnp.float32),
    jax.ShapeDtypeStruct((_N_PAD, 1), jnp.float32),
    jax.ShapeDtypeStruct((1, 1), jnp.float32),
)


def _dense1_body(x_ref, w_ref, asr_ref, adr_ref, xwt_ref, as_ref, ad_ref, am_ref):
    xw = jnp.dot(x_ref[...], w_ref[...], preferred_element_type=jnp.float32)
    _store_dense_outs(xw, asr_ref, adr_ref, xwt_ref, as_ref, ad_ref, am_ref)


def _dense1(x, w, a_src, a_dst):
    return pl.pallas_call(
        _dense1_body,
        out_shape=_dense_out_types,
    )(x, w, a_src.reshape(_D, 1), a_dst.reshape(_D, 1))


def _dense2_body(ut_ref, b_ref, w_ref, asr_ref, adr_ref,
                 xwt_ref, as_ref, ad_ref, am_ref):
    h = ut_ref[:, pl.ds(0, _N)].T + b_ref[...]
    h = jnp.where(h > 0, h, jnp.exp(jnp.minimum(h, 0.0)) - 1.0)
    xw = jnp.dot(h, w_ref[...], preferred_element_type=jnp.float32)
    _store_dense_outs(xw, asr_ref, adr_ref, xwt_ref, as_ref, ad_ref, am_ref)


def _dense2(ut, b, w, a_src, a_dst):
    return pl.pallas_call(
        _dense2_body,
        out_shape=_dense_out_types,
    )(ut, b.reshape(1, _D), w, a_src.reshape(_D, 1), a_dst.reshape(_D, 1))


def _rden_body(den_ref, r_ref):
    s = jnp.sum(den_ref[...], axis=0, keepdims=True)
    r_ref[...] = 1.0 / (s + 1e-16)


def _rden(den):
    return pl.pallas_call(
        _rden_body,
        out_shape=jax.ShapeDtypeStruct((1, _N_PAD), jnp.float32),
    )(den)


def _bias_body(u_ref, b_ref, o_ref):
    o_ref[...] = u_ref[:, pl.ds(0, _N)].T + b_ref[...]


def _bias(u, b):
    return pl.pallas_call(
        _bias_body,
        out_shape=jax.ShapeDtypeStruct((_N, _D), jnp.float32),
    )(u, b.reshape(1, _D))



@functools.partial(
    pl.kernel,
    out_type=(
        jax.ShapeDtypeStruct((_E_PAD,), jnp.float32),
        jax.ShapeDtypeStruct((_NW, _N_PAD), jnp.float32),
        jax.ShapeDtypeStruct((_E_PAD,), jnp.int32),
    ),
    mesh=_mesh,
    compiler_params=_sc_params,
    scratch_types=[
        pltpu.VMEM((_N_PAD,), jnp.float32),
        pltpu.VMEM((_N_PAD,), jnp.float32),
        pltpu.VMEM((_L,), jnp.float32),
        pltpu.VMEM((_ET,), jnp.int32),
        pltpu.VMEM((_ET,), jnp.int32),
        pltpu.VMEM((_ET,), jnp.float32),
        pltpu.VMEM((_N_PAD,), jnp.float32),
        pltpu.VMEM((_ET,), jnp.int32),
        pltpu.SemaphoreType.DMA,
    ],
)
def _edge_a(src_hbm, dst_hbm, as_hbm, ad_hbm, av_hbm, ee_hbm, den_hbm, pk_hbm,
            asl, adl, avl, srcb, dstb, eeb, denl, pkb, sem):
    wid = jax.lax.axis_index("s") * _NC + jax.lax.axis_index("c")
    base = wid * _ET
    pltpu.async_copy(as_hbm, asl, sem)
    pltpu.async_copy(ad_hbm, adl, sem)
    pltpu.async_copy(av_hbm, avl, sem)
    pltpu.async_copy(src_hbm.at[pl.ds(base, _ET)], srcb, sem)
    pltpu.async_copy(dst_hbm.at[pl.ds(base, _ET)], dstb, sem)

    @plsc.parallel_loop(0, _N_PAD, step=_L, unroll=8)
    def _(j):
        denl[pl.ds(j, _L)] = jnp.zeros((_L,), jnp.float32)

    pltpu.make_async_copy(as_hbm, asl, sem).wait()
    pltpu.make_async_copy(ad_hbm, adl, sem).wait()
    pltpu.make_async_copy(av_hbm, avl, sem).wait()
    pltpu.make_async_copy(src_hbm.at[pl.ds(base, _ET)], srcb, sem).wait()
    pltpu.make_async_copy(dst_hbm.at[pl.ds(base, _ET)], dstb, sem).wait()

    av = avl[...]

    @plsc.parallel_loop(0, _ET, step=_L, unroll=4)
    def _(i):
        s16 = srcb[pl.ds(i, _L)]
        d16 = dstb[pl.ds(i, _L)]
        a = plsc.load_gather(asl, [s16])
        d = plsc.load_gather(adl, [d16])
        z = a + d
        e = jnp.where(z >= 0, z, 0.2 * z)
        zm = av + d
        m = jnp.where(zm >= 0, zm, 0.2 * zm)
        ee = jnp.exp(e - m)
        eeb[pl.ds(i, _L)] = ee
        pkb[pl.ds(i, _L)] = jnp.bitwise_or(jnp.left_shift(s16, 14), d16)
        plsc.addupdate_scatter(denl, [d16], ee)

    pltpu.sync_copy(eeb, ee_hbm.at[pl.ds(base, _ET)])
    pltpu.sync_copy(pkb, pk_hbm.at[pl.ds(base, _ET)])
    pltpu.sync_copy(denl, den_hbm.at[wid])


@functools.partial(
    pl.kernel,
    out_type=jax.ShapeDtypeStruct((_E_PAD,), jnp.float32),
    mesh=_mesh,
    compiler_params=_sc_params,
    scratch_types=[
        pltpu.VMEM((_N_PAD,), jnp.float32),
        pltpu.VMEM((_ET,), jnp.int32),
        pltpu.VMEM((_ET,), jnp.float32),
    ],
)
def _edge_alpha(dst_hbm, ee_hbm, rd_hbm, al_hbm, rdl, dstb, eeb):
    wid = jax.lax.axis_index("s") * _NC + jax.lax.axis_index("c")
    base = wid * _ET
    pltpu.sync_copy(rd_hbm, rdl)
    pltpu.sync_copy(dst_hbm.at[pl.ds(base, _ET)], dstb)
    pltpu.sync_copy(ee_hbm.at[pl.ds(base, _ET)], eeb)

    @plsc.parallel_loop(0, _ET, step=_L, unroll=4)
    def _(i):
        d16 = dstb[pl.ds(i, _L)]
        r16 = plsc.load_gather(rdl, [d16])
        eeb[pl.ds(i, _L)] = eeb[pl.ds(i, _L)] * r16

    pltpu.sync_copy(eeb, al_hbm.at[pl.ds(base, _ET)])


_EC = 5504
_NCH = _E_PAD // _EC


@functools.partial(
    pl.kernel,
    out_type=jax.ShapeDtypeStruct((_D, _N_PAD), jnp.float32),
    mesh=_mesh,
    compiler_params=_sc_params,
    scratch_types=[
        [pltpu.VMEM((_N_PAD,), jnp.float32) for _ in range(_FPT)],
        [pltpu.VMEM((_N_PAD,), jnp.float32) for _ in range(_FPT)],
        [[pltpu.VMEM((_EC,), jnp.int32),
          pltpu.VMEM((_EC,), jnp.float32)] for _ in range(2)],
        [pltpu.SemaphoreType.DMA for _ in range(2)],
    ],
)
def _edge_b(pk_hbm, al_hbm, xwt_hbm, ut_hbm, xws, uts, bufs, sems):
    wid = jax.lax.axis_index("s") * _NC + jax.lax.axis_index("c")
    f0 = wid * _FPT
    for f in range(_FPT):
        pltpu.sync_copy(xwt_hbm.at[f0 + f], xws[f])

        @plsc.parallel_loop(0, _N_PAD, step=_L, unroll=8)
        def _(j, _u=uts[f]):
            _u[pl.ds(j, _L)] = jnp.zeros((_L,), jnp.float32)

    def start(k, b):
        pkb, alb = bufs[b]
        cb = k * _EC
        pltpu.async_copy(pk_hbm.at[pl.ds(cb, _EC)], pkb, sems[b])
        pltpu.async_copy(al_hbm.at[pl.ds(cb, _EC)], alb, sems[b])

    def wait(b):
        pkb, alb = bufs[b]
        pltpu.make_async_copy(pk_hbm.at[pl.ds(0, _EC)], pkb, sems[b]).wait()
        pltpu.make_async_copy(al_hbm.at[pl.ds(0, _EC)], alb, sems[b]).wait()

    def compute(b):
        pkb, alb = bufs[b]

        @plsc.parallel_loop(0, _EC, step=_L, unroll=4)
        def _(i):
            pk16 = pkb[pl.ds(i, _L)]
            s16 = jax.lax.shift_right_logical(pk16, 14)
            d16 = jnp.bitwise_and(pk16, 16383)
            a16 = alb[pl.ds(i, _L)]
            for f in range(_FPT):
                g = plsc.load_gather(xws[f], [s16])
                plsc.addupdate_scatter(uts[f], [d16], a16 * g)

    start(0, 0)
    start(1, 1)

    @pl.loop(0, _NCH, step=2)
    def _(k):
        wait(0)
        compute(0)

        @pl.when(k + 2 < _NCH)
        def _():
            start(k + 2, 0)

        wait(1)
        compute(1)

        @pl.when(k + 3 < _NCH)
        def _():
            start(k + 3, 1)

    for f in range(_FPT):
        pltpu.sync_copy(uts[f], ut_hbm.at[f0 + f])



def _layer(src, dst, xwt, asv, adv, amax):
    avec = jnp.broadcast_to(amax.reshape(1), (_L,))
    ee, den, pk = _edge_a(src, dst, asv[:, 0], adv[:, 0], avec)
    rden = _rden(den)[0]
    alpha = _edge_alpha(dst, ee, rden)
    ut = _edge_b(pk, alpha, xwt)
    return ut, alpha[:_EALL]


def kernel(x, edge_index, W1, a_src1, a_dst1, b1, W2, a_src2, a_dst2, b2):
    loop = jnp.arange(_N, dtype=edge_index.dtype)
    src0 = jnp.concatenate([edge_index[0], loop])
    dst0 = jnp.concatenate([edge_index[1], loop])
    ei = jnp.stack([src0, dst0], axis=0)
    padi = jnp.full((_E_PAD - _EALL,), _N, jnp.int32)
    src = jnp.concatenate([src0.astype(jnp.int32), padi])
    dst = jnp.concatenate([dst0.astype(jnp.int32), padi])

    xwt1, as1, ad1, am1 = _dense1(x, W1, a_src1, a_dst1)
    ut1, alpha1 = _layer(src, dst, xwt1, as1, ad1, am1)

    xwt2, as2, ad2, am2 = _dense2(ut1, b1, W2, a_src2, a_dst2)
    ut2, alpha2 = _layer(src, dst, xwt2, as2, ad2, am2)

    out = _bias(ut2, b2)
    return (out, ((ei, alpha1), (ei, alpha2)))

# --- scband reference (transcript-rebuilt; emitter-appended) ---
"""Pipeline reference for scband-gat-karate-63831803953271 (READ-ONLY COPY).

The authoritative reference and input builder live on the scoring server;
editing this copy changes nothing except your own understanding.
"""

import jax, jax.numpy as jnp
import numpy as np

N = 10000
E = 320000
D_IN = 128
D_HID = 128
D_OUT = 128


def gat_conv(x, edge_index, W, a_src, a_dst, b, num_nodes):
    # Linear transform (GATConv heads=1)
    x_w = x @ W  # [N, out]
    src = edge_index[0]
    dst = edge_index[1]
    # add_self_loops=True (PyG GATConv default)
    loop = jnp.arange(num_nodes, dtype=src.dtype)
    src = jnp.concatenate([src, loop], axis=0)
    dst = jnp.concatenate([dst, loop], axis=0)
    ei = jnp.stack([src, dst], axis=0)
    # attention logits
    alpha_s = (x_w * a_src).sum(axis=-1)  # [N]
    alpha_d = (x_w * a_dst).sum(axis=-1)  # [N]
    e = alpha_s[src] + alpha_d[dst]       # [E']
    e = jax.nn.leaky_relu(e, negative_slope=0.2)
    # softmax over incoming edges of each dst node
    e_max = jax.ops.segment_max(e, dst, num_segments=num_nodes)
    e_max = jax.lax.stop_gradient(e_max)
    e_exp = jnp.exp(e - e_max[dst])
    denom = jax.ops.segment_sum(e_exp, dst, num_segments=num_nodes)
    alpha = e_exp / (denom[dst] + 1e-16)
    # weighted message aggregation (scatter-add by dst)
    out = jax.ops.segment_sum(x_w[src] * alpha[:, None], dst, num_segments=num_nodes)
    out = out + b
    return out, (ei, alpha)


def setup_inputs(seed: int = 0) -> dict:
    key = jax.random.key(seed)
    ks = jax.random.split(key, 12)
    x = jax.random.normal(ks[0], (N, D_IN), dtype=jnp.float32)
    edge_index = jax.random.randint(ks[1], (2, E), 0, N, dtype=jnp.int32)
    s1 = 1.0 / np.sqrt(D_IN)
    s2 = 1.0 / np.sqrt(D_HID)
    W1 = jax.random.normal(ks[2], (D_IN, D_HID), dtype=jnp.float32) * s1
    a_src1 = jax.random.normal(ks[3], (D_HID,), dtype=jnp.float32) * s2
    a_dst1 = jax.random.normal(ks[4], (D_HID,), dtype=jnp.float32) * s2
    b1 = jnp.zeros((D_HID,), dtype=jnp.float32)
    W2 = jax.random.normal(ks[5], (D_HID, D_OUT), dtype=jnp.float32) * s2
    a_src2 = jax.random.normal(ks[6], (D_OUT,), dtype=jnp.float32) * s2
    a_dst2 = jax.random.normal(ks[7], (D_OUT,), dtype=jnp.float32) * s2
    b2 = jnp.zeros((D_OUT,), dtype=jnp.float32)
    return {"x": x, "edge_index": edge_index, "W1": W1, "a_src1": a_src1,
            "a_dst1": a_dst1, "b1": b1, "W2": W2, "a_src2": a_src2,
            "a_dst2": a_dst2, "b2": b2}


def reference(x, edge_index, W1, a_src1, a_dst1, b1, W2, a_src2, a_dst2, b2):
    h, att1 = gat_conv(x, edge_index, W1, a_src1, a_dst1, b1, N)
    h = jax.nn.elu(h)
    out, att2 = gat_conv(h, edge_index, W2, a_src2, a_dst2, b2, N)
    return (out, (att1, att2))

if __name__ == "__main__":
    import jax
    _d = setup_inputs()
    print(jax.jit(kernel)(*tuple(_d.values())))

</pallas_src>

<mosaic_0001>
#map = affine_map<(d0, d1) -> (0)>
module attributes {stable_mosaic.version = 14 : i64} {
  func.func @_edge_alpha(%arg0: i32, %arg1: i32, %arg2: memref<330240xi32, #tpu.memory_space<hbm>>, %arg3: memref<330240xf32, #tpu.memory_space<hbm>>, %arg4: memref<10016xf32, #tpu.memory_space<hbm>>, %arg5: memref<330240xf32, #tpu.memory_space<hbm>>, %arg6: memref<10016xf32, #tpu.memory_space<vmem>>, %arg7: memref<10320xi32, #tpu.memory_space<vmem>>, %arg8: memref<10320xf32, #tpu.memory_space<vmem>>) attributes {dimension_semantics = [#tpu.dimension_semantics<core_parallel>, #tpu.dimension_semantics<subcore_parallel>], iteration_bounds = array<i64: 2, 16>, scalar_prefetch = 0 : i64, scratch_operands = 3 : i64, tpu.core_type = #tpu.core_type<sc_vector_subcore>, window_params = [{transform_indices = #map}, {transform_indices = #map}, {transform_indices = #map}, {transform_indices = #map}]} {
    %mul3A = arith.constant 2 : i32
    %mul3A_0 = arith.muli %arg1, %mul3A : i32
    %add3A = arith.addi %mul3A_0, %arg0 : i32
    %mul3A_1 = arith.constant 10320 : i32
    %mul3A_2 = arith.muli %add3A, %mul3A_1 : i32
    "tpu.region"() ({
      %run_scoped3A = tpu.sem_alloc : memref<!tpu.dma_semaphore, #tpu.memory_space<semaphore_mem>>
      tpu.enqueue_dma source(%arg4 : memref<10016xf32, #tpu.memory_space<hbm>>) target(%arg6 : memref<10016xf32, #tpu.memory_space<vmem>>) target_semaphore(%run_scoped3A : memref<!tpu.dma_semaphore, #tpu.memory_space<semaphore_mem>>)
      tpu.wait_dma2 semaphore(%run_scoped3A : memref<!tpu.dma_semaphore, #tpu.memory_space<semaphore_mem>>) src(%arg4 : memref<10016xf32, #tpu.memory_space<hbm>>) dst(%arg6 : memref<10016xf32, #tpu.memory_space<vmem>>)
      tpu.yield
    }) : () -> ()
    "tpu.region"() ({
      %run_scoped3A = tpu.sem_alloc : memref<!tpu.dma_semaphore, #tpu.memory_space<semaphore_mem>>
      %dma_start3A = tpu.memref_slice %arg2[%mul3A_2] : memref<330240xi32, #tpu.memory_space<hbm>> -> memref<10320xi32, #tpu.memory_space<hbm>>
      %dma_start3A_5 = tpu.memref_slice %arg2[%mul3A_2] : memref<330240xi32, #tpu.memory_space<hbm>> -> memref<10320xi32, #tpu.memory_space<hbm>>
      tpu.enqueue_dma source(%dma_start3A_5 : memref<10320xi32, #tpu.memory_space<hbm>>) target(%arg7 : memref<10320xi32, #tpu.memory_space<vmem>>) target_semaphore(%run_scoped3A : memref<!tpu.dma_semaphore, #tpu.memory_space<semaphore_mem>>)
      %dma_wait3A = tpu.memref_slice %arg2[%mul3A_2] : memref<330240xi32, #tpu.memory_space<hbm>> -> memref<10320xi32, #tpu.memory_space<hbm>>
      %dma_wait3A_6 = tpu.memref_slice %arg2[%mul3A_2] : memref<330240xi32, #tpu.memory_space<hbm>> -> memref<10320xi32, #tpu.memory_space<hbm>>
      tpu.wait_dma2 semaphore(%run_scoped3A : memref<!tpu.dma_semaphore, #tpu.memory_space<semaphore_mem>>) src(%dma_wait3A_6 : memref<10320xi32, #tpu.memory_space<hbm>>) dst(%arg7 : memref<10320xi32, #tpu.memory_space<vmem>>)
      tpu.yield
    }) : () -> ()
    "tpu.region"() ({
      %run_scoped3A = tpu.sem_alloc : memref<!tpu.dma_semaphore, #tpu.memory_space<semaphore_mem>>
      %dma_start3A = tpu.memref_slice %arg3[%mul3A_2] : memref<330240xf32, #tpu.memory_space<hbm>> -> memref<10320xf32, #tpu.memory_space<hbm>>
      %dma_start3A_5 = tpu.memref_slice %arg3[%mul3A_2] : memref<330240xf32, #tpu.memory_space<hbm>> -> memref<10320xf32, #tpu.memory_space<hbm>>
      tpu.enqueue_dma source(%dma_start3A_5 : memref<10320xf32, #tpu.memory_space<hbm>>) target(%arg8 : memref<10320xf32, #tpu.memory_space<vmem>>) target_semaphore(%run_scoped3A : memref<!tpu.dma_semaphore, #tpu.memory_space<semaphore_mem>>)
      %dma_wait3A = tpu.memref_slice %arg3[%mul3A_2] : memref<330240xf32, #tpu.memory_space<hbm>> -> memref<10320xf32, #tpu.memory_space<hbm>>
      %dma_wait3A_6 = tpu.memref_slice %arg3[%mul3A_2] : memref<330240xf32, #tpu.memory_space<hbm>> -> memref<10320xf32, #tpu.memory_space<hbm>>
      tpu.wait_dma2 semaphore(%run_scoped3A : memref<!tpu.dma_semaphore, #tpu.memory_space<semaphore_mem>>) src(%dma_wait3A_6 : memref<10320xf32, #tpu.memory_space<hbm>>) dst(%arg8 : memref<10320xf32, #tpu.memory_space<vmem>>)
      tpu.yield
    }) : () -> ()
    %parallel_loop3A = arith.constant 0 : i32
    %parallel_loop3A_3 = arith.constant 10320 : i32
    %parallel_loop3A_4 = arith.constant 16 : i32
    scf.for %parallel_loop3A_5 = %parallel_loop3A to %parallel_loop3A_3 step %parallel_loop3A_4  : i32 {
      %parallel_loop3A_6 = arith.index_cast %parallel_loop3A_5 : i32 to index
      %parallel_loop3A_7 = tpu.vector_load %arg7[%parallel_loop3A_6] {strides = array<i32>} : memref<10320xi32, #tpu.memory_space<vmem>>, vector<16xi32>,
      %parallel_loop3A_8 = tpu.vector_load_idx %arg6[%parallel_loop3A_7] : memref<10016xf32, #tpu.memory_space<vmem>>[vector<16xi32>], vector<16xf32>,
      %parallel_loop3A_9 = arith.index_cast %parallel_loop3A_5 : i32 to index
      %parallel_loop3A_10 = tpu.vector_load %arg8[%parallel_loop3A_9] {strides = array<i32>} : memref<10320xf32, #tpu.memory_space<vmem>>, vector<16xf32>,
      %parallel_loop3A_11 = arith.mulf %parallel_loop3A_10, %parallel_loop3A_8 : vector<16xf32>
      %parallel_loop3A_12 = arith.index_cast %parallel_loop3A_5 : i32 to index
      %parallel_loop3A_13 = tpu.vector_load %arg8[%parallel_loop3A_12] {strides = array<i32>} : memref<10320xf32, #tpu.memory_space<vmem>>, vector<16xf32>,
      tpu.vector_store %arg8[%parallel_loop3A_12], %parallel_loop3A_11 {strides = array<i32>} : memref<10320xf32, #tpu.memory_space<vmem>>, vector<16xf32>,
    } {sc.loop_unroll_factor = 4 : i64, sc.parallel_access}
    "tpu.region"() ({
      %run_scoped3A = tpu.sem_alloc : memref<!tpu.dma_semaphore, #tpu.memory_space<semaphore_mem>>
      %dma_start3A = tpu.memref_slice %arg5[%mul3A_2] : memref<330240xf32, #tpu.memory_space<hbm>> -> memref<10320xf32, #tpu.memory_space<hbm>>
      %dma_start3A_5 = tpu.memref_slice %arg5[%mul3A_2] : memref<330240xf32, #tpu.memory_space<hbm>> -> memref<10320xf32, #tpu.memory_space<hbm>>
      tpu.enqueue_dma source(%arg8 : memref<10320xf32, #tpu.memory_space<vmem>>) target(%dma_start3A_5 : memref<10320xf32, #tpu.memory_space<hbm>>) target_semaphore(%run_scoped3A : memref<!tpu.dma_semaphore, #tpu.memory_space<semaphore_mem>>)
      %dma_wait3A = tpu.memref_slice %arg5[%mul3A_2] : memref<330240xf32, #tpu.memory_space<hbm>> -> memref<10320xf32, #tpu.memory_space<hbm>>
      %dma_wait3A_6 = tpu.memref_slice %arg5[%mul3A_2] : memref<330240xf32, #tpu.memory_space<hbm>> -> memref<10320xf32, #tpu.memory_space<hbm>>
      tpu.wait_dma2 semaphore(%run_scoped3A : memref<!tpu.dma_semaphore, #tpu.memory_space<semaphore_mem>>) src(%arg8 : memref<10320xf32, #tpu.memory_space<vmem>>) dst(%dma_wait3A_6 : memref<10320xf32, #tpu.memory_space<hbm>>)
      tpu.yield
    }) : () -> ()
    return
  }
}

#map = affine_map<(d0, d1) -> (0)>
#map1 = affine_map<(d0, d1) -> (0, 0)>
module attributes {stable_mosaic.version = 14 : i64} {
  func.func @_edge_b(%arg0: i32, %arg1: i32, %arg2: memref<330240xi32, #tpu.memory_space<hbm>>, %arg3: memref<330240xf32, #tpu.memory_space<hbm>>, %arg4: memref<128x10016xf32, #tpu.memory_space<hbm>>, %arg5: memref<128x10016xf32, #tpu.memory_space<hbm>>, %arg6: memref<10016xf32, #tpu.memory_space<vmem>>, %arg7: memref<10016xf32, #tpu.memory_space<vmem>>, %arg8: memref<10016xf32, #tpu.memory_space<vmem>>, %arg9: memref<10016xf32, #tpu.memory_space<vmem>>, %arg10: memref<10016xf32, #tpu.memory_space<vmem>>, %arg11: memref<10016xf32, #tpu.memory_space<vmem>>, %arg12: memref<10016xf32, #tpu.memory_space<vmem>>, %arg13: memref<10016xf32, #tpu.memory_space<vmem>>, %arg14: memref<5504xi32, #tpu.memory_space<vmem>>, %arg15: memref<5504xf32, #tpu.memory_space<vmem>>, %arg16: memref<5504xi32, #tpu.memory_space<vmem>>, %arg17: memref<5504xf32, #tpu.memory_space<vmem>>, %arg18: memref<!tpu.dma_semaphore, #tpu.memory_space<semaphore_mem>>, %arg19: memref<!tpu.dma_semaphore, #tpu.memory_space<semaphore_mem>>) attributes {dimension_semantics = [#tpu.dimension_semantics<core_parallel>, #tpu.dimension_semantics<subcore_parallel>], iteration_bounds = array<i64: 2, 16>, scalar_prefetch = 0 : i64, scratch_operands = 14 : i64, tpu.core_type = #tpu.core_type<sc_vector_subcore>, window_params = [{transform_indices = #map}, {transform_indices = #map}, {transform_indices = #map1}, {transform_indices = #map1}]} {
    %mul3A = arith.constant 2 : i32
    %mul3A_0 = arith.muli %arg1, %mul3A : i32
    %add3A = arith.addi %mul3A_0, %arg0 : i32
    %mul3A_1 = arith.constant 4 : i32
    %mul3A_2 = arith.muli %add3A, %mul3A_1 : i32
    %add3A_3 = arith.constant 0 : i32
    %add3A_4 = arith.addi %mul3A_2, %add3A_3 : i32
    "tpu.region"() ({
      %run_scoped3A = tpu.sem_alloc : memref<!tpu.dma_semaphore, #tpu.memory_space<semaphore_mem>>
      %dma_start3A_49 = arith.constant 0 : i32
      %dma_start3A_50 = tpu.memref_slice %arg4[%add3A_4, %dma_start3A_49] : memref<128x10016xf32, #tpu.memory_space<hbm>> -> memref<1x10016xf32, #tpu.memory_space<hbm>>
      %dma_start3A_51 = tpu.memref_squeeze %dma_start3A_50 : memref<1x10016xf32, #tpu.memory_space<hbm>> -> memref<10016xf32, #tpu.memory_space<hbm>>
      %dma_start3A_52 = arith.constant 0 : i32
      %dma_start3A_53 = tpu.memref_slice %arg4[%add3A_4, %dma_start3A_52] : memref<128x10016xf32, #tpu.memory_space<hbm>> -> memref<1x10016xf32, #tpu.memory_space<hbm>>
      %dma_start3A_54 = tpu.memref_squeeze %dma_start3A_53 : memref<1x10016xf32, #tpu.memory_space<hbm>> -> memref<10016xf32, #tpu.memory_space<hbm>>
      tpu.enqueue_dma source(%dma_start3A_54 : memref<10016xf32, #tpu.memory_space<hbm>>) target(%arg6 : memref<10016xf32, #tpu.memory_space<vmem>>) target_semaphore(%run_scoped3A : memref<!tpu.dma_semaphore, #tpu.memory_space<semaphore_mem>>)
      %dma_wait3A = arith.constant 0 : i32
      %dma_wait3A_55 = tpu.memref_slice %arg4[%add3A_4, %dma_wait3A] : memref<128x10016xf32, #tpu.memory_space<hbm>> -> memref<1x10016xf32, #tpu.memory_space<hbm>>
      %dma_wait3A_56 = tpu.memref_squeeze %dma_wait3A_55 : memref<1x10016xf32, #tpu.memory_space<hbm>> -> memref<10016xf32, #tpu.memory_space<hbm>>
      %dma_wait3A_57 = arith.constant 0 : i32
      %dma_wait3A_58 = tpu.memref_slice %arg4[%add3A_4, %dma_wait3A_57] : memref<128x10016xf32, #tpu.memory_space<hbm>> -> memref<1x10016xf32, #tpu.memory_space<hbm>>
      %dma_wait3A_59 = tpu.memref_squeeze %dma_wait3A_58 : memref<1x10016xf32, #tpu.memory_space<hbm>> -> memref<10016xf32, #tpu.memory_space<hbm>>
      tpu.wait_dma2 semaphore(%run_scoped3A : memref<!tpu.dma_semaphore, #tpu.memory_space<semaphore_mem>>) src(%dma_wait3A_59 : memref<10016xf32, #tpu.memory_space<hbm>>) dst(%arg6 : memref<10016xf32, #tpu.memory_space<vmem>>)
      tpu.yield
    }) : () -> ()
    %parallel_loop3A = arith.constant 0 : i32
    %parallel_loop3A_5 = arith.constant 10016 : i32
    %parallel_loop3A_6 = arith.constant 16 : i32
    scf.for %parallel_loop3A_49 = %parallel_loop3A to %parallel_loop3A_5 step %parallel_loop3A_6  : i32 {
      %parallel_loop3A_50 = arith.constant 0.000000e+00 : f32
      %parallel_loop3A_51 = vector.broadcast %parallel_loop3A_50 : f32 to vector<16xf32>
      %parallel_loop3A_52 = arith.index_cast %parallel_loop3A_49 : i32 to index
      %parallel_loop3A_53 = tpu.vector_load %arg10[%parallel_loop3A_52] {strides = array<i32>} : memref<10016xf32, #tpu.memory_space<vmem>>, vector<16xf32>,
      tpu.vector_store %arg10[%parallel_loop3A_52], %parallel_loop3A_51 {strides = array<i32>} : memref<10016xf32, #tpu.memory_space<vmem>>, vector<16xf32>,
    } {sc.loop_unroll_factor = 8 : i64, sc.parallel_access}
    %add3A_7 = arith.constant 1 : i32
    %add3A_8 = arith.addi %mul3A_2, %add3A_7 : i32
    "tpu.region"() ({
      %run_scoped3A = tpu.sem_alloc : memref<!tpu.dma_semaphore, #tpu.memory_space<semaphore_mem>>
      %dma_start3A_49 = arith.constant 0 : i32
      %dma_start3A_50 = tpu.memref_slice %arg4[%add3A_8, %dma_start3A_49] : memref<128x10016xf32, #tpu.memory_space<hbm>> -> memref<1x10016xf32, #tpu.memory_space<hbm>>
      %dma_start3A_51 = tpu.memref_squeeze %dma_start3A_50 : memref<1x10016xf32, #tpu.memory_space<hbm>> -> memref<10016xf32, #tpu.memory_space<hbm>>
      %dma_start3A_52 = arith.constant 0 : i32
      %dma_start3A_53 = tpu.memref_slice %arg4[%add3A_8, %dma_start3A_52] : memref<128x10016xf32, #tpu.memory_space<hbm>> -> memref<1x10016xf32, #tpu.memory_space<hbm>>
      %dma_start3A_54 = tpu.memref_squeeze %dma_start3A_53 : memref<1x10016xf32, #tpu.memory_space<hbm>> -> memref<10016xf32, #tpu.memory_space<hbm>>
      tpu.enqueue_dma source(%dma_start3A_54 : memref<10016xf32, #tpu.memory_space<hbm>>) target(%arg7 : memref<10016xf32, #tpu.memory_space<vmem>>) target_semaphore(%run_scoped3A : memref<!tpu.dma_semaphore, #tpu.memory_space<semaphore_mem>>)
      %dma_wait3A = arith.constant 0 : i32
      %dma_wait3A_55 = tpu.memref_slice %arg4[%add3A_8, %dma_wait3A] : memref<128x10016xf32, #tpu.memory_space<hbm>> -> memref<1x10016xf32, #tpu.memory_space<hbm>>
      %dma_wait3A_56 = tpu.memref_squeeze %dma_wait3A_55 : memref<1x10016xf32, #tpu.memory_space<hbm>> -> memref<10016xf32, #tpu.memory_space<hbm>>
      %dma_wait3A_57 = arith.constant 0 : i32
      %dma_wait3A_58 = tpu.memref_slice %arg4[%add3A_8, %dma_wait3A_57] : memref<128x10016xf32, #tpu.memory_space<hbm>> -> memref<1x10016xf32, #tpu.memory_space<hbm>>
      %dma_wait3A_59 = tpu.memref_squeeze %dma_wait3A_58 : memref<1x10016xf32, #tpu.memory_space<hbm>> -> memref<10016xf32, #tpu.memory_space<hbm>>
      tpu.wait_dma2 semaphore(%run_scoped3A : memref<!tpu.dma_semaphore, #tpu.memory_space<semaphore_mem>>) src(%dma_wait3A_59 : memref<10016xf32, #tpu.memory_space<hbm>>) dst(%arg7 : memref<10016xf32, #tpu.memory_space<vmem>>)
      tpu.yield
    }) : () -> ()
    %parallel_loop3A_9 = arith.constant 0 : i32
    %parallel_loop3A_10 = arith.constant 10016 : i32
    %parallel_loop3A_11 = arith.constant 16 : i32
    scf.for %parallel_loop3A_49 = %parallel_loop3A_9 to %parallel_loop3A_10 step %parallel_loop3A_11  : i32 {
      %parallel_loop3A_50 = arith.constant 0.000000e+00 : f32
      %parallel_loop3A_51 = vector.broadcast %parallel_loop3A_50 : f32 to vector<16xf32>
      %parallel_loop3A_52 = arith.index_cast %parallel_loop3A_49 : i32 to index
      %parallel_loop3A_53 = tpu.vector_load %arg11[%parallel_loop3A_52] {strides = array<i32>} : memref<10016xf32, #tpu.memory_space<vmem>>, vector<16xf32>,
      tpu.vector_store %arg11[%parallel_loop3A_52], %parallel_loop3A_51 {strides = array<i32>} : memref<10016xf32, #tpu.memory_space<vmem>>, vector<16xf32>,
    } {sc.loop_unroll_factor = 8 : i64, sc.parallel_access}
    %add3A_12 = arith.constant 2 : i32
    %add3A_13 = arith.addi %mul3A_2, %add3A_12 : i32
    "tpu.region"() ({
      %run_scoped3A = tpu.sem_alloc : memref<!tpu.dma_semaphore, #tpu.memory_space<semaphore_mem>>
      %dma_start3A_49 = arith.constant 0 : i32
      %dma_start3A_50 = tpu.memref_slice %arg4[%add3A_13, %dma_start3A_49] : memref<128x10016xf32, #tpu.memory_space<hbm>> -> memref<1x10016xf32, #tpu.memory_space<hbm>>
      %dma_start3A_51 = tpu.memref_squeeze %dma_start3A_50 : memref<1x10016xf32, #tpu.memory_space<hbm>> -> memref<10016xf32, #tpu.memory_space<hbm>>
      %dma_start3A_52 = arith.constant 0 : i32
      %dma_start3A_53 = tpu.memref_slice %arg4[%add3A_13, %dma_start3A_52] : memref<128x10016xf32, #tpu.memory_space<hbm>> -> memref<1x10016xf32, #tpu.memory_space<hbm>>
      %dma_start3A_54 = tpu.memref_squeeze %dma_start3A_53 : memref<1x10016xf32, #tpu.memory_space<hbm>> -> memref<10016xf32, #tpu.memory_space<hbm>>
      tpu.enqueue_dma source(%dma_start3A_54 : memref<10016xf32, #tpu.memory_space<hbm>>) target(%arg8 : memref<10016xf32, #tpu.memory_space<vmem>>) target_semaphore(%run_scoped3A : memref<!tpu.dma_semaphore, #tpu.memory_space<semaphore_mem>>)
      %dma_wait3A = arith.constant 0 : i32
      %dma_wait3A_55 = tpu.memref_slice %arg4[%add3A_13, %dma_wait3A] : memref<128x10016xf32, #tpu.memory_space<hbm>> -> memref<1x10016xf32, #tpu.memory_space<hbm>>
      %dma_wait3A_56 = tpu.memref_squeeze %dma_wait3A_55 : memref<1x10016xf32, #tpu.memory_space<hbm>> -> memref<10016xf32, #tpu.memory_space<hbm>>
      %dma_wait3A_57 = arith.constant 0 : i32
      %dma_wait3A_58 = tpu.memref_slice %arg4[%add3A_13, %dma_wait3A_57] : memref<128x10016xf32, #tpu.memory_space<hbm>> -> memref<1x10016xf32, #tpu.memory_space<hbm>>
      %dma_wait3A_59 = tpu.memref_squeeze %dma_wait3A_58 : memref<1x10016xf32, #tpu.memory_space<hbm>> -> memref<10016xf32, #tpu.memory_space<hbm>>
      tpu.wait_dma2 semaphore(%run_scoped3A : memref<!tpu.dma_semaphore, #tpu.memory_space<semaphore_mem>>) src(%dma_wait3A_59 : memref<10016xf32, #tpu.memory_space<hbm>>) dst(%arg8 : memref<10016xf32, #tpu.memory_space<vmem>>)
      tpu.yield
    }) : () -> ()
    %parallel_loop3A_14 = arith.constant 0 : i32
    %parallel_loop3A_15 = arith.constant 10016 : i32
    %parallel_loop3A_16 = arith.constant 16 : i32
    scf.for %parallel_loop3A_49 = %parallel_loop3A_14 to %parallel_loop3A_15 step %parallel_loop3A_16  : i32 {
      %parallel_loop3A_50 = arith.constant 0.000000e+00 : f32
      %parallel_loop3A_51 = vector.broadcast %parallel_loop3A_50 : f32 to vector<16xf32>
      %parallel_loop3A_52 = arith.index_cast %parallel_loop3A_49 : i32 to index
      %parallel_loop3A_53 = tpu.vector_load %arg12[%parallel_loop3A_52] {strides = array<i32>} : memref<10016xf32, #tpu.memory_space<vmem>>, vector<16xf32>,
      tpu.vector_store %arg12[%parallel_loop3A_52], %parallel_loop3A_51 {strides = array<i32>} : memref<10016xf32, #tpu.memory_space<vmem>>, vector<16xf32>,
    } {sc.loop_unroll_factor = 8 : i64, sc.parallel_access}
    %add3A_17 = arith.constant 3 : i32
    %add3A_18 = arith.addi %mul3A_2, %add3A_17 : i32
    "tpu.region"() ({
      %run_scoped3A = tpu.sem_alloc : memref<!tpu.dma_semaphore, #tpu.memory_space<semaphore_mem>>
      %dma_start3A_49 = arith.constant 0 : i32
      %dma_start3A_50 = tpu.memref_slice %arg4[%add3A_18, %dma_start3A_49] : memref<128x10016xf32, #tpu.memory_space<hbm>> -> memref<1x10016xf32, #tpu.memory_space<hbm>>
      %dma_start3A_51 = tpu.memref_squeeze %dma_start3A_50 : memref<1x10016xf32, #tpu.memory_space<hbm>> -> memref<10016xf32, #tpu.memory_space<hbm>>
      %dma_start3A_52 = arith.constant 0 : i32
      %dma_start3A_53 = tpu.memref_slice %arg4[%add3A_18, %dma_start3A_52] : memref<128x10016xf32, #tpu.memory_space<hbm>> -> memref<1x10016xf32, #tpu.memory_space<hbm>>
      %dma_start3A_54 = tpu.memref_squeeze %dma_start3A_53 : memref<1x10016xf32, #tpu.memory_space<hbm>> -> memref<10016xf32, #tpu.memory_space<hbm>>
      tpu.enqueue_dma source(%dma_start3A_54 : memref<10016xf32, #tpu.memory_space<hbm>>) target(%arg9 : memref<10016xf32, #tpu.memory_space<vmem>>) target_semaphore(%run_scoped3A : memref<!tpu.dma_semaphore, #tpu.memory_space<semaphore_mem>>)
      %dma_wait3A = arith.constant 0 : i32
      %dma_wait3A_55 = tpu.memref_slice %arg4[%add3A_18, %dma_wait3A] : memref<128x10016xf32, #tpu.memory_space<hbm>> -> memref<1x10016xf32, #tpu.memory_space<hbm>>
      %dma_wait3A_56 = tpu.memref_squeeze %dma_wait3A_55 : memref<1x10016xf32, #tpu.memory_space<hbm>> -> memref<10016xf32, #tpu.memory_space<hbm>>
      %dma_wait3A_57 = arith.constant 0 : i32
      %dma_wait3A_58 = tpu.memref_slice %arg4[%add3A_18, %dma_wait3A_57] : memref<128x10016xf32, #tpu.memory_space<hbm>> -> memref<1x10016xf32, #tpu.memory_space<hbm>>
      %dma_wait3A_59 = tpu.memref_squeeze %dma_wait3A_58 : memref<1x10016xf32, #tpu.memory_space<hbm>> -> memref<10016xf32, #tpu.memory_space<hbm>>
      tpu.wait_dma2 semaphore(%run_scoped3A : memref<!tpu.dma_semaphore, #tpu.memory_space<semaphore_mem>>) src(%dma_wait3A_59 : memref<10016xf32, #tpu.memory_space<hbm>>) dst(%arg9 : memref<10016xf32, #tpu.memory_space<vmem>>)
      tpu.yield
    }) : () -> ()
    %parallel_loop3A_19 = arith.constant 0 : i32
    %parallel_loop3A_20 = arith.constant 10016 : i32
    %parallel_loop3A_21 = arith.constant 16 : i32
    scf.for %parallel_loop3A_49 = %parallel_loop3A_19 to %parallel_loop3A_20 step %parallel_loop3A_21  : i32 {
      %parallel_loop3A_50 = arith.constant 0.000000e+00 : f32
      %parallel_loop3A_51 = vector.broadcast %parallel_loop3A_50 : f32 to vector<16xf32>
      %parallel_loop3A_52 = arith.index_cast %parallel_loop3A_49 : i32 to index
      %parallel_loop3A_53 = tpu.vector_load %arg13[%parallel_loop3A_52] {strides = array<i32>} : memref<10016xf32, #tpu.memory_space<vmem>>, vector<16xf32>,
      tpu.vector_store %arg13[%parallel_loop3A_52], %parallel_loop3A_51 {strides = array<i32>} : memref<10016xf32, #tpu.memory_space<vmem>>, vector<16xf32>,
    } {sc.loop_unroll_factor = 8 : i64, sc.parallel_access}
    %dma_start3A = arith.constant 0 : i32
    %dma_start3A_22 = tpu.memref_slice %arg2[%dma_start3A] : memref<330240xi32, #tpu.memory_space<hbm>> -> memref<5504xi32, #tpu.memory_space<hbm>>
    %dma_start3A_23 = arith.constant 0 : i32
    %dma_start3A_24 = tpu.memref_slice %arg2[%dma_start3A_23] : memref<330240xi32, #tpu.memory_space<hbm>> -> memref<5504xi32, #tpu.memory_space<hbm>>
    tpu.enqueue_dma source(%dma_start3A_24 : memref<5504xi32, #tpu.memory_space<hbm>>) target(%arg14 : memref<5504xi32, #tpu.memory_space<vmem>>) target_semaphore(%arg18 : memref<!tpu.dma_semaphore, #tpu.memory_space<semaphore_mem>>)
    %dma_start3A_25 = arith.constant 0 : i32
    %dma_start3A_26 = tpu.memref_slice %arg3[%dma_start3A_25] : memref<330240xf32, #tpu.memory_space<hbm>> -> memref<5504xf32, #tpu.memory_space<hbm>>
    %dma_start3A_27 = arith.constant 0 : i32
    %dma_start3A_28 = tpu.memref_slice %arg3[%dma_start3A_27] : memref<330240xf32, #tpu.memory_space<hbm>> -> memref<5504xf32, #tpu.memory_space<hbm>>
    tpu.enqueue_dma source(%dma_start3A_28 : memref<5504xf32, #tpu.memory_space<hbm>>) target(%arg15 : memref<5504xf32, #tpu.memory_space<vmem>>) target_semaphore(%arg18 : memref<!tpu.dma_semaphore, #tpu.memory_space<semaphore_mem>>)
    %dma_start3A_29 = arith.constant 5504 : i32
    %dma_start3A_30 = tpu.memref_slice %arg2[%dma_start3A_29] : memref<330240xi32, #tpu.memory_space<hbm>> -> memref<5504xi32, #tpu.memory_space<hbm>>
    %dma_start3A_31 = arith.constant 5504 : i32
    %dma_start3A_32 = tpu.memref_slice %arg2[%dma_start3A_31] : memref<330240xi32, #tpu.memory_space<hbm>> -> memref<5504xi32, #tpu.memory_space<hbm>>
    tpu.enqueue_dma source(%dma_start3A_32 : memref<5504xi32, #tpu.memory_space<hbm>>) target(%arg16 : memref<5504xi32, #tpu.memory_space<vmem>>) target_semaphore(%arg19 : memref<!tpu.dma_semaphore, #tpu.memory_space<semaphore_mem>>)
    %dma_start3A_33 = arith.constant 5504 : i32
    %dma_start3A_34 = tpu.memref_slice %arg3[%dma_start3A_33] : memref<330240xf32, #tpu.memory_space<hbm>> -> memref<5504xf32, #tpu.memory_space<hbm>>
    %dma_start3A_35 = arith.constant 5504 : i32
    %dma_start3A_36 = tpu.memref_slice %arg3[%dma_start3A_35] : memref<330240xf32, #tpu.memory_space<hbm>> -> memref<5504xf32, #tpu.memory_space<hbm>>
    tpu.enqueue_dma source(%dma_start3A_36 : memref<5504xf32, #tpu.memory_space<hbm>>) target(%arg17 : memref<5504xf32, #tpu.memory_space<vmem>>) target_semaphore(%arg19 : memref<!tpu.dma_semaphore, #tpu.memory_space<semaphore_mem>>)
    %scan3A = arith.constant 0 : i32
    %scan3A_37 = arith.constant 30 : i32
    %scan3A_38 = arith.addi %scan3A, %scan3A_37 : i32
    %scan3A_39 = arith.constant 1 : i32
    scf.for %scan3A_49 = %scan3A to %scan3A_38 step %scan3A_39  : i32 {
      %mul3A_50 = arith.constant 2 : i32
      %mul3A_51 = arith.muli %scan3A_49, %mul3A_50 : i32
      %add3A_52 = arith.constant 0 : i32
      %add3A_53 = arith.addi %add3A_52, %mul3A_51 : i32
      %dma_wait3A = arith.constant 0 : i32
      %dma_wait3A_54 = tpu.memref_slice %arg2[%dma_wait3A] : memref<330240xi32, #tpu.memory_space<hbm>> -> memref<5504xi32, #tpu.memory_space<hbm>>
      %dma_wait3A_55 = arith.constant 0 : i32
      %dma_wait3A_56 = tpu.memref_slice %arg2[%dma_wait3A_55] : memref<330240xi32, #tpu.memory_space<hbm>> -> memref<5504xi32, #tpu.memory_space<hbm>>
      tpu.wait_dma2 semaphore(%arg18 : memref<!tpu.dma_semaphore, #tpu.memory_space<semaphore_mem>>) src(%dma_wait3A_56 : memref<5504xi32, #tpu.memory_space<hbm>>) dst(%arg14 : memref<5504xi32, #tpu.memory_space<vmem>>)
      %dma_wait3A_57 = arith.constant 0 : i32
      %dma_wait3A_58 = tpu.memref_slice %arg3[%dma_wait3A_57] : memref<330240xf32, #tpu.memory_space<hbm>> -> memref<5504xf32, #tpu.memory_space<hbm>>
      %dma_wait3A_59 = arith.constant 0 : i32
      %dma_wait3A_60 = tpu.memref_slice %arg3[%dma_wait3A_59] : memref<330240xf32, #tpu.memory_space<hbm>> -> memref<5504xf32, #tpu.memory_space<hbm>>
      tpu.wait_dma2 semaphore(%arg18 : memref<!tpu.dma_semaphore, #tpu.memory_space<semaphore_mem>>) src(%dma_wait3A_60 : memref<5504xf32, #tpu.memory_space<hbm>>) dst(%arg15 : memref<5504xf32, #tpu.memory_space<vmem>>)
      %parallel_loop3A_61 = arith.constant 0 : i32
      %parallel_loop3A_62 = arith.constant 5504 : i32
      %parallel_loop3A_63 = arith.constant 16 : i32
      scf.for %parallel_loop3A_86 = %parallel_loop3A_61 to %parallel_loop3A_62 step %parallel_loop3A_63  : i32 {
        %parallel_loop3A_87 = arith.index_cast %parallel_loop3A_86 : i32 to index
        %parallel_loop3A_88 = tpu.vector_load %arg14[%parallel_loop3A_87] {strides = array<i32>} : memref<5504xi32, #tpu.memory_space<vmem>>, vector<16xi32>,
        %parallel_loop3A_89 = arith.constant 14 : i32
        %parallel_loop3A_90 = vector.broadcast %parallel_loop3A_89 : i32 to vector<16xi32>
        %parallel_loop3A_91 = arith.shrui %parallel_loop3A_88, %parallel_loop3A_90 : vector<16xi32>
        %parallel_loop3A_92 = arith.constant 16383 : i32
        %parallel_loop3A_93 = vector.broadcast %parallel_loop3A_92 : i32 to vector<16xi32>
        %parallel_loop3A_94 = arith.andi %parallel_loop3A_88, %parallel_loop3A_93 : vector<16xi32>
        %parallel_loop3A_95 = arith.index_cast %parallel_loop3A_86 : i32 to index
        %parallel_loop3A_96 = tpu.vector_load %arg15[%parallel_loop3A_95] {strides = array<i32>} : memref<5504xf32, #tpu.memory_space<vmem>>, vector<16xf32>,
        %parallel_loop3A_97 = tpu.vector_load_idx %arg6[%parallel_loop3A_91] : memref<10016xf32, #tpu.memory_space<vmem>>[vector<16xi32>], vector<16xf32>,
        %parallel_loop3A_98 = arith.mulf %parallel_loop3A_96, %parallel_loop3A_97 : vector<16xf32>
        tpu.vector_store_idx %arg10[%parallel_loop3A_94], %parallel_loop3A_98 {add = true} : memref<10016xf32, #tpu.memory_space<vmem>>[vector<16xi32>], vector<16xf32>,
        %parallel_loop3A_99 = tpu.vector_load_idx %arg7[%parallel_loop3A_91] : memref<10016xf32, #tpu.memory_space<vmem>>[vector<16xi32>], vector<16xf32>,
        %parallel_loop3A_100 = arith.mulf %parallel_loop3A_96, %parallel_loop3A_99 : vector<16xf32>
        tpu.vector_store_idx %arg11[%parallel_loop3A_94], %parallel_loop3A_100 {add = true} : memref<10016xf32, #tpu.memory_space<vmem>>[vector<16xi32>], vector<16xf32>,
        %parallel_loop3A_101 = tpu.vector_load_idx %arg8[%parallel_loop3A_91] : memref<10016xf32, #tpu.memory_space<vmem>>[vector<16xi32>], vector<16xf32>,
        %parallel_loop3A_102 = arith.mulf %parallel_loop3A_96, %parallel_loop3A_101 : vector<16xf32>
        tpu.vector_store_idx %arg12[%parallel_loop3A_94], %parallel_loop3A_102 {add = true} : memref<10016xf32, #tpu.memory_space<vmem>>[vector<16xi32>], vector<16xf32>,
        %parallel_loop3A_103 = tpu.vector_load_idx %arg9[%parallel_loop3A_91] : memref<10016xf32, #tpu.memory_space<vmem>>[vector<16xi32>], vector<16xf32>,
        %parallel_loop3A_104 = arith.mulf %parallel_loop3A_96, %parallel_loop3A_103 : vector<16xf32>
        tpu.vector_store_idx %arg13[%parallel_loop3A_94], %parallel_loop3A_104 {add = true} : memref<10016xf32, #tpu.memory_space<vmem>>[vector<16xi32>], vector<16xf32>,
      } {sc.loop_unroll_factor = 4 : i64, sc.parallel_access}
      %add3A_64 = arith.constant 2 : i32
      %add3A_65 = arith.addi %add3A_53, %add3A_64 : i32
      %lt3A = arith.constant 60 : i32
      %lt3A_66 = arith.cmpi slt, %add3A_65, %lt3A : i32
      %convert_element_type3A = arith.extui %lt3A_66 : i1 to i32
      %cond3A = arith.constant 0 : i32
      %cond3A_67 = arith.cmpi ne, %convert_element_type3A, %cond3A : i32
      scf.if %cond3A_67 {
        %add3A_86 = arith.constant 2 : i32
        %add3A_87 = arith.addi %add3A_53, %add3A_86 : i32
        %mul3A_88 = arith.constant 5504 : i32
        %mul3A_89 = arith.muli %add3A_87, %mul3A_88 : i32
        %dma_start3A_90 = tpu.memref_slice %arg2[%mul3A_89] : memref<330240xi32, #tpu.memory_space<hbm>> -> memref<5504xi32, #tpu.memory_space<hbm>>
        %dma_start3A_91 = tpu.memref_slice %arg2[%mul3A_89] : memref<330240xi32, #tpu.memory_space<hbm>> -> memref<5504xi32, #tpu.memory_space<hbm>>
        tpu.enqueue_dma source(%dma_start3A_91 : memref<5504xi32, #tpu.memory_space<hbm>>) target(%arg14 : memref<5504xi32, #tpu.memory_space<vmem>>) target_semaphore(%arg18 : memref<!tpu.dma_semaphore, #tpu.memory_space<semaphore_mem>>)
        %dma_start3A_92 = tpu.memref_slice %arg3[%mul3A_89] : memref<330240xf32, #tpu.memory_space<hbm>> -> memref<5504xf32, #tpu.memory_space<hbm>>
        %dma_start3A_93 = tpu.memref_slice %arg3[%mul3A_89] : memref<330240xf32, #tpu.memory_space<hbm>> -> memref<5504xf32, #tpu.memory_space<hbm>>
        tpu.enqueue_dma source(%dma_start3A_93 : memref<5504xf32, #tpu.memory_space<hbm>>) target(%arg15 : memref<5504xf32, #tpu.memory_space<vmem>>) target_semaphore(%arg18 : memref<!tpu.dma_semaphore, #tpu.memory_space<semaphore_mem>>)
      } else {
      }
      %dma_wait3A_68 = arith.constant 0 : i32
      %dma_wait3A_69 = tpu.memref_slice %arg2[%dma_wait3A_68] : memref<330240xi32, #tpu.memory_space<hbm>> -> memref<5504xi32, #tpu.memory_space<hbm>>
      %dma_wait3A_70 = arith.constant 0 : i32
      %dma_wait3A_71 = tpu.memref_slice %arg2[%dma_wait3A_70] : memref<330240xi32, #tpu.memory_space<hbm>> -> memref<5504xi32, #tpu.memory_space<hbm>>
      tpu.wait_dma2 semaphore(%arg19 : memref<!tpu.dma_semaphore, #tpu.memory_space<semaphore_mem>>) src(%dma_wait3A_71 : memref<5504xi32, #tpu.memory_space<hbm>>) dst(%arg16 : memref<5504xi32, #tpu.memory_space<vmem>>)
      %dma_wait3A_72 = arith.constant 0 : i32
      %dma_wait3A_73 = tpu.memref_slice %arg3[%dma_wait3A_72] : memref<330240xf32, #tpu.memory_space<hbm>> -> memref<5504xf32, #tpu.memory_space<hbm>>
      %dma_wait3A_74 = arith.constant 0 : i32
      %dma_wait3A_75 = tpu.memref_slice %arg3[%dma_wait3A_74] : memref<330240xf32, #tpu.memory_space<hbm>> -> memref<5504xf32, #tpu.memory_space<hbm>>
      tpu.wait_dma2 semaphore(%arg19 : memref<!tpu.dma_semaphore, #tpu.memory_space<semaphore_mem>>) src(%dma_wait3A_75 : memref<5504xf32, #tpu.memory_space<hbm>>) dst(%arg17 : memref<5504xf32, #tpu.memory_space<vmem>>)
      %parallel_loop3A_76 = arith.constant 0 : i32
      %parallel_loop3A_77 = arith.constant 5504 : i32
      %parallel_loop3A_78 = arith.constant 16 : i32
      scf.for %parallel_loop3A_86 = %parallel_loop3A_76 to %parallel_loop3A_77 step %parallel_loop3A_78  : i32 {
        %parallel_loop3A_87 = arith.index_cast %parallel_loop3A_86 : i32 to index
        %parallel_loop3A_88 = tpu.vector_load %arg16[%parallel_loop3A_87] {strides = array<i32>} : memref<5504xi32, #tpu.memory_space<vmem>>, vector<16xi32>,
        %parallel_loop3A_89 = arith.constant 14 : i32
        %parallel_loop3A_90 = vector.broadcast %parallel_loop3A_89 : i32 to vector<16xi32>
        %parallel_loop3A_91 = arith.shrui %parallel_loop3A_88, %parallel_loop3A_90 : vector<16xi32>
        %parallel_loop3A_92 = arith.constant 16383 : i32
        %parallel_loop3A_93 = vector.broadcast %parallel_loop3A_92 : i32 to vector<16xi32>
        %parallel_loop3A_94 = arith.andi %parallel_loop3A_88, %parallel_loop3A_93 : vector<16xi32>
        %parallel_loop3A_95 = arith.index_cast %parallel_loop3A_86 : i32 to index
        %parallel_loop3A_96 = tpu.vector_load %arg17[%parallel_loop3A_95] {strides = array<i32>} : memref<5504xf32, #tpu.memory_space<vmem>>, vector<16xf32>,
        %parallel_loop3A_97 = tpu.vector_load_idx %arg6[%parallel_loop3A_91] : memref<10016xf32, #tpu.memory_space<vmem>>[vector<16xi32>], vector<16xf32>,
        %parallel_loop3A_98 = arith.mulf %parallel_loop3A_96, %parallel_loop3A_97 : vector<16xf32>
        tpu.vector_store_idx %arg10[%parallel_loop3A_94], %parallel_loop3A_98 {add = true} : memref<10016xf32, #tpu.memory_space<vmem>>[vector<16xi32>], vector<16xf32>,
        %parallel_loop3A_99 = tpu.vector_load_idx %arg7[%parallel_loop3A_91] : memref<10016xf32, #tpu.memory_space<vmem>>[vector<16xi32>], vector<16xf32>,
        %parallel_loop3A_100 = arith.mulf %parallel_loop3A_96, %parallel_loop3A_99 : vector<16xf32>
        tpu.vector_store_idx %arg11[%parallel_loop3A_94], %parallel_loop3A_100 {add = true} : memref<10016xf32, #tpu.memory_space<vmem>>[vector<16xi32>], vector<16xf32>,
        %parallel_loop3A_101 = tpu.vector_load_idx %arg8[%parallel_loop3A_91] : memref<10016xf32, #tpu.memory_space<vmem>>[vector<16xi32>], vector<16xf32>,
        %parallel_loop3A_102 = arith.mulf %parallel_loop3A_96, %parallel_loop3A_101 : vector<16xf32>
        tpu.vector_store_idx %arg12[%parallel_loop3A_94], %parallel_loop3A_102 {add = true} : memref<10016xf32, #tpu.memory_space<vmem>>[vector<16xi32>], vector<16xf32>,
        %parallel_loop3A_103 = tpu.vector_load_idx %arg9[%parallel_loop3A_91] : memref<10016xf32, #tpu.memory_space<vmem>>[vector<16xi32>], vector<16xf32>,
        %parallel_loop3A_104 = arith.mulf %parallel_loop3A_96, %parallel_loop3A_103 : vector<16xf32>
        tpu.vector_store_idx %arg13[%parallel_loop3A_94], %parallel_loop3A_104 {add = true} : memref<10016xf32, #tpu.memory_space<vmem>>[vector<16xi32>], vector<16xf32>,
      } {sc.loop_unroll_factor = 4 : i64, sc.parallel_access}
      %add3A_79 = arith.constant 3 : i32
      %add3A_80 = arith.addi %add3A_53, %add3A_79 : i32
      %lt3A_81 = arith.constant 60 : i32
      %lt3A_82 = arith.cmpi slt, %add3A_80, %lt3A_81 : i32
      %convert_element_type3A_83 = arith.extui %lt3A_82 : i1 to i32
      %cond3A_84 = arith.constant 0 : i32
      %cond3A_85 = arith.cmpi ne, %convert_element_type3A_83, %cond3A_84 : i32
      scf.if %cond3A_85 {
        %add3A_86 = arith.constant 3 : i32
        %add3A_87 = arith.addi %add3A_53, %add3A_86 : i32
        %mul3A_88 = arith.constant 5504 : i32
        %mul3A_89 = arith.muli %add3A_87, %mul3A_88 : i32
        %dma_start3A_90 = tpu.memref_slice %arg2[%mul3A_89] : memref<330240xi32, #tpu.memory_space<hbm>> -> memref<5504xi32, #tpu.memory_space<hbm>>
        %dma_start3A_91 = tpu.memref_slice %arg2[%mul3A_89] : memref<330240xi32, #tpu.memory_space<hbm>> -> memref<5504xi32, #tpu.memory_space<hbm>>
        tpu.enqueue_dma source(%dma_start3A_91 : memref<5504xi32, #tpu.memory_space<hbm>>) target(%arg16 : memref<5504xi32, #tpu.memory_space<vmem>>) target_semaphore(%arg19 : memref<!tpu.dma_semaphore, #tpu.memory_space<semaphore_mem>>)
        %dma_start3A_92 = tpu.memref_slice %arg3[%mul3A_89] : memref<330240xf32, #tpu.memory_space<hbm>> -> memref<5504xf32, #tpu.memory_space<hbm>>
        %dma_start3A_93 = tpu.memref_slice %arg3[%mul3A_89] : memref<330240xf32, #tpu.memory_space<hbm>> -> memref<5504xf32, #tpu.memory_space<hbm>>
        tpu.enqueue_dma source(%dma_start3A_93 : memref<5504xf32, #tpu.memory_space<hbm>>) target(%arg17 : memref<5504xf32, #tpu.memory_space<vmem>>) target_semaphore(%arg19 : memref<!tpu.dma_semaphore, #tpu.memory_space<semaphore_mem>>)
      } else {
      }
    }
    %scan3A_40 = arith.constant 30 : i32
    %add3A_41 = arith.constant 0 : i32
    %add3A_42 = arith.addi %mul3A_2, %add3A_41 : i32
    "tpu.region"() ({
      %run_scoped3A = tpu.sem_alloc : memref<!tpu.dma_semaphore, #tpu.memory_space<semaphore_mem>>
      %dma_start3A_49 = arith.constant 0 : i32
      %dma_start3A_50 = tpu.memref_slice %arg5[%add3A_42, %dma_start3A_49] : memref<128x10016xf32, #tpu.memory_space<hbm>> -> memref<1x10016xf32, #tpu.memory_space<hbm>>
      %dma_start3A_51 = tpu.memref_squeeze %dma_start3A_50 : memref<1x10016xf32, #tpu.memory_space<hbm>> -> memref<10016xf32, #tpu.memory_space<hbm>>
      %dma_start3A_52 = arith.constant 0 : i32
      %dma_start3A_53 = tpu.memref_slice %arg5[%add3A_42, %dma_start3A_52] : memref<128x10016xf32, #tpu.memory_space<hbm>> -> memref<1x10016xf32, #tpu.memory_space<hbm>>
      %dma_start3A_54 = tpu.memref_squeeze %dma_start3A_53 : memref<1x10016xf32, #tpu.memory_space<hbm>> -> memref<10016xf32, #tpu.memory_space<hbm>>
      tpu.enqueue_dma source(%arg10 : memref<10016xf32, #tpu.memory_space<vmem>>) target(%dma_start3A_54 : memref<10016xf32, #tpu.memory_space<hbm>>) target_semaphore(%run_scoped3A : memref<!tpu.dma_semaphore, #tpu.memory_space<semaphore_mem>>)
      %dma_wait3A = arith.constant 0 : i32
      %dma_wait3A_55 = tpu.memref_slice %arg5[%add3A_42, %dma_wait3A] : memref<128x10016xf32, #tpu.memory_space<hbm>> -> memref<1x10016xf32, #tpu.memory_space<hbm>>
      %dma_wait3A_56 = tpu.memref_squeeze %dma_wait3A_55 : memref<1x10016xf32, #tpu.memory_space<hbm>> -> memref<10016xf32, #tpu.memory_space<hbm>>
      %dma_wait3A_57 = arith.constant 0 : i32
      %dma_wait3A_58 = tpu.memref_slice %arg5[%add3A_42, %dma_wait3A_57] : memref<128x10016xf32, #tpu.memory_space<hbm>> -> memref<1x10016xf32, #tpu.memory_space<hbm>>
      %dma_wait3A_59 = tpu.memref_squeeze %dma_wait3A_58 : memref<1x10016xf32, #tpu.memory_space<hbm>> -> memref<10016xf32, #tpu.memory_space<hbm>>
      tpu.wait_dma2 semaphore(%run_scoped3A : memref<!tpu.dma_semaphore, #tpu.memory_space<semaphore_mem>>) src(%arg10 : memref<10016xf32, #tpu.memory_space<vmem>>) dst(%dma_wait3A_59 : memref<10016xf32, #tpu.memory_space<hbm>>)
      tpu.yield
    }) : () -> ()
    %add3A_43 = arith.constant 1 : i32
    %add3A_44 = arith.addi %mul3A_2, %add3A_43 : i32
    "tpu.region"() ({
      %run_scoped3A = tpu.sem_alloc : memref<!tpu.dma_semaphore, #tpu.memory_space<semaphore_mem>>
      %dma_start3A_49 = arith.constant 0 : i32
      %dma_start3A_50 = tpu.memref_slice %arg5[%add3A_44, %dma_start3A_49] : memref<128x10016xf32, #tpu.memory_space<hbm>> -> memref<1x10016xf32, #tpu.memory_space<hbm>>
      %dma_start3A_51 = tpu.memref_squeeze %dma_start3A_50 : memref<1x10016xf32, #tpu.memory_space<hbm>> -> memref<10016xf32, #tpu.memory_space<hbm>>
      %dma_start3A_52 = arith.constant 0 : i32
      %dma_start3A_53 = tpu.memref_slice %arg5[%add3A_44, %dma_start3A_52] : memref<128x10016xf32, #tpu.memory_space<hbm>> -> memref<1x10016xf32, #tpu.memory_space<hbm>>
      %dma_start3A_54 = tpu.memref_squeeze %dma_start3A_53 : memref<1x10016xf32, #tpu.memory_space<hbm>> -> memref<10016xf32, #tpu.memory_space<hbm>>
      tpu.enqueue_dma source(%arg11 : memref<10016xf32, #tpu.memory_space<vmem>>) target(%dma_start3A_54 : memref<10016xf32, #tpu.memory_space<hbm>>) target_semaphore(%run_scoped3A : memref<!tpu.dma_semaphore, #tpu.memory_space<semaphore_mem>>)
      %dma_wait3A = arith.constant 0 : i32
      %dma_wait3A_55 = tpu.memref_slice %arg5[%add3A_44, %dma_wait3A] : memref<128x10016xf32, #tpu.memory_space<hbm>> -> memref<1x10016xf32, #tpu.memory_space<hbm>>
      %dma_wait3A_56 = tpu.memref_squeeze %dma_wait3A_55 : memref<1x10016xf32, #tpu.memory_space<hbm>> -> memref<10016xf32, #tpu.memory_space<hbm>>
      %dma_wait3A_57 = arith.constant 0 : i32
      %dma_wait3A_58 = tpu.memref_slice %arg5[%add3A_44, %dma_wait3A_57] : memref<128x10016xf32, #tpu.memory_space<hbm>> -> memref<1x10016xf32, #tpu.memory_space<hbm>>
      %dma_wait3A_59 = tpu.memref_squeeze %dma_wait3A_58 : memref<1x10016xf32, #tpu.memory_space<hbm>> -> memref<10016xf32, #tpu.memory_space<hbm>>
      tpu.wait_dma2 semaphore(%run_scoped3A : memref<!tpu.dma_semaphore, #tpu.memory_space<semaphore_mem>>) src(%arg11 : memref<10016xf32, #tpu.memory_space<vmem>>) dst(%dma_wait3A_59 : memref<10016xf32, #tpu.memory_space<hbm>>)
      tpu.yield
    }) : () -> ()
    %add3A_45 = arith.constant 2 : i32
    %add3A_46 = arith.addi %mul3A_2, %add3A_45 : i32
    "tpu.region"() ({
      %run_scoped3A = tpu.sem_alloc : memref<!tpu.dma_semaphore, #tpu.memory_space<semaphore_mem>>
      %dma_start3A_49 = arith.constant 0 : i32
      %dma_start3A_50 = tpu.memref_slice %arg5[%add3A_46, %dma_start3A_49] : memref<128x10016xf32, #tpu.memory_space<hbm>> -> memref<1x10016xf32, #tpu.memory_space<hbm>>
      %dma_start3A_51 = tpu.memref_squeeze %dma_start3A_50 : memref<1x10016xf32, #tpu.memory_space<hbm>> -> memref<10016xf32, #tpu.memory_space<hbm>>
      %dma_start3A_52 = arith.constant 0 : i32
      %dma_start3A_53 = tpu.memref_slice %arg5[%add3A_46, %dma_start3A_52] : memref<128x10016xf32, #tpu.memory_space<hbm>> -> memref<1x10016xf32, #tpu.memory_space<hbm>>
      %dma_start3A_54 = tpu.memref_squeeze %dma_start3A_53 : memref<1x10016xf32, #tpu.memory_space<hbm>> -> memref<10016xf32, #tpu.memory_space<hbm>>
      tpu.enqueue_dma source(%arg12 : memref<10016xf32, #tpu.memory_space<vmem>>) target(%dma_start3A_54 : memref<10016xf32, #tpu.memory_space<hbm>>) target_semaphore(%run_scoped3A : memref<!tpu.dma_semaphore, #tpu.memory_space<semaphore_mem>>)
      %dma_wait3A = arith.constant 0 : i32
      %dma_wait3A_55 = tpu.memref_slice %arg5[%add3A_46, %dma_wait3A] : memref<128x10016xf32, #tpu.memory_space<hbm>> -> memref<1x10016xf32, #tpu.memory_space<hbm>>
      %dma_wait3A_56 = tpu.memref_squeeze %dma_wait3A_55 : memref<1x10016xf32, #tpu.memory_space<hbm>> -> memref<10016xf32, #tpu.memory_space<hbm>>
      %dma_wait3A_57 = arith.constant 0 : i32
      %dma_wait3A_58 = tpu.memref_slice %arg5[%add3A_46, %dma_wait3A_57] : memref<128x10016xf32, #tpu.memory_space<hbm>> -> memref<1x10016xf32, #tpu.memory_space<hbm>>
      %dma_wait3A_59 = tpu.memref_squeeze %dma_wait3A_58 : memref<1x10016xf32, #tpu.memory_space<hbm>> -> memref<10016xf32, #tpu.memory_space<hbm>>
      tpu.wait_dma2 semaphore(%run_scoped3A : memref<!tpu.dma_semaphore, #tpu.memory_space<semaphore_mem>>) src(%arg12 : memref<10016xf32, #tpu.memory_space<vmem>>) dst(%dma_wait3A_59 : memref<10016xf32, #tpu.memory_space<hbm>>)
      tpu.yield
    }) : () -> ()
    %add3A_47 = arith.constant 3 : i32
    %add3A_48 = arith.addi %mul3A_2, %add3A_47 : i32
    "tpu.region"() ({
      %run_scoped3A = tpu.sem_alloc : memref<!tpu.dma_semaphore, #tpu.memory_space<semaphore_mem>>
      %dma_start3A_49 = arith.constant 0 : i32
      %dma_start3A_50 = tpu.memref_slice %arg5[%add3A_48, %dma_start3A_49] : memref<128x10016xf32, #tpu.memory_space<hbm>> -> memref<1x10016xf32, #tpu.memory_space<hbm>>
      %dma_start3A_51 = tpu.memref_squeeze %dma_start3A_50 : memref<1x10016xf32, #tpu.memory_space<hbm>> -> memref<10016xf32, #tpu.memory_space<hbm>>
      %dma_start3A_52 = arith.constant 0 : i32
      %dma_start3A_53 = tpu.memref_slice %arg5[%add3A_48, %dma_start3A_52] : memref<128x10016xf32, #tpu.memory_space<hbm>> -> memref<1x10016xf32, #tpu.memory_space<hbm>>
      %dma_start3A_54 = tpu.memref_squeeze %dma_start3A_53 : memref<1x10016xf32, #tpu.memory_space<hbm>> -> memref<10016xf32, #tpu.memory_space<hbm>>
      tpu.enqueue_dma source(%arg13 : memref<10016xf32, #tpu.memory_space<vmem>>) target(%dma_start3A_54 : memref<10016xf32, #tpu.memory_space<hbm>>) target_semaphore(%run_scoped3A : memref<!tpu.dma_semaphore, #tpu.memory_space<semaphore_mem>>)
      %dma_wait3A = arith.constant 0 : i32
      %dma_wait3A_55 = tpu.memref_slice %arg5[%add3A_48, %dma_wait3A] : memref<128x10016xf32, #tpu.memory_space<hbm>> -> memref<1x10016xf32, #tpu.memory_space<hbm>>
      %dma_wait3A_56 = tpu.memref_squeeze %dma_wait3A_55 : memref<1x10016xf32, #tpu.memory_space<hbm>> -> memref<10016xf32, #tpu.memory_space<hbm>>
      %dma_wait3A_57 = arith.constant 0 : i32
      %dma_wait3A_58 = tpu.memref_slice %arg5[%add3A_48, %dma_wait3A_57] : memref<128x10016xf32, #tpu.memory_space<hbm>> -> memref<1x10016xf32, #tpu.memory_space<hbm>>
      %dma_wait3A_59 = tpu.memref_squeeze %dma_wait3A_58 : memref<1x10016xf32, #tpu.memory_space<hbm>> -> memref<10016xf32, #tpu.memory_space<hbm>>
      tpu.wait_dma2 semaphore(%run_scoped3A : memref<!tpu.dma_semaphore, #tpu.memory_space<semaphore_mem>>) src(%arg13 : memref<10016xf32, #tpu.memory_space<vmem>>) dst(%dma_wait3A_59 : memref<10016xf32, #tpu.memory_space<hbm>>)
      tpu.yield
    }) : () -> ()
    return
  }
}

#map = affine_map<(d0, d1) -> (0)>
#map1 = affine_map<(d0, d1) -> (0, 0)>
module attributes {stable_mosaic.version = 14 : i64} {
  func.func @_edge_a(%arg0: i32, %arg1: i32, %arg2: memref<330240xi32, #tpu.memory_space<hbm>>, %arg3: memref<330240xi32, #tpu.memory_space<hbm>>, %arg4: memref<10016xf32, #tpu.memory_space<hbm>>, %arg5: memref<10016xf32, #tpu.memory_space<hbm>>, %arg6: memref<16xf32, #tpu.memory_space<hbm>>, %arg7: memref<330240xf32, #tpu.memory_space<hbm>>, %arg8: memref<32x10016xf32, #tpu.memory_space<hbm>>, %arg9: memref<330240xi32, #tpu.memory_space<hbm>>, %arg10: memref<10016xf32, #tpu.memory_space<vmem>>, %arg11: memref<10016xf32, #tpu.memory_space<vmem>>, %arg12: memref<16xf32, #tpu.memory_space<vmem>>, %arg13: memref<10320xi32, #tpu.memory_space<vmem>>, %arg14: memref<10320xi32, #tpu.memory_space<vmem>>, %arg15: memref<10320xf32, #tpu.memory_space<vmem>>, %arg16: memref<10016xf32, #tpu.memory_space<vmem>>, %arg17: memref<10320xi32, #tpu.memory_space<vmem>>, %arg18: memref<!tpu.dma_semaphore, #tpu.memory_space<semaphore_mem>>) attributes {dimension_semantics = [#tpu.dimension_semantics<core_parallel>, #tpu.dimension_semantics<subcore_parallel>], iteration_bounds = array<i64: 2, 16>, scalar_prefetch = 0 : i64, scratch_operands = 9 : i64, tpu.core_type = #tpu.core_type<sc_vector_subcore>, window_params = [{transform_indices = #map}, {transform_indices = #map}, {transform_indices = #map}, {transform_indices = #map}, {transform_indices = #map}, {transform_indices = #map}, {transform_indices = #map1}, {transform_indices = #map}]} {
    %mul3A = arith.constant 2 : i32
    %mul3A_0 = arith.muli %arg1, %mul3A : i32
    %add3A = arith.addi %mul3A_0, %arg0 : i32
    %mul3A_1 = arith.constant 10320 : i32
    %mul3A_2 = arith.muli %add3A, %mul3A_1 : i32
    tpu.enqueue_dma source(%arg4 : memref<10016xf32, #tpu.memory_space<hbm>>) target(%arg10 : memref<10016xf32, #tpu.memory_space<vmem>>) target_semaphore(%arg18 : memref<!tpu.dma_semaphore, #tpu.memory_space<semaphore_mem>>)
    tpu.enqueue_dma source(%arg5 : memref<10016xf32, #tpu.memory_space<hbm>>) target(%arg11 : memref<10016xf32, #tpu.memory_space<vmem>>) target_semaphore(%arg18 : memref<!tpu.dma_semaphore, #tpu.memory_space<semaphore_mem>>)
    tpu.enqueue_dma source(%arg6 : memref<16xf32, #tpu.memory_space<hbm>>) target(%arg12 : memref<16xf32, #tpu.memory_space<vmem>>) target_semaphore(%arg18 : memref<!tpu.dma_semaphore, #tpu.memory_space<semaphore_mem>>)
    %dma_start3A = tpu.memref_slice %arg2[%mul3A_2] : memref<330240xi32, #tpu.memory_space<hbm>> -> memref<10320xi32, #tpu.memory_space<hbm>>
    %dma_start3A_3 = tpu.memref_slice %arg2[%mul3A_2] : memref<330240xi32, #tpu.memory_space<hbm>> -> memref<10320xi32, #tpu.memory_space<hbm>>
    tpu.enqueue_dma source(%dma_start3A_3 : memref<10320xi32, #tpu.memory_space<hbm>>) target(%arg13 : memref<10320xi32, #tpu.memory_space<vmem>>) target_semaphore(%arg18 : memref<!tpu.dma_semaphore, #tpu.memory_space<semaphore_mem>>)
    %dma_start3A_4 = tpu.memref_slice %arg3[%mul3A_2] : memref<330240xi32, #tpu.memory_space<hbm>> -> memref<10320xi32, #tpu.memory_space<hbm>>
    %dma_start3A_5 = tpu.memref_slice %arg3[%mul3A_2] : memref<330240xi32, #tpu.memory_space<hbm>> -> memref<10320xi32, #tpu.memory_space<hbm>>
    tpu.enqueue_dma source(%dma_start3A_5 : memref<10320xi32, #tpu.memory_space<hbm>>) target(%arg14 : memref<10320xi32, #tpu.memory_space<vmem>>) target_semaphore(%arg18 : memref<!tpu.dma_semaphore, #tpu.memory_space<semaphore_mem>>)
    %parallel_loop3A = arith.constant 0 : i32
    %parallel_loop3A_6 = arith.constant 10016 : i32
    %parallel_loop3A_7 = arith.constant 16 : i32
    scf.for %parallel_loop3A_15 = %parallel_loop3A to %parallel_loop3A_6 step %parallel_loop3A_7  : i32 {
      %parallel_loop3A_16 = arith.constant 0.000000e+00 : f32
      %parallel_loop3A_17 = vector.broadcast %parallel_loop3A_16 : f32 to vector<16xf32>
      %parallel_loop3A_18 = arith.index_cast %parallel_loop3A_15 : i32 to index
      %parallel_loop3A_19 = tpu.vector_load %arg16[%parallel_loop3A_18] {strides = array<i32>} : memref<10016xf32, #tpu.memory_space<vmem>>, vector<16xf32>,
      tpu.vector_store %arg16[%parallel_loop3A_18], %parallel_loop3A_17 {strides = array<i32>} : memref<10016xf32, #tpu.memory_space<vmem>>, vector<16xf32>,
    } {sc.loop_unroll_factor = 8 : i64, sc.parallel_access}
    tpu.wait_dma2 semaphore(%arg18 : memref<!tpu.dma_semaphore, #tpu.memory_space<semaphore_mem>>) src(%arg4 : memref<10016xf32, #tpu.memory_space<hbm>>) dst(%arg10 : memref<10016xf32, #tpu.memory_space<vmem>>)
    tpu.wait_dma2 semaphore(%arg18 : memref<!tpu.dma_semaphore, #tpu.memory_space<semaphore_mem>>) src(%arg5 : memref<10016xf32, #tpu.memory_space<hbm>>) dst(%arg11 : memref<10016xf32, #tpu.memory_space<vmem>>)
    tpu.wait_dma2 semaphore(%arg18 : memref<!tpu.dma_semaphore, #tpu.memory_space<semaphore_mem>>) src(%arg6 : memref<16xf32, #tpu.memory_space<hbm>>) dst(%arg12 : memref<16xf32, #tpu.memory_space<vmem>>)
    %dma_wait3A = tpu.memref_slice %arg2[%mul3A_2] : memref<330240xi32, #tpu.memory_space<hbm>> -> memref<10320xi32, #tpu.memory_space<hbm>>
    %dma_wait3A_8 = tpu.memref_slice %arg2[%mul3A_2] : memref<330240xi32, #tpu.memory_space<hbm>> -> memref<10320xi32, #tpu.memory_space<hbm>>
    tpu.wait_dma2 semaphore(%arg18 : memref<!tpu.dma_semaphore, #tpu.memory_space<semaphore_mem>>) src(%dma_wait3A_8 : memref<10320xi32, #tpu.memory_space<hbm>>) dst(%arg13 : memref<10320xi32, #tpu.memory_space<vmem>>)
    %dma_wait3A_9 = tpu.memref_slice %arg3[%mul3A_2] : memref<330240xi32, #tpu.memory_space<hbm>> -> memref<10320xi32, #tpu.memory_space<hbm>>
    %dma_wait3A_10 = tpu.memref_slice %arg3[%mul3A_2] : memref<330240xi32, #tpu.memory_space<hbm>> -> memref<10320xi32, #tpu.memory_space<hbm>>
    tpu.wait_dma2 semaphore(%arg18 : memref<!tpu.dma_semaphore, #tpu.memory_space<semaphore_mem>>) src(%dma_wait3A_10 : memref<10320xi32, #tpu.memory_space<hbm>>) dst(%arg14 : memref<10320xi32, #tpu.memory_space<vmem>>)
    %get3A = arith.constant 0 : index
    %get3A_11 = tpu.vector_load %arg12[%get3A] {strides = array<i32>} : memref<16xf32, #tpu.memory_space<vmem>>, vector<16xf32>,
    %parallel_loop3A_12 = arith.constant 0 : i32
    %parallel_loop3A_13 = arith.constant 10320 : i32
    %parallel_loop3A_14 = arith.constant 16 : i32
    scf.for %parallel_loop3A_15 = %parallel_loop3A_12 to %parallel_loop3A_13 step %parallel_loop3A_14  : i32 {
      %parallel_loop3A_16 = arith.index_cast %parallel_loop3A_15 : i32 to index
      %parallel_loop3A_17 = tpu.vector_load %arg13[%parallel_loop3A_16] {strides = array<i32>} : memref<10320xi32, #tpu.memory_space<vmem>>, vector<16xi32>,
      %parallel_loop3A_18 = arith.index_cast %parallel_loop3A_15 : i32 to index
      %parallel_loop3A_19 = tpu.vector_load %arg14[%parallel_loop3A_18] {strides = array<i32>} : memref<10320xi32, #tpu.memory_space<vmem>>, vector<16xi32>,
      %parallel_loop3A_20 = tpu.vector_load_idx %arg10[%parallel_loop3A_17] : memref<10016xf32, #tpu.memory_space<vmem>>[vector<16xi32>], vector<16xf32>,
      %parallel_loop3A_21 = tpu.vector_load_idx %arg11[%parallel_loop3A_19] : memref<10016xf32, #tpu.memory_space<vmem>>[vector<16xi32>], vector<16xf32>,
      %parallel_loop3A_22 = arith.addf %parallel_loop3A_20, %parallel_loop3A_21 : vector<16xf32>
      %parallel_loop3A_23 = arith.constant 0.000000e+00 : f32
      %parallel_loop3A_24 = vector.broadcast %parallel_loop3A_23 : f32 to vector<16xf32>
      %parallel_loop3A_25 = arith.cmpf oge, %parallel_loop3A_22, %parallel_loop3A_24 : vector<16xf32>
      %parallel_loop3A_26 = arith.constant 2.000000e-01 : f32
      %parallel_loop3A_27 = vector.broadcast %parallel_loop3A_26 : f32 to vector<16xf32>
      %parallel_loop3A_28 = arith.mulf %parallel_loop3A_27, %parallel_loop3A_22 : vector<16xf32>
      %parallel_loop3A_29 = arith.select %parallel_loop3A_25, %parallel_loop3A_22, %parallel_loop3A_28 : vector<16xi1>, vector<16xf32>
      %parallel_loop3A_30 = arith.addf %get3A_11, %parallel_loop3A_21 : vector<16xf32>
      %parallel_loop3A_31 = arith.constant 0.000000e+00 : f32
      %parallel_loop3A_32 = vector.broadcast %parallel_loop3A_31 : f32 to vector<16xf32>
      %parallel_loop3A_33 = arith.cmpf oge, %parallel_loop3A_30, %parallel_loop3A_32 : vector<16xf32>
      %parallel_loop3A_34 = arith.constant 2.000000e-01 : f32
      %parallel_loop3A_35 = vector.broadcast %parallel_loop3A_34 : f32 to vector<16xf32>
      %parallel_loop3A_36 = arith.mulf %parallel_loop3A_35, %parallel_loop3A_30 : vector<16xf32>
      %parallel_loop3A_37 = arith.select %parallel_loop3A_33, %parallel_loop3A_30, %parallel_loop3A_36 : vector<16xi1>, vector<16xf32>
      %parallel_loop3A_38 = arith.subf %parallel_loop3A_29, %parallel_loop3A_37 : vector<16xf32>
      %parallel_loop3A_39 = math.exp %parallel_loop3A_38 : vector<16xf32>
      %parallel_loop3A_40 = arith.index_cast %parallel_loop3A_15 : i32 to index
      %parallel_loop3A_41 = tpu.vector_load %arg15[%parallel_loop3A_40] {strides = array<i32>} : memref<10320xf32, #tpu.memory_space<vmem>>, vector<16xf32>,
      tpu.vector_store %arg15[%parallel_loop3A_40], %parallel_loop3A_39 {strides = array<i32>} : memref<10320xf32, #tpu.memory_space<vmem>>, vector<16xf32>,
      %parallel_loop3A_42 = arith.constant 14 : i32
      %parallel_loop3A_43 = vector.broadcast %parallel_loop3A_42 : i32 to vector<16xi32>
      %parallel_loop3A_44 = arith.shli %parallel_loop3A_17, %parallel_loop3A_43 : vector<16xi32>
      %parallel_loop3A_45 = arith.ori %parallel_loop3A_44, %parallel_loop3A_19 : vector<16xi32>
      %parallel_loop3A_46 = arith.index_cast %parallel_loop3A_15 : i32 to index
      %parallel_loop3A_47 = tpu.vector_load %arg17[%parallel_loop3A_46] {strides = array<i32>} : memref<10320xi32, #tpu.memory_space<vmem>>, vector<16xi32>,
      tpu.vector_store %arg17[%parallel_loop3A_46], %parallel_loop3A_45 {strides = array<i32>} : memref<10320xi32, #tpu.memory_space<vmem>>, vector<16xi32>,
      tpu.vector_store_idx %arg16[%parallel_loop3A_19], %parallel_loop3A_39 {add = true} : memref<10016xf32, #tpu.memory_space<vmem>>[vector<16xi32>], vector<16xf32>,
    } {sc.loop_unroll_factor = 4 : i64, sc.parallel_access}
    "tpu.region"() ({
      %run_scoped3A = tpu.sem_alloc : memref<!tpu.dma_semaphore, #tpu.memory_space<semaphore_mem>>
      %dma_start3A_15 = tpu.memref_slice %arg7[%mul3A_2] : memref<330240xf32, #tpu.memory_space<hbm>> -> memref<10320xf32, #tpu.memory_space<hbm>>
      %dma_start3A_16 = tpu.memref_slice %arg7[%mul3A_2] : memref<330240xf32, #tpu.memory_space<hbm>> -> memref<10320xf32, #tpu.memory_space<hbm>>
      tpu.enqueue_dma source(%arg15 : memref<10320xf32, #tpu.memory_space<vmem>>) target(%dma_start3A_16 : memref<10320xf32, #tpu.memory_space<hbm>>) target_semaphore(%run_scoped3A : memref<!tpu.dma_semaphore, #tpu.memory_space<semaphore_mem>>)
      %dma_wait3A_17 = tpu.memref_slice %arg7[%mul3A_2] : memref<330240xf32, #tpu.memory_space<hbm>> -> memref<10320xf32, #tpu.memory_space<hbm>>
      %dma_wait3A_18 = tpu.memref_slice %arg7[%mul3A_2] : memref<330240xf32, #tpu.memory_space<hbm>> -> memref<10320xf32, #tpu.memory_space<hbm>>
      tpu.wait_dma2 semaphore(%run_scoped3A : memref<!tpu.dma_semaphore, #tpu.memory_space<semaphore_mem>>) src(%arg15 : memref<10320xf32, #tpu.memory_space<vmem>>) dst(%dma_wait3A_18 : memref<10320xf32, #tpu.memory_space<hbm>>)
      tpu.yield
    }) : () -> ()
    "tpu.region"() ({
      %run_scoped3A = tpu.sem_alloc : memref<!tpu.dma_semaphore, #tpu.memory_space<semaphore_mem>>
      %dma_start3A_15 = tpu.memref_slice %arg9[%mul3A_2] : memref<330240xi32, #tpu.memory_space<hbm>> -> memref<10320xi32, #tpu.memory_space<hbm>>
      %dma_start3A_16 = tpu.memref_slice %arg9[%mul3A_2] : memref<330240xi32, #tpu.memory_space<hbm>> -> memref<10320xi32, #tpu.memory_space<hbm>>
      tpu.enqueue_dma source(%arg17 : memref<10320xi32, #tpu.memory_space<vmem>>) target(%dma_start3A_16 : memref<10320xi32, #tpu.memory_space<hbm>>) target_semaphore(%run_scoped3A : memref<!tpu.dma_semaphore, #tpu.memory_space<semaphore_mem>>)
      %dma_wait3A_17 = tpu.memref_slice %arg9[%mul3A_2] : memref<330240xi32, #tpu.memory_space<hbm>> -> memref<10320xi32, #tpu.memory_space<hbm>>
      %dma_wait3A_18 = tpu.memref_slice %arg9[%mul3A_2] : memref<330240xi32, #tpu.memory_space<hbm>> -> memref<10320xi32, #tpu.memory_space<hbm>>
      tpu.wait_dma2 semaphore(%run_scoped3A : memref<!tpu.dma_semaphore, #tpu.memory_space<semaphore_mem>>) src(%arg17 : memref<10320xi32, #tpu.memory_space<vmem>>) dst(%dma_wait3A_18 : memref<10320xi32, #tpu.memory_space<hbm>>)
      tpu.yield
    }) : () -> ()
    "tpu.region"() ({
      %run_scoped3A = tpu.sem_alloc : memref<!tpu.dma_semaphore, #tpu.memory_space<semaphore_mem>>
      %dma_start3A_15 = arith.constant 0 : i32
      %dma_start3A_16 = tpu.memref_slice %arg8[%add3A, %dma_start3A_15] : memref<32x10016xf32, #tpu.memory_space<hbm>> -> memref<1x10016xf32, #tpu.memory_space<hbm>>
      %dma_start3A_17 = tpu.memref_squeeze %dma_start3A_16 : memref<1x10016xf32, #tpu.memory_space<hbm>> -> memref<10016xf32, #tpu.memory_space<hbm>>
      %dma_start3A_18 = arith.constant 0 : i32
      %dma_start3A_19 = tpu.memref_slice %arg8[%add3A, %dma_start3A_18] : memref<32x10016xf32, #tpu.memory_space<hbm>> -> memref<1x10016xf32, #tpu.memory_space<hbm>>
      %dma_start3A_20 = tpu.memref_squeeze %dma_start3A_19 : memref<1x10016xf32, #tpu.memory_space<hbm>> -> memref<10016xf32, #tpu.memory_space<hbm>>
      tpu.enqueue_dma source(%arg16 : memref<10016xf32, #tpu.memory_space<vmem>>) target(%dma_start3A_20 : memref<10016xf32, #tpu.memory_space<hbm>>) target_semaphore(%run_scoped3A : memref<!tpu.dma_semaphore, #tpu.memory_space<semaphore_mem>>)
      %dma_wait3A_21 = arith.constant 0 : i32
      %dma_wait3A_22 = tpu.memref_slice %arg8[%add3A, %dma_wait3A_21] : memref<32x10016xf32, #tpu.memory_space<hbm>> -> memref<1x10016xf32, #tpu.memory_space<hbm>>
      %dma_wait3A_23 = tpu.memref_squeeze %dma_wait3A_22 : memref<1x10016xf32, #tpu.memory_space<hbm>> -> memref<10016xf32, #tpu.memory_space<hbm>>
      %dma_wait3A_24 = arith.constant 0 : i32
      %dma_wait3A_25 = tpu.memref_slice %arg8[%add3A, %dma_wait3A_24] : memref<32x10016xf32, #tpu.memory_space<hbm>> -> memref<1x10016xf32, #tpu.memory_space<hbm>>
      %dma_wait3A_26 = tpu.memref_squeeze %dma_wait3A_25 : memref<1x10016xf32, #tpu.memory_space<hbm>> -> memref<10016xf32, #tpu.memory_space<hbm>>
      tpu.wait_dma2 semaphore(%run_scoped3A : memref<!tpu.dma_semaphore, #tpu.memory_space<semaphore_mem>>) src(%arg16 : memref<10016xf32, #tpu.memory_space<vmem>>) dst(%dma_wait3A_26 : memref<10016xf32, #tpu.memory_space<hbm>>)
      tpu.yield
    }) : () -> ()
    return
  }
}

#map = affine_map<(d0, d1) -> (0)>
#map1 = affine_map<(d0, d1) -> (0, 0)>
module attributes {stable_mosaic.version = 14 : i64} {
  func.func @_edge_a(%arg0: i32, %arg1: i32, %arg2: memref<330240xi32, #tpu.memory_space<hbm>>, %arg3: memref<330240xi32, #tpu.memory_space<hbm>>, %arg4: memref<10016xf32, #tpu.memory_space<hbm>>, %arg5: memref<10016xf32, #tpu.memory_space<hbm>>, %arg6: memref<16xf32, #tpu.memory_space<hbm>>, %arg7: memref<330240xf32, #tpu.memory_space<hbm>>, %arg8: memref<32x10016xf32, #tpu.memory_space<hbm>>, %arg9: memref<330240xi32, #tpu.memory_space<hbm>>, %arg10: memref<10016xf32, #tpu.memory_space<vmem>>, %arg11: memref<10016xf32, #tpu.memory_space<vmem>>, %arg12: memref<16xf32, #tpu.memory_space<vmem>>, %arg13: memref<10320xi32, #tpu.memory_space<vmem>>, %arg14: memref<10320xi32, #tpu.memory_space<vmem>>, %arg15: memref<10320xf32, #tpu.memory_space<vmem>>, %arg16: memref<10016xf32, #tpu.memory_space<vmem>>, %arg17: memref<10320xi32, #tpu.memory_space<vmem>>, %arg18: memref<!tpu.dma_semaphore, #tpu.memory_space<semaphore_mem>>) attributes {dimension_semantics = [#tpu.dimension_semantics<core_parallel>, #tpu.dimension_semantics<subcore_parallel>], iteration_bounds = array<i64: 2, 16>, scalar_prefetch = 0 : i64, scratch_operands = 9 : i64, tpu.core_type = #tpu.core_type<sc_vector_subcore>, window_params = [{transform_indices = #map}, {transform_indices = #map}, {transform_indices = #map}, {transform_indices = #map}, {transform_indices = #map}, {transform_indices = #map}, {transform_indices = #map1}, {transform_indices = #map}]} {
    %mul3A = arith.constant 2 : i32
    %mul3A_0 = arith.muli %arg1, %mul3A : i32
    %add3A = arith.addi %mul3A_0, %arg0 : i32
    %mul3A_1 = arith.constant 10320 : i32
    %mul3A_2 = arith.muli %add3A, %mul3A_1 : i32
    tpu.enqueue_dma source(%arg4 : memref<10016xf32, #tpu.memory_space<hbm>>) target(%arg10 : memref<10016xf32, #tpu.memory_space<vmem>>) target_semaphore(%arg18 : memref<!tpu.dma_semaphore, #tpu.memory_space<semaphore_mem>>)
    tpu.enqueue_dma source(%arg5 : memref<10016xf32, #tpu.memory_space<hbm>>) target(%arg11 : memref<10016xf32, #tpu.memory_space<vmem>>) target_semaphore(%arg18 : memref<!tpu.dma_semaphore, #tpu.memory_space<semaphore_mem>>)
    tpu.enqueue_dma source(%arg6 : memref<16xf32, #tpu.memory_space<hbm>>) target(%arg12 : memref<16xf32, #tpu.memory_space<vmem>>) target_semaphore(%arg18 : memref<!tpu.dma_semaphore, #tpu.memory_space<semaphore_mem>>)
    %dma_start3A = tpu.memref_slice %arg2[%mul3A_2] : memref<330240xi32, #tpu.memory_space<hbm>> -> memref<10320xi32, #tpu.memory_space<hbm>>
    %dma_start3A_3 = tpu.memref_slice %arg2[%mul3A_2] : memref<330240xi32, #tpu.memory_space<hbm>> -> memref<10320xi32, #tpu.memory_space<hbm>>
    tpu.enqueue_dma source(%dma_start3A_3 : memref<10320xi32, #tpu.memory_space<hbm>>) target(%arg13 : memref<10320xi32, #tpu.memory_space<vmem>>) target_semaphore(%arg18 : memref<!tpu.dma_semaphore, #tpu.memory_space<semaphore_mem>>)
    %dma_start3A_4 = tpu.memref_slice %arg3[%mul3A_2] : memref<330240xi32, #tpu.memory_space<hbm>> -> memref<10320xi32, #tpu.memory_space<hbm>>
    %dma_start3A_5 = tpu.memref_slice %arg3[%mul3A_2] : memref<330240xi32, #tpu.memory_space<hbm>> -> memref<10320xi32, #tpu.memory_space<hbm>>
    tpu.enqueue_dma source(%dma_start3A_5 : memref<10320xi32, #tpu.memory_space<hbm>>) target(%arg14 : memref<10320xi32, #tpu.memory_space<vmem>>) target_semaphore(%arg18 : memref<!tpu.dma_semaphore, #tpu.memory_space<semaphore_mem>>)
    %parallel_loop3A = arith.constant 0 : i32
    %parallel_loop3A_6 = arith.constant 10016 : i32
    %parallel_loop3A_7 = arith.constant 16 : i32
    scf.for %parallel_loop3A_15 = %parallel_loop3A to %parallel_loop3A_6 step %parallel_loop3A_7  : i32 {
      %parallel_loop3A_16 = arith.constant 0.000000e+00 : f32
      %parallel_loop3A_17 = vector.broadcast %parallel_loop3A_16 : f32 to vector<16xf32>
      %parallel_loop3A_18 = arith.index_cast %parallel_loop3A_15 : i32 to index
      %parallel_loop3A_19 = tpu.vector_load %arg16[%parallel_loop3A_18] {strides = array<i32>} : memref<10016xf32, #tpu.memory_space<vmem>>, vector<16xf32>,
      tpu.vector_store %arg16[%parallel_loop3A_18], %parallel_loop3A_17 {strides = array<i32>} : memref<10016xf32, #tpu.memory_space<vmem>>, vector<16xf32>,
    } {sc.loop_unroll_factor = 8 : i64, sc.parallel_access}
    tpu.wait_dma2 semaphore(%arg18 : memref<!tpu.dma_semaphore, #tpu.memory_space<semaphore_mem>>) src(%arg4 : memref<10016xf32, #tpu.memory_space<hbm>>) dst(%arg10 : memref<10016xf32, #tpu.memory_space<vmem>>)
    tpu.wait_dma2 semaphore(%arg18 : memref<!tpu.dma_semaphore, #tpu.memory_space<semaphore_mem>>) src(%arg5 : memref<10016xf32, #tpu.memory_space<hbm>>) dst(%arg11 : memref<10016xf32, #tpu.memory_space<vmem>>)
    tpu.wait_dma2 semaphore(%arg18 : memref<!tpu.dma_semaphore, #tpu.memory_space<semaphore_mem>>) src(%arg6 : memref<16xf32, #tpu.memory_space<hbm>>) dst(%arg12 : memref<16xf32, #tpu.memory_space<vmem>>)
    %dma_wait3A = tpu.memref_slice %arg2[%mul3A_2] : memref<330240xi32, #tpu.memory_space<hbm>> -> memref<10320xi32, #tpu.memory_space<hbm>>
    %dma_wait3A_8 = tpu.memref_slice %arg2[%mul3A_2] : memref<330240xi32, #tpu.memory_space<hbm>> -> memref<10320xi32, #tpu.memory_space<hbm>>
    tpu.wait_dma2 semaphore(%arg18 : memref<!tpu.dma_semaphore, #tpu.memory_space<semaphore_mem>>) src(%dma_wait3A_8 : memref<10320xi32, #tpu.memory_space<hbm>>) dst(%arg13 : memref<10320xi32, #tpu.memory_space<vmem>>)
    %dma_wait3A_9 = tpu.memref_slice %arg3[%mul3A_2] : memref<330240xi32, #tpu.memory_space<hbm>> -> memref<10320xi32, #tpu.memory_space<hbm>>
    %dma_wait3A_10 = tpu.memref_slice %arg3[%mul3A_2] : memref<330240xi32, #tpu.memory_space<hbm>> -> memref<10320xi32, #tpu.memory_space<hbm>>
    tpu.wait_dma2 semaphore(%arg18 : memref<!tpu.dma_semaphore, #tpu.memory_space<semaphore_mem>>) src(%dma_wait3A_10 : memref<10320xi32, #tpu.memory_space<hbm>>) dst(%arg14 : memref<10320xi32, #tpu.memory_space<vmem>>)
    %get3A = arith.constant 0 : index
    %get3A_11 = tpu.vector_load %arg12[%get3A] {strides = array<i32>} : memref<16xf32, #tpu.memory_space<vmem>>, vector<16xf32>,
    %parallel_loop3A_12 = arith.constant 0 : i32
    %parallel_loop3A_13 = arith.constant 10320 : i32
    %parallel_loop3A_14 = arith.constant 16 : i32
    scf.for %parallel_loop3A_15 = %parallel_loop3A_12 to %parallel_loop3A_13 step %parallel_loop3A_14  : i32 {
      %parallel_loop3A_16 = arith.index_cast %parallel_loop3A_15 : i32 to index
      %parallel_loop3A_17 = tpu.vector_load %arg13[%parallel_loop3A_16] {strides = array<i32>} : memref<10320xi32, #tpu.memory_space<vmem>>, vector<16xi32>,
      %parallel_loop3A_18 = arith.index_cast %parallel_loop3A_15 : i32 to index
      %parallel_loop3A_19 = tpu.vector_load %arg14[%parallel_loop3A_18] {strides = array<i32>} : memref<10320xi32, #tpu.memory_space<vmem>>, vector<16xi32>,
      %parallel_loop3A_20 = tpu.vector_load_idx %arg10[%parallel_loop3A_17] : memref<10016xf32, #tpu.memory_space<vmem>>[vector<16xi32>], vector<16xf32>,
      %parallel_loop3A_21 = tpu.vector_load_idx %arg11[%parallel_loop3A_19] : memref<10016xf32, #tpu.memory_space<vmem>>[vector<16xi32>], vector<16xf32>,
      %parallel_loop3A_22 = arith.addf %parallel_loop3A_20, %parallel_loop3A_21 : vector<16xf32>
      %parallel_loop3A_23 = arith.constant 0.000000e+00 : f32
      %parallel_loop3A_24 = vector.broadcast %parallel_loop3A_23 : f32 to vector<16xf32>
      %parallel_loop3A_25 = arith.cmpf oge, %parallel_loop3A_22, %parallel_loop3A_24 : vector<16xf32>
      %parallel_loop3A_26 = arith.constant 2.000000e-01 : f32
      %parallel_loop3A_27 = vector.broadcast %parallel_loop3A_26 : f32 to vector<16xf32>
      %parallel_loop3A_28 = arith.mulf %parallel_loop3A_27, %parallel_loop3A_22 : vector<16xf32>
      %parallel_loop3A_29 = arith.select %parallel_loop3A_25, %parallel_loop3A_22, %parallel_loop3A_28 : vector<16xi1>, vector<16xf32>
      %parallel_loop3A_30 = arith.addf %get3A_11, %parallel_loop3A_21 : vector<16xf32>
      %parallel_loop3A_31 = arith.constant 0.000000e+00 : f32
      %parallel_loop3A_32 = vector.broadcast %parallel_loop3A_31 : f32 to vector<16xf32>
      %parallel_loop3A_33 = arith.cmpf oge, %parallel_loop3A_30, %parallel_loop3A_32 : vector<16xf32>
      %parallel_loop3A_34 = arith.constant 2.000000e-01 : f32
      %parallel_loop3A_35 = vector.broadcast %parallel_loop3A_34 : f32 to vector<16xf32>
      %parallel_loop3A_36 = arith.mulf %parallel_loop3A_35, %parallel_loop3A_30 : vector<16xf32>
      %parallel_loop3A_37 = arith.select %parallel_loop3A_33, %parallel_loop3A_30, %parallel_loop3A_36 : vector<16xi1>, vector<16xf32>
      %parallel_loop3A_38 = arith.subf %parallel_loop3A_29, %parallel_loop3A_37 : vector<16xf32>
      %parallel_loop3A_39 = math.exp %parallel_loop3A_38 : vector<16xf32>
      %parallel_loop3A_40 = arith.index_cast %parallel_loop3A_15 : i32 to index
      %parallel_loop3A_41 = tpu.vector_load %arg15[%parallel_loop3A_40] {strides = array<i32>} : memref<10320xf32, #tpu.memory_space<vmem>>, vector<16xf32>,
      tpu.vector_store %arg15[%parallel_loop3A_40], %parallel_loop3A_39 {strides = array<i32>} : memref<10320xf32, #tpu.memory_space<vmem>>, vector<16xf32>,
      %parallel_loop3A_42 = arith.constant 14 : i32
      %parallel_loop3A_43 = vector.broadcast %parallel_loop3A_42 : i32 to vector<16xi32>
      %parallel_loop3A_44 = arith.shli %parallel_loop3A_17, %parallel_loop3A_43 : vector<16xi32>
      %parallel_loop3A_45 = arith.ori %parallel_loop3A_44, %parallel_loop3A_19 : vector<16xi32>
      %parallel_loop3A_46 = arith.index_cast %parallel_loop3A_15 : i32 to index
      %parallel_loop3A_47 = tpu.vector_load %arg17[%parallel_loop3A_46] {strides = array<i32>} : memref<10320xi32, #tpu.memory_space<vmem>>, vector<16xi32>,
      tpu.vector_store %arg17[%parallel_loop3A_46], %parallel_loop3A_45 {strides = array<i32>} : memref<10320xi32, #tpu.memory_space<vmem>>, vector<16xi32>,
      tpu.vector_store_idx %arg16[%parallel_loop3A_19], %parallel_loop3A_39 {add = true} : memref<10016xf32, #tpu.memory_space<vmem>>[vector<16xi32>], vector<16xf32>,
    } {sc.loop_unroll_factor = 4 : i64, sc.parallel_access}
    "tpu.region"() ({
      %run_scoped3A = tpu.sem_alloc : memref<!tpu.dma_semaphore, #tpu.memory_space<semaphore_mem>>
      %dma_start3A_15 = tpu.memref_slice %arg7[%mul3A_2] : memref<330240xf32, #tpu.memory_space<hbm>> -> memref<10320xf32, #tpu.memory_space<hbm>>
      %dma_start3A_16 = tpu.memref_slice %arg7[%mul3A_2] : memref<330240xf32, #tpu.memory_space<hbm>> -> memref<10320xf32, #tpu.memory_space<hbm>>
      tpu.enqueue_dma source(%arg15 : memref<10320xf32, #tpu.memory_space<vmem>>) target(%dma_start3A_16 : memref<10320xf32, #tpu.memory_space<hbm>>) target_semaphore(%run_scoped3A : memref<!tpu.dma_semaphore, #tpu.memory_space<semaphore_mem>>)
      %dma_wait3A_17 = tpu.memref_slice %arg7[%mul3A_2] : memref<330240xf32, #tpu.memory_space<hbm>> -> memref<10320xf32, #tpu.memory_space<hbm>>
      %dma_wait3A_18 = tpu.memref_slice %arg7[%mul3A_2] : memref<330240xf32, #tpu.memory_space<hbm>> -> memref<10320xf32, #tpu.memory_space<hbm>>
      tpu.wait_dma2 semaphore(%run_scoped3A : memref<!tpu.dma_semaphore, #tpu.memory_space<semaphore_mem>>) src(%arg15 : memref<10320xf32, #tpu.memory_space<vmem>>) dst(%dma_wait3A_18 : memref<10320xf32, #tpu.memory_space<hbm>>)
      tpu.yield
    }) : () -> ()
    "tpu.region"() ({
      %run_scoped3A = tpu.sem_alloc : memref<!tpu.dma_semaphore, #tpu.memory_space<semaphore_mem>>
      %dma_start3A_15 = tpu.memref_slice %arg9[%mul3A_2] : memref<330240xi32, #tpu.memory_space<hbm>> -> memref<10320xi32, #tpu.memory_space<hbm>>
      %dma_start3A_16 = tpu.memref_slice %arg9[%mul3A_2] : memref<330240xi32, #tpu.memory_space<hbm>> -> memref<10320xi32, #tpu.memory_space<hbm>>
      tpu.enqueue_dma source(%arg17 : memref<10320xi32, #tpu.memory_space<vmem>>) target(%dma_start3A_16 : memref<10320xi32, #tpu.memory_space<hbm>>) target_semaphore(%run_scoped3A : memref<!tpu.dma_semaphore, #tpu.memory_space<semaphore_mem>>)
      %dma_wait3A_17 = tpu.memref_slice %arg9[%mul3A_2] : memref<330240xi32, #tpu.memory_space<hbm>> -> memref<10320xi32, #tpu.memory_space<hbm>>
      %dma_wait3A_18 = tpu.memref_slice %arg9[%mul3A_2] : memref<330240xi32, #tpu.memory_space<hbm>> -> memref<10320xi32, #tpu.memory_space<hbm>>
      tpu.wait_dma2 semaphore(%run_scoped3A : memref<!tpu.dma_semaphore, #tpu.memory_space<semaphore_mem>>) src(%arg17 : memref<10320xi32, #tpu.memory_space<vmem>>) dst(%dma_wait3A_18 : memref<10320xi32, #tpu.memory_space<hbm>>)
      tpu.yield
    }) : () -> ()
    "tpu.region"() ({
      %run_scoped3A = tpu.sem_alloc : memref<!tpu.dma_semaphore, #tpu.memory_space<semaphore_mem>>
      %dma_start3A_15 = arith.constant 0 : i32
      %dma_start3A_16 = tpu.memref_slice %arg8[%add3A, %dma_start3A_15] : memref<32x10016xf32, #tpu.memory_space<hbm>> -> memref<1x10016xf32, #tpu.memory_space<hbm>>
      %dma_start3A_17 = tpu.memref_squeeze %dma_start3A_16 : memref<1x10016xf32, #tpu.memory_space<hbm>> -> memref<10016xf32, #tpu.memory_space<hbm>>
      %dma_start3A_18 = arith.constant 0 : i32
      %dma_start3A_19 = tpu.memref_slice %arg8[%add3A, %dma_start3A_18] : memref<32x10016xf32, #tpu.memory_space<hbm>> -> memref<1x10016xf32, #tpu.memory_space<hbm>>
      %dma_start3A_20 = tpu.memref_squeeze %dma_start3A_19 : memref<1x10016xf32, #tpu.memory_space<hbm>> -> memref<10016xf32, #tpu.memory_space<hbm>>
      tpu.enqueue_dma source(%arg16 : memref<10016xf32, #tpu.memory_space<vmem>>) target(%dma_start3A_20 : memref<10016xf32, #tpu.memory_space<hbm>>) target_semaphore(%run_scoped3A : memref<!tpu.dma_semaphore, #tpu.memory_space<semaphore_mem>>)
      %dma_wait3A_21 = arith.constant 0 : i32
      %dma_wait3A_22 = tpu.memref_slice %arg8[%add3A, %dma_wait3A_21] : memref<32x10016xf32, #tpu.memory_space<hbm>> -> memref<1x10016xf32, #tpu.memory_space<hbm>>
      %dma_wait3A_23 = tpu.memref_squeeze %dma_wait3A_22 : memref<1x10016xf32, #tpu.memory_space<hbm>> -> memref<10016xf32, #tpu.memory_space<hbm>>
      %dma_wait3A_24 = arith.constant 0 : i32
      %dma_wait3A_25 = tpu.memref_slice %arg8[%add3A, %dma_wait3A_24] : memref<32x10016xf32, #tpu.memory_space<hbm>> -> memref<1x10016xf32, #tpu.memory_space<hbm>>
      %dma_wait3A_26 = tpu.memref_squeeze %dma_wait3A_25 : memref<1x10016xf32, #tpu.memory_space<hbm>> -> memref<10016xf32, #tpu.memory_space<hbm>>
      tpu.wait_dma2 semaphore(%run_scoped3A : memref<!tpu.dma_semaphore, #tpu.memory_space<semaphore_mem>>) src(%arg16 : memref<10016xf32, #tpu.memory_space<vmem>>) dst(%dma_wait3A_26 : memref<10016xf32, #tpu.memory_space<hbm>>)
      tpu.yield
    }) : () -> ()
    return
  }
}

#map = affine_map<(d0, d1) -> (0)>
module attributes {stable_mosaic.version = 14 : i64} {
  func.func @_edge_alpha(%arg0: i32, %arg1: i32, %arg2: memref<330240xi32, #tpu.memory_space<hbm>>, %arg3: memref<330240xf32, #tpu.memory_space<hbm>>, %arg4: memref<10016xf32, #tpu.memory_space<hbm>>, %arg5: memref<330240xf32, #tpu.memory_space<hbm>>, %arg6: memref<10016xf32, #tpu.memory_space<vmem>>, %arg7: memref<10320xi32, #tpu.memory_space<vmem>>, %arg8: memref<10320xf32, #tpu.memory_space<vmem>>) attributes {dimension_semantics = [#tpu.dimension_semantics<core_parallel>, #tpu.dimension_semantics<subcore_parallel>], iteration_bounds = array<i64: 2, 16>, scalar_prefetch = 0 : i64, scratch_operands = 3 : i64, tpu.core_type = #tpu.core_type<sc_vector_subcore>, window_params = [{transform_indices = #map}, {transform_indices = #map}, {transform_indices = #map}, {transform_indices = #map}]} {
    %mul3A = arith.constant 2 : i32
    %mul3A_0 = arith.muli %arg1, %mul3A : i32
    %add3A = arith.addi %mul3A_0, %arg0 : i32
    %mul3A_1 = arith.constant 10320 : i32
    %mul3A_2 = arith.muli %add3A, %mul3A_1 : i32
    "tpu.region"() ({
      %run_scoped3A = tpu.sem_alloc : memref<!tpu.dma_semaphore, #tpu.memory_space<semaphore_mem>>
      tpu.enqueue_dma source(%arg4 : memref<10016xf32, #tpu.memory_space<hbm>>) target(%arg6 : memref<10016xf32, #tpu.memory_space<vmem>>) target_semaphore(%run_scoped3A : memref<!tpu.dma_semaphore, #tpu.memory_space<semaphore_mem>>)
      tpu.wait_dma2 semaphore(%run_scoped3A : memref<!tpu.dma_semaphore, #tpu.memory_space<semaphore_mem>>) src(%arg4 : memref<10016xf32, #tpu.memory_space<hbm>>) dst(%arg6 : memref<10016xf32, #tpu.memory_space<vmem>>)
      tpu.yield
    }) : () -> ()
    "tpu.region"() ({
      %run_scoped3A = tpu.sem_alloc : memref<!tpu.dma_semaphore, #tpu.memory_space<semaphore_mem>>
      %dma_start3A = tpu.memref_slice %arg2[%mul3A_2] : memref<330240xi32, #tpu.memory_space<hbm>> -> memref<10320xi32, #tpu.memory_space<hbm>>
      %dma_start3A_5 = tpu.memref_slice %arg2[%mul3A_2] : memref<330240xi32, #tpu.memory_space<hbm>> -> memref<10320xi32, #tpu.memory_space<hbm>>
      tpu.enqueue_dma source(%dma_start3A_5 : memref<10320xi32, #tpu.memory_space<hbm>>) target(%arg7 : memref<10320xi32, #tpu.memory_space<vmem>>) target_semaphore(%run_scoped3A : memref<!tpu.dma_semaphore, #tpu.memory_space<semaphore_mem>>)
      %dma_wait3A = tpu.memref_slice %arg2[%mul3A_2] : memref<330240xi32, #tpu.memory_space<hbm>> -> memref<10320xi32, #tpu.memory_space<hbm>>
      %dma_wait3A_6 = tpu.memref_slice %arg2[%mul3A_2] : memref<330240xi32, #tpu.memory_space<hbm>> -> memref<10320xi32, #tpu.memory_space<hbm>>
      tpu.wait_dma2 semaphore(%run_scoped3A : memref<!tpu.dma_semaphore, #tpu.memory_space<semaphore_mem>>) src(%dma_wait3A_6 : memref<10320xi32, #tpu.memory_space<hbm>>) dst(%arg7 : memref<10320xi32, #tpu.memory_space<vmem>>)
      tpu.yield
    }) : () -> ()
    "tpu.region"() ({
      %run_scoped3A = tpu.sem_alloc : memref<!tpu.dma_semaphore, #tpu.memory_space<semaphore_mem>>
      %dma_start3A = tpu.memref_slice %arg3[%mul3A_2] : memref<330240xf32, #tpu.memory_space<hbm>> -> memref<10320xf32, #tpu.memory_space<hbm>>
      %dma_start3A_5 = tpu.memref_slice %arg3[%mul3A_2] : memref<330240xf32, #tpu.memory_space<hbm>> -> memref<10320xf32, #tpu.memory_space<hbm>>
      tpu.enqueue_dma source(%dma_start3A_5 : memref<10320xf32, #tpu.memory_space<hbm>>) target(%arg8 : memref<10320xf32, #tpu.memory_space<vmem>>) target_semaphore(%run_scoped3A : memref<!tpu.dma_semaphore, #tpu.memory_space<semaphore_mem>>)
      %dma_wait3A = tpu.memref_slice %arg3[%mul3A_2] : memref<330240xf32, #tpu.memory_space<hbm>> -> memref<10320xf32, #tpu.memory_space<hbm>>
      %dma_wait3A_6 = tpu.memref_slice %arg3[%mul3A_2] : memref<330240xf32, #tpu.memory_space<hbm>> -> memref<10320xf32, #tpu.memory_space<hbm>>
      tpu.wait_dma2 semaphore(%run_scoped3A : memref<!tpu.dma_semaphore, #tpu.memory_space<semaphore_mem>>) src(%dma_wait3A_6 : memref<10320xf32, #tpu.memory_space<hbm>>) dst(%arg8 : memref<10320xf32, #tpu.memory_space<vmem>>)
      tpu.yield
    }) : () -> ()
    %parallel_loop3A = arith.constant 0 : i32
    %parallel_loop3A_3 = arith.constant 10320 : i32
    %parallel_loop3A_4 = arith.constant 16 : i32
    scf.for %parallel_loop3A_5 = %parallel_loop3A to %parallel_loop3A_3 step %parallel_loop3A_4  : i32 {
      %parallel_loop3A_6 = arith.index_cast %parallel_loop3A_5 : i32 to index
      %parallel_loop3A_7 = tpu.vector_load %arg7[%parallel_loop3A_6] {strides = array<i32>} : memref<10320xi32, #tpu.memory_space<vmem>>, vector<16xi32>,
      %parallel_loop3A_8 = tpu.vector_load_idx %arg6[%parallel_loop3A_7] : memref<10016xf32, #tpu.memory_space<vmem>>[vector<16xi32>], vector<16xf32>,
      %parallel_loop3A_9 = arith.index_cast %parallel_loop3A_5 : i32 to index
      %parallel_loop3A_10 = tpu.vector_load %arg8[%parallel_loop3A_9] {strides = array<i32>} : memref<10320xf32, #tpu.memory_space<vmem>>, vector<16xf32>,
      %parallel_loop3A_11 = arith.mulf %parallel_loop3A_10, %parallel_loop3A_8 : vector<16xf32>
      %parallel_loop3A_12 = arith.index_cast %parallel_loop3A_5 : i32 to index
      %parallel_loop3A_13 = tpu.vector_load %arg8[%parallel_loop3A_12] {strides = array<i32>} : memref<10320xf32, #tpu.memory_space<vmem>>, vector<16xf32>,
      tpu.vector_store %arg8[%parallel_loop3A_12], %parallel_loop3A_11 {strides = array<i32>} : memref<10320xf32, #tpu.memory_space<vmem>>, vector<16xf32>,
    } {sc.loop_unroll_factor = 4 : i64, sc.parallel_access}
    "tpu.region"() ({
      %run_scoped3A = tpu.sem_alloc : memref<!tpu.dma_semaphore, #tpu.memory_space<semaphore_mem>>
      %dma_start3A = tpu.memref_slice %arg5[%mul3A_2] : memref<330240xf32, #tpu.memory_space<hbm>> -> memref<10320xf32, #tpu.memory_space<hbm>>
      %dma_start3A_5 = tpu.memref_slice %arg5[%mul3A_2] : memref<330240xf32, #tpu.memory_space<hbm>> -> memref<10320xf32, #tpu.memory_space<hbm>>
      tpu.enqueue_dma source(%arg8 : memref<10320xf32, #tpu.memory_space<vmem>>) target(%dma_start3A_5 : memref<10320xf32, #tpu.memory_space<hbm>>) target_semaphore(%run_scoped3A : memref<!tpu.dma_semaphore, #tpu.memory_space<semaphore_mem>>)
      %dma_wait3A = tpu.memref_slice %arg5[%mul3A_2] : memref<330240xf32, #tpu.memory_space<hbm>> -> memref<10320xf32, #tpu.memory_space<hbm>>
      %dma_wait3A_6 = tpu.memref_slice %arg5[%mul3A_2] : memref<330240xf32, #tpu.memory_space<hbm>> -> memref<10320xf32, #tpu.memory_space<hbm>>
      tpu.wait_dma2 semaphore(%run_scoped3A : memref<!tpu.dma_semaphore, #tpu.memory_space<semaphore_mem>>) src(%arg8 : memref<10320xf32, #tpu.memory_space<vmem>>) dst(%dma_wait3A_6 : memref<10320xf32, #tpu.memory_space<hbm>>)
      tpu.yield
    }) : () -> ()
    return
  }
}

#map = affine_map<(d0, d1) -> (0)>
#map1 = affine_map<(d0, d1) -> (0, 0)>
module attributes {stable_mosaic.version = 14 : i64} {
  func.func @_edge_b(%arg0: i32, %arg1: i32, %arg2: memref<330240xi32, #tpu.memory_space<hbm>>, %arg3: memref<330240xf32, #tpu.memory_space<hbm>>, %arg4: memref<128x10016xf32, #tpu.memory_space<hbm>>, %arg5: memref<128x10016xf32, #tpu.memory_space<hbm>>, %arg6: memref<10016xf32, #tpu.memory_space<vmem>>, %arg7: memref<10016xf32, #tpu.memory_space<vmem>>, %arg8: memref<10016xf32, #tpu.memory_space<vmem>>, %arg9: memref<10016xf32, #tpu.memory_space<vmem>>, %arg10: memref<10016xf32, #tpu.memory_space<vmem>>, %arg11: memref<10016xf32, #tpu.memory_space<vmem>>, %arg12: memref<10016xf32, #tpu.memory_space<vmem>>, %arg13: memref<10016xf32, #tpu.memory_space<vmem>>, %arg14: memref<5504xi32, #tpu.memory_space<vmem>>, %arg15: memref<5504xf32, #tpu.memory_space<vmem>>, %arg16: memref<5504xi32, #tpu.memory_space<vmem>>, %arg17: memref<5504xf32, #tpu.memory_space<vmem>>, %arg18: memref<!tpu.dma_semaphore, #tpu.memory_space<semaphore_mem>>, %arg19: memref<!tpu.dma_semaphore, #tpu.memory_space<semaphore_mem>>) attributes {dimension_semantics = [#tpu.dimension_semantics<core_parallel>, #tpu.dimension_semantics<subcore_parallel>], iteration_bounds = array<i64: 2, 16>, scalar_prefetch = 0 : i64, scratch_operands = 14 : i64, tpu.core_type = #tpu.core_type<sc_vector_subcore>, window_params = [{transform_indices = #map}, {transform_indices = #map}, {transform_indices = #map1}, {transform_indices = #map1}]} {
    %mul3A = arith.constant 2 : i32
    %mul3A_0 = arith.muli %arg1, %mul3A : i32
    %add3A = arith.addi %mul3A_0, %arg0 : i32
    %mul3A_1 = arith.constant 4 : i32
    %mul3A_2 = arith.muli %add3A, %mul3A_1 : i32
    %add3A_3 = arith.constant 0 : i32
    %add3A_4 = arith.addi %mul3A_2, %add3A_3 : i32
    "tpu.region"() ({
      %run_scoped3A = tpu.sem_alloc : memref<!tpu.dma_semaphore, #tpu.memory_space<semaphore_mem>>
      %dma_start3A_49 = arith.constant 0 : i32
      %dma_start3A_50 = tpu.memref_slice %arg4[%add3A_4, %dma_start3A_49] : memref<128x10016xf32, #tpu.memory_space<hbm>> -> memref<1x10016xf32, #tpu.memory_space<hbm>>
      %dma_start3A_51 = tpu.memref_squeeze %dma_start3A_50 : memref<1x10016xf32, #tpu.memory_space<hbm>> -> memref<10016xf32, #tpu.memory_space<hbm>>
      %dma_start3A_52 = arith.constant 0 : i32
      %dma_start3A_53 = tpu.memref_slice %arg4[%add3A_4, %dma_start3A_52] : memref<128x10016xf32, #tpu.memory_space<hbm>> -> memref<1x10016xf32, #tpu.memory_space<hbm>>
      %dma_start3A_54 = tpu.memref_squeeze %dma_start3A_53 : memref<1x10016xf32, #tpu.memory_space<hbm>> -> memref<10016xf32, #tpu.memory_space<hbm>>
      tpu.enqueue_dma source(%dma_start3A_54 : memref<10016xf32, #tpu.memory_space<hbm>>) target(%arg6 : memref<10016xf32, #tpu.memory_space<vmem>>) target_semaphore(%run_scoped3A : memref<!tpu.dma_semaphore, #tpu.memory_space<semaphore_mem>>)
      %dma_wait3A = arith.constant 0 : i32
      %dma_wait3A_55 = tpu.memref_slice %arg4[%add3A_4, %dma_wait3A] : memref<128x10016xf32, #tpu.memory_space<hbm>> -> memref<1x10016xf32, #tpu.memory_space<hbm>>
      %dma_wait3A_56 = tpu.memref_squeeze %dma_wait3A_55 : memref<1x10016xf32, #tpu.memory_space<hbm>> -> memref<10016xf32, #tpu.memory_space<hbm>>
      %dma_wait3A_57 = arith.constant 0 : i32
      %dma_wait3A_58 = tpu.memref_slice %arg4[%add3A_4, %dma_wait3A_57] : memref<128x10016xf32, #tpu.memory_space<hbm>> -> memref<1x10016xf32, #tpu.memory_space<hbm>>
      %dma_wait3A_59 = tpu.memref_squeeze %dma_wait3A_58 : memref<1x10016xf32, #tpu.memory_space<hbm>> -> memref<10016xf32, #tpu.memory_space<hbm>>
      tpu.wait_dma2 semaphore(%run_scoped3A : memref<!tpu.dma_semaphore, #tpu.memory_space<semaphore_mem>>) src(%dma_wait3A_59 : memref<10016xf32, #tpu.memory_space<hbm>>) dst(%arg6 : memref<10016xf32, #tpu.memory_space<vmem>>)
      tpu.yield
    }) : () -> ()
    %parallel_loop3A = arith.constant 0 : i32
    %parallel_loop3A_5 = arith.constant 10016 : i32
    %parallel_loop3A_6 = arith.constant 16 : i32
    scf.for %parallel_loop3A_49 = %parallel_loop3A to %parallel_loop3A_5 step %parallel_loop3A_6  : i32 {
      %parallel_loop3A_50 = arith.constant 0.000000e+00 : f32
      %parallel_loop3A_51 = vector.broadcast %parallel_loop3A_50 : f32 to vector<16xf32>
      %parallel_loop3A_52 = arith.index_cast %parallel_loop3A_49 : i32 to index
      %parallel_loop3A_53 = tpu.vector_load %arg10[%parallel_loop3A_52] {strides = array<i32>} : memref<10016xf32, #tpu.memory_space<vmem>>, vector<16xf32>,
      tpu.vector_store %arg10[%parallel_loop3A_52], %parallel_loop3A_51 {strides = array<i32>} : memref<10016xf32, #tpu.memory_space<vmem>>, vector<16xf32>,
    } {sc.loop_unroll_factor = 8 : i64, sc.parallel_access}
    %add3A_7 = arith.constant 1 : i32
    %add3A_8 = arith.addi %mul3A_2, %add3A_7 : i32
    "tpu.region"() ({
      %run_scoped3A = tpu.sem_alloc : memref<!tpu.dma_semaphore, #tpu.memory_space<semaphore_mem>>
      %dma_start3A_49 = arith.constant 0 : i32
      %dma_start3A_50 = tpu.memref_slice %arg4[%add3A_8, %dma_start3A_49] : memref<128x10016xf32, #tpu.memory_space<hbm>> -> memref<1x10016xf32, #tpu.memory_space<hbm>>
      %dma_start3A_51 = tpu.memref_squeeze %dma_start3A_50 : memref<1x10016xf32, #tpu.memory_space<hbm>> -> memref<10016xf32, #tpu.memory_space<hbm>>
      %dma_start3A_52 = arith.constant 0 : i32
      %dma_start3A_53 = tpu.memref_slice %arg4[%add3A_8, %dma_start3A_52] : memref<128x10016xf32, #tpu.memory_space<hbm>> -> memref<1x10016xf32, #tpu.memory_space<hbm>>
      %dma_start3A_54 = tpu.memref_squeeze %dma_start3A_53 : memref<1x10016xf32, #tpu.memory_space<hbm>> -> memref<10016xf32, #tpu.memory_space<hbm>>
      tpu.enqueue_dma source(%dma_start3A_54 : memref<10016xf32, #tpu.memory_space<hbm>>) target(%arg7 : memref<10016xf32, #tpu.memory_space<vmem>>) target_semaphore(%run_scoped3A : memref<!tpu.dma_semaphore, #tpu.memory_space<semaphore_mem>>)
      %dma_wait3A = arith.constant 0 : i32
      %dma_wait3A_55 = tpu.memref_slice %arg4[%add3A_8, %dma_wait3A] : memref<128x10016xf32, #tpu.memory_space<hbm>> -> memref<1x10016xf32, #tpu.memory_space<hbm>>
      %dma_wait3A_56 = tpu.memref_squeeze %dma_wait3A_55 : memref<1x10016xf32, #tpu.memory_space<hbm>> -> memref<10016xf32, #tpu.memory_space<hbm>>
      %dma_wait3A_57 = arith.constant 0 : i32
      %dma_wait3A_58 = tpu.memref_slice %arg4[%add3A_8, %dma_wait3A_57] : memref<128x10016xf32, #tpu.memory_space<hbm>> -> memref<1x10016xf32, #tpu.memory_space<hbm>>
      %dma_wait3A_59 = tpu.memref_squeeze %dma_wait3A_58 : memref<1x10016xf32, #tpu.memory_space<hbm>> -> memref<10016xf32, #tpu.memory_space<hbm>>
      tpu.wait_dma2 semaphore(%run_scoped3A : memref<!tpu.dma_semaphore, #tpu.memory_space<semaphore_mem>>) src(%dma_wait3A_59 : memref<10016xf32, #tpu.memory_space<hbm>>) dst(%arg7 : memref<10016xf32, #tpu.memory_space<vmem>>)
      tpu.yield
    }) : () -> ()
    %parallel_loop3A_9 = arith.constant 0 : i32
    %parallel_loop3A_10 = arith.constant 10016 : i32
    %parallel_loop3A_11 = arith.constant 16 : i32
    scf.for %parallel_loop3A_49 = %parallel_loop3A_9 to %parallel_loop3A_10 step %parallel_loop3A_11  : i32 {
      %parallel_loop3A_50 = arith.constant 0.000000e+00 : f32
      %parallel_loop3A_51 = vector.broadcast %parallel_loop3A_50 : f32 to vector<16xf32>
      %parallel_loop3A_52 = arith.index_cast %parallel_loop3A_49 : i32 to index
      %parallel_loop3A_53 = tpu.vector_load %arg11[%parallel_loop3A_52] {strides = array<i32>} : memref<10016xf32, #tpu.memory_space<vmem>>, vector<16xf32>,
      tpu.vector_store %arg11[%parallel_loop3A_52], %parallel_loop3A_51 {strides = array<i32>} : memref<10016xf32, #tpu.memory_space<vmem>>, vector<16xf32>,
    } {sc.loop_unroll_factor = 8 : i64, sc.parallel_access}
    %add3A_12 = arith.constant 2 : i32
    %add3A_13 = arith.addi %mul3A_2, %add3A_12 : i32
    "tpu.region"() ({
      %run_scoped3A = tpu.sem_alloc : memref<!tpu.dma_semaphore, #tpu.memory_space<semaphore_mem>>
      %dma_start3A_49 = arith.constant 0 : i32
      %dma_start3A_50 = tpu.memref_slice %arg4[%add3A_13, %dma_start3A_49] : memref<128x10016xf32, #tpu.memory_space<hbm>> -> memref<1x10016xf32, #tpu.memory_space<hbm>>
      %dma_start3A_51 = tpu.memref_squeeze %dma_start3A_50 : memref<1x10016xf32, #tpu.memory_space<hbm>> -> memref<10016xf32, #tpu.memory_space<hbm>>
      %dma_start3A_52 = arith.constant 0 : i32
      %dma_start3A_53 = tpu.memref_slice %arg4[%add3A_13, %dma_start3A_52] : memref<128x10016xf32, #tpu.memory_space<hbm>> -> memref<1x10016xf32, #tpu.memory_space<hbm>>
      %dma_start3A_54 = tpu.memref_squeeze %dma_start3A_53 : memref<1x10016xf32, #tpu.memory_space<hbm>> -> memref<10016xf32, #tpu.memory_space<hbm>>
      tpu.enqueue_dma source(%dma_start3A_54 : memref<10016xf32, #tpu.memory_space<hbm>>) target(%arg8 : memref<10016xf32, #tpu.memory_space<vmem>>) target_semaphore(%run_scoped3A : memref<!tpu.dma_semaphore, #tpu.memory_space<semaphore_mem>>)
      %dma_wait3A = arith.constant 0 : i32
      %dma_wait3A_55 = tpu.memref_slice %arg4[%add3A_13, %dma_wait3A] : memref<128x10016xf32, #tpu.memory_space<hbm>> -> memref<1x10016xf32, #tpu.memory_space<hbm>>
      %dma_wait3A_56 = tpu.memref_squeeze %dma_wait3A_55 : memref<1x10016xf32, #tpu.memory_space<hbm>> -> memref<10016xf32, #tpu.memory_space<hbm>>
      %dma_wait3A_57 = arith.constant 0 : i32
      %dma_wait3A_58 = tpu.memref_slice %arg4[%add3A_13, %dma_wait3A_57] : memref<128x10016xf32, #tpu.memory_space<hbm>> -> memref<1x10016xf32, #tpu.memory_space<hbm>>
      %dma_wait3A_59 = tpu.memref_squeeze %dma_wait3A_58 : memref<1x10016xf32, #tpu.memory_space<hbm>> -> memref<10016xf32, #tpu.memory_space<hbm>>
      tpu.wait_dma2 semaphore(%run_scoped3A : memref<!tpu.dma_semaphore, #tpu.memory_space<semaphore_mem>>) src(%dma_wait3A_59 : memref<10016xf32, #tpu.memory_space<hbm>>) dst(%arg8 : memref<10016xf32, #tpu.memory_space<vmem>>)
      tpu.yield
    }) : () -> ()
    %parallel_loop3A_14 = arith.constant 0 : i32
    %parallel_loop3A_15 = arith.constant 10016 : i32
    %parallel_loop3A_16 = arith.constant 16 : i32
    scf.for %parallel_loop3A_49 = %parallel_loop3A_14 to %parallel_loop3A_15 step %parallel_loop3A_16  : i32 {
      %parallel_loop3A_50 = arith.constant 0.000000e+00 : f32
      %parallel_loop3A_51 = vector.broadcast %parallel_loop3A_50 : f32 to vector<16xf32>
      %parallel_loop3A_52 = arith.index_cast %parallel_loop3A_49 : i32 to index
      %parallel_loop3A_53 = tpu.vector_load %arg12[%parallel_loop3A_52] {strides = array<i32>} : memref<10016xf32, #tpu.memory_space<vmem>>, vector<16xf32>,
      tpu.vector_store %arg12[%parallel_loop3A_52], %parallel_loop3A_51 {strides = array<i32>} : memref<10016xf32, #tpu.memory_space<vmem>>, vector<16xf32>,
    } {sc.loop_unroll_factor = 8 : i64, sc.parallel_access}
    %add3A_17 = arith.constant 3 : i32
    %add3A_18 = arith.addi %mul3A_2, %add3A_17 : i32
    "tpu.region"() ({
      %run_scoped3A = tpu.sem_alloc : memref<!tpu.dma_semaphore, #tpu.memory_space<semaphore_mem>>
      %dma_start3A_49 = arith.constant 0 : i32
      %dma_start3A_50 = tpu.memref_slice %arg4[%add3A_18, %dma_start3A_49] : memref<128x10016xf32, #tpu.memory_space<hbm>> -> memref<1x10016xf32, #tpu.memory_space<hbm>>
      %dma_start3A_51 = tpu.memref_squeeze %dma_start3A_50 : memref<1x10016xf32, #tpu.memory_space<hbm>> -> memref<10016xf32, #tpu.memory_space<hbm>>
      %dma_start3A_52 = arith.constant 0 : i32
      %dma_start3A_53 = tpu.memref_slice %arg4[%add3A_18, %dma_start3A_52] : memref<128x10016xf32, #tpu.memory_space<hbm>> -> memref<1x10016xf32, #tpu.memory_space<hbm>>
      %dma_start3A_54 = tpu.memref_squeeze %dma_start3A_53 : memref<1x10016xf32, #tpu.memory_space<hbm>> -> memref<10016xf32, #tpu.memory_space<hbm>>
      tpu.enqueue_dma source(%dma_start3A_54 : memref<10016xf32, #tpu.memory_space<hbm>>) target(%arg9 : memref<10016xf32, #tpu.memory_space<vmem>>) target_semaphore(%run_scoped3A : memref<!tpu.dma_semaphore, #tpu.memory_space<semaphore_mem>>)
      %dma_wait3A = arith.constant 0 : i32
      %dma_wait3A_55 = tpu.memref_slice %arg4[%add3A_18, %dma_wait3A] : memref<128x10016xf32, #tpu.memory_space<hbm>> -> memref<1x10016xf32, #tpu.memory_space<hbm>>
      %dma_wait3A_56 = tpu.memref_squeeze %dma_wait3A_55 : memref<1x10016xf32, #tpu.memory_space<hbm>> -> memref<10016xf32, #tpu.memory_space<hbm>>
      %dma_wait3A_57 = arith.constant 0 : i32
      %dma_wait3A_58 = tpu.memref_slice %arg4[%add3A_18, %dma_wait3A_57] : memref<128x10016xf32, #tpu.memory_space<hbm>> -> memref<1x10016xf32, #tpu.memory_space<hbm>>
      %dma_wait3A_59 = tpu.memref_squeeze %dma_wait3A_58 : memref<1x10016xf32, #tpu.memory_space<hbm>> -> memref<10016xf32, #tpu.memory_space<hbm>>
      tpu.wait_dma2 semaphore(%run_scoped3A : memref<!tpu.dma_semaphore, #tpu.memory_space<semaphore_mem>>) src(%dma_wait3A_59 : memref<10016xf32, #tpu.memory_space<hbm>>) dst(%arg9 : memref<10016xf32, #tpu.memory_space<vmem>>)
      tpu.yield
    }) : () -> ()
    %parallel_loop3A_19 = arith.constant 0 : i32
    %parallel_loop3A_20 = arith.constant 10016 : i32
    %parallel_loop3A_21 = arith.constant 16 : i32
    scf.for %parallel_loop3A_49 = %parallel_loop3A_19 to %parallel_loop3A_20 step %parallel_loop3A_21  : i32 {
      %parallel_loop3A_50 = arith.constant 0.000000e+00 : f32
      %parallel_loop3A_51 = vector.broadcast %parallel_loop3A_50 : f32 to vector<16xf32>
      %parallel_loop3A_52 = arith.index_cast %parallel_loop3A_49 : i32 to index
      %parallel_loop3A_53 = tpu.vector_load %arg13[%parallel_loop3A_52] {strides = array<i32>} : memref<10016xf32, #tpu.memory_space<vmem>>, vector<16xf32>,
      tpu.vector_store %arg13[%parallel_loop3A_52], %parallel_loop3A_51 {strides = array<i32>} : memref<10016xf32, #tpu.memory_space<vmem>>, vector<16xf32>,
    } {sc.loop_unroll_factor = 8 : i64, sc.parallel_access}
    %dma_start3A = arith.constant 0 : i32
    %dma_start3A_22 = tpu.memref_slice %arg2[%dma_start3A] : memref<330240xi32, #tpu.memory_space<hbm>> -> memref<5504xi32, #tpu.memory_space<hbm>>
    %dma_start3A_23 = arith.constant 0 : i32
    %dma_start3A_24 = tpu.memref_slice %arg2[%dma_start3A_23] : memref<330240xi32, #tpu.memory_space<hbm>> -> memref<5504xi32, #tpu.memory_space<hbm>>
    tpu.enqueue_dma source(%dma_start3A_24 : memref<5504xi32, #tpu.memory_space<hbm>>) target(%arg14 : memref<5504xi32, #tpu.memory_space<vmem>>) target_semaphore(%arg18 : memref<!tpu.dma_semaphore, #tpu.memory_space<semaphore_mem>>)
    %dma_start3A_25 = arith.constant 0 : i32
    %dma_start3A_26 = tpu.memref_slice %arg3[%dma_start3A_25] : memref<330240xf32, #tpu.memory_space<hbm>> -> memref<5504xf32, #tpu.memory_space<hbm>>
    %dma_start3A_27 = arith.constant 0 : i32
    %dma_start3A_28 = tpu.memref_slice %arg3[%dma_start3A_27] : memref<330240xf32, #tpu.memory_space<hbm>> -> memref<5504xf32, #tpu.memory_space<hbm>>
    tpu.enqueue_dma source(%dma_start3A_28 : memref<5504xf32, #tpu.memory_space<hbm>>) target(%arg15 : memref<5504xf32, #tpu.memory_space<vmem>>) target_semaphore(%arg18 : memref<!tpu.dma_semaphore, #tpu.memory_space<semaphore_mem>>)
    %dma_start3A_29 = arith.constant 5504 : i32
    %dma_start3A_30 = tpu.memref_slice %arg2[%dma_start3A_29] : memref<330240xi32, #tpu.memory_space<hbm>> -> memref<5504xi32, #tpu.memory_space<hbm>>
    %dma_start3A_31 = arith.constant 5504 : i32
    %dma_start3A_32 = tpu.memref_slice %arg2[%dma_start3A_31] : memref<330240xi32, #tpu.memory_space<hbm>> -> memref<5504xi32, #tpu.memory_space<hbm>>
    tpu.enqueue_dma source(%dma_start3A_32 : memref<5504xi32, #tpu.memory_space<hbm>>) target(%arg16 : memref<5504xi32, #tpu.memory_space<vmem>>) target_semaphore(%arg19 : memref<!tpu.dma_semaphore, #tpu.memory_space<semaphore_mem>>)
    %dma_start3A_33 = arith.constant 5504 : i32
    %dma_start3A_34 = tpu.memref_slice %arg3[%dma_start3A_33] : memref<330240xf32, #tpu.memory_space<hbm>> -> memref<5504xf32, #tpu.memory_space<hbm>>
    %dma_start3A_35 = arith.constant 5504 : i32
    %dma_start3A_36 = tpu.memref_slice %arg3[%dma_start3A_35] : memref<330240xf32, #tpu.memory_space<hbm>> -> memref<5504xf32, #tpu.memory_space<hbm>>
    tpu.enqueue_dma source(%dma_start3A_36 : memref<5504xf32, #tpu.memory_space<hbm>>) target(%arg17 : memref<5504xf32, #tpu.memory_space<vmem>>) target_semaphore(%arg19 : memref<!tpu.dma_semaphore, #tpu.memory_space<semaphore_mem>>)
    %scan3A = arith.constant 0 : i32
    %scan3A_37 = arith.constant 30 : i32
    %scan3A_38 = arith.addi %scan3A, %scan3A_37 : i32
    %scan3A_39 = arith.constant 1 : i32
    scf.for %scan3A_49 = %scan3A to %scan3A_38 step %scan3A_39  : i32 {
      %mul3A_50 = arith.constant 2 : i32
      %mul3A_51 = arith.muli %scan3A_49, %mul3A_50 : i32
      %add3A_52 = arith.constant 0 : i32
      %add3A_53 = arith.addi %add3A_52, %mul3A_51 : i32
      %dma_wait3A = arith.constant 0 : i32
      %dma_wait3A_54 = tpu.memref_slice %arg2[%dma_wait3A] : memref<330240xi32, #tpu.memory_space<hbm>> -> memref<5504xi32, #tpu.memory_space<hbm>>
      %dma_wait3A_55 = arith.constant 0 : i32
      %dma_wait3A_56 = tpu.memref_slice %arg2[%dma_wait3A_55] : memref<330240xi32, #tpu.memory_space<hbm>> -> memref<5504xi32, #tpu.memory_space<hbm>>
      tpu.wait_dma2 semaphore(%arg18 : memref<!tpu.dma_semaphore, #tpu.memory_space<semaphore_mem>>) src(%dma_wait3A_56 : memref<5504xi32, #tpu.memory_space<hbm>>) dst(%arg14 : memref<5504xi32, #tpu.memory_space<vmem>>)
      %dma_wait3A_57 = arith.constant 0 : i32
      %dma_wait3A_58 = tpu.memref_slice %arg3[%dma_wait3A_57] : memref<330240xf32, #tpu.memory_space<hbm>> -> memref<5504xf32, #tpu.memory_space<hbm>>
      %dma_wait3A_59 = arith.constant 0 : i32
      %dma_wait3A_60 = tpu.memref_slice %arg3[%dma_wait3A_59] : memref<330240xf32, #tpu.memory_space<hbm>> -> memref<5504xf32, #tpu.memory_space<hbm>>
      tpu.wait_dma2 semaphore(%arg18 : memref<!tpu.dma_semaphore, #tpu.memory_space<semaphore_mem>>) src(%dma_wait3A_60 : memref<5504xf32, #tpu.memory_space<hbm>>) dst(%arg15 : memref<5504xf32, #tpu.memory_space<vmem>>)
      %parallel_loop3A_61 = arith.constant 0 : i32
      %parallel_loop3A_62 = arith.constant 5504 : i32
      %parallel_loop3A_63 = arith.constant 16 : i32
      scf.for %parallel_loop3A_86 = %parallel_loop3A_61 to %parallel_loop3A_62 step %parallel_loop3A_63  : i32 {
        %parallel_loop3A_87 = arith.index_cast %parallel_loop3A_86 : i32 to index
        %parallel_loop3A_88 = tpu.vector_load %arg14[%parallel_loop3A_87] {strides = array<i32>} : memref<5504xi32, #tpu.memory_space<vmem>>, vector<16xi32>,
        %parallel_loop3A_89 = arith.constant 14 : i32
        %parallel_loop3A_90 = vector.broadcast %parallel_loop3A_89 : i32 to vector<16xi32>
        %parallel_loop3A_91 = arith.shrui %parallel_loop3A_88, %parallel_loop3A_90 : vector<16xi32>
        %parallel_loop3A_92 = arith.constant 16383 : i32
        %parallel_loop3A_93 = vector.broadcast %parallel_loop3A_92 : i32 to vector<16xi32>
        %parallel_loop3A_94 = arith.andi %parallel_loop3A_88, %parallel_loop3A_93 : vector<16xi32>
        %parallel_loop3A_95 = arith.index_cast %parallel_loop3A_86 : i32 to index
        %parallel_loop3A_96 = tpu.vector_load %arg15[%parallel_loop3A_95] {strides = array<i32>} : memref<5504xf32, #tpu.memory_space<vmem>>, vector<16xf32>,
        %parallel_loop3A_97 = tpu.vector_load_idx %arg6[%parallel_loop3A_91] : memref<10016xf32, #tpu.memory_space<vmem>>[vector<16xi32>], vector<16xf32>,
        %parallel_loop3A_98 = arith.mulf %parallel_loop3A_96, %parallel_loop3A_97 : vector<16xf32>
        tpu.vector_store_idx %arg10[%parallel_loop3A_94], %parallel_loop3A_98 {add = true} : memref<10016xf32, #tpu.memory_space<vmem>>[vector<16xi32>], vector<16xf32>,
        %parallel_loop3A_99 = tpu.vector_load_idx %arg7[%parallel_loop3A_91] : memref<10016xf32, #tpu.memory_space<vmem>>[vector<16xi32>], vector<16xf32>,
        %parallel_loop3A_100 = arith.mulf %parallel_loop3A_96, %parallel_loop3A_99 : vector<16xf32>
        tpu.vector_store_idx %arg11[%parallel_loop3A_94], %parallel_loop3A_100 {add = true} : memref<10016xf32, #tpu.memory_space<vmem>>[vector<16xi32>], vector<16xf32>,
        %parallel_loop3A_101 = tpu.vector_load_idx %arg8[%parallel_loop3A_91] : memref<10016xf32, #tpu.memory_space<vmem>>[vector<16xi32>], vector<16xf32>,
        %parallel_loop3A_102 = arith.mulf %parallel_loop3A_96, %parallel_loop3A_101 : vector<16xf32>
        tpu.vector_store_idx %arg12[%parallel_loop3A_94], %parallel_loop3A_102 {add = true} : memref<10016xf32, #tpu.memory_space<vmem>>[vector<16xi32>], vector<16xf32>,
        %parallel_loop3A_103 = tpu.vector_load_idx %arg9[%parallel_loop3A_91] : memref<10016xf32, #tpu.memory_space<vmem>>[vector<16xi32>], vector<16xf32>,
        %parallel_loop3A_104 = arith.mulf %parallel_loop3A_96, %parallel_loop3A_103 : vector<16xf32>
        tpu.vector_store_idx %arg13[%parallel_loop3A_94], %parallel_loop3A_104 {add = true} : memref<10016xf32, #tpu.memory_space<vmem>>[vector<16xi32>], vector<16xf32>,
      } {sc.loop_unroll_factor = 4 : i64, sc.parallel_access}
      %add3A_64 = arith.constant 2 : i32
      %add3A_65 = arith.addi %add3A_53, %add3A_64 : i32
      %lt3A = arith.constant 60 : i32
      %lt3A_66 = arith.cmpi slt, %add3A_65, %lt3A : i32
      %convert_element_type3A = arith.extui %lt3A_66 : i1 to i32
      %cond3A = arith.constant 0 : i32
      %cond3A_67 = arith.cmpi ne, %convert_element_type3A, %cond3A : i32
      scf.if %cond3A_67 {
        %add3A_86 = arith.constant 2 : i32
        %add3A_87 = arith.addi %add3A_53, %add3A_86 : i32
        %mul3A_88 = arith.constant 5504 : i32
        %mul3A_89 = arith.muli %add3A_87, %mul3A_88 : i32
        %dma_start3A_90 = tpu.memref_slice %arg2[%mul3A_89] : memref<330240xi32, #tpu.memory_space<hbm>> -> memref<5504xi32, #tpu.memory_space<hbm>>
        %dma_start3A_91 = tpu.memref_slice %arg2[%mul3A_89] : memref<330240xi32, #tpu.memory_space<hbm>> -> memref<5504xi32, #tpu.memory_space<hbm>>
        tpu.enqueue_dma source(%dma_start3A_91 : memref<5504xi32, #tpu.memory_space<hbm>>) target(%arg14 : memref<5504xi32, #tpu.memory_space<vmem>>) target_semaphore(%arg18 : memref<!tpu.dma_semaphore, #tpu.memory_space<semaphore_mem>>)
        %dma_start3A_92 = tpu.memref_slice %arg3[%mul3A_89] : memref<330240xf32, #tpu.memory_space<hbm>> -> memref<5504xf32, #tpu.memory_space<hbm>>
        %dma_start3A_93 = tpu.memref_slice %arg3[%mul3A_89] : memref<330240xf32, #tpu.memory_space<hbm>> -> memref<5504xf32, #tpu.memory_space<hbm>>
        tpu.enqueue_dma source(%dma_start3A_93 : memref<5504xf32, #tpu.memory_space<hbm>>) target(%arg15 : memref<5504xf32, #tpu.memory_space<vmem>>) target_semaphore(%arg18 : memref<!tpu.dma_semaphore, #tpu.memory_space<semaphore_mem>>)
      } else {
      }
      %dma_wait3A_68 = arith.constant 0 : i32
      %dma_wait3A_69 = tpu.memref_slice %arg2[%dma_wait3A_68] : memref<330240xi32, #tpu.memory_space<hbm>> -> memref<5504xi32, #tpu.memory_space<hbm>>
      %dma_wait3A_70 = arith.constant 0 : i32
      %dma_wait3A_71 = tpu.memref_slice %arg2[%dma_wait3A_70] : memref<330240xi32, #tpu.memory_space<hbm>> -> memref<5504xi32, #tpu.memory_space<hbm>>
      tpu.wait_dma2 semaphore(%arg19 : memref<!tpu.dma_semaphore, #tpu.memory_space<semaphore_mem>>) src(%dma_wait3A_71 : memref<5504xi32, #tpu.memory_space<hbm>>) dst(%arg16 : memref<5504xi32, #tpu.memory_space<vmem>>)
      %dma_wait3A_72 = arith.constant 0 : i32
      %dma_wait3A_73 = tpu.memref_slice %arg3[%dma_wait3A_72] : memref<330240xf32, #tpu.memory_space<hbm>> -> memref<5504xf32, #tpu.memory_space<hbm>>
      %dma_wait3A_74 = arith.constant 0 : i32
      %dma_wait3A_75 = tpu.memref_slice %arg3[%dma_wait3A_74] : memref<330240xf32, #tpu.memory_space<hbm>> -> memref<5504xf32, #tpu.memory_space<hbm>>
      tpu.wait_dma2 semaphore(%arg19 : memref<!tpu.dma_semaphore, #tpu.memory_space<semaphore_mem>>) src(%dma_wait3A_75 : memref<5504xf32, #tpu.memory_space<hbm>>) dst(%arg17 : memref<5504xf32, #tpu.memory_space<vmem>>)
      %parallel_loop3A_76 = arith.constant 0 : i32
      %parallel_loop3A_77 = arith.constant 5504 : i32
      %parallel_loop3A_78 = arith.constant 16 : i32
      scf.for %parallel_loop3A_86 = %parallel_loop3A_76 to %parallel_loop3A_77 step %parallel_loop3A_78  : i32 {
        %parallel_loop3A_87 = arith.index_cast %parallel_loop3A_86 : i32 to index
        %parallel_loop3A_88 = tpu.vector_load %arg16[%parallel_loop3A_87] {strides = array<i32>} : memref<5504xi32, #tpu.memory_space<vmem>>, vector<16xi32>,
        %parallel_loop3A_89 = arith.constant 14 : i32
        %parallel_loop3A_90 = vector.broadcast %parallel_loop3A_89 : i32 to vector<16xi32>
        %parallel_loop3A_91 = arith.shrui %parallel_loop3A_88, %parallel_loop3A_90 : vector<16xi32>
        %parallel_loop3A_92 = arith.constant 16383 : i32
        %parallel_loop3A_93 = vector.broadcast %parallel_loop3A_92 : i32 to vector<16xi32>
        %parallel_loop3A_94 = arith.andi %parallel_loop3A_88, %parallel_loop3A_93 : vector<16xi32>
        %parallel_loop3A_95 = arith.index_cast %parallel_loop3A_86 : i32 to index
        %parallel_loop3A_96 = tpu.vector_load %arg17[%parallel_loop3A_95] {strides = array<i32>} : memref<5504xf32, #tpu.memory_space<vmem>>, vector<16xf32>,
        %parallel_loop3A_97 = tpu.vector_load_idx %arg6[%parallel_loop3A_91] : memref<10016xf32, #tpu.memory_space<vmem>>[vector<16xi32>], vector<16xf32>,
        %parallel_loop3A_98 = arith.mulf %parallel_loop3A_96, %parallel_loop3A_97 : vector<16xf32>
        tpu.vector_store_idx %arg10[%parallel_loop3A_94], %parallel_loop3A_98 {add = true} : memref<10016xf32, #tpu.memory_space<vmem>>[vector<16xi32>], vector<16xf32>,
        %parallel_loop3A_99 = tpu.vector_load_idx %arg7[%parallel_loop3A_91] : memref<10016xf32, #tpu.memory_space<vmem>>[vector<16xi32>], vector<16xf32>,
        %parallel_loop3A_100 = arith.mulf %parallel_loop3A_96, %parallel_loop3A_99 : vector<16xf32>
        tpu.vector_store_idx %arg11[%parallel_loop3A_94], %parallel_loop3A_100 {add = true} : memref<10016xf32, #tpu.memory_space<vmem>>[vector<16xi32>], vector<16xf32>,
        %parallel_loop3A_101 = tpu.vector_load_idx %arg8[%parallel_loop3A_91] : memref<10016xf32, #tpu.memory_space<vmem>>[vector<16xi32>], vector<16xf32>,
        %parallel_loop3A_102 = arith.mulf %parallel_loop3A_96, %parallel_loop3A_101 : vector<16xf32>
        tpu.vector_store_idx %arg12[%parallel_loop3A_94], %parallel_loop3A_102 {add = true} : memref<10016xf32, #tpu.memory_space<vmem>>[vector<16xi32>], vector<16xf32>,
        %parallel_loop3A_103 = tpu.vector_load_idx %arg9[%parallel_loop3A_91] : memref<10016xf32, #tpu.memory_space<vmem>>[vector<16xi32>], vector<16xf32>,
        %parallel_loop3A_104 = arith.mulf %parallel_loop3A_96, %parallel_loop3A_103 : vector<16xf32>
        tpu.vector_store_idx %arg13[%parallel_loop3A_94], %parallel_loop3A_104 {add = true} : memref<10016xf32, #tpu.memory_space<vmem>>[vector<16xi32>], vector<16xf32>,
      } {sc.loop_unroll_factor = 4 : i64, sc.parallel_access}
      %add3A_79 = arith.constant 3 : i32
      %add3A_80 = arith.addi %add3A_53, %add3A_79 : i32
      %lt3A_81 = arith.constant 60 : i32
      %lt3A_82 = arith.cmpi slt, %add3A_80, %lt3A_81 : i32
      %convert_element_type3A_83 = arith.extui %lt3A_82 : i1 to i32
      %cond3A_84 = arith.constant 0 : i32
      %cond3A_85 = arith.cmpi ne, %convert_element_type3A_83, %cond3A_84 : i32
      scf.if %cond3A_85 {
        %add3A_86 = arith.constant 3 : i32
        %add3A_87 = arith.addi %add3A_53, %add3A_86 : i32
        %mul3A_88 = arith.constant 5504 : i32
        %mul3A_89 = arith.muli %add3A_87, %mul3A_88 : i32
        %dma_start3A_90 = tpu.memref_slice %arg2[%mul3A_89] : memref<330240xi32, #tpu.memory_space<hbm>> -> memref<5504xi32, #tpu.memory_space<hbm>>
        %dma_start3A_91 = tpu.memref_slice %arg2[%mul3A_89] : memref<330240xi32, #tpu.memory_space<hbm>> -> memref<5504xi32, #tpu.memory_space<hbm>>
        tpu.enqueue_dma source(%dma_start3A_91 : memref<5504xi32, #tpu.memory_space<hbm>>) target(%arg16 : memref<5504xi32, #tpu.memory_space<vmem>>) target_semaphore(%arg19 : memref<!tpu.dma_semaphore, #tpu.memory_space<semaphore_mem>>)
        %dma_start3A_92 = tpu.memref_slice %arg3[%mul3A_89] : memref<330240xf32, #tpu.memory_space<hbm>> -> memref<5504xf32, #tpu.memory_space<hbm>>
        %dma_start3A_93 = tpu.memref_slice %arg3[%mul3A_89] : memref<330240xf32, #tpu.memory_space<hbm>> -> memref<5504xf32, #tpu.memory_space<hbm>>
        tpu.enqueue_dma source(%dma_start3A_93 : memref<5504xf32, #tpu.memory_space<hbm>>) target(%arg17 : memref<5504xf32, #tpu.memory_space<vmem>>) target_semaphore(%arg19 : memref<!tpu.dma_semaphore, #tpu.memory_space<semaphore_mem>>)
      } else {
      }
    }
    %scan3A_40 = arith.constant 30 : i32
    %add3A_41 = arith.constant 0 : i32
    %add3A_42 = arith.addi %mul3A_2, %add3A_41 : i32
    "tpu.region"() ({
      %run_scoped3A = tpu.sem_alloc : memref<!tpu.dma_semaphore, #tpu.memory_space<semaphore_mem>>
      %dma_start3A_49 = arith.constant 0 : i32
      %dma_start3A_50 = tpu.memref_slice %arg5[%add3A_42, %dma_start3A_49] : memref<128x10016xf32, #tpu.memory_space<hbm>> -> memref<1x10016xf32, #tpu.memory_space<hbm>>
      %dma_start3A_51 = tpu.memref_squeeze %dma_start3A_50 : memref<1x10016xf32, #tpu.memory_space<hbm>> -> memref<10016xf32, #tpu.memory_space<hbm>>
      %dma_start3A_52 = arith.constant 0 : i32
      %dma_start3A_53 = tpu.memref_slice %arg5[%add3A_42, %dma_start3A_52] : memref<128x10016xf32, #tpu.memory_space<hbm>> -> memref<1x10016xf32, #tpu.memory_space<hbm>>
      %dma_start3A_54 = tpu.memref_squeeze %dma_start3A_53 : memref<1x10016xf32, #tpu.memory_space<hbm>> -> memref<10016xf32, #tpu.memory_space<hbm>>
      tpu.enqueue_dma source(%arg10 : memref<10016xf32, #tpu.memory_space<vmem>>) target(%dma_start3A_54 : memref<10016xf32, #tpu.memory_space<hbm>>) target_semaphore(%run_scoped3A : memref<!tpu.dma_semaphore, #tpu.memory_space<semaphore_mem>>)
      %dma_wait3A = arith.constant 0 : i32
      %dma_wait3A_55 = tpu.memref_slice %arg5[%add3A_42, %dma_wait3A] : memref<128x10016xf32, #tpu.memory_space<hbm>> -> memref<1x10016xf32, #tpu.memory_space<hbm>>
      %dma_wait3A_56 = tpu.memref_squeeze %dma_wait3A_55 : memref<1x10016xf32, #tpu.memory_space<hbm>> -> memref<10016xf32, #tpu.memory_space<hbm>>
      %dma_wait3A_57 = arith.constant 0 : i32
      %dma_wait3A_58 = tpu.memref_slice %arg5[%add3A_42, %dma_wait3A_57] : memref<128x10016xf32, #tpu.memory_space<hbm>> -> memref<1x10016xf32, #tpu.memory_space<hbm>>
      %dma_wait3A_59 = tpu.memref_squeeze %dma_wait3A_58 : memref<1x10016xf32, #tpu.memory_space<hbm>> -> memref<10016xf32, #tpu.memory_space<hbm>>
      tpu.wait_dma2 semaphore(%run_scoped3A : memref<!tpu.dma_semaphore, #tpu.memory_space<semaphore_mem>>) src(%arg10 : memref<10016xf32, #tpu.memory_space<vmem>>) dst(%dma_wait3A_59 : memref<10016xf32, #tpu.memory_space<hbm>>)
      tpu.yield
    }) : () -> ()
    %add3A_43 = arith.constant 1 : i32
    %add3A_44 = arith.addi %mul3A_2, %add3A_43 : i32
    "tpu.region"() ({
      %run_scoped3A = tpu.sem_alloc : memref<!tpu.dma_semaphore, #tpu.memory_space<semaphore_mem>>
      %dma_start3A_49 = arith.constant 0 : i32
      %dma_start3A_50 = tpu.memref_slice %arg5[%add3A_44, %dma_start3A_49] : memref<128x10016xf32, #tpu.memory_space<hbm>> -> memref<1x10016xf32, #tpu.memory_space<hbm>>
      %dma_start3A_51 = tpu.memref_squeeze %dma_start3A_50 : memref<1x10016xf32, #tpu.memory_space<hbm>> -> memref<10016xf32, #tpu.memory_space<hbm>>
      %dma_start3A_52 = arith.constant 0 : i32
      %dma_start3A_53 = tpu.memref_slice %arg5[%add3A_44, %dma_start3A_52] : memref<128x10016xf32, #tpu.memory_space<hbm>> -> memref<1x10016xf32, #tpu.memory_space<hbm>>
      %dma_start3A_54 = tpu.memref_squeeze %dma_start3A_53 : memref<1x10016xf32, #tpu.memory_space<hbm>> -> memref<10016xf32, #tpu.memory_space<hbm>>
      tpu.enqueue_dma source(%arg11 : memref<10016xf32, #tpu.memory_space<vmem>>) target(%dma_start3A_54 : memref<10016xf32, #tpu.memory_space<hbm>>) target_semaphore(%run_scoped3A : memref<!tpu.dma_semaphore, #tpu.memory_space<semaphore_mem>>)
      %dma_wait3A = arith.constant 0 : i32
      %dma_wait3A_55 = tpu.memref_slice %arg5[%add3A_44, %dma_wait3A] : memref<128x10016xf32, #tpu.memory_space<hbm>> -> memref<1x10016xf32, #tpu.memory_space<hbm>>
      %dma_wait3A_56 = tpu.memref_squeeze %dma_wait3A_55 : memref<1x10016xf32, #tpu.memory_space<hbm>> -> memref<10016xf32, #tpu.memory_space<hbm>>
      %dma_wait3A_57 = arith.constant 0 : i32
      %dma_wait3A_58 = tpu.memref_slice %arg5[%add3A_44, %dma_wait3A_57] : memref<128x10016xf32, #tpu.memory_space<hbm>> -> memref<1x10016xf32, #tpu.memory_space<hbm>>
      %dma_wait3A_59 = tpu.memref_squeeze %dma_wait3A_58 : memref<1x10016xf32, #tpu.memory_space<hbm>> -> memref<10016xf32, #tpu.memory_space<hbm>>
      tpu.wait_dma2 semaphore(%run_scoped3A : memref<!tpu.dma_semaphore, #tpu.memory_space<semaphore_mem>>) src(%arg11 : memref<10016xf32, #tpu.memory_space<vmem>>) dst(%dma_wait3A_59 : memref<10016xf32, #tpu.memory_space<hbm>>)
      tpu.yield
    }) : () -> ()
    %add3A_45 = arith.constant 2 : i32
    %add3A_46 = arith.addi %mul3A_2, %add3A_45 : i32
    "tpu.region"() ({
      %run_scoped3A = tpu.sem_alloc : memref<!tpu.dma_semaphore, #tpu.memory_space<semaphore_mem>>
      %dma_start3A_49 = arith.constant 0 : i32
      %dma_start3A_50 = tpu.memref_slice %arg5[%add3A_46, %dma_start3A_49] : memref<128x10016xf32, #tpu.memory_space<hbm>> -> memref<1x10016xf32, #tpu.memory_space<hbm>>
      %dma_start3A_51 = tpu.memref_squeeze %dma_start3A_50 : memref<1x10016xf32, #tpu.memory_space<hbm>> -> memref<10016xf32, #tpu.memory_space<hbm>>
      %dma_start3A_52 = arith.constant 0 : i32
      %dma_start3A_53 = tpu.memref_slice %arg5[%add3A_46, %dma_start3A_52] : memref<128x10016xf32, #tpu.memory_space<hbm>> -> memref<1x10016xf32, #tpu.memory_space<hbm>>
      %dma_start3A_54 = tpu.memref_squeeze %dma_start3A_53 : memref<1x10016xf32, #tpu.memory_space<hbm>> -> memref<10016xf32, #tpu.memory_space<hbm>>
      tpu.enqueue_dma source(%arg12 : memref<10016xf32, #tpu.memory_space<vmem>>) target(%dma_start3A_54 : memref<10016xf32, #tpu.memory_space<hbm>>) target_semaphore(%run_scoped3A : memref<!tpu.dma_semaphore, #tpu.memory_space<semaphore_mem>>)
      %dma_wait3A = arith.constant 0 : i32
      %dma_wait3A_55 = tpu.memref_slice %arg5[%add3A_46, %dma_wait3A] : memref<128x10016xf32, #tpu.memory_space<hbm>> -> memref<1x10016xf32, #tpu.memory_space<hbm>>
      %dma_wait3A_56 = tpu.memref_squeeze %dma_wait3A_55 : memref<1x10016xf32, #tpu.memory_space<hbm>> -> memref<10016xf32, #tpu.memory_space<hbm>>
      %dma_wait3A_57 = arith.constant 0 : i32
      %dma_wait3A_58 = tpu.memref_slice %arg5[%add3A_46, %dma_wait3A_57] : memref<128x10016xf32, #tpu.memory_space<hbm>> -> memref<1x10016xf32, #tpu.memory_space<hbm>>
      %dma_wait3A_59 = tpu.memref_squeeze %dma_wait3A_58 : memref<1x10016xf32, #tpu.memory_space<hbm>> -> memref<10016xf32, #tpu.memory_space<hbm>>
      tpu.wait_dma2 semaphore(%run_scoped3A : memref<!tpu.dma_semaphore, #tpu.memory_space<semaphore_mem>>) src(%arg12 : memref<10016xf32, #tpu.memory_space<vmem>>) dst(%dma_wait3A_59 : memref<10016xf32, #tpu.memory_space<hbm>>)
      tpu.yield
    }) : () -> ()
    %add3A_47 = arith.constant 3 : i32
    %add3A_48 = arith.addi %mul3A_2, %add3A_47 : i32
    "tpu.region"() ({
      %run_scoped3A = tpu.sem_alloc : memref<!tpu.dma_semaphore, #tpu.memory_space<semaphore_mem>>
      %dma_start3A_49 = arith.constant 0 : i32
      %dma_start3A_50 = tpu.memref_slice %arg5[%add3A_48, %dma_start3A_49] : memref<128x10016xf32, #tpu.memory_space<hbm>> -> memref<1x10016xf32, #tpu.memory_space<hbm>>
      %dma_start3A_51 = tpu.memref_squeeze %dma_start3A_50 : memref<1x10016xf32, #tpu.memory_space<hbm>> -> memref<10016xf32, #tpu.memory_space<hbm>>
      %dma_start3A_52 = arith.constant 0 : i32
      %dma_start3A_53 = tpu.memref_slice %arg5[%add3A_48, %dma_start3A_52] : memref<128x10016xf32, #tpu.memory_space<hbm>> -> memref<1x10016xf32, #tpu.memory_space<hbm>>
      %dma_start3A_54 = tpu.memref_squeeze %dma_start3A_53 : memref<1x10016xf32, #tpu.memory_space<hbm>> -> memref<10016xf32, #tpu.memory_space<hbm>>
      tpu.enqueue_dma source(%arg13 : memref<10016xf32, #tpu.memory_space<vmem>>) target(%dma_start3A_54 : memref<10016xf32, #tpu.memory_space<hbm>>) target_semaphore(%run_scoped3A : memref<!tpu.dma_semaphore, #tpu.memory_space<semaphore_mem>>)
      %dma_wait3A = arith.constant 0 : i32
      %dma_wait3A_55 = tpu.memref_slice %arg5[%add3A_48, %dma_wait3A] : memref<128x10016xf32, #tpu.memory_space<hbm>> -> memref<1x10016xf32, #tpu.memory_space<hbm>>
      %dma_wait3A_56 = tpu.memref_squeeze %dma_wait3A_55 : memref<1x10016xf32, #tpu.memory_space<hbm>> -> memref<10016xf32, #tpu.memory_space<hbm>>
      %dma_wait3A_57 = arith.constant 0 : i32
      %dma_wait3A_58 = tpu.memref_slice %arg5[%add3A_48, %dma_wait3A_57] : memref<128x10016xf32, #tpu.memory_space<hbm>> -> memref<1x10016xf32, #tpu.memory_space<hbm>>
      %dma_wait3A_59 = tpu.memref_squeeze %dma_wait3A_58 : memref<1x10016xf32, #tpu.memory_space<hbm>> -> memref<10016xf32, #tpu.memory_space<hbm>>
      tpu.wait_dma2 semaphore(%run_scoped3A : memref<!tpu.dma_semaphore, #tpu.memory_space<semaphore_mem>>) src(%arg13 : memref<10016xf32, #tpu.memory_space<vmem>>) dst(%dma_wait3A_59 : memref<10016xf32, #tpu.memory_space<hbm>>)
      tpu.yield
    }) : () -> ()
    return
  }
}

module attributes {stable_mosaic.version = 14 : i64} {
  func.func @_dense1_body(%arg0: memref<10000x128xf32, #tpu.memory_space<vmem>>, %arg1: memref<128x128xf32, #tpu.memory_space<vmem>>, %arg2: memref<128x1xf32, #tpu.memory_space<vmem>>, %arg3: memref<128x1xf32, #tpu.memory_space<vmem>>, %arg4: memref<128x10016xf32, #tpu.memory_space<vmem>>, %arg5: memref<10016x1xf32, #tpu.memory_space<vmem>>, %arg6: memref<10016x1xf32, #tpu.memory_space<vmem>>, %arg7: memref<1x1xf32, #tpu.memory_space<vmem>>) attributes {dimension_semantics = [], scalar_prefetch = 0 : i64, scratch_operands = 0 : i64, tpu.core_type = #tpu.core_type<tc>} {
    %get3A = arith.constant 0 : index
    %get3A_0 = arith.constant 0 : index
    %get3A_1 = vector.load %arg0[%get3A, %get3A_0] : memref<10000x128xf32, #tpu.memory_space<vmem>>, vector<10000x128xf32>
    %get3A_2 = arith.constant 0 : index
    %get3A_3 = arith.constant 0 : index
    %get3A_4 = vector.load %arg1[%get3A_2, %get3A_3] : memref<128x128xf32, #tpu.memory_space<vmem>>, vector<128x128xf32>
    %dot_general3A = arith.constant dense<0.000000e+00> : vector<10000x128xf32>
    %dot_general3A_5 = tpu.matmul %get3A_1, %get3A_4, %dot_general3A {dimension_numbers = #tpu.dot_dimension_numbers<[1], [0], [0], [1], [0, 0, 1, 1], [], []>, transpose_lhs_hint = false} : vector<10000x128xf32>, vector<128x128xf32>, vector<10000x128xf32> -> vector<10000x128xf32>
    %get3A_6 = arith.constant 0 : index
    %get3A_7 = arith.constant 0 : index
    %get3A_8 = vector.load %arg2[%get3A_6, %get3A_7] : memref<128x1xf32, #tpu.memory_space<vmem>>, vector<128x1xf32>
    %dot_general3A_9 = arith.constant dense<0.000000e+00> : vector<10000x1xf32>
    %dot_general3A_10 = tpu.matmul %dot_general3A_5, %get3A_8, %dot_general3A_9 {dimension_numbers = #tpu.dot_dimension_numbers<[1], [0], [0], [1], [0, 0, 1, 1], [], []>, transpose_lhs_hint = false} : vector<10000x128xf32>, vector<128x1xf32>, vector<10000x1xf32> -> vector<10000x1xf32>
    %get3A_11 = arith.constant 0 : index
    %get3A_12 = arith.constant 0 : index
    %get3A_13 = vector.load %arg3[%get3A_11, %get3A_12] : memref<128x1xf32, #tpu.memory_space<vmem>>, vector<128x1xf32>
    %dot_general3A_14 = arith.constant dense<0.000000e+00> : vector<10000x1xf32>
    %dot_general3A_15 = tpu.matmul %dot_general3A_5, %get3A_13, %dot_general3A_14 {dimension_numbers = #tpu.dot_dimension_numbers<[1], [0], [0], [1], [0, 0, 1, 1], [], []>, transpose_lhs_hint = false} : vector<10000x128xf32>, vector<128x1xf32>, vector<10000x1xf32> -> vector<10000x1xf32>
    %swap3A = arith.constant 0 : index
    %swap3A_16 = arith.constant 0 : index
    %swap3A_17 = vector.load %arg5[%swap3A, %swap3A_16] : memref<10016x1xf32, #tpu.memory_space<vmem>>, vector<10000x1xf32>
    tpu.vector_store %arg5[%swap3A, %swap3A_16], %dot_general3A_10 {strides = array<i32>} : memref<10016x1xf32, #tpu.memory_space<vmem>>, vector<10000x1xf32>,
    %broadcast_in_dim3A = arith.constant -1.000000e+30 : f32
    %broadcast_in_dim3A_18 = vector.broadcast %broadcast_in_dim3A : f32 to vector<16x1xf32>
    %swap3A_19 = arith.constant 10000 : index
    %swap3A_20 = arith.constant 0 : index
    %swap3A_21 = vector.load %arg5[%swap3A_19, %swap3A_20] : memref<10016x1xf32, #tpu.memory_space<vmem>>, vector<16x1xf32>
    tpu.vector_store %arg5[%swap3A_19, %swap3A_20], %broadcast_in_dim3A_18 {strides = array<i32>} : memref<10016x1xf32, #tpu.memory_space<vmem>>, vector<16x1xf32>,
    %swap3A_22 = arith.constant 0 : index
    %swap3A_23 = arith.constant 0 : index
    %swap3A_24 = vector.load %arg6[%swap3A_22, %swap3A_23] : memref<10016x1xf32, #tpu.memory_space<vmem>>, vector<10000x1xf32>
    tpu.vector_store %arg6[%swap3A_22, %swap3A_23], %dot_general3A_15 {strides = array<i32>} : memref<10016x1xf32, #tpu.memory_space<vmem>>, vector<10000x1xf32>,
    %broadcast_in_dim3A_25 = arith.constant 0.000000e+00 : f32
    %broadcast_in_dim3A_26 = vector.broadcast %broadcast_in_dim3A_25 : f32 to vector<16x1xf32>
    %swap3A_27 = arith.constant 10000 : index
    %swap3A_28 = arith.constant 0 : index
    %swap3A_29 = vector.load %arg6[%swap3A_27, %swap3A_28] : memref<10016x1xf32, #tpu.memory_space<vmem>>, vector<16x1xf32>
    tpu.vector_store %arg6[%swap3A_27, %swap3A_28], %broadcast_in_dim3A_26 {strides = array<i32>} : memref<10016x1xf32, #tpu.memory_space<vmem>>, vector<16x1xf32>,
    %reduce_max3A = vector.shape_cast %dot_general3A_10 : vector<10000x1xf32> to vector<1x10000x1xf32>
    %reduce_max3A_30 = arith.constant dense<0xFF800000> : vector<1xf32>
    %reduce_max3A_31 = vector.multi_reduction <maximumf>, %reduce_max3A, %reduce_max3A_30 [1, 2] : vector<1x10000x1xf32> to vector<1xf32>
    %reduce_max3A_32 = vector.shape_cast %reduce_max3A_31 : vector<1xf32> to vector<1x1x1xf32>
    %reduce_max3A_33 = vector.extract %reduce_max3A_32[0, 0, 0] : f32 from vector<1x1x1xf32>
    %reshape3A = vector.broadcast %reduce_max3A_33 : f32 to vector<1x1xf32>
    %swap3A_34 = arith.constant 0 : index
    %swap3A_35 = arith.constant 0 : index
    %swap3A_36 = vector.load %arg7[%swap3A_34, %swap3A_35] : memref<1x1xf32, #tpu.memory_space<vmem>>, vector<1x1xf32>
    tpu.vector_store %arg7[%swap3A_34, %swap3A_35], %reshape3A {strides = array<i32>} : memref<1x1xf32, #tpu.memory_space<vmem>>, vector<1x1xf32>,
    %transpose3A = tpu.transpose %dot_general3A_5, [1, 0] : vector<10000x128xf32> -> vector<128x10000xf32>
    %swap3A_37 = arith.constant 0 : index
    %swap3A_38 = arith.constant 0 : index
    %swap3A_39 = vector.load %arg4[%swap3A_37, %swap3A_38] : memref<128x10016xf32, #tpu.memory_space<vmem>>, vector<128x10000xf32>
    tpu.vector_store %arg4[%swap3A_37, %swap3A_38], %transpose3A {strides = array<i32>} : memref<128x10016xf32, #tpu.memory_space<vmem>>, vector<128x10000xf32>,
    return
  }
}

module attributes {stable_mosaic.version = 14 : i64} {
  func.func @_rden_body(%arg0: memref<32x10016xf32, #tpu.memory_space<vmem>>, %arg1: memref<1x10016xf32, #tpu.memory_space<vmem>>) attributes {dimension_semantics = [], scalar_prefetch = 0 : i64, scratch_operands = 0 : i64, tpu.core_type = #tpu.core_type<tc>} {
    %get3A = arith.constant 0 : index
    %get3A_0 = arith.constant 0 : index
    %get3A_1 = vector.load %arg0[%get3A, %get3A_0] : memref<32x10016xf32, #tpu.memory_space<vmem>>, vector<32x10016xf32>
    %reduce_sum3A = arith.constant dense<0.000000e+00> : vector<10016xf32>
    %reduce_sum3A_2 = vector.multi_reduction <add>, %get3A_1, %reduce_sum3A [0] : vector<32x10016xf32> to vector<10016xf32>
    %broadcast_in_dim3A = vector.shape_cast %reduce_sum3A_2 : vector<10016xf32> to vector<1x10016xf32>
    %add3A = arith.constant 1.000000e-16 : f32
    %add3A_3 = vector.broadcast %add3A : f32 to vector<1x10016xf32>
    %add3A_4 = arith.addf %broadcast_in_dim3A, %add3A_3 : vector<1x10016xf32>
    %div3A = arith.constant 1.000000e+00 : f32
    %div3A_5 = vector.broadcast %div3A : f32 to vector<1x10016xf32>
    %div3A_6 = arith.divf %div3A_5, %add3A_4 : vector<1x10016xf32>
    %swap3A = arith.constant 0 : index
    %swap3A_7 = arith.constant 0 : index
    %swap3A_8 = vector.load %arg1[%swap3A, %swap3A_7] : memref<1x10016xf32, #tpu.memory_space<vmem>>, vector<1x10016xf32>
    tpu.vector_store %arg1[%swap3A, %swap3A_7], %div3A_6 {strides = array<i32>} : memref<1x10016xf32, #tpu.memory_space<vmem>>, vector<1x10016xf32>,
    return
  }
}

module attributes {stable_mosaic.version = 14 : i64} {
  func.func @_dense2_body(%arg0: memref<128x10016xf32, #tpu.memory_space<vmem>>, %arg1: memref<1x128xf32, #tpu.memory_space<vmem>>, %arg2: memref<128x128xf32, #tpu.memory_space<vmem>>, %arg3: memref<128x1xf32, #tpu.memory_space<vmem>>, %arg4: memref<128x1xf32, #tpu.memory_space<vmem>>, %arg5: memref<128x10016xf32, #tpu.memory_space<vmem>>, %arg6: memref<10016x1xf32, #tpu.memory_space<vmem>>, %arg7: memref<10016x1xf32, #tpu.memory_space<vmem>>, %arg8: memref<1x1xf32, #tpu.memory_space<vmem>>) attributes {dimension_semantics = [], scalar_prefetch = 0 : i64, scratch_operands = 0 : i64, tpu.core_type = #tpu.core_type<tc>} {
    %get3A = arith.constant 0 : index
    %get3A_0 = arith.constant 0 : index
    %get3A_1 = vector.load %arg0[%get3A, %get3A_0] : memref<128x10016xf32, #tpu.memory_space<vmem>>, vector<128x10000xf32>
    %transpose3A = tpu.transpose %get3A_1, [1, 0] : vector<128x10000xf32> -> vector<10000x128xf32>
    %get3A_2 = arith.constant 0 : index
    %get3A_3 = arith.constant 0 : index
    %get3A_4 = vector.load %arg1[%get3A_2, %get3A_3] : memref<1x128xf32, #tpu.memory_space<vmem>>, vector<1x128xf32>
    %add3A = vector.broadcast %get3A_4 : vector<1x128xf32> to vector<10000x128xf32>
    %add3A_5 = arith.addf %transpose3A, %add3A : vector<10000x128xf32>
    %gt3A = arith.constant 0.000000e+00 : f32
    %gt3A_6 = vector.broadcast %gt3A : f32 to vector<10000x128xf32>
    %gt3A_7 = arith.cmpf ogt, %add3A_5, %gt3A_6 : vector<10000x128xf32>
    %min3A = arith.constant 0.000000e+00 : f32
    %min3A_8 = vector.broadcast %min3A : f32 to vector<10000x128xf32>
    %min3A_9 = arith.minimumf %add3A_5, %min3A_8 : vector<10000x128xf32>
    %exp3A = math.exp %min3A_9 : vector<10000x128xf32>
    %sub3A = arith.constant 1.000000e+00 : f32
    %sub3A_10 = vector.broadcast %sub3A : f32 to vector<10000x128xf32>
    %sub3A_11 = arith.subf %exp3A, %sub3A_10 : vector<10000x128xf32>
    %select_n3A = arith.select %gt3A_7, %add3A_5, %sub3A_11 : vector<10000x128xi1>, vector<10000x128xf32>
    %get3A_12 = arith.constant 0 : index
    %get3A_13 = arith.constant 0 : index
    %get3A_14 = vector.load %arg2[%get3A_12, %get3A_13] : memref<128x128xf32, #tpu.memory_space<vmem>>, vector<128x128xf32>
    %dot_general3A = arith.constant dense<0.000000e+00> : vector<10000x128xf32>
    %dot_general3A_15 = tpu.matmul %select_n3A, %get3A_14, %dot_general3A {dimension_numbers = #tpu.dot_dimension_numbers<[1], [0], [0], [1], [0, 0, 1, 1], [], []>, transpose_lhs_hint = false} : vector<10000x128xf32>, vector<128x128xf32>, vector<10000x128xf32> -> vector<10000x128xf32>
    %get3A_16 = arith.constant 0 : index
    %get3A_17 = arith.constant 0 : index
    %get3A_18 = vector.load %arg3[%get3A_16, %get3A_17] : memref<128x1xf32, #tpu.memory_space<vmem>>, vector<128x1xf32>
    %dot_general3A_19 = arith.constant dense<0.000000e+00> : vector<10000x1xf32>
    %dot_general3A_20 = tpu.matmul %dot_general3A_15, %get3A_18, %dot_general3A_19 {dimension_numbers = #tpu.dot_dimension_numbers<[1], [0], [0], [1], [0, 0, 1, 1], [], []>, transpose_lhs_hint = false} : vector<10000x128xf32>, vector<128x1xf32>, vector<10000x1xf32> -> vector<10000x1xf32>
    %get3A_21 = arith.constant 0 : index
    %get3A_22 = arith.constant 0 : index
    %get3A_23 = vector.load %arg4[%get3A_21, %get3A_22] : memref<128x1xf32, #tpu.memory_space<vmem>>, vector<128x1xf32>
    %dot_general3A_24 = arith.constant dense<0.000000e+00> : vector<10000x1xf32>
    %dot_general3A_25 = tpu.matmul %dot_general3A_15, %get3A_23, %dot_general3A_24 {dimension_numbers = #tpu.dot_dimension_numbers<[1], [0], [0], [1], [0, 0, 1, 1], [], []>, transpose_lhs_hint = false} : vector<10000x128xf32>, vector<128x1xf32>, vector<10000x1xf32> -> vector<10000x1xf32>
    %swap3A = arith.constant 0 : index
    %swap3A_26 = arith.constant 0 : index
    %swap3A_27 = vector.load %arg6[%swap3A, %swap3A_26] : memref<10016x1xf32, #tpu.memory_space<vmem>>, vector<10000x1xf32>
    tpu.vector_store %arg6[%swap3A, %swap3A_26], %dot_general3A_20 {strides = array<i32>} : memref<10016x1xf32, #tpu.memory_space<vmem>>, vector<10000x1xf32>,
    %broadcast_in_dim3A = arith.constant -1.000000e+30 : f32
    %broadcast_in_dim3A_28 = vector.broadcast %broadcast_in_dim3A : f32 to vector<16x1xf32>
    %swap3A_29 = arith.constant 10000 : index
    %swap3A_30 = arith.constant 0 : index
    %swap3A_31 = vector.load %arg6[%swap3A_29, %swap3A_30] : memref<10016x1xf32, #tpu.memory_space<vmem>>, vector<16x1xf32>
    tpu.vector_store %arg6[%swap3A_29, %swap3A_30], %broadcast_in_dim3A_28 {strides = array<i32>} : memref<10016x1xf32, #tpu.memory_space<vmem>>, vector<16x1xf32>,
    %swap3A_32 = arith.constant 0 : index
    %swap3A_33 = arith.constant 0 : index
    %swap3A_34 = vector.load %arg7[%swap3A_32, %swap3A_33] : memref<10016x1xf32, #tpu.memory_space<vmem>>, vector<10000x1xf32>
    tpu.vector_store %arg7[%swap3A_32, %swap3A_33], %dot_general3A_25 {strides = array<i32>} : memref<10016x1xf32, #tpu.memory_space<vmem>>, vector<10000x1xf32>,
    %broadcast_in_dim3A_35 = arith.constant 0.000000e+00 : f32
    %broadcast_in_dim3A_36 = vector.broadcast %broadcast_in_dim3A_35 : f32 to vector<16x1xf32>
    %swap3A_37 = arith.constant 10000 : index
    %swap3A_38 = arith.constant 0 : index
    %swap3A_39 = vector.load %arg7[%swap3A_37, %swap3A_38] : memref<10016x1xf32, #tpu.memory_space<vmem>>, vector<16x1xf32>
    tpu.vector_store %arg7[%swap3A_37, %swap3A_38], %broadcast_in_dim3A_36 {strides = array<i32>} : memref<10016x1xf32, #tpu.memory_space<vmem>>, vector<16x1xf32>,
    %reduce_max3A = vector.shape_cast %dot_general3A_20 : vector<10000x1xf32> to vector<1x10000x1xf32>
    %reduce_max3A_40 = arith.constant dense<0xFF800000> : vector<1xf32>
    %reduce_max3A_41 = vector.multi_reduction <maximumf>, %reduce_max3A, %reduce_max3A_40 [1, 2] : vector<1x10000x1xf32> to vector<1xf32>
    %reduce_max3A_42 = vector.shape_cast %reduce_max3A_41 : vector<1xf32> to vector<1x1x1xf32>
    %reduce_max3A_43 = vector.extract %reduce_max3A_42[0, 0, 0] : f32 from vector<1x1x1xf32>
    %reshape3A = vector.broadcast %reduce_max3A_43 : f32 to vector<1x1xf32>
    %swap3A_44 = arith.constant 0 : index
    %swap3A_45 = arith.constant 0 : index
    %swap3A_46 = vector.load %arg8[%swap3A_44, %swap3A_45] : memref<1x1xf32, #tpu.memory_space<vmem>>, vector<1x1xf32>
    tpu.vector_store %arg8[%swap3A_44, %swap3A_45], %reshape3A {strides = array<i32>} : memref<1x1xf32, #tpu.memory_space<vmem>>, vector<1x1xf32>,
    %transpose3A_47 = tpu.transpose %dot_general3A_15, [1, 0] : vector<10000x128xf32> -> vector<128x10000xf32>
    %swap3A_48 = arith.constant 0 : index
    %swap3A_49 = arith.constant 0 : index
    %swap3A_50 = vector.load %arg5[%swap3A_48, %swap3A_49] : memref<128x10016xf32, #tpu.memory_space<vmem>>, vector<128x10000xf32>
    tpu.vector_store %arg5[%swap3A_48, %swap3A_49], %transpose3A_47 {strides = array<i32>} : memref<128x10016xf32, #tpu.memory_space<vmem>>, vector<128x10000xf32>,
    return
  }
}

module attributes {stable_mosaic.version = 14 : i64} {
  func.func @_bias_body(%arg0: memref<128x10016xf32, #tpu.memory_space<vmem>>, %arg1: memref<1x128xf32, #tpu.memory_space<vmem>>, %arg2: memref<10000x128xf32, #tpu.memory_space<vmem>>) attributes {dimension_semantics = [], scalar_prefetch = 0 : i64, scratch_operands = 0 : i64, tpu.core_type = #tpu.core_type<tc>} {
    %get3A = arith.constant 0 : index
    %get3A_0 = arith.constant 0 : index
    %get3A_1 = vector.load %arg0[%get3A, %get3A_0] : memref<128x10016xf32, #tpu.memory_space<vmem>>, vector<128x10000xf32>
    %transpose3A = tpu.transpose %get3A_1, [1, 0] : vector<128x10000xf32> -> vector<10000x128xf32>
    %get3A_2 = arith.constant 0 : index
    %get3A_3 = arith.constant 0 : index
    %get3A_4 = vector.load %arg1[%get3A_2, %get3A_3] : memref<1x128xf32, #tpu.memory_space<vmem>>, vector<1x128xf32>
    %add3A = vector.broadcast %get3A_4 : vector<1x128xf32> to vector<10000x128xf32>
    %add3A_5 = arith.addf %transpose3A, %add3A : vector<10000x128xf32>
    %swap3A = arith.constant 0 : index
    %swap3A_6 = arith.constant 0 : index
    %swap3A_7 = vector.load %arg2[%swap3A, %swap3A_6] : memref<10000x128xf32, #tpu.memory_space<vmem>>, vector<10000x128xf32>
    tpu.vector_store %arg2[%swap3A, %swap3A_6], %add3A_5 {strides = array<i32>} : memref<10000x128xf32, #tpu.memory_space<vmem>>, vector<10000x128xf32>,
    return
  }
}

</mosaic_0001>

<sc_bundles>
// kernel: kernel.13.cloned.1.call-start
scs
__scs_entry_jumppad:
0x0: {  	(pc) =	sbr.rel $0x88, $3  }
0x1: {  	(tag) =	ssettag $0x0;
	lr =	simm.s32 $0x1  }
0x2: {  	[smem:$0x3F97] =	sst lr;
	_ =	strace $0xD0000000  }
0x3: {  	_ = 	snop  }
0x4: {  	_ = 	snop  }
0x5: {  	_ = 	snop  }
0x6: {  	_ = 	snop  }
0x7: {  	_ = 	snop  }
__scs_overlays_trampoline_lowered:
0x8: {  	[smem:$0x3FA6] =	sst s0  }
0x9: {  	[smem:$0x3FA7] =	sst s1  }
0xa: {  	[smem:$0x3FA8] =	sst s2  }
0xb: {  	[smem:$0x3FA9] =	sst s3  }
0xc: {  	[smem:$0x3FAA] =	sst s4  }
0xd: {  	[smem:$0x3FAB] =	sst s5  }
0xe: {  	[smem:$0x3FAC] =	sst s6  }
0xf: {  	[smem:$0x3FAD] =	sst s7  }
0x10: {  	[smem:$0x3FAE] =	sst s8  }
0x11: {  	[smem:$0x3FAF] =	sst s9;
	s0 =	simm.s32 @!p0 $0x0  }
0x12: {  	s1 =	sld [smem:$0x3F95];
	s0 =	simm.s32 @p0 $0x1  }
0x13: {  	[smem:$0x3FB0] =	sst s0;
	s0 =	simm.s32 @!p1 $0x0  }
0x14: {  	s2 =	sld [smem:$0x3F94];
	s0 =	simm.s32 @p1 $0x1  }
0x15: {  	[smem:$0x3FB1] =	sst s0;
	s0 =	simm.s32 @!p2 $0x0  }
0x16: {  	s3 =	sld [smem:$0x3FDB];
	s0 =	simm.s32 @p2 $0x1  }
0x17: {  	s4 =	simm.s32 $0x1BF5;
	[smem:$0x3FB3] =	sst s0  }
0x18: {  	s0 =	sld [smem:$0x3F96];
	_ =	swait.ge [sflag:s4], $0x0  }
0x19: {  	s7 =	sld [smem:$0x3F97]  }
0x1a: {  	s8 =	sadd.s32 $0xFFFFE003, lr  }
0x1b: {  	s9 =	sadd.s32 $0xFFFFFEF7, lr;
	s5 =	simm.s32 $0xFFFFFFFF;
	p2 =	slt.u32 s8, $0xFFFFF086  }
0x1c: {  	p1 =	slt.u32 s9, $0xF7A;
	s5 =	simm.s32 @!p2 $0x0  }
0x1d: {  	s5 =	simm.s32 @p1 $0x1;
	p0 =	seq.s32 s7, s2  }
0x1e: {  	s7 =	smul.u32 @!p0 $0xF7A, s2;
	p2 =	seq.s32 @!p0 s5, $0x0  }
0x1f: {  	s9 =	smul.u32 $0xF7A, s1;
	s8 =	simm.s32 @!p0 $0x1BF5;
	p2 =	por !p2, p0  }
0x20: {  	[sflag:s8] =	ssyncset.s32 @!p0 $0xFFFFF086;
	s6 =	sadd.s32 @!p0 s3, s7;
	s7 =	simm.s32 @!p0 $0x108  }
0x21: {  	s3 =	sadd.s32 s3, s9;
	s6 =	sadd.s32 @!p0 $0x88, s6;
	s7 =	simm.s32 @p2 $0x1082  }
0x22: {  	[simem:s7], [sflag:s8] =	dma.local @!p0 [hbm:s6], $0xF7A  }
0x23: {  	s9 =	sor.u32 $0xD0000000, s2;
	s6 =	simm.s32 $0x108;
	_ =	swait.ge @!p0 [sflag:s8], $0x0  }
0x24: {  	s3 =	sadd.s32 $0x88, s3;
	s6 =	simm.s32 @!p1 $0x1082;
	[sflag:s4] =	ssyncset.s32 $0xFFFFF086  }
0x25: {  	[simem:s6], [sflag:s4] =	dma.local [hbm:s3], $0xF7A  }
0x26: {  	[smem:$0x3F97] =	sst s1;
	(tag) =	ssettag s2;
	_ =	strace s9  }
0x27: {  	s1 =	sld [smem:$0x3FA7]  }
0x28: {  	s2 =	sld [smem:$0x3FA8]  }
0x29: {  	s4 =	sld [smem:$0x3FAA]  }
0x2a: {  	p0 =	seq.s32 s5, $0x0;
	s5 =	sld [smem:$0x3FAB]  }
0x2b: {  	s6 =	sld [smem:$0x3FAC]  }
0x2c: {  	s7 =	sld [smem:$0x3FAD]  }
0x2d: {  	s3 =	simm.s32 $0x108;
	s8 =	sld [smem:$0x3FAE]  }
0x2e: {  	s3 =	simm.s32 @!p0 $0x1082;
	s9 =	sld [smem:$0x3FAF]  }
0x2f: {  	lr =	sadd.s32 s0, s3;
	s0 =	sld [smem:$0x3FA6]  }
0x30: {  	s3 =	sld [smem:$0x3FA9]  }
0x31: {  	[smem:$0x3FB2] =	sst s10  }
0x32: {  	s10 =	sld [smem:$0x3FB0];
	_ =	sdelay $0x3  }
0x33: {  	p0 =	seq.s32 s10, $0x1;
	s10 =	sld [smem:$0x3FB2];
	_ =	sdelay $0x3  }
0x34: {  	[smem:$0x3FB2] =	sst s10  }
0x35: {  	s10 =	sld [smem:$0x3FB1];
	_ =	sdelay $0x3  }
0x36: {  	p1 =	seq.s32 s10, $0x1;
	s10 =	sld [smem:$0x3FB2];
	_ =	sdelay $0x3  }
0x37: {  	[smem:$0x3FB2] =	sst s10  }
0x38: {  	s10 =	sld [smem:$0x3FB3]  }
0x39: {  	_ = 	snop;
	(pc) =	sbr.ind lr, $3  }
0x3a: {  	_ = 	snop  }
0x3b: {  	_ = 	snop  }
0x3c: {  	p2 =	seq.s32 s10, $0x1;
	s10 =	sld [smem:$0x3FB2]  }
0x3d: {  	_ =	shalt  }
0x3e: {  	_ =	shalt  }
0x3f: {  	_ =	shalt  }
0x40: {  	_ =	shalt  }
0x41: {  	_ =	shalt  }
0x42: {  	_ =	shalt  }
0x43: {  	_ =	shalt  }
0x44: {  	_ =	shalt  }
0x45: {  	_ =	shalt  }
0x46: {  	_ =	shalt  }
0x47: {  	_ =	shalt  }
0x48: {  	_ =	shalt  }
0x49: {  	_ =	shalt  }
0x4a: {  	_ =	shalt  }
0x4b: {  	_ =	shalt  }
0x4c: {  	_ =	shalt  }
0x4d: {  	_ =	shalt  }
0x4e: {  	_ =	shalt  }
0x4f: {  	_ =	shalt  }
0x50: {  	_ =	shalt  }
0x51: {  	_ =	shalt  }
0x52: {  	_ =	shalt  }
0x53: {  	_ =	shalt  }
0x54: {  	_ =	shalt  }
0x55: {  	_ =	shalt  }
0x56: {  	_ =	shalt  }
0x57: {  	_ =	shalt  }
0x58: {  	_ =	shalt  }
0x59: {  	_ =	shalt  }
0x5a: {  	_ =	shalt  }
0x5b: {  	_ =	shalt  }
0x5c: {  	_ =	shalt  }
0x5d: {  	_ =	shalt  }
0x5e: {  	_ =	shalt  }
0x5f: {  	_ =	shalt  }
0x60: {  	_ =	shalt  }
0x61: {  	_ =	shalt  }
0x62: {  	_ =	shalt  }
0x63: {  	_ =	shalt  }
0x64: {  	_ =	shalt  }
0x65: {  	_ =	shalt  }
0x66: {  	_ =	shalt  }
0x67: {  	_ =	shalt  }
0x68: {  	_ =	shalt  }
0x69: {  	_ =	shalt  }
0x6a: {  	_ =	shalt  }
0x6b: {  	_ =	shalt  }
0x6c: {  	_ =	shalt  }
0x6d: {  	_ =	shalt  }
0x6e: {  	_ =	shalt  }
0x6f: {  	_ =	shalt  }
0x70: {  	_ =	shalt  }
0x71: {  	_ =	shalt  }
0x72: {  	_ =	shalt  }
0x73: {  	_ =	shalt  }
0x74: {  	_ =	shalt  }
0x75: {  	_ =	shalt  }
0x76: {  	_ =	shalt  }
0x77: {  	_ =	shalt  }
0x78: {  	_ =	shalt  }
0x79: {  	_ =	shalt  }
0x7a: {  	_ =	shalt  }
0x7b: {  	_ =	shalt  }
0x7c: {  	_ =	shalt  }
0x7d: {  	_ =	shalt  }
0x7e: {  	_ =	shalt  }
0x7f: {  	_ =	shalt  }
0x80: {  	_ =	shalt  }
0x81: {  	_ =	shalt  }
0x82: {  	_ =	shalt  }
0x83: {  	_ =	shalt  }
0x84: {  	_ =	shalt  }
0x85: {  	_ =	shalt  }
0x86: {  	_ =	shalt  }
0x87: {  	_ =	shalt  }
.Lfunc_end0:
.L_simem_size_0:
called_computation_lowered:
.L_overlay_start_0:
0x88: {  	s2 =	sld [smem:$0x3FD9]  }
0x89: {  	s3 =	sld [smem:$0x3FFE];
	_ =	sdelay $0x1  }
0x8a: {  	s1 =	srdreg.scid  }
0x8b: {  	s0 =	sand.u32 $0x1, s1  }
0x8c: {  	s14 =	sshll.u32 s0, $0xA;
	s2 =	sadd.s32 s3, s2  }
0x8d: {  	s2 =	sadd.s32 s2, s14  }
0x8e: {  	[smem:$0x3FBE] =	sst s2  }
0x8f: {  	_ = 	snop  }
0x90: {  	s2 =	sld [smem:$0x3FD0];
	_ =	sdelay $0x2  }
0x91: {  	s15 =	simm.s32 $0xA;
	s4 =	simm.s32 $0x10  }
0x92: {  	[smem:s4], [sflag:s15] =	dma.local [hbm:s2], $0x1  }
0x93: {  	_ =	swait.eq [sflag:s15], $0x1  }
0x94: {  	s16 =	sld [smem:$0x10]  }
0x95: {  	s17 =	sld [smem:$0x11]  }
0x96: {  	s5 =	sld [smem:$0x12];
	[sflag:s15] =	ssyncset.done $0x0  }
0x97: {  	s6 =	sld [smem:$0x13];
	[sflag:s15] =	ssyncadd.s32 $0xFFFFFFFF  }
0x98: {  	s18 =	sld [smem:$0x14];
	(tm) =	ssettm $0x1  }
0x99: {  	s7 =	sld [smem:$0x3FFB];
	_ =	sdelay $0x3  }
0x9a: {  	_ =	strace s7  }
0x9b: {  	s7 =	sld [smem:$0x3FFC];
	_ =	sdelay $0x3  }
0x9c: {  	_ =	strace s7  }
0x9d: {  	s7 =	sld [smem:$0x3FFD];
	_ =	sdelay $0x3  }
0x9e: {  	_ =	strace s7  }
0x9f: {  	_ =	strace $0x8FFFFFFF  }
0xa0: {  	s19 =	sld [smem:$0x3FDB];
	_ =	sdelay $0x1  }
0xa1: {  	s8 =	simm.s32 $_scs_section_size  }
0xa2: {  	s9 =	simm.s32 $_size__tile_overlayer_lowered;
	s10 =	simm.s32 $_tile_overlayer_lowered  }
0xa3: {  	s22 =	simm.s32 $0x1BFF;
	s21 =	sshll.u32 s10, $0x1;
	s7 =	sadd.s32 s8, s19  }
0xa4: {  	s11 =	simm.s32 $0x0;
	s20 =	sshll.u32 s9, $0x1;
	s9 =	sadd.s32 s21, s7  }
0xa5: {  	[timem:s11], [sflag:s22] =	dma.local [hbm:s9], s20  }
0xa6: {  	_ =	swait.ge [sflag:s22], s20  }
0xa7: {  	s8 =	ssub.s32 $0x0, s20;
	[sflag:s22] =	ssyncset.done $0x0  }
0xa8: {  	[sflag:s22] =	ssyncadd.s32 s8;
	_ =	sdelay $0x1  }
0xa9: {  	s23 =	simm.s32 $0x1B8B  }
0xaa: {  	_ =	swait.ge [sflag:s23], $0x1  }
0xab: {  	[sflag:s23] =	ssyncset.done $0x0  }
0xac: {  	s25 =	simm.s32 $0x1B8E;
	s24 =	sld [smem:$0x3FFE];
	[sflag:s23] =	ssyncadd.s32 $0xFFFFFFFF  }
0xad: {  	s26 =	simm.s32 $execute0_lowered;
	[smem:$0x3FD2] =	sst s25  }
0xae: {  	s9 =	sshll.u32 s26, $0x1;
	_ =	strace $0x80000046;
	[dreg:$0x1] =	wrdreg $0xFFFFFFFF  }
0xaf: {  	s28 =	simm.s32 $_size_execute0_lowered;
	s7 =	sadd.s32 s7, s9;
	[dreg:$0x0] =	wrdreg $0x0  }
0xb0: {  	s9 =	sshll.u32 s28, $0x1;
	[dreg:$0x2] =	wrdreg s7  }
0xb1: {  	[dreg:$0x3] =	wrdreg s9  }
0xb2: {  	[dreg:$0x4] =	wrdreg $0xC0  }
0xb3: {  	_ =	task [dreg:s11], $0x5FFFF  }
0xb4: {  	[dreg:$0x1] =	wrdreg $0xFFFFFFFF  }
0xb5: {  	[dreg:$0x0] =	wrdreg $0x60  }
0xb6: {  	[dreg:$0x2] =	wrdreg s18  }
0xb7: {  	[dreg:$0x3] =	wrdreg s6  }
0xb8: {  	[dreg:$0x4] =	wrdreg s24  }
0xb9: {  	[dreg:$0x5] =	wrdreg s17  }
0xba: {  	[dreg:$0x6] =	wrdreg s5  }
0xbb: {  	[dreg:$0x7] =	wrdreg s16  }
0xbc: {  	[dreg:$0x8] =	wrdreg $0x9  }
0xbd: {  	_ =	task.clear_ibuf [dreg:s11], $0x9FFFF;
	_ =	strace $0x90000046  }
0xbe: {  	s29 =	simm.s32 $0x9;
	_ =	strace $0x80000048  }
0xbf: {  	_ =	swait.ge [sflag:s29], $0x1  }
0xc0: {  	[sflag:s29] =	ssyncadd.s32 $0xFFFFFFFF  }
0xc1: {  	_ =	strace $0x90000048  }
0xc2: {  	_ =	sfence  }
0xc3: {  	s30 =	sld [smem:$0x0];
	_ =	sdelay $0x2  }
0xc4: {  	s31 =	sshll.u32 s1, $0xD;
	s1 =	sshrl.u32 s1, $0x2  }
0xc5: {  	s3 =	sand.u32 $0x4000, s31;
	s1 =	sadd.s32 s1, s30  }
0xc6: {  	s0 =	sor.u32 s3, s0;
	s1 =	sshll.u32 s1, $0x11  }
0xc7: {  	s0 =	sor.u32 s1, s0  }
0xc8: {  	s0 =	sadd.s32 $0x8F2B, s0  }
0xc9: {  	[sflag:s0] =	ssyncadd.remote.s32 $0x1  }
0xca: {  	_ =	sfence.sel $0xFFFF  }
0xcb: {  	[dreg:$0x0] =	wrdreg $0xFFFFFFFF;
	(pc) =	sbr.abs _section_cstart, $3  }
0xcc: {  	[dreg:$0x1] =	wrdreg $0xFFFFFFFF  }
0xcd: {  	_ =	task.clear_ibuf [dreg:s11], $0x2FFFF;
	_ =	strace $0x9FFFFFFF  }
0xce: {  	(tm) =	ssettm $0x7FFFFFFF  }
0xcf: {  	_ =	shalt  }
tec
execute0_lowered:
.L_overlay_start_1:
0x0: {  	(tag) =	ssettag $0x1  }
0x1: {  	s6 =	rddreg [dreg:$0x0]  }
0x2: {  	s7 =	rddreg [dreg:$0x1]  }
0x3: {  	s5 =	rddreg [dreg:$0x2]  }
0x4: {  	s8 =	rddreg [dreg:$0x3]  }
0x5: {  	s10 =	rddreg [dreg:$0x4]  }
0x6: {  	s9 =	rddreg [dreg:$0x5]  }
0x7: {  	s0 =	rddreg [dreg:$0x6]  }
0x8: {  	s2 =	simm.s32 $0x0;
	s3 =	srdreg.scid;
	s1 =	stileid.u32  }
0x9: {  	s16 =	simm.s32 $0x1;
	s17 =	simm.s32 $0xC900;
	s18 =	simm.s32 $0xA080  }
0xa: {  	s19 =	simm.s32 $0x2;
	s20 =	simm.s32 $0xF080;
	s21 =	simm.s32 $0x80  }
0xb: {  	s22 =	simm.s32 $0x400;
	s23 =	simm.s32 $0x0;
	[smem:$0x7FF] =	sst s2  }
0xc: {  	s11 =	sand.u32 $0x1, s3;
	s4 =	sshll.u32 s1, $0x1;
	s3 =	sadd.s32 $0x29200, s5  }
0xd: {  	s14 =	sshrl.u32 s1, $0x2;
	_ =	strace $0x80000047;
	s12 =	sor.u32 s11, s4  }
0xe: {  	s4 =	sadd.s32 $0x29800, s5;
	s11 =	ssub.s32 $0x2, s11;
	s14 =	smul.u32 $0x13C00, s14  }
0xf: {  	s13 =	smul.u32 $0x50A, s12;
	s12 =	sshll.u32 s12, $0x7;
	s15 =	sshrl.u32 s11, $0x1  }
0x10: {  	s5 =	sadd.s32 $0x29E00, s5;
	s12 =	sand.u32 $0x380, s12;
	s11 =	ssub.s32 s11, s15  }
0x11: {  	s15 =	simm.s32 $0x7800;
	s6 =	sadd.s32 s6, s13;
	s12 =	sor.u32 s14, s12  }
0x12: {  	s7 =	sadd.s32 s7, s13;
	s8 =	sadd.s32 s8, s13;
	s9 =	sadd.s32 s9, s13  }
0x13: {  	s11 =	smax.u32 s11, $0x1;
	s13 =	simm.s32 $0x4F00;
	s12 =	sshrl.u32 s12, $0x3  }
0x14: {  	v0 =	vimm.f32 $0.0e+00;
	s14 =	simm.s32 $0x4F80;
	s10 =	sadd.s32 s10, s12;
	s12 =	simm.s32 $0x2780  }
.LBB2_1:
0x15: {  	[tilespmem:s2], [sflag:$0x1] =	stream.linear.gather [hbm4b:s3+s2], $0x2780, $0x38;
	[tilespmem:$0x11900] =	vst v63  }
0x16: {  	_ = 	snop  }
0x17: {  	[tilespmem:s12], [sflag:$0x1] =	stream.linear.gather [hbm4b:s4+s2], $0x2780, $0x38;
	[tilespmem:$0x11900] =	vst v63  }
0x18: {  	_ = 	snop  }
0x19: {  	[tilespmem:s13], [sflag:$0x1] =	stream.linear.gather [hbm4b:s5+s2], $0x80, $0x38;
	[tilespmem:$0x11900] =	vst v63  }
0x1a: {  	_ = 	snop  }
0x1b: {  	[tilespmem:s14], [sflag:$0x1] =	stream.linear.gather [hbm4b:s6+s2], $0x2850, $0x38;
	[tilespmem:$0x11900] =	vst v63  }
0x1c: {  	s24 =	simm.s32 $0xC940  }
0x1d: {  	[tilespmem:s15], [sflag:$0x1] =	stream.linear.gather [hbm4b:s7+s2], $0x2850, $0x38;
	[tilespmem:$0x11900] =	vst v63  }
0x1e: {  	[tilespmem:s24+$0xFFFFFFC0] =	vst v0  }
0x1f: {  	[tilespmem:s24+$0x30] =	vst v0  }
0x20: {  	[tilespmem:s24+$0x20] =	vst v0  }
0x21: {  	[tilespmem:s24+$0x10] =	vst v0  }
0x22: {  	[tilespmem:s24+$0x0] =	vst v0  }
0x23: {  	[tilespmem:s24+$0xFFFFFFF0] =	vst v0  }
0x24: {  	s28 =	simm.s32 $0x0;
	s25 =	simm.s32 $0xF000;
	[tilespmem:s24+$0xFFFFFFE0] =	vst v0  }
.LBB2_2:
0x25: {  	s28 =	sadd.s32 $0x80, s28;
	[tilespmem:s24+$0xFFFFFFD0] =	vst v0;
	s24 =	sadd.s32 $0x80, s24;
	s26 =	simm.s32 $0x26F0  }
0x26: {  	[tilespmem:s24+$0xFFFFFFC0] =	vst v0;
	p0 =	slt.u32 s28, $0x2680  }
0x27: {  	[tilespmem:s24+$0x30] =	vst v0  }
.Ltmp0:
0x28: {  	[tilespmem:s24+$0x20] =	vst v0;
	(pc) =	sbr.rel @p0 .LBB2_2-.Ltmp0, $4  }
0x29: {  	[tilespmem:s24+$0x10] =	vst v0  }
0x2a: {  	[tilespmem:s24+$0x0] =	vst v0  }
0x2b: {  	[tilespmem:s24+$0xFFFFFFF0] =	vst v0  }
0x2c: {  	[tilespmem:s24+$0xFFFFFFE0] =	vst v0  }
0x2d: {  	[tilespmem:s24+$0xFFFFFFD0] =	vst v0  }
.LBB2_4:
0x2e: {  	s26 =	sadd.s32 $0x10, s26  }
0x2f: {  	p0 =	slt.u32 s26, $0x2710  }
.Ltmp1:
0x30: {  	_ = 	snop;
	(pc) =	sbr.rel @p0 .LBB2_4-.Ltmp1, $2  }
0x31: {  	_ =	sdelay $0x2  }
0x32: {  	[tilespmem:s25+$0x0] =	vst v0;
	s25 =	sadd.s32 $0x10, s25  }
0x33: {  	_ =	swait.ge [sflag:s16], $0x2780  }
0x34: {  	[sflag:s16] =	ssyncset.done $0x0  }
0x35: {  	[sflag:s16] =	ssyncadd.s32 $0xFFFFD880  }
0x36: {  	_ =	swait.ge [sflag:s16], $0x2780  }
0x37: {  	[sflag:s16] =	ssyncset.done $0x0  }
0x38: {  	[sflag:s16] =	ssyncadd.s32 $0xFFFFD880  }
0x39: {  	_ =	swait.ge [sflag:s16], $0x80  }
0x3a: {  	[sflag:s16] =	ssyncset.done $0x0  }
0x3b: {  	[sflag:s16] =	ssyncadd.s32 $0xFFFFFF80  }
0x3c: {  	_ =	swait.ge [sflag:s16], $0x2850  }
0x3d: {  	[sflag:s16] =	ssyncset.done $0x0  }
0x3e: {  	[sflag:s16] =	ssyncadd.s32 $0xFFFFD7B0  }
0x3f: {  	_ =	swait.ge [sflag:s16], $0x2850  }
0x40: {  	[sflag:s16] =	ssyncset.done $0x0  }
0x41: {  	[sflag:s16] =	ssyncadd.s32 $0xFFFFD7B0  }
0x42: {  	s24 =	simm.s32 $0x4FA0;
	v1 =	vld [tilespmem:$0x4F00]  }
0x43: {  	s25 =	simm.s32 $0x7820;
	v6 =	vld [tilespmem:s24+$0xFFFFFFE0]  }
0x44: {  	v2 =	vld [tilespmem:s25+$0xFFFFFFE0]  }
0x45: {  	v3 =	vld [tilespmem:s25+$0xFFFFFFF0]  }
0x46: {  	v7 =	vld [tilespmem:s24+$0xFFFFFFF0]  }
0x47: {  	v5 =	vld [tilespmem:s25+$0x10]  }
0x48: {  	v17 =	vld [tilespmem:s24+$0x10]  }
0x49: {  	v4 =	vld [tilespmem:s25+$0x0]  }
0x4a: {  	v8 =	vld [tilespmem:s24+$0x0]  }
0x4b: {  	v10 =	vld.idx.msk [tilespmem:v6+s2+$0x0], $0xffff  }
0x4c: {  	v11 =	vld.idx.msk [tilespmem:v2+s12+$0x0], $0xffff  }
0x4d: {  	v12 =	vld.idx.msk [tilespmem:v3+s12+$0x0], $0xffff  }
0x4e: {  	v13 =	vld.idx.msk [tilespmem:v7+s2+$0x0], $0xffff  }
0x4f: {  	v14 =	vld.idx.msk [tilespmem:v5+s12+$0x0], $0xffff  }
0x50: {  	v15 =	vld.idx.msk [tilespmem:v17+s2+$0x0], $0xffff  }
0x51: {  	v7 =	vshll.u32 v7, $0xE  }
0x52: {  	v9 =	vor.u32 v3, v7;
	v7 =	vadd.f32 v11, v10  }
0x53: {  	v16 =	vshll.u32 v6, $0xE;
	v10 =	vadd.f32 v11, v1;
	v13 =	vadd.f32 v12, v13  }
0x54: {  	v18 =	vshll.u32 v8, $0xE;
	v12 =	vadd.f32 v12, v1;
	v23 =	vadd.f32 v14, v1  }
0x55: {  	v11 =	vld.idx.msk [tilespmem:v4+s12+$0x0], $0xffff;
	v14 =	vadd.f32 v14, v15;
	vm0 =	vge.f32 v7, $0.0e+00;
	v19 =	vmul.f32 $2.000000030e-01, v7  }
0x56: {  	s25 =	simm.s32 $0x4FE0;
	v8 =	vld.idx.msk [tilespmem:v8+s2+$0x0], $0xffff;
	v20 =	vmul.f32 $2.000000030e-01, v10;
	vm1 =	vge.f32 v10, $0.0e+00;
	v22 =	vmul.f32 $2.000000030e-01, v13  }
0x57: {  	s26 =	simm.s32 $0x7860;
	v21 =	vld [tilespmem:s25+$0xFFFFFFE0];
	vm11 =	vge.f32 v12, $0.0e+00;
	vm12 =	vge.f32 v13, $0.0e+00;
	v24 =	vmul.f32 $2.000000030e-01, v14  }
0x58: {  	v6 =	vld [tilespmem:s26+$0xFFFFFFE0];
	vm13 =	vge.f32 v14, $0.0e+00;
	v10 =	vsel vm1, v10, v20;
	v15 =	vsel vm0, v7, v19  }
0x59: {  	vm14 =	vge.f32 v23, $0.0e+00;
	v7 =	vld [tilespmem:s26+$0xFFFFFFF0];
	v19 =	vmul.f32 $2.000000030e-01, v12;
	v15 =	vsub.f32 v15, v10  }
0x5a: {  	v25 =	vld [tilespmem:s25+$0xFFFFFFF0];
	v13 =	vsel vm12, v13, v22;
	v22 =	vmul.f32 $2.000000030e-01, v23;
	v20 =	vadd.f32 v11, v1  }
0x5b: {  	v10 =	vld [tilespmem:s25+$0x10];
	v12 =	vsel vm11, v12, v19;
	v19 =	vadd.f32 v11, v8;
	v15 =	vmul.f32 $1.442695020e+00, v15  }
0x5c: {  	v14 =	vsel vm13, v14, v24;
	v11 =	vld [tilespmem:s26+$0x10];
	v26 =	vmul.f32 $2.000000030e-01, v20;
	v12 =	vsub.f32 v13, v12  }
0x5d: {  	v24 =	vld [tilespmem:s25+$0x0];
	v13 =	vsel vm14, v23, v22;
	(erf) = vpow2.f32 v15;
	v15 =	vmul.f32 $2.000000030e-01, v19  }
0x5e: {  	v8 =	vld [tilespmem:s26+$0x0];
	vm2 =	vge.f32 v20, $0.0e+00;
	vm15 =	vge.f32 v19, $0.0e+00;
	v23 =	vsub.f32 v14, v13  }
0x5f: {  	v27 =	vld.idx.msk [tilespmem:v21+s2+$0x0], $0xffff;
	v20 =	vsel vm2, v20, v26;
	v12 =	vmul.f32 $1.442695020e+00, v12;
	v15 =	vsel vm15, v19, v15  }
0x60: {  	v22 =	vld.idx.msk [tilespmem:v6+s12+$0x0], $0xffff;
	v15 =	vsub.f32 v15, v20  }
0x61: {  	(erf) = vpow2.f32 v12;
	v19 =	vld.idx.msk [tilespmem:v7+s12+$0x0], $0xffff;
	v20 =	vmul.f32 $1.442695020e+00, v23  }
0x62: {  	v14 =	vor.u32 v2, v16;
	v16 =	vshll.u32 v25, $0xE;
	v23 =	vld.idx.msk [tilespmem:v25+s2+$0x0], $0xffff;
	v25 =	vmul.f32 $1.442695020e+00, v15  }
0x63: {  	v13 =	vor.u32 v4, v18;
	v18 =	vld.idx.msk [tilespmem:v10+s2+$0x0], $0xffff;
	(erf) = vpow2.f32 v20  }
0x64: {  	s29 =	simm.s32 $0x40;
	v26 =	vshll.u32 v21, $0xE;
	v12 =	vshll.u32 v24, $0xE;
	v21 =	vld.idx.msk [tilespmem:v11+s12+$0x0], $0xffff;
	(erf) = vpow2.f32 v25  }
0x65: {  	s30 =	simm.s32 $0x78A0;
	s31 =	simm.s32 $0x5020;
	s28 =	simm.s32 $0xF0A0;
	v16 =	vor.u32 v7, v16;
	v15 =	vor.u32 v8, v12;
	v12 =	vor.u32 v6, v26;
	v20 =	vld.idx.msk [tilespmem:v24+s2+$0x0], $0xffff  }
0x66: {  	s24 =	simm.s32 $0xF0A0;
	s25 =	simm.s32 $0xA0A0;
	s26 =	simm.s32 $0xA0A0;
	v26 =	vadd.f32 v22, v1;
	v24 =	vshll.u32 v17, $0xE;
	v25 =	vadd.f32 v22, v27;
	v22 =	vld.idx.msk [tilespmem:v8+s12+$0x0], $0xffff;
	v17 =	vpop (erf)  }
.LBB2_6:
0x67: {  	v27 =	vld [tilespmem:s31+$0xFFFFFFE0];
	s29 =	sadd.s32 $0x40, s29;
	v23 =	vadd.f32 v19, v23;
	v19 =	vadd.f32 v19, v1;
	v24 =	vor.u32 v5, v24;
	s24 =	sadd.s32 $0x40, s24;
	s25 =	sadd.s32 $0x40, s25;
	v28 =	vmovc v10  }
0x68: {  	v29 =	vld [tilespmem:s30+$0xFFFFFFE0];
	p0 =	slt.u32 s29, $0x2800;
	vm0 =	vge.f32 v25, $0.0e+00;
	v30 =	vmul.f32 $2.000000030e-01, v25;
	v10 =	vmul.f32 $2.000000030e-01, v26  }
0x69: {  	v33 =	vadd.f32 v21, v1;
	vm1 =	vge.f32 v26, $0.0e+00;
	v31 =	vld [tilespmem:s31+$0xFFFFFFF0];
	v32 =	vmul.f32 $2.000000030e-01, v23  }
0x6a: {  	v18 =	vadd.f32 v21, v18;
	v34 =	vld [tilespmem:s30+$0xFFFFFFF0];
	v26 =	vsel vm1, v26, v10;
	vm1 =	vge.f32 v19, $0.0e+00;
	v35 =	vpop (erf)  }
0x6b: {  	v21 =	vsel vm0, v25, v30;
	vm0 =	vge.f32 v23, $0.0e+00;
	v25 =	vmul.f32 $2.000000030e-01, v19;
	v10 =	vld [tilespmem:s31+$0x10];
	[tilespmem:s26+$0xFFFFFFF0] =	vst v35  }
0x6c: {  	v36 =	vmul.f32 $2.000000030e-01, v18;
	v21 =	vsub.f32 v21, v26;
	v26 =	vadd.f32 v22, v1;
	v30 =	vld [tilespmem:s30+$0x0];
	[tilespmem:s28+$0xFFFFFFF0] =	vst v9;
	v37 =	vpop (erf)  }
0x6d: {  	v20 =	vadd.f32 v22, v20;
	v19 =	vsel vm1, v19, v25;
	vm1 =	vge.f32 v18, $0.0e+00;
	v38 =	vld [tilespmem:s31+$0x0];
	[tilespmem:s26+$0x10] =	vst v37;
	v22 =	vpop (erf)  }
0x6e: {  	v9 =	vmovc v16;
	v21 =	vmul.f32 $1.442695020e+00, v21;
	vm2 =	vge.f32 v26, $0.0e+00;
	v36 =	vsel vm1, v18, v36;
	v25 =	vld [tilespmem:s30+$0x10];
	[tilespmem:s26+$0x0] =	vst v22  }
0x6f: {  	v16 =	vsel vm0, v23, v32;
	v23 =	vmul.f32 $2.000000030e-01, v33;
	v18 =	vmul.f32 $2.000000030e-01, v20;
	v39 =	vld.idx.msk [tilespmem:v27+s2+$0x0], $0xffff;
	[tilespmem:s28+$0x10] =	vst v24  }
0x70: {  	v16 =	vsub.f32 v16, v19;
	vm0 =	vge.f32 v20, $0.0e+00;
	v32 =	vmul.f32 $2.000000030e-01, v26;
	v24 =	vld.idx.msk [tilespmem:v29+s12+$0x0], $0xffff;
	[tilespmem:s28+$0x0] =	vst v13;
	v13 =	vmovc v15  }
0x71: {  	v15 =	vsel vm0, v20, v18;
	vm0 =	vge.f32 v33, $0.0e+00;
	(erf) = vpow2.f32 v21;
	[tilespmem:v5+s17+$0x0] =	vst.idx.add.f32.msk $0xffff, v37;
	v5 =	vmovc v11  }
0x72: {  	v20 =	vmul.f32 $1.442695020e+00, v16;
	v37 =	vsel vm2, v26, v32;
	v16 =	vsel vm0, v33, v23;
	v19 =	vld.idx.msk [tilespmem:v34+s12+$0x0], $0xffff  }
0x73: {  	v21 =	vshll.u32 v31, $0xE;
	v26 =	vsub.f32 v15, v37;
	v32 =	vsub.f32 v36, v16;
	v18 =	vld.idx.msk [tilespmem:v10+s2+$0x0], $0xffff;
	[tilespmem:s26+$0xFFFFFFE0] =	vst v17;
	s26 =	smov.u32 s25  }
0x74: {  	v27 =	vshll.u32 v27, $0xE;
	v16 =	vor.u32 v34, v21;
	v15 =	vshll.u32 v38, $0xE;
	v11 =	vmovc v25;
	v23 =	vld.idx.msk [tilespmem:v31+s2+$0x0], $0xffff;
	[tilespmem:s28+$0xFFFFFFE0] =	vst v14;
	s28 =	smov.u32 s24  }
0x75: {  	v15 =	vor.u32 v30, v15;
	v31 =	vmul.f32 $1.442695020e+00, v32;
	(erf) = vpow2.f32 v20;
	[tilespmem:v2+s17+$0x0] =	vst.idx.add.f32.msk $0xffff, v17;
	v2 =	vmovc v6  }
.Ltmp2:
0x76: {  	v14 =	vmovc v12;
	v12 =	vor.u32 v29, v27;
	v17 =	vmul.f32 $1.442695020e+00, v26;
	v6 =	vmov v29;
	v21 =	vld.idx.msk [tilespmem:v25+s12+$0x0], $0xffff;
	(pc) =	sbr.rel @p0 .LBB2_6-.Ltmp2, $4  }
0x77: {  	(erf) = vpow2.f32 v31;
	[tilespmem:v3+s17+$0x0] =	vst.idx.add.f32.msk $0xffff, v35;
	v3 =	vmov v7;
	v7 =	vmov v34  }
0x78: {  	(erf) = vpow2.f32 v17;
	[tilespmem:v4+s17+$0x0] =	vst.idx.add.f32.msk $0xffff, v22;
	v4 =	vmov v8;
	v8 =	vmov v30  }
0x79: {  	v20 =	vld.idx.msk [tilespmem:v38+s2+$0x0], $0xffff  }
0x7a: {  	s31 =	sadd.s32 $0x40, s31;
	s30 =	sadd.s32 $0x40, s30;
	v26 =	vadd.f32 v24, v1;
	v25 =	vadd.f32 v24, v39;
	v24 =	vshll.u32 v28, $0xE;
	v22 =	vld.idx.msk [tilespmem:v30+s12+$0x0], $0xffff;
	v17 =	vpop (erf)  }
0x7b: {  	v23 =	vadd.f32 v19, v23  }
0x7c: {  	v45 =	vadd.f32 v19, v1;
	v30 =	vadd.f32 v21, v1  }
0x7d: {  	v18 =	vadd.f32 v21, v18;
	vm0 =	vge.f32 v25, $0.0e+00;
	v27 =	vmul.f32 $2.000000030e-01, v25  }
0x7e: {  	v28 =	vmul.f32 $2.000000030e-01, v26;
	vm1 =	vge.f32 v26, $0.0e+00;
	v29 =	vmul.f32 $2.000000030e-01, v23  }
0x7f: {  	vm9 =	vge.f32 v45, $0.0e+00;
	vm10 =	vge.f32 v23, $0.0e+00;
	v47 =	vmul.f32 $2.000000030e-01, v45  }
0x80: {  	v49 =	vmul.f32 $2.000000030e-01, v18;
	v26 =	vsel vm1, v26, v28;
	v46 =	vsel vm0, v25, v27  }
0x81: {  	v21 =	vsub.f32 v46, v26;
	v19 =	vsel vm9, v45, v47;
	v50 =	vsel vm10, v23, v29  }
0x82: {  	vm11 =	vge.f32 v18, $0.0e+00;
	v52 =	vmul.f32 $2.000000030e-01, v30;
	v19 =	vsub.f32 v50, v19  }
0x83: {  	[tilespmem:s26+$0xFFFFFFE0] =	vst v17;
	vm13 =	vge.f32 v30, $0.0e+00;
	v20 =	vadd.f32 v22, v20;
	v21 =	vmul.f32 $1.442695020e+00, v21  }
0x84: {  	[tilespmem:s28+$0xFFFFFFE0] =	vst v14;
	v54 =	vpop (erf);
	v18 =	vsel vm11, v18, v49;
	v55 =	vsel vm13, v30, v52;
	v19 =	vmul.f32 $1.442695020e+00, v19  }
0x85: {  	[tilespmem:v2+s17+$0x0] =	vst.idx.add.f32.msk $0xffff, v17;
	v48 =	vadd.f32 v22, v1;
	v18 =	vsub.f32 v18, v55;
	v56 =	vpop (erf);
	(erf) = vpow2.f32 v21  }
0x86: {  	[tilespmem:s26+$0xFFFFFFF0] =	vst v54;
	v51 =	vmul.f32 $2.000000030e-01, v20;
	v57 =	vpop (erf);
	(erf) = vpow2.f32 v19  }
0x87: {  	[tilespmem:s28+$0xFFFFFFF0] =	vst v9;
	v53 =	vmul.f32 $2.000000030e-01, v48;
	v18 =	vmul.f32 $1.442695020e+00, v18  }
0x88: {  	vm12 =	vge.f32 v20, $0.0e+00;
	vm2 =	vge.f32 v48, $0.0e+00;
	[tilespmem:s26+$0x10] =	vst v56  }
0x89: {  	[tilespmem:v3+s17+$0x0] =	vst.idx.add.f32.msk $0xffff, v54;
	v20 =	vsel vm12, v20, v51;
	v22 =	vsel vm2, v48, v53;
	(erf) = vpow2.f32 v18  }
0x8a: {  	v58 =	vor.u32 v5, v24;
	[tilespmem:s26+$0x0] =	vst v57;
	v20 =	vsub.f32 v20, v22  }
0x8b: {  	[tilespmem:s28+$0x10] =	vst v58  }
0x8c: {  	[tilespmem:s28+$0x0] =	vst v13;
	v20 =	vmul.f32 $1.442695020e+00, v20  }
0x8d: {  	[tilespmem:v5+s17+$0x0] =	vst.idx.add.f32.msk $0xffff, v56  }
0x8e: {  	s25 =	sadd.s32 $0x40, s25;
	[tilespmem:v4+s17+$0x0] =	vst.idx.add.f32.msk $0xffff, v57;
	(erf) = vpow2.f32 v20;
	v2 =	vpop (erf)  }
0x8f: {  	v3 =	vpop (erf);
	[tilespmem:s25+$0xFFFFFFE0] =	vst v2  }
0x90: {  	s24 =	sadd.s32 $0x40, s24;
	[tilespmem:s25+$0xFFFFFFF0] =	vst v3  }
0x91: {  	[tilespmem:s24+$0xFFFFFFE0] =	vst v12  }
0x92: {  	v59 =	vpop (erf);
	[tilespmem:s24+$0xFFFFFFF0] =	vst v16  }
0x93: {  	v60 =	vshll.u32 v10, $0xE;
	[tilespmem:s25+$0x10] =	vst v59  }
0x94: {  	v5 =	vor.u32 v11, v60;
	[tilespmem:v6+s17+$0x0] =	vst.idx.add.f32.msk $0xffff, v2  }
0x95: {  	[tilespmem:s24+$0x10] =	vst v5  }
0x96: {  	[tilespmem:v7+s17+$0x0] =	vst.idx.add.f32.msk $0xffff, v3  }
0x97: {  	v61 =	vpop (erf);
	[tilespmem:v11+s17+$0x0] =	vst.idx.add.f32.msk $0xffff, v59  }
0x98: {  	[tilespmem:s25+$0x0] =	vst v61  }
0x99: {  	[tilespmem:s24+$0x0] =	vst v15  }
0x9a: {  	[tilespmem:v8+s17+$0x0] =	vst.idx.add.f32.msk $0xffff, v61  }
0x9b: {  	v2 =	vld [tilespmem:$0x77C0]  }
0x9c: {  	v3 =	vld [tilespmem:$0xA040];
	_ =	sdelay $0x6  }
0x9d: {  	v4 =	vld.idx.msk [tilespmem:v2+s2+$0x0], $0xffff  }
0x9e: {  	v5 =	vld.idx.msk [tilespmem:v3+s12+$0x0], $0xffff;
	_ =	sdelay $0x4  }
0x9f: {  	v4 =	vadd.f32 v5, v4;
	v1 =	vadd.f32 v5, v1;
	_ =	sdelay $0x1  }
0xa0: {  	v62 =	vmul.f32 $2.000000030e-01, v4;
	v63 =	vmul.f32 $2.000000030e-01, v1  }
0xa1: {  	vm14 =	vge.f32 v4, $0.0e+00;
	vm15 =	vge.f32 v1, $0.0e+00  }
0xa2: {  	v4 =	vsel vm14, v4, v62;
	v1 =	vsel vm15, v1, v63  }
0xa3: {  	v1 =	vsub.f32 v4, v1;
	_ =	sdelay $0x1  }
0xa4: {  	v1 =	vmul.f32 $1.442695020e+00, v1;
	_ =	sdelay $0x1  }
0xa5: {  	(erf) = vpow2.f32 v1;
	_ =	sdelay $0x6  }
0xa6: {  	v2 =	vshll.u32 v2, $0xE  }
0xa7: {  	v2 =	vor.u32 v3, v2  }
0xa8: {  	[tilespmem:$0x118C0] =	vst v2;
	v1 =	vpop (erf)  }
0xa9: {  	[tilespmem:$0xC8C0] =	vst v1  }
0xaa: {  	[tilespmem:v3+s17+$0x0] =	vst.idx.add.f32.msk $0xffff, v1  }
0xab: {  	[hbm4b:s8+s2] =	stream.linear.scatter [tilespmem:s18], [sflag:$0x2], $0x2850, $0x38;
	[tilespmem:$0x11900] =	vst v63  }
0xac: {  	_ =	swait.ge [sflag:s19], $0x2850  }
0xad: {  	[sflag:s19] =	ssyncset.done $0x0  }
0xae: {  	[sflag:s19] =	ssyncadd.s32 $0xFFFFD7B0  }
0xaf: {  	[hbm4b:s9+s2] =	stream.linear.scatter [tilespmem:s20], [sflag:$0x2], $0x2850, $0x38;
	[tilespmem:$0x11900] =	vst v63  }
0xb0: {  	s23 =	sadd.s32 $0x1, s23;
	_ =	swait.ge [sflag:s19], $0x2850  }
0xb1: {  	p0 =	sne.s32 s23, s11;
	[sflag:s19] =	ssyncset.done $0x0  }
.Ltmp3:
0xb2: {  	[sflag:s19] =	ssyncadd.s32 $0xFFFFD7B0;
	(pc) =	sbr.rel @p0 .LBB2_1-.Ltmp3, $4  }
0xb3: {  	[hbm4b:s10+s21] =	stream.strided.scatter [tilespmem:s17], [sflag:$0x2], $0x2780, s22, s21, $0x38;
	[tilespmem:$0x11900] =	vst v63  }
0xb4: {  	_ =	swait.ge [sflag:s19], $0x2780  }
0xb5: {  	[sflag:s19] =	ssyncset.done $0x0  }
0xb6: {  	[sflag:s19] =	ssyncadd.s32 $0xFFFFD880  }
0xb7: {  	_ =	sfence.sel $0x180000  }
0xb8: {  	[bflag:$0x0] =	sbarrier.arrive $0xFFFF  }
0xb9: {  	p0 =	sne.s32 s1, $0x0;
	_ =	strace $0x90000047  }
0xba: {  	s0 =	sadd.s32 @!p0 $0x100000, s0;
	[bflag:$0x2] =	sbarrier.arrive $0xFFFF  }
0xbb: {  	[sflag:s0] =	ssyncadd.tile.s32 @!p0 $0x1;
	_ =	shalt  }
.Lfunc_end2:
_tile_overlayer_lowered:
.L_overlay_start_2:
0xbc: {  	(tag) =	ssettag $0x2  }
0xbd: {  	s0 =	rddreg [dreg:$0x0];
	s2 =	stileid.u32  }
0xbe: {  	s1 =	rddreg [dreg:$0x1];
	p0 =	sne.s32 s2, $0x0  }
0xbf: {  	s3 =	rddreg [dreg:$0x2];
	[bflag:$0x3] =	sbarrier.arrive $0xFFFF;
	s2 =	simm.s32 @!p0 $0x1C02  }
0xc0: {  	[timem:s3], [sflag:s2] =	dma.local @!p0 [hbm:s0], s1  }
0xc1: {  	s0 =	simm.s32 @!p0 $0x2  }
0xc2: {  	_ =	swait.ge @!p0 [sflag:s0], s1  }
0xc3: {  	s1 =	ssub.s32 @!p0 $0x0, s1;
	[sflag:s0] =	ssyncset.done @!p0 $0x0  }
0xc4: {  	[sflag:s0] =	ssyncadd.s32 @!p0 s1  }
0xc5: {  	[bflag:$0x3] =	sbarrier.arrive $0xFFFF  }
0xc6: {  	_ =	shalt  }

// kernel: kernel.16.cloned.1.call-start
scs
__scs_entry_jumppad:
0x0: {  	(pc) =	sbr.rel $0x88, $3  }
0x1: {  	(tag) =	ssettag $0x0;
	lr =	simm.s32 $0x1  }
0x2: {  	[smem:$0x3F97] =	sst lr;
	_ =	strace $0xD0000000  }
0x3: {  	_ = 	snop  }
0x4: {  	_ = 	snop  }
0x5: {  	_ = 	snop  }
0x6: {  	_ = 	snop  }
0x7: {  	_ = 	snop  }
__scs_overlays_trampoline_lowered:
0x8: {  	[smem:$0x3FA6] =	sst s0  }
0x9: {  	[smem:$0x3FA7] =	sst s1  }
0xa: {  	[smem:$0x3FA8] =	sst s2  }
0xb: {  	[smem:$0x3FA9] =	sst s3  }
0xc: {  	[smem:$0x3FAA] =	sst s4  }
0xd: {  	[smem:$0x3FAB] =	sst s5  }
0xe: {  	[smem:$0x3FAC] =	sst s6  }
0xf: {  	[smem:$0x3FAD] =	sst s7  }
0x10: {  	[smem:$0x3FAE] =	sst s8  }
0x11: {  	[smem:$0x3FAF] =	sst s9;
	s0 =	simm.s32 @!p0 $0x0  }
0x12: {  	s1 =	sld [smem:$0x3F95];
	s0 =	simm.s32 @p0 $0x1  }
0x13: {  	[smem:$0x3FB0] =	sst s0;
	s0 =	simm.s32 @!p1 $0x0  }
0x14: {  	s2 =	sld [smem:$0x3F94];
	s0 =	simm.s32 @p1 $0x1  }
0x15: {  	[smem:$0x3FB1] =	sst s0;
	s0 =	simm.s32 @!p2 $0x0  }
0x16: {  	s3 =	sld [smem:$0x3FDB];
	s0 =	simm.s32 @p2 $0x1  }
0x17: {  	s4 =	simm.s32 $0x1BF5;
	[smem:$0x3FB3] =	sst s0  }
0x18: {  	s0 =	sld [smem:$0x3F96];
	_ =	swait.ge [sflag:s4], $0x0  }
0x19: {  	s7 =	sld [smem:$0x3F97]  }
0x1a: {  	s8 =	sadd.s32 $0xFFFFE003, lr  }
0x1b: {  	s9 =	sadd.s32 $0xFFFFFEF7, lr;
	s5 =	simm.s32 $0xFFFFFFFF;
	p2 =	slt.u32 s8, $0xFFFFF086  }
0x1c: {  	p1 =	slt.u32 s9, $0xF7A;
	s5 =	simm.s32 @!p2 $0x0  }
0x1d: {  	s5 =	simm.s32 @p1 $0x1;
	p0 =	seq.s32 s7, s2  }
0x1e: {  	s7 =	smul.u32 @!p0 $0xF7A, s2;
	p2 =	seq.s32 @!p0 s5, $0x0  }
0x1f: {  	s9 =	smul.u32 $0xF7A, s1;
	s8 =	simm.s32 @!p0 $0x1BF5;
	p2 =	por !p2, p0  }
0x20: {  	[sflag:s8] =	ssyncset.s32 @!p0 $0xFFFFF086;
	s6 =	sadd.s32 @!p0 s3, s7;
	s7 =	simm.s32 @!p0 $0x108  }
0x21: {  	s3 =	sadd.s32 s3, s9;
	s6 =	sadd.s32 @!p0 $0x88, s6;
	s7 =	simm.s32 @p2 $0x1082  }
0x22: {  	[simem:s7], [sflag:s8] =	dma.local @!p0 [hbm:s6], $0xF7A  }
0x23: {  	s9 =	sor.u32 $0xD0000000, s2;
	s6 =	simm.s32 $0x108;
	_ =	swait.ge @!p0 [sflag:s8], $0x0  }
0x24: {  	s3 =	sadd.s32 $0x88, s3;
	s6 =	simm.s32 @!p1 $0x1082;
	[sflag:s4] =	ssyncset.s32 $0xFFFFF086  }
0x25: {  	[simem:s6], [sflag:s4] =	dma.local [hbm:s3], $0xF7A  }
0x26: {  	[smem:$0x3F97] =	sst s1;
	(tag) =	ssettag s2;
	_ =	strace s9  }
0x27: {  	s1 =	sld [smem:$0x3FA7]  }
0x28: {  	s2 =	sld [smem:$0x3FA8]  }
0x29: {  	s4 =	sld [smem:$0x3FAA]  }
0x2a: {  	p0 =	seq.s32 s5, $0x0;
	s5 =	sld [smem:$0x3FAB]  }
0x2b: {  	s6 =	sld [smem:$0x3FAC]  }
0x2c: {  	s7 =	sld [smem:$0x3FAD]  }
0x2d: {  	s3 =	simm.s32 $0x108;
	s8 =	sld [smem:$0x3FAE]  }
0x2e: {  	s3 =	simm.s32 @!p0 $0x1082;
	s9 =	sld [smem:$0x3FAF]  }
0x2f: {  	lr =	sadd.s32 s0, s3;
	s0 =	sld [smem:$0x3FA6]  }
0x30: {  	s3 =	sld [smem:$0x3FA9]  }
0x31: {  	[smem:$0x3FB2] =	sst s10  }
0x32: {  	s10 =	sld [smem:$0x3FB0];
	_ =	sdelay $0x3  }
0x33: {  	p0 =	seq.s32 s10, $0x1;
	s10 =	sld [smem:$0x3FB2];
	_ =	sdelay $0x3  }
0x34: {  	[smem:$0x3FB2] =	sst s10  }
0x35: {  	s10 =	sld [smem:$0x3FB1];
	_ =	sdelay $0x3  }
0x36: {  	p1 =	seq.s32 s10, $0x1;
	s10 =	sld [smem:$0x3FB2];
	_ =	sdelay $0x3  }
0x37: {  	[smem:$0x3FB2] =	sst s10  }
0x38: {  	s10 =	sld [smem:$0x3FB3]  }
0x39: {  	_ = 	snop;
	(pc) =	sbr.ind lr, $3  }
0x3a: {  	_ = 	snop  }
0x3b: {  	_ = 	snop  }
0x3c: {  	p2 =	seq.s32 s10, $0x1;
	s10 =	sld [smem:$0x3FB2]  }
0x3d: {  	_ =	shalt  }
0x3e: {  	_ =	shalt  }
0x3f: {  	_ =	shalt  }
0x40: {  	_ =	shalt  }
0x41: {  	_ =	shalt  }
0x42: {  	_ =	shalt  }
0x43: {  	_ =	shalt  }
0x44: {  	_ =	shalt  }
0x45: {  	_ =	shalt  }
0x46: {  	_ =	shalt  }
0x47: {  	_ =	shalt  }
0x48: {  	_ =	shalt  }
0x49: {  	_ =	shalt  }
0x4a: {  	_ =	shalt  }
0x4b: {  	_ =	shalt  }
0x4c: {  	_ =	shalt  }
0x4d: {  	_ =	shalt  }
0x4e: {  	_ =	shalt  }
0x4f: {  	_ =	shalt  }
0x50: {  	_ =	shalt  }
0x51: {  	_ =	shalt  }
0x52: {  	_ =	shalt  }
0x53: {  	_ =	shalt  }
0x54: {  	_ =	shalt  }
0x55: {  	_ =	shalt  }
0x56: {  	_ =	shalt  }
0x57: {  	_ =	shalt  }
0x58: {  	_ =	shalt  }
0x59: {  	_ =	shalt  }
0x5a: {  	_ =	shalt  }
0x5b: {  	_ =	shalt  }
0x5c: {  	_ =	shalt  }
0x5d: {  	_ =	shalt  }
0x5e: {  	_ =	shalt  }
0x5f: {  	_ =	shalt  }
0x60: {  	_ =	shalt  }
0x61: {  	_ =	shalt  }
0x62: {  	_ =	shalt  }
0x63: {  	_ =	shalt  }
0x64: {  	_ =	shalt  }
0x65: {  	_ =	shalt  }
0x66: {  	_ =	shalt  }
0x67: {  	_ =	shalt  }
0x68: {  	_ =	shalt  }
0x69: {  	_ =	shalt  }
0x6a: {  	_ =	shalt  }
0x6b: {  	_ =	shalt  }
0x6c: {  	_ =	shalt  }
0x6d: {  	_ =	shalt  }
0x6e: {  	_ =	shalt  }
0x6f: {  	_ =	shalt  }
0x70: {  	_ =	shalt  }
0x71: {  	_ =	shalt  }
0x72: {  	_ =	shalt  }
0x73: {  	_ =	shalt  }
0x74: {  	_ =	shalt  }
0x75: {  	_ =	shalt  }
0x76: {  	_ =	shalt  }
0x77: {  	_ =	shalt  }
0x78: {  	_ =	shalt  }
0x79: {  	_ =	shalt  }
0x7a: {  	_ =	shalt  }
0x7b: {  	_ =	shalt  }
0x7c: {  	_ =	shalt  }
0x7d: {  	_ =	shalt  }
0x7e: {  	_ =	shalt  }
0x7f: {  	_ =	shalt  }
0x80: {  	_ =	shalt  }
0x81: {  	_ =	shalt  }
0x82: {  	_ =	shalt  }
0x83: {  	_ =	shalt  }
0x84: {  	_ =	shalt  }
0x85: {  	_ =	shalt  }
0x86: {  	_ =	shalt  }
0x87: {  	_ =	shalt  }
.Lfunc_end0:
.L_simem_size_0:
called_computation.1_lowered:
.L_overlay_start_0:
0x88: {  	s2 =	sld [smem:$0x3FD9]  }
0x89: {  	s3 =	sld [smem:$0x3FFE];
	_ =	sdelay $0x1  }
0x8a: {  	s1 =	srdreg.scid  }
0x8b: {  	s0 =	sand.u32 $0x1, s1  }
0x8c: {  	s14 =	sshll.u32 s0, $0xA;
	s2 =	sadd.s32 s3, s2  }
0x8d: {  	s2 =	sadd.s32 s2, s14  }
0x8e: {  	[smem:$0x3FBE] =	sst s2  }
0x8f: {  	_ = 	snop  }
0x90: {  	s2 =	sld [smem:$0x3FD0];
	_ =	sdelay $0x2  }
0x91: {  	s15 =	simm.s32 $0xA;
	s4 =	simm.s32 $0x10  }
0x92: {  	[smem:s4], [sflag:s15] =	dma.local [hbm:s2], $0x1  }
0x93: {  	_ =	swait.eq [sflag:s15], $0x1  }
0x94: {  	s16 =	sld [smem:$0x11];
	[sflag:s15] =	ssyncset.done $0x0  }
0x95: {  	s17 =	sld [smem:$0x12];
	[sflag:s15] =	ssyncadd.s32 $0xFFFFFFFF  }
0x96: {  	s18 =	sld [smem:$0x13];
	(tm) =	ssettm $0x1  }
0x97: {  	s5 =	sld [smem:$0x3FFB];
	_ =	sdelay $0x3  }
0x98: {  	_ =	strace s5  }
0x99: {  	s5 =	sld [smem:$0x3FFC];
	_ =	sdelay $0x3  }
0x9a: {  	_ =	strace s5  }
0x9b: {  	s5 =	sld [smem:$0x3FFD];
	_ =	sdelay $0x3  }
0x9c: {  	_ =	strace s5  }
0x9d: {  	_ =	strace $0x8FFFFFFF  }
0x9e: {  	s19 =	sld [smem:$0x3FDB];
	_ =	sdelay $0x1  }
0x9f: {  	s6 =	simm.s32 $_scs_section_size  }
0xa0: {  	s7 =	simm.s32 $_size__tile_overlayer_lowered;
	s8 =	simm.s32 $_tile_overlayer_lowered  }
0xa1: {  	s22 =	simm.s32 $0x1BFF;
	s21 =	sshll.u32 s8, $0x1;
	s5 =	sadd.s32 s6, s19  }
0xa2: {  	s9 =	simm.s32 $0x0;
	s20 =	sshll.u32 s7, $0x1;
	s7 =	sadd.s32 s21, s5  }
0xa3: {  	[timem:s9], [sflag:s22] =	dma.local [hbm:s7], s20  }
0xa4: {  	_ =	swait.ge [sflag:s22], s20  }
0xa5: {  	s6 =	ssub.s32 $0x0, s20;
	[sflag:s22] =	ssyncset.done $0x0  }
0xa6: {  	[sflag:s22] =	ssyncadd.s32 s6;
	_ =	sdelay $0x1  }
0xa7: {  	s23 =	simm.s32 $0x1B8B  }
0xa8: {  	_ =	swait.ge [sflag:s23], $0x1  }
0xa9: {  	[sflag:s23] =	ssyncset.done $0x0  }
0xaa: {  	s25 =	simm.s32 $0x1B8E;
	s24 =	sld [smem:$0x3FFE];
	[sflag:s23] =	ssyncadd.s32 $0xFFFFFFFF  }
0xab: {  	s26 =	simm.s32 $execute0_lowered;
	[smem:$0x3FD2] =	sst s25  }
0xac: {  	s7 =	sshll.u32 s26, $0x1;
	_ =	strace $0x80000049;
	[dreg:$0x1] =	wrdreg $0xFFFFFFFF  }
0xad: {  	s28 =	simm.s32 $_size_execute0_lowered;
	s5 =	sadd.s32 s5, s7;
	[dreg:$0x0] =	wrdreg $0x0  }
0xae: {  	s7 =	sshll.u32 s28, $0x1;
	[dreg:$0x2] =	wrdreg s5  }
0xaf: {  	[dreg:$0x3] =	wrdreg s7  }
0xb0: {  	[dreg:$0x4] =	wrdreg $0xC0  }
0xb1: {  	_ =	task [dreg:s9], $0x5FFFF  }
0xb2: {  	[dreg:$0x1] =	wrdreg $0xFFFFFFFF  }
0xb3: {  	[dreg:$0x0] =	wrdreg $0x60  }
0xb4: {  	[dreg:$0x2] =	wrdreg s18  }
0xb5: {  	[dreg:$0x3] =	wrdreg s16  }
0xb6: {  	[dreg:$0x4] =	wrdreg s24  }
0xb7: {  	[dreg:$0x5] =	wrdreg s17  }
0xb8: {  	[dreg:$0x6] =	wrdreg $0x9  }
0xb9: {  	_ =	task.clear_ibuf [dreg:s9], $0x7FFFF;
	_ =	strace $0x90000049  }
0xba: {  	s29 =	simm.s32 $0x9;
	_ =	strace $0x8000004B  }
0xbb: {  	_ =	swait.ge [sflag:s29], $0x1  }
0xbc: {  	[sflag:s29] =	ssyncadd.s32 $0xFFFFFFFF  }
0xbd: {  	_ =	strace $0x9000004B  }
0xbe: {  	_ =	sfence  }
0xbf: {  	s30 =	sld [smem:$0x0];
	_ =	sdelay $0x2  }
0xc0: {  	s31 =	sshll.u32 s1, $0xD;
	s1 =	sshrl.u32 s1, $0x2  }
0xc1: {  	s3 =	sand.u32 $0x4000, s31;
	s1 =	sadd.s32 s1, s30  }
0xc2: {  	s0 =	sor.u32 s3, s0;
	s1 =	sshll.u32 s1, $0x11  }
0xc3: {  	s0 =	sor.u32 s1, s0  }
0xc4: {  	s0 =	sadd.s32 $0x8F2B, s0  }
0xc5: {  	[sflag:s0] =	ssyncadd.remote.s32 $0x1  }
0xc6: {  	_ =	sfence.sel $0xFFFF  }
0xc7: {  	[dreg:$0x0] =	wrdreg $0xFFFFFFFF;
	(pc) =	sbr.abs _section_cstart, $3  }
0xc8: {  	[dreg:$0x1] =	wrdreg $0xFFFFFFFF  }
0xc9: {  	_ =	task.clear_ibuf [dreg:s9], $0x2FFFF;
	_ =	strace $0x9FFFFFFF  }
0xca: {  	(tm) =	ssettm $0x7FFFFFFF  }
0xcb: {  	_ =	shalt  }
tec
execute0_lowered:
.L_overlay_start_1:
0x0: {  	(tag) =	ssettag $0x1  }
0x1: {  	s4 =	rddreg [dreg:$0x0]  }
0x2: {  	s5 =	rddreg [dreg:$0x1]  }
0x3: {  	s3 =	rddreg [dreg:$0x2]  }
0x4: {  	s1 =	srdreg.scid;
	s0 =	stileid.u32  }
0x5: {  	s6 =	rddreg [dreg:$0x3];
	s2 =	simm.s32 $0x0;
	s10 =	simm.s32 $0x5000  }
0x6: {  	s11 =	simm.s32 $0x0;
	s7 =	sand.u32 $0x1, s1;
	s8 =	sshll.u32 s0, $0x1  }
0x7: {  	s1 =	rddreg [dreg:$0x4];
	s8 =	sor.u32 s7, s8;
	s7 =	ssub.s32 $0x2, s7  }
0x8: {  	[smem:$0x7FF] =	sst s2;
	s8 =	smul.u32 $0x50A, s8;
	s9 =	sshrl.u32 s7, $0x1  }
0x9: {  	s3 =	sadd.s32 $0x29200, s3;
	_ =	strace $0x8000004A;
	s7 =	ssub.s32 s7, s9  }
0xa: {  	s9 =	simm.s32 $0x2780;
	s4 =	sadd.s32 s4, s8;
	s5 =	sadd.s32 s5, s8  }
0xb: {  	s6 =	sadd.s32 s6, s8;
	s7 =	smax.u32 s7, $0x1;
	s8 =	simm.s32 $0x1  }
.LBB2_1:
0xc: {  	[tilespmem:s2], [sflag:$0x1] =	stream.linear.gather [hbm4b:s3+s2], $0x2780, $0x38;
	[tilespmem:$0x7880] =	vst v63  }
0xd: {  	_ =	swait.ge [sflag:s8], $0x2780  }
0xe: {  	[sflag:s8] =	ssyncset.done $0x0  }
0xf: {  	[sflag:s8] =	ssyncadd.s32 $0xFFFFD880  }
0x10: {  	[tilespmem:s9], [sflag:$0x1] =	stream.linear.gather [hbm4b:s4+s2], $0x2850, $0x38;
	[tilespmem:$0x7880] =	vst v63  }
0x11: {  	_ =	swait.ge [sflag:s8], $0x2850  }
0x12: {  	[sflag:s8] =	ssyncset.done $0x0  }
0x13: {  	[sflag:s8] =	ssyncadd.s32 $0xFFFFD7B0  }
0x14: {  	[tilespmem:s10], [sflag:$0x1] =	stream.linear.gather [hbm4b:s5+s2], $0x2850, $0x38;
	[tilespmem:$0x7880] =	vst v63  }
0x15: {  	_ =	swait.ge [sflag:s8], $0x2850  }
0x16: {  	[sflag:s8] =	ssyncset.done $0x0  }
0x17: {  	s12 =	simm.s32 $0x27A0;
	[sflag:s8] =	ssyncadd.s32 $0xFFFFD7B0  }
0x18: {  	v0 =	vld [tilespmem:s12+$0x10]  }
0x19: {  	v1 =	vld [tilespmem:s12+$0xFFFFFFF0]  }
0x1a: {  	v2 =	vld [tilespmem:s12+$0xFFFFFFE0]  }
0x1b: {  	s13 =	simm.s32 $0x27E0;
	v3 =	vld [tilespmem:s12+$0x0]  }
0x1c: {  	v4 =	vld [tilespmem:s13+$0x10]  }
0x1d: {  	v9 =	vld [tilespmem:s13+$0xFFFFFFF0]  }
0x1e: {  	s12 =	simm.s32 $0x5020;
	v10 =	vld [tilespmem:s13+$0xFFFFFFE0]  }
0x1f: {  	v6 =	vld [tilespmem:s12+$0x10]  }
0x20: {  	v11 =	vld [tilespmem:s12+$0xFFFFFFE0]  }
0x21: {  	v12 =	vld [tilespmem:s12+$0xFFFFFFF0]  }
0x22: {  	v5 =	vld [tilespmem:s12+$0x0]  }
0x23: {  	v0 =	vld.idx.msk [tilespmem:v0+s2+$0x0], $0xffff  }
0x24: {  	v8 =	vld.idx.msk [tilespmem:v1+s2+$0x0], $0xffff  }
0x25: {  	v7 =	vld.idx.msk [tilespmem:v2+s2+$0x0], $0xffff  }
0x26: {  	v1 =	vld [tilespmem:s13+$0x0]  }
0x27: {  	v2 =	vld.idx.msk [tilespmem:v3+s2+$0x0], $0xffff  }
0x28: {  	v4 =	vld.idx.msk [tilespmem:v4+s2+$0x0], $0xffff;
	s13 =	simm.s32 $0x5060  }
0x29: {  	v0 =	vmul.f32 v6, v0;
	v6 =	vld [tilespmem:s13+$0x10]  }
0x2a: {  	v3 =	vld.idx.msk [tilespmem:v9+s2+$0x0], $0xffff;
	v7 =	vmul.f32 v11, v7  }
0x2b: {  	s14 =	simm.s32 $0x40;
	s15 =	simm.s32 $0x2820;
	v8 =	vmul.f32 v12, v8;
	[tilespmem:s12+$0x10] =	vst v0;
	v0 =	vld.idx.msk [tilespmem:v10+s2+$0x0], $0xffff  }
.LBB2_2:
0x2c: {  	v9 =	vld [tilespmem:s15+$0x10];
	s14 =	sadd.s32 $0x40, s14;
	[tilespmem:s12+$0xFFFFFFE0] =	vst v7;
	v2 =	vmul.f32 v5, v2  }
0x2d: {  	v7 =	vld [tilespmem:s15+$0xFFFFFFF0];
	p0 =	slt.u32 s14, $0x2800;
	[tilespmem:s12+$0xFFFFFFF0] =	vst v8  }
0x2e: {  	v8 =	vld [tilespmem:s15+$0x0];
	v4 =	vmul.f32 v6, v4;
	[tilespmem:s12+$0x0] =	vst v2;
	s12 =	smov.u32 s13  }
0x2f: {  	v10 =	vld [tilespmem:s15+$0xFFFFFFE0]  }
0x30: {  	v11 =	vmov v3;
	v2 =	vld.idx.msk [tilespmem:v1+s2+$0x0], $0xffff;
	[tilespmem:s13+$0x10] =	vst v4  }
0x31: {  	v12 =	vld [tilespmem:s13+$0xFFFFFFE0]  }
0x32: {  	v13 =	vld [tilespmem:s13+$0xFFFFFFF0]  }
.Ltmp0:
0x33: {  	v5 =	vld [tilespmem:s13+$0x0];
	v1 =	vmov v8;
	(pc) =	sbr.rel @p0 .LBB2_2-.Ltmp0, $4  }
0x34: {  	s13 =	sadd.s32 $0x40, s13;
	v4 =	vld.idx.msk [tilespmem:v9+s2+$0x0], $0xffff  }
0x35: {  	v6 =	vld [tilespmem:s13+$0x10]  }
0x36: {  	v3 =	vld.idx.msk [tilespmem:v7+s2+$0x0], $0xffff;
	v7 =	vmul.f32 v12, v0  }
0x37: {  	s15 =	sadd.s32 $0x40, s15;
	v0 =	vld.idx.msk [tilespmem:v10+s2+$0x0], $0xffff;
	v8 =	vmul.f32 v13, v11  }
0x38: {  	_ =	sdelay $0x3  }
0x39: {  	v1 =	vld.idx.msk [tilespmem:v1+s2+$0x0], $0xffff  }
0x3a: {  	v9 =	vld [tilespmem:s13+$0xFFFFFFE0]  }
0x3b: {  	v10 =	vld [tilespmem:s13+$0xFFFFFFF0]  }
0x3c: {  	v11 =	vld [tilespmem:s13+$0x0]  }
0x3d: {  	[tilespmem:s12+$0xFFFFFFE0] =	vst v7;
	v2 =	vmul.f32 v5, v2  }
0x3e: {  	[tilespmem:s12+$0xFFFFFFF0] =	vst v8;
	v4 =	vmul.f32 v6, v4  }
0x3f: {  	[tilespmem:s12+$0x0] =	vst v2;
	v0 =	vmul.f32 v9, v0  }
0x40: {  	[tilespmem:s13+$0x10] =	vst v4;
	v61 =	vmul.f32 v10, v3  }
0x41: {  	v62 =	vmul.f32 v11, v1;
	[tilespmem:s13+$0xFFFFFFE0] =	vst v0  }
0x42: {  	[tilespmem:s13+$0xFFFFFFF0] =	vst v61  }
0x43: {  	[tilespmem:s13+$0x0] =	vst v62  }
0x44: {  	v0 =	vld [tilespmem:$0x4FC0];
	_ =	sdelay $0x6  }
0x45: {  	v63 =	vld [tilespmem:$0x7840]  }
0x46: {  	v0 =	vld.idx.msk [tilespmem:v0+s2+$0x0], $0xffff;
	_ =	sdelay $0x4  }
0x47: {  	s11 =	sadd.s32 $0x1, s11;
	v0 =	vmul.f32 v63, v0  }
0x48: {  	p0 =	sne.s32 s11, s7  }
.Ltmp1:
0x49: {  	[tilespmem:$0x7840] =	vst v0;
	(pc) =	sbr.rel @p0 .LBB2_1-.Ltmp1, $4  }
0x4a: {  	[hbm4b:s6+s2] =	stream.linear.scatter [tilespmem:s10], [sflag:$0x1], $0x2850, $0x38;
	[tilespmem:$0x7880] =	vst v63  }
0x4b: {  	_ =	swait.ge [sflag:s8], $0x2850  }
0x4c: {  	[sflag:s8] =	ssyncset.done $0x0  }
0x4d: {  	[sflag:s8] =	ssyncadd.s32 $0xFFFFD7B0  }
0x4e: {  	_ =	sfence.sel $0x180000  }
0x4f: {  	[bflag:$0x0] =	sbarrier.arrive $0xFFFF  }
0x50: {  	p0 =	sne.s32 s0, $0x0;
	_ =	strace $0x9000004A  }
0x51: {  	s0 =	sadd.s32 @!p0 $0x100000, s1;
	[bflag:$0x2] =	sbarrier.arrive $0xFFFF  }
0x52: {  	[sflag:s0] =	ssyncadd.tile.s32 @!p0 $0x1;
	_ =	shalt  }
.Lfunc_end2:
_tile_overlayer_lowered:
.L_overlay_start_2:
0x53: {  	(tag) =	ssettag $0x2  }
0x54: {  	s0 =	rddreg [dreg:$0x0];
	s2 =	stileid.u32  }
0x55: {  	s1 =	rddreg [dreg:$0x1];
	p0 =	sne.s32 s2, $0x0  }
0x56: {  	s3 =	rddreg [dreg:$0x2];
	[bflag:$0x3] =	sbarrier.arrive $0xFFFF;
	s2 =	simm.s32 @!p0 $0x1C01  }
0x57: {  	[timem:s3], [sflag:s2] =	dma.local @!p0 [hbm:s0], s1  }
0x58: {  	s0 =	simm.s32 @!p0 $0x1  }
0x59: {  	_ =	swait.ge @!p0 [sflag:s0], s1  }
0x5a: {  	s1 =	ssub.s32 @!p0 $0x0, s1;
	[sflag:s0] =	ssyncset.done @!p0 $0x0  }
0x5b: {  	[sflag:s0] =	ssyncadd.s32 @!p0 s1  }
0x5c: {  	[bflag:$0x3] =	sbarrier.arrive $0xFFFF  }
0x5d: {  	_ =	shalt  }

// kernel: kernel.19.cloned.1.call-start
scs
__scs_entry_jumppad:
0x0: {  	(pc) =	sbr.rel $0x88, $3  }
0x1: {  	(tag) =	ssettag $0x0;
	lr =	simm.s32 $0x1  }
0x2: {  	[smem:$0x3F97] =	sst lr;
	_ =	strace $0xD0000000  }
0x3: {  	_ = 	snop  }
0x4: {  	_ = 	snop  }
0x5: {  	_ = 	snop  }
0x6: {  	_ = 	snop  }
0x7: {  	_ = 	snop  }
__scs_overlays_trampoline_lowered:
0x8: {  	[smem:$0x3FA6] =	sst s0  }
0x9: {  	[smem:$0x3FA7] =	sst s1  }
0xa: {  	[smem:$0x3FA8] =	sst s2  }
0xb: {  	[smem:$0x3FA9] =	sst s3  }
0xc: {  	[smem:$0x3FAA] =	sst s4  }
0xd: {  	[smem:$0x3FAB] =	sst s5  }
0xe: {  	[smem:$0x3FAC] =	sst s6  }
0xf: {  	[smem:$0x3FAD] =	sst s7  }
0x10: {  	[smem:$0x3FAE] =	sst s8  }
0x11: {  	[smem:$0x3FAF] =	sst s9;
	s0 =	simm.s32 @!p0 $0x0  }
0x12: {  	s1 =	sld [smem:$0x3F95];
	s0 =	simm.s32 @p0 $0x1  }
0x13: {  	[smem:$0x3FB0] =	sst s0;
	s0 =	simm.s32 @!p1 $0x0  }
0x14: {  	s2 =	sld [smem:$0x3F94];
	s0 =	simm.s32 @p1 $0x1  }
0x15: {  	[smem:$0x3FB1] =	sst s0;
	s0 =	simm.s32 @!p2 $0x0  }
0x16: {  	s3 =	sld [smem:$0x3FDB];
	s0 =	simm.s32 @p2 $0x1  }
0x17: {  	s4 =	simm.s32 $0x1BF5;
	[smem:$0x3FB3] =	sst s0  }
0x18: {  	s0 =	sld [smem:$0x3F96];
	_ =	swait.ge [sflag:s4], $0x0  }
0x19: {  	s7 =	sld [smem:$0x3F97]  }
0x1a: {  	s8 =	sadd.s32 $0xFFFFE003, lr  }
0x1b: {  	s9 =	sadd.s32 $0xFFFFFEF7, lr;
	s5 =	simm.s32 $0xFFFFFFFF;
	p2 =	slt.u32 s8, $0xFFFFF086  }
0x1c: {  	p1 =	slt.u32 s9, $0xF7A;
	s5 =	simm.s32 @!p2 $0x0  }
0x1d: {  	s5 =	simm.s32 @p1 $0x1;
	p0 =	seq.s32 s7, s2  }
0x1e: {  	s7 =	smul.u32 @!p0 $0xF7A, s2;
	p2 =	seq.s32 @!p0 s5, $0x0  }
0x1f: {  	s9 =	smul.u32 $0xF7A, s1;
	s8 =	simm.s32 @!p0 $0x1BF5;
	p2 =	por !p2, p0  }
0x20: {  	[sflag:s8] =	ssyncset.s32 @!p0 $0xFFFFF086;
	s6 =	sadd.s32 @!p0 s3, s7;
	s7 =	simm.s32 @!p0 $0x108  }
0x21: {  	s3 =	sadd.s32 s3, s9;
	s6 =	sadd.s32 @!p0 $0x88, s6;
	s7 =	simm.s32 @p2 $0x1082  }
0x22: {  	[simem:s7], [sflag:s8] =	dma.local @!p0 [hbm:s6], $0xF7A  }
0x23: {  	s9 =	sor.u32 $0xD0000000, s2;
	s6 =	simm.s32 $0x108;
	_ =	swait.ge @!p0 [sflag:s8], $0x0  }
0x24: {  	s3 =	sadd.s32 $0x88, s3;
	s6 =	simm.s32 @!p1 $0x1082;
	[sflag:s4] =	ssyncset.s32 $0xFFFFF086  }
0x25: {  	[simem:s6], [sflag:s4] =	dma.local [hbm:s3], $0xF7A  }
0x26: {  	[smem:$0x3F97] =	sst s1;
	(tag) =	ssettag s2;
	_ =	strace s9  }
0x27: {  	s1 =	sld [smem:$0x3FA7]  }
0x28: {  	s2 =	sld [smem:$0x3FA8]  }
0x29: {  	s4 =	sld [smem:$0x3FAA]  }
0x2a: {  	p0 =	seq.s32 s5, $0x0;
	s5 =	sld [smem:$0x3FAB]  }
0x2b: {  	s6 =	sld [smem:$0x3FAC]  }
0x2c: {  	s7 =	sld [smem:$0x3FAD]  }
0x2d: {  	s3 =	simm.s32 $0x108;
	s8 =	sld [smem:$0x3FAE]  }
0x2e: {  	s3 =	simm.s32 @!p0 $0x1082;
	s9 =	sld [smem:$0x3FAF]  }
0x2f: {  	lr =	sadd.s32 s0, s3;
	s0 =	sld [smem:$0x3FA6]  }
0x30: {  	s3 =	sld [smem:$0x3FA9]  }
0x31: {  	[smem:$0x3FB2] =	sst s10  }
0x32: {  	s10 =	sld [smem:$0x3FB0];
	_ =	sdelay $0x3  }
0x33: {  	p0 =	seq.s32 s10, $0x1;
	s10 =	sld [smem:$0x3FB2];
	_ =	sdelay $0x3  }
0x34: {  	[smem:$0x3FB2] =	sst s10  }
0x35: {  	s10 =	sld [smem:$0x3FB1];
	_ =	sdelay $0x3  }
0x36: {  	p1 =	seq.s32 s10, $0x1;
	s10 =	sld [smem:$0x3FB2];
	_ =	sdelay $0x3  }
0x37: {  	[smem:$0x3FB2] =	sst s10  }
0x38: {  	s10 =	sld [smem:$0x3FB3]  }
0x39: {  	_ = 	snop;
	(pc) =	sbr.ind lr, $3  }
0x3a: {  	_ = 	snop  }
0x3b: {  	_ = 	snop  }
0x3c: {  	p2 =	seq.s32 s10, $0x1;
	s10 =	sld [smem:$0x3FB2]  }
0x3d: {  	_ =	shalt  }
0x3e: {  	_ =	shalt  }
0x3f: {  	_ =	shalt  }
0x40: {  	_ =	shalt  }
0x41: {  	_ =	shalt  }
0x42: {  	_ =	shalt  }
0x43: {  	_ =	shalt  }
0x44: {  	_ =	shalt  }
0x45: {  	_ =	shalt  }
0x46: {  	_ =	shalt  }
0x47: {  	_ =	shalt  }
0x48: {  	_ =	shalt  }
0x49: {  	_ =	shalt  }
0x4a: {  	_ =	shalt  }
0x4b: {  	_ =	shalt  }
0x4c: {  	_ =	shalt  }
0x4d: {  	_ =	shalt  }
0x4e: {  	_ =	shalt  }
0x4f: {  	_ =	shalt  }
0x50: {  	_ =	shalt  }
0x51: {  	_ =	shalt  }
0x52: {  	_ =	shalt  }
0x53: {  	_ =	shalt  }
0x54: {  	_ =	shalt  }
0x55: {  	_ =	shalt  }
0x56: {  	_ =	shalt  }
0x57: {  	_ =	shalt  }
0x58: {  	_ =	shalt  }
0x59: {  	_ =	shalt  }
0x5a: {  	_ =	shalt  }
0x5b: {  	_ =	shalt  }
0x5c: {  	_ =	shalt  }
0x5d: {  	_ =	shalt  }
0x5e: {  	_ =	shalt  }
0x5f: {  	_ =	shalt  }
0x60: {  	_ =	shalt  }
0x61: {  	_ =	shalt  }
0x62: {  	_ =	shalt  }
0x63: {  	_ =	shalt  }
0x64: {  	_ =	shalt  }
0x65: {  	_ =	shalt  }
0x66: {  	_ =	shalt  }
0x67: {  	_ =	shalt  }
0x68: {  	_ =	shalt  }
0x69: {  	_ =	shalt  }
0x6a: {  	_ =	shalt  }
0x6b: {  	_ =	shalt  }
0x6c: {  	_ =	shalt  }
0x6d: {  	_ =	shalt  }
0x6e: {  	_ =	shalt  }
0x6f: {  	_ =	shalt  }
0x70: {  	_ =	shalt  }
0x71: {  	_ =	shalt  }
0x72: {  	_ =	shalt  }
0x73: {  	_ =	shalt  }
0x74: {  	_ =	shalt  }
0x75: {  	_ =	shalt  }
0x76: {  	_ =	shalt  }
0x77: {  	_ =	shalt  }
0x78: {  	_ =	shalt  }
0x79: {  	_ =	shalt  }
0x7a: {  	_ =	shalt  }
0x7b: {  	_ =	shalt  }
0x7c: {  	_ =	shalt  }
0x7d: {  	_ =	shalt  }
0x7e: {  	_ =	shalt  }
0x7f: {  	_ =	shalt  }
0x80: {  	_ =	shalt  }
0x81: {  	_ =	shalt  }
0x82: {  	_ =	shalt  }
0x83: {  	_ =	shalt  }
0x84: {  	_ =	shalt  }
0x85: {  	_ =	shalt  }
0x86: {  	_ =	shalt  }
0x87: {  	_ =	shalt  }
.Lfunc_end0:
.L_simem_size_0:
called_computation.2_lowered:
.L_overlay_start_0:
0x88: {  	s2 =	sld [smem:$0x3FD9]  }
0x89: {  	s3 =	sld [smem:$0x3FFE];
	_ =	sdelay $0x1  }
0x8a: {  	s1 =	srdreg.scid  }
0x8b: {  	s0 =	sand.u32 $0x1, s1  }
0x8c: {  	s14 =	sshll.u32 s0, $0xA;
	s2 =	sadd.s32 s3, s2  }
0x8d: {  	s2 =	sadd.s32 s2, s14  }
0x8e: {  	[smem:$0x3FBE] =	sst s2  }
0x8f: {  	_ = 	snop  }
0x90: {  	s2 =	sld [smem:$0x3FD0];
	_ =	sdelay $0x2  }
0x91: {  	s15 =	simm.s32 $0xA;
	s4 =	simm.s32 $0x10  }
0x92: {  	[smem:s4], [sflag:s15] =	dma.local [hbm:s2], $0x1  }
0x93: {  	_ =	swait.eq [sflag:s15], $0x1  }
0x94: {  	[sflag:s15] =	ssyncset.done $0x0  }
0x95: {  	s16 =	sld [smem:$0x10];
	[sflag:s15] =	ssyncadd.s32 $0xFFFFFFFF  }
0x96: {  	s17 =	sld [smem:$0x12];
	(tm) =	ssettm $0x1  }
0x97: {  	s18 =	sld [smem:$0x3FFB];
	_ =	sdelay $0x3  }
0x98: {  	_ =	strace s18  }
0x99: {  	s4 =	sld [smem:$0x3FFC];
	_ =	sdelay $0x3  }
0x9a: {  	_ =	strace s4  }
0x9b: {  	s4 =	sld [smem:$0x3FFD];
	_ =	sdelay $0x3  }
0x9c: {  	_ =	strace s4  }
0x9d: {  	_ =	strace $0x8FFFFFFF  }
0x9e: {  	s19 =	sld [smem:$0x3FDB];
	_ =	sdelay $0x1  }
0x9f: {  	s5 =	simm.s32 $_scs_section_size  }
0xa0: {  	s6 =	simm.s32 $_size__tile_overlayer_lowered;
	s7 =	simm.s32 $_tile_overlayer_lowered  }
0xa1: {  	s22 =	simm.s32 $0x1BFF;
	s21 =	sshll.u32 s7, $0x1;
	s4 =	sadd.s32 s5, s19  }
0xa2: {  	s8 =	simm.s32 $0x0;
	s20 =	sshll.u32 s6, $0x1;
	s6 =	sadd.s32 s21, s4  }
0xa3: {  	[timem:s8], [sflag:s22] =	dma.local [hbm:s6], s20  }
0xa4: {  	_ =	swait.ge [sflag:s22], s20  }
0xa5: {  	s5 =	ssub.s32 $0x0, s20;
	[sflag:s22] =	ssyncset.done $0x0  }
0xa6: {  	[sflag:s22] =	ssyncadd.s32 s5;
	_ =	sdelay $0x1  }
0xa7: {  	s23 =	simm.s32 $0x1B8B  }
0xa8: {  	_ =	swait.ge [sflag:s23], $0x1  }
0xa9: {  	[sflag:s23] =	ssyncset.done $0x0  }
0xaa: {  	s25 =	simm.s32 $0x1B8E;
	s24 =	sld [smem:$0x3FFE];
	[sflag:s23] =	ssyncadd.s32 $0xFFFFFFFF  }
0xab: {  	s26 =	simm.s32 $execute0_lowered;
	[smem:$0x3FD2] =	sst s25  }
0xac: {  	s6 =	sshll.u32 s26, $0x1;
	_ =	strace $0x8000004C;
	[dreg:$0x1] =	wrdreg $0xFFFFFFFF  }
0xad: {  	s28 =	simm.s32 $_size_execute0_lowered;
	s4 =	sadd.s32 s4, s6;
	[dreg:$0x0] =	wrdreg $0x0  }
0xae: {  	s6 =	sshll.u32 s28, $0x1;
	[dreg:$0x2] =	wrdreg s4  }
0xaf: {  	[dreg:$0x3] =	wrdreg s6  }
0xb0: {  	[dreg:$0x4] =	wrdreg $0xC0  }
0xb1: {  	_ =	task [dreg:s8], $0x5FFFF  }
0xb2: {  	[dreg:$0x1] =	wrdreg $0xFFFFFFFF  }
0xb3: {  	[dreg:$0x0] =	wrdreg $0x60  }
0xb4: {  	[dreg:$0x2] =	wrdreg s16  }
0xb5: {  	[dreg:$0x3] =	wrdreg s17  }
0xb6: {  	[dreg:$0x4] =	wrdreg s24  }
0xb7: {  	[dreg:$0x5] =	wrdreg $0x9  }
0xb8: {  	_ =	task.clear_ibuf [dreg:s8], $0x6FFFF;
	_ =	strace $0x9000004C  }
0xb9: {  	s29 =	simm.s32 $0x9;
	_ =	strace $0x8000004E  }
0xba: {  	_ =	swait.ge [sflag:s29], $0x1  }
0xbb: {  	[sflag:s29] =	ssyncadd.s32 $0xFFFFFFFF  }
0xbc: {  	_ =	strace $0x9000004E  }
0xbd: {  	_ =	sfence  }
0xbe: {  	s30 =	sld [smem:$0x0];
	_ =	sdelay $0x2  }
0xbf: {  	s31 =	sshll.u32 s1, $0xD;
	s1 =	sshrl.u32 s1, $0x2  }
0xc0: {  	s3 =	sand.u32 $0x4000, s31;
	s1 =	sadd.s32 s1, s30  }
0xc1: {  	s0 =	sor.u32 s3, s0;
	s1 =	sshll.u32 s1, $0x11  }
0xc2: {  	s0 =	sor.u32 s1, s0  }
0xc3: {  	s0 =	sadd.s32 $0x8F2B, s0  }
0xc4: {  	[sflag:s0] =	ssyncadd.remote.s32 $0x1  }
0xc5: {  	_ =	sfence.sel $0xFFFF  }
0xc6: {  	[dreg:$0x0] =	wrdreg $0xFFFFFFFF;
	(pc) =	sbr.abs _section_cstart, $3  }
0xc7: {  	[dreg:$0x1] =	wrdreg $0xFFFFFFFF  }
0xc8: {  	_ =	task.clear_ibuf [dreg:s8], $0x2FFFF;
	_ =	strace $0x9FFFFFFF  }
0xc9: {  	(tm) =	ssettm $0x7FFFFFFF  }
tec
execute0_lowered:
.L_overlay_start_1:
0x0: {  	(tag) =	ssettag $0x1  }
0x1: {  	s1 =	rddreg [dreg:$0x0]  }
0x2: {  	s3 =	rddreg [dreg:$0x1]  }
0x3: {  	s0 =	rddreg [dreg:$0x2]  }
0x4: {  	s2 =	srdreg.scid;
	s5 =	stileid.u32;
	s4 =	simm.s32 $0x0  }
0x5: {  	s16 =	simm.s32 $0x80;
	s17 =	simm.s32 $0x400;
	s18 =	simm.s32 $0x3  }
0x6: {  	s19 =	simm.s32 $0x2780;
	s20 =	simm.s32 $0x4F00;
	s21 =	simm.s32 $0x7680  }
0x7: {  	s28 =	simm.s32 $0x9E00;
	s29 =	simm.s32 $0xC580;
	s30 =	simm.s32 $0xED00  }
0x8: {  	s31 =	simm.s32 $0x11480;
	s2 =	sand.u32 $0x1, s2;
	s5 =	smul.u32 $0x13C00, s5  }
0x9: {  	[smem:$0x7FF] =	sst s4;
	s23 =	sadd.s32 $0x1A00, s0;
	s0 =	sadd.s32 $0x29200, s0  }
0xa: {  	s9 =	sadd.s32 $0x2B0, s1;
	s6 =	sshll.u32 s2, $0x9;
	s2 =	ssub.s32 $0x2, s2  }
0xb: {  	s10 =	sadd.s32 $0x2B0, s3;
	s5 =	sor.u32 s6, s5;
	s7 =	sshrl.u32 s2, $0x1  }
0xc: {  	_ =	strace $0x8000004D;
	s5 =	sshrl.u32 s5, $0x3;
	s2 =	ssub.s32 s2, s7  }
0xd: {  	s24 =	sadd.s32 s23, s5;
	s12 =	sor.u32 $0x10, s5;
	s13 =	sor.u32 $0x20, s5  }
0xe: {  	s14 =	sor.u32 $0x30, s5;
	s11 =	sadd.s32 s0, s5;
	s15 =	smax.u32 s2, $0x1  }
.Ltmp0:
0xf: {  	s2 =	simm.s32 $0x0;
	[dreg:$0x4] =	wrdreg s24;
	(pc) =	sbr.rel .LBB2_1-.Ltmp0, $4  }
0x10: {  	s25 =	sadd.s32 s23, s12;
	s26 =	sadd.s32 s23, s13;
	s8 =	sadd.s32 s23, s14  }
0x11: {  	s12 =	sadd.s32 s0, s12;
	s13 =	sadd.s32 s0, s13;
	s14 =	sadd.s32 s0, s14  }
0x12: {  	s24 =	simm.s32 $0x16700;
	s0 =	simm.s32 $0x2;
	[dreg:$0x5] =	wrdreg s25  }
0x13: {  	v0 =	vimm.f32 $0.0e+00;
	[dreg:$0x6] =	wrdreg s26;
	s25 =	simm.s32 $0x17C80;
	s26 =	simm.s32 $0x1  }
.LBB2_24:
0x14: {  	[hbm4b:s11+s16] =	stream.strided.scatter [tilespmem:s28], [sflag:$0x3], $0x2780, s17, s16, $0x38;
	[tilespmem:$0x19200] =	vst v63  }
0x15: {  	_ =	swait.ge [sflag:s18], $0x2780  }
0x16: {  	[sflag:s18] =	ssyncset.done $0x0  }
0x17: {  	[sflag:s18] =	ssyncadd.s32 $0xFFFFD880  }
0x18: {  	[hbm4b:s12+s16] =	stream.strided.scatter [tilespmem:s29], [sflag:$0x3], $0x2780, s17, s16, $0x38;
	[tilespmem:$0x19200] =	vst v63  }
0x19: {  	_ =	swait.ge [sflag:s18], $0x2780  }
0x1a: {  	[sflag:s18] =	ssyncset.done $0x0  }
0x1b: {  	[sflag:s18] =	ssyncadd.s32 $0xFFFFD880  }
0x1c: {  	[hbm4b:s13+s16] =	stream.strided.scatter [tilespmem:s30], [sflag:$0x3], $0x2780, s17, s16, $0x38;
	[tilespmem:$0x19200] =	vst v63  }
0x1d: {  	s2 =	sadd.s32 $0x1, s2;
	_ =	swait.ge [sflag:s18], $0x2780  }
0x1e: {  	p0 =	sne.s32 s2, s15;
	[sflag:s18] =	ssyncset.done $0x0  }
.Ltmp1:
0x1f: {  	[sflag:s18] =	ssyncadd.s32 $0xFFFFD880;
	(pc) =	sbr.rel @!p0 .LBB2_25-.Ltmp1, $4  }
0x20: {  	[hbm4b:s14+s16] =	stream.strided.scatter [tilespmem:s31], [sflag:$0x3], $0x2780, s17, s16, $0x38;
	[tilespmem:$0x19200] =	vst v63  }
0x21: {  	_ =	swait.ge [sflag:s18], $0x2780  }
0x22: {  	[sflag:s18] =	ssyncset.done $0x0  }
0x23: {  	[sflag:s18] =	ssyncadd.s32 $0xFFFFD880  }
.LBB2_1:
0x24: {  	s5 =	rddreg [dreg:$0x4]  }
0x25: {  	[tilespmem:s4], [sflag:$0x3] =	stream.strided.gather [hbm4b:s5+s16], $0x2780, s17, s16, $0x38;
	[tilespmem:$0x19200] =	vst v63  }
0x26: {  	_ =	swait.ge [sflag:s18], $0x2780  }
0x27: {  	[sflag:s18] =	ssyncset.done $0x0  }
0x28: {  	s5 =	simm.s32 $0x9E40;
	[sflag:s18] =	ssyncadd.s32 $0xFFFFD880  }
0x29: {  	[tilespmem:s5+$0xFFFFFFC0] =	vst v0  }
0x2a: {  	[tilespmem:s5+$0x30] =	vst v0  }
0x2b: {  	[tilespmem:s5+$0x20] =	vst v0  }
0x2c: {  	[tilespmem:s5+$0x10] =	vst v0  }
0x2d: {  	[tilespmem:s5+$0x0] =	vst v0  }
0x2e: {  	[tilespmem:s5+$0xFFFFFFF0] =	vst v0  }
0x2f: {  	s23 =	simm.s32 $0x0;
	s6 =	simm.s32 $0xC500;
	[tilespmem:s5+$0xFFFFFFE0] =	vst v0  }
.LBB2_2:
0x30: {  	s23 =	sadd.s32 $0x80, s23;
	[tilespmem:s5+$0xFFFFFFD0] =	vst v0;
	s5 =	sadd.s32 $0x80, s5;
	s22 =	simm.s32 $0x26F0  }
0x31: {  	[tilespmem:s5+$0xFFFFFFC0] =	vst v0;
	p0 =	slt.u32 s23, $0x2680  }
0x32: {  	[tilespmem:s5+$0x30] =	vst v0  }
.Ltmp2:
0x33: {  	[tilespmem:s5+$0x20] =	vst v0;
	(pc) =	sbr.rel @p0 .LBB2_2-.Ltmp2, $4  }
0x34: {  	[tilespmem:s5+$0x10] =	vst v0  }
0x35: {  	[tilespmem:s5+$0x0] =	vst v0  }
0x36: {  	[tilespmem:s5+$0xFFFFFFF0] =	vst v0  }
0x37: {  	[tilespmem:s5+$0xFFFFFFE0] =	vst v0  }
0x38: {  	[tilespmem:s5+$0xFFFFFFD0] =	vst v0  }
.LBB2_4:
0x39: {  	s22 =	sadd.s32 $0x10, s22  }
0x3a: {  	p0 =	slt.u32 s22, $0x2710  }
.Ltmp3:
0x3b: {  	_ = 	snop;
	(pc) =	sbr.rel @p0 .LBB2_4-.Ltmp3, $2  }
0x3c: {  	_ =	sdelay $0x2  }
0x3d: {  	[tilespmem:s6+$0x0] =	vst v0;
	s6 =	sadd.s32 $0x10, s6  }
0x3e: {  	s5 =	rddreg [dreg:$0x5]  }
0x3f: {  	[tilespmem:s19], [sflag:$0x3] =	stream.strided.gather [hbm4b:s5+s16], $0x2780, s17, s16, $0x38;
	[tilespmem:$0x19200] =	vst v63  }
0x40: {  	_ =	swait.ge [sflag:s18], $0x2780  }
0x41: {  	[sflag:s18] =	ssyncset.done $0x0  }
0x42: {  	s6 =	simm.s32 $0xC5C0;
	[sflag:s18] =	ssyncadd.s32 $0xFFFFD880  }
0x43: {  	[tilespmem:s6+$0xFFFFFFC0] =	vst v0  }
0x44: {  	[tilespmem:s6+$0x30] =	vst v0  }
0x45: {  	[tilespmem:s6+$0x20] =	vst v0  }
0x46: {  	[tilespmem:s6+$0x10] =	vst v0  }
0x47: {  	[tilespmem:s6+$0x0] =	vst v0  }
0x48: {  	[tilespmem:s6+$0xFFFFFFF0] =	vst v0  }
0x49: {  	s22 =	simm.s32 $0x0;
	s5 =	simm.s32 $0xEC80;
	[tilespmem:s6+$0xFFFFFFE0] =	vst v0  }
.LBB2_6:
0x4a: {  	s22 =	sadd.s32 $0x80, s22;
	[tilespmem:s6+$0xFFFFFFD0] =	vst v0;
	s6 =	sadd.s32 $0x80, s6  }
0x4b: {  	[tilespmem:s6+$0xFFFFFFC0] =	vst v0;
	p0 =	slt.u32 s22, $0x2680  }
0x4c: {  	[tilespmem:s6+$0x30] =	vst v0  }
.Ltmp4:
0x4d: {  	[tilespmem:s6+$0x20] =	vst v0;
	(pc) =	sbr.rel @p0 .LBB2_6-.Ltmp4, $4  }
0x4e: {  	[tilespmem:s6+$0x10] =	vst v0  }
0x4f: {  	[tilespmem:s6+$0x0] =	vst v0  }
0x50: {  	[tilespmem:s6+$0xFFFFFFF0] =	vst v0  }
0x51: {  	[tilespmem:s6+$0xFFFFFFE0] =	vst v0  }
0x52: {  	[tilespmem:s6+$0xFFFFFFD0] =	vst v0;
	s6 =	simm.s32 $0x26F0  }
.LBB2_8:
0x53: {  	s6 =	sadd.s32 $0x10, s6  }
0x54: {  	p0 =	slt.u32 s6, $0x2710  }
.Ltmp5:
0x55: {  	_ = 	snop;
	(pc) =	sbr.rel @p0 .LBB2_8-.Ltmp5, $2  }
0x56: {  	_ =	sdelay $0x2  }
0x57: {  	[tilespmem:s5+$0x0] =	vst v0;
	s5 =	sadd.s32 $0x10, s5  }
0x58: {  	s5 =	rddreg [dreg:$0x6]  }
0x59: {  	[tilespmem:s20], [sflag:$0x3] =	stream.strided.gather [hbm4b:s5+s16], $0x2780, s17, s16, $0x38;
	[tilespmem:$0x19200] =	vst v63  }
0x5a: {  	_ =	swait.ge [sflag:s18], $0x2780  }
0x5b: {  	[sflag:s18] =	ssyncset.done $0x0  }
0x5c: {  	s6 =	simm.s32 $0xED40;
	[sflag:s18] =	ssyncadd.s32 $0xFFFFD880  }
0x5d: {  	[tilespmem:s6+$0xFFFFFFC0] =	vst v0  }
0x5e: {  	[tilespmem:s6+$0x30] =	vst v0  }
0x5f: {  	[tilespmem:s6+$0x20] =	vst v0  }
0x60: {  	[tilespmem:s6+$0x10] =	vst v0  }
0x61: {  	[tilespmem:s6+$0x0] =	vst v0  }
0x62: {  	[tilespmem:s6+$0xFFFFFFF0] =	vst v0  }
0x63: {  	s22 =	simm.s32 $0x0;
	s5 =	simm.s32 $0x11400;
	[tilespmem:s6+$0xFFFFFFE0] =	vst v0  }
.LBB2_10:
0x64: {  	s22 =	sadd.s32 $0x80, s22;
	[tilespmem:s6+$0xFFFFFFD0] =	vst v0;
	s6 =	sadd.s32 $0x80, s6  }
0x65: {  	[tilespmem:s6+$0xFFFFFFC0] =	vst v0;
	p0 =	slt.u32 s22, $0x2680  }
0x66: {  	[tilespmem:s6+$0x30] =	vst v0  }
.Ltmp6:
0x67: {  	[tilespmem:s6+$0x20] =	vst v0;
	(pc) =	sbr.rel @p0 .LBB2_10-.Ltmp6, $4  }
0x68: {  	[tilespmem:s6+$0x10] =	vst v0  }
0x69: {  	[tilespmem:s6+$0x0] =	vst v0  }
0x6a: {  	[tilespmem:s6+$0xFFFFFFF0] =	vst v0  }
0x6b: {  	[tilespmem:s6+$0xFFFFFFE0] =	vst v0  }
0x6c: {  	[tilespmem:s6+$0xFFFFFFD0] =	vst v0;
	s6 =	simm.s32 $0x26F0  }
.LBB2_12:
0x6d: {  	s6 =	sadd.s32 $0x10, s6  }
0x6e: {  	p0 =	slt.u32 s6, $0x2710  }
.Ltmp7:
0x6f: {  	_ = 	snop;
	(pc) =	sbr.rel @p0 .LBB2_12-.Ltmp7, $2  }
0x70: {  	_ =	sdelay $0x2  }
0x71: {  	[tilespmem:s5+$0x0] =	vst v0;
	s5 =	sadd.s32 $0x10, s5  }
0x72: {  	[tilespmem:s21], [sflag:$0x3] =	stream.strided.gather [hbm4b:s8+s16], $0x2780, s17, s16, $0x38;
	[tilespmem:$0x19200] =	vst v63  }
0x73: {  	_ =	swait.ge [sflag:s18], $0x2780  }
0x74: {  	[sflag:s18] =	ssyncset.done $0x0  }
0x75: {  	s6 =	simm.s32 $0x114C0;
	[sflag:s18] =	ssyncadd.s32 $0xFFFFD880  }
0x76: {  	[tilespmem:s6+$0xFFFFFFC0] =	vst v0  }
0x77: {  	[tilespmem:s6+$0x30] =	vst v0  }
0x78: {  	[tilespmem:s6+$0x20] =	vst v0  }
0x79: {  	[tilespmem:s6+$0x10] =	vst v0  }
0x7a: {  	[tilespmem:s6+$0x0] =	vst v0  }
0x7b: {  	[tilespmem:s6+$0xFFFFFFF0] =	vst v0  }
0x7c: {  	s22 =	simm.s32 $0x0;
	s5 =	simm.s32 $0x13B80;
	[tilespmem:s6+$0xFFFFFFE0] =	vst v0  }
.LBB2_14:
0x7d: {  	s22 =	sadd.s32 $0x80, s22;
	[tilespmem:s6+$0xFFFFFFD0] =	vst v0;
	s6 =	sadd.s32 $0x80, s6  }
0x7e: {  	[tilespmem:s6+$0xFFFFFFC0] =	vst v0;
	p0 =	slt.u32 s22, $0x2680  }
0x7f: {  	[tilespmem:s6+$0x30] =	vst v0  }
.Ltmp8:
0x80: {  	[tilespmem:s6+$0x20] =	vst v0;
	(pc) =	sbr.rel @p0 .LBB2_14-.Ltmp8, $4  }
0x81: {  	[tilespmem:s6+$0x10] =	vst v0  }
0x82: {  	[tilespmem:s6+$0x0] =	vst v0  }
0x83: {  	[tilespmem:s6+$0xFFFFFFF0] =	vst v0  }
0x84: {  	[tilespmem:s6+$0xFFFFFFE0] =	vst v0  }
0x85: {  	[tilespmem:s6+$0xFFFFFFD0] =	vst v0;
	s6 =	simm.s32 $0x26F0  }
.LBB2_16:
0x86: {  	s6 =	sadd.s32 $0x10, s6  }
0x87: {  	p0 =	slt.u32 s6, $0x2710  }
.Ltmp9:
0x88: {  	_ = 	snop;
	(pc) =	sbr.rel @p0 .LBB2_16-.Ltmp9, $2  }
0x89: {  	_ =	sdelay $0x2  }
0x8a: {  	[tilespmem:s5+$0x0] =	vst v0;
	s5 =	sadd.s32 $0x10, s5  }
0x8b: {  	s22 =	simm.s32 $0x0;
	s5 =	simm.s32 $0x13C00  }
0x8c: {  	[tilespmem:s5], [sflag:$0x1] =	stream.linear.gather [hbm4b:s1+s22], $0x1580, $0x38;
	[tilespmem:$0x19200] =	vst v63  }
0x8d: {  	s23 =	simm.s32 $0x15180  }
0x8e: {  	[tilespmem:s23], [sflag:$0x1] =	stream.linear.gather [hbm4b:s3+s22], $0x1580, $0x38;
	[tilespmem:$0x19200] =	vst v63  }
0x8f: {  	_ = 	snop  }
0x90: {  	[tilespmem:s24], [sflag:$0x2] =	stream.linear.gather [hbm4b:s9+s22], $0x1580, $0x38;
	[tilespmem:$0x19200] =	vst v63  }
0x91: {  	_ = 	snop  }
0x92: {  	[tilespmem:s25], [sflag:$0x2] =	stream.linear.gather [hbm4b:s10+s22], $0x1580, $0x38;
	[tilespmem:$0x19200] =	vst v63  }
.LBB2_18:
0x93: {  	_ =	swait.ge [sflag:s26], $0x1580  }
0x94: {  	[sflag:s26] =	ssyncset.done $0x0  }
0x95: {  	[sflag:s26] =	ssyncadd.s32 $0xFFFFEA80  }
0x96: {  	_ =	swait.ge [sflag:s26], $0x1580  }
0x97: {  	[sflag:s26] =	ssyncset.done $0x0  }
0x98: {  	s5 =	simm.s32 $0x13C20;
	[sflag:s26] =	ssyncadd.s32 $0xFFFFEA80  }
0x99: {  	v2 =	vld [tilespmem:s5+$0x10];
	_ =	sdelay $0x2  }
0x9a: {  	v3 =	vld [tilespmem:s5+$0xFFFFFFE0];
	_ =	sdelay $0x1  }
0x9b: {  	v8 =	vld [tilespmem:s5+$0xFFFFFFF0];
	v12 =	vshrl.u32 v2, $0xE  }
0x9c: {  	v13 =	vld [tilespmem:s5+$0x0];
	_ =	sdelay $0x1  }
0x9d: {  	s23 =	simm.s32 $0x151A0;
	v5 =	vshrl.u32 v3, $0xE  }
0x9e: {  	v11 =	vld [tilespmem:s23+$0x10]  }
0x9f: {  	v1 =	vshrl.u32 v8, $0xE;
	v9 =	vld.idx.msk [tilespmem:v12+s4+$0x0], $0xffff  }
0xa0: {  	v7 =	vshrl.u32 v13, $0xE  }
0xa1: {  	v6 =	vld [tilespmem:s23+$0xFFFFFFE0];
	v10 =	vand.u32 $0x3FFF, v2  }
0xa2: {  	v15 =	vld.idx.msk [tilespmem:v5+s4+$0x0], $0xffff  }
0xa3: {  	v4 =	vld [tilespmem:s23+$0xFFFFFFF0]  }
0xa4: {  	v3 =	vand.u32 $0x3FFF, v3;
	v14 =	vld.idx.msk [tilespmem:v1+s4+$0x0], $0xffff;
	v9 =	vmul.f32 v9, v11  }
0xa5: {  	v17 =	vld.idx.msk [tilespmem:v7+s4+$0x0], $0xffff  }
0xa6: {  	v2 =	vand.u32 $0x3FFF, v8;
	[tilespmem:v10+s28+$0x0] =	vst.idx.add.f32.msk $0xffff, v9  }
0xa7: {  	v8 =	vmul.f32 v15, v6;
	v9 =	vld [tilespmem:s23+$0x0]  }
0xa8: {  	v16 =	vld.idx.msk [tilespmem:v12+s19+$0x0], $0xffff  }
0xa9: {  	v14 =	vmul.f32 v14, v4;
	[tilespmem:v3+s28+$0x0] =	vst.idx.add.f32.msk $0xffff, v8;
	v8 =	vand.u32 $0x3FFF, v13;
	_ =	sdelay $0x1  }
0xaa: {  	[tilespmem:v2+s28+$0x0] =	vst.idx.add.f32.msk $0xffff, v14  }
0xab: {  	v13 =	vld.idx.msk [tilespmem:v5+s19+$0x0], $0xffff;
	v63 =	vmul.f32 v17, v9  }
0xac: {  	v15 =	vld.idx.msk [tilespmem:v1+s19+$0x0], $0xffff;
	v14 =	vmul.f32 v16, v11  }
0xad: {  	[tilespmem:v8+s28+$0x0] =	vst.idx.add.f32.msk $0xffff, v63  }
0xae: {  	[tilespmem:v10+s29+$0x0] =	vst.idx.add.f32.msk $0xffff, v14  }
0xaf: {  	v16 =	vld.idx.msk [tilespmem:v7+s19+$0x0], $0xffff  }
0xb0: {  	v14 =	vld.idx.msk [tilespmem:v12+s20+$0x0], $0xffff  }
0xb1: {  	v13 =	vmul.f32 v13, v6  }
0xb2: {  	v15 =	vmul.f32 v15, v4  }
0xb3: {  	[tilespmem:v3+s29+$0x0] =	vst.idx.add.f32.msk $0xffff, v13  }
0xb4: {  	[tilespmem:v2+s29+$0x0] =	vst.idx.add.f32.msk $0xffff, v15;
	v15 =	vmul.f32 v16, v9  }
0xb5: {  	v13 =	vld.idx.msk [tilespmem:v5+s20+$0x0], $0xffff;
	v14 =	vmul.f32 v14, v11  }
0xb6: {  	[tilespmem:v8+s29+$0x0] =	vst.idx.add.f32.msk $0xffff, v15  }
0xb7: {  	[tilespmem:v10+s30+$0x0] =	vst.idx.add.f32.msk $0xffff, v14  }
0xb8: {  	v12 =	vld.idx.msk [tilespmem:v12+s21+$0x0], $0xffff  }
0xb9: {  	s6 =	simm.s32 $0x13C60;
	s5 =	simm.s32 $0x0;
	v14 =	vld.idx.msk [tilespmem:v1+s20+$0x0], $0xffff  }
.LBB2_19:
0xba: {  	v15 =	vld [tilespmem:s6+$0x10];
	s5 =	sadd.s32 $0x40, s5  }
0xbb: {  	v13 =	vmul.f32 v13, v6;
	v16 =	vld [tilespmem:s6+$0xFFFFFFF0];
	p0 =	slt.u32 s5, $0x1540  }
0xbc: {  	v17 =	vld [tilespmem:s6+$0x0]  }
0xbd: {  	v11 =	vmul.f32 v12, v11;
	v18 =	vld [tilespmem:s6+$0xFFFFFFE0]  }
0xbe: {  	v12 =	vld.idx.msk [tilespmem:v7+s20+$0x0], $0xffff  }
0xbf: {  	v14 =	vmul.f32 v14, v4;
	v19 =	vshrl.u32 v15, $0xE;
	[tilespmem:v10+s31+$0x0] =	vst.idx.add.f32.msk $0xffff, v11  }
0xc0: {  	v10 =	vshrl.u32 v16, $0xE;
	v16 =	vand.u32 $0x3FFF, v16;
	[tilespmem:v3+s30+$0x0] =	vst.idx.add.f32.msk $0xffff, v13  }
0xc1: {  	v13 =	vshrl.u32 v17, $0xE;
	v17 =	vand.u32 $0x3FFF, v17;
	[tilespmem:v2+s30+$0x0] =	vst.idx.add.f32.msk $0xffff, v14  }
0xc2: {  	v14 =	vand.u32 $0x3FFF, v18;
	v20 =	vld.idx.msk [tilespmem:v5+s21+$0x0], $0xffff;
	v5 =	vshrl.u32 v18, $0xE  }
0xc3: {  	v18 =	vld.idx.msk [tilespmem:v1+s21+$0x0], $0xffff;
	v1 =	vmov v10  }
0xc4: {  	s23 =	sadd.s32 $0x40, s23;
	v12 =	vmul.f32 v12, v9;
	v21 =	vld.idx.msk [tilespmem:v19+s4+$0x0], $0xffff  }
0xc5: {  	v11 =	vld [tilespmem:s23+$0x10]  }
0xc6: {  	v22 =	vld.idx.msk [tilespmem:v10+s4+$0x0], $0xffff  }
0xc7: {  	v10 =	vand.u32 $0x3FFF, v15;
	v23 =	vld.idx.msk [tilespmem:v5+s4+$0x0], $0xffff  }
0xc8: {  	v20 =	vmul.f32 v20, v6;
	v15 =	vld.idx.msk [tilespmem:v13+s4+$0x0], $0xffff  }
0xc9: {  	v18 =	vmul.f32 v18, v4;
	v6 =	vld [tilespmem:s23+$0xFFFFFFE0]  }
0xca: {  	v4 =	vld [tilespmem:s23+$0xFFFFFFF0];
	v21 =	vmul.f32 v21, v11  }
0xcb: {  	v24 =	vld [tilespmem:s23+$0x0]  }
0xcc: {  	[tilespmem:v10+s28+$0x0] =	vst.idx.add.f32.msk $0xffff, v21  }
0xcd: {  	v21 =	vld.idx.msk [tilespmem:v19+s19+$0x0], $0xffff  }
0xce: {  	v23 =	vmul.f32 v23, v6;
	[tilespmem:v8+s30+$0x0] =	vst.idx.add.f32.msk $0xffff, v12  }
0xcf: {  	v12 =	vmul.f32 v22, v4;
	v22 =	vld.idx.msk [tilespmem:v7+s21+$0x0], $0xffff;
	v7 =	vmov v13  }
0xd0: {  	[tilespmem:v14+s28+$0x0] =	vst.idx.add.f32.msk $0xffff, v23;
	v13 =	vmul.f32 v15, v24  }
0xd1: {  	[tilespmem:v16+s28+$0x0] =	vst.idx.add.f32.msk $0xffff, v12  }
0xd2: {  	[tilespmem:v17+s28+$0x0] =	vst.idx.add.f32.msk $0xffff, v13  }
0xd3: {  	v13 =	vmul.f32 v21, v11;
	v12 =	vld.idx.msk [tilespmem:v5+s19+$0x0], $0xffff  }
0xd4: {  	v15 =	vld.idx.msk [tilespmem:v1+s19+$0x0], $0xffff  }
0xd5: {  	[tilespmem:v10+s29+$0x0] =	vst.idx.add.f32.msk $0xffff, v13;
	v13 =	vmul.f32 v22, v9;
	v9 =	vmov v24  }
0xd6: {  	v21 =	vld.idx.msk [tilespmem:v19+s20+$0x0], $0xffff  }
0xd7: {  	v22 =	vld.idx.msk [tilespmem:v7+s19+$0x0], $0xffff  }
0xd8: {  	[tilespmem:v3+s31+$0x0] =	vst.idx.add.f32.msk $0xffff, v20;
	v3 =	vmov v14  }
0xd9: {  	v12 =	vmul.f32 v12, v6;
	[tilespmem:v2+s31+$0x0] =	vst.idx.add.f32.msk $0xffff, v18;
	v2 =	vmov v16  }
0xda: {  	v15 =	vmul.f32 v15, v4;
	[tilespmem:v8+s31+$0x0] =	vst.idx.add.f32.msk $0xffff, v13;
	v8 =	vmov v17  }
0xdb: {  	[tilespmem:v14+s29+$0x0] =	vst.idx.add.f32.msk $0xffff, v12  }
0xdc: {  	v12 =	vmul.f32 v21, v11;
	[tilespmem:v16+s29+$0x0] =	vst.idx.add.f32.msk $0xffff, v15  }
.Ltmp10:
0xdd: {  	v14 =	vmul.f32 v22, v9;
	v13 =	vld.idx.msk [tilespmem:v5+s20+$0x0], $0xffff;
	(pc) =	sbr.rel @p0 .LBB2_19-.Ltmp10, $4  }
0xde: {  	[tilespmem:v10+s30+$0x0] =	vst.idx.add.f32.msk $0xffff, v12  }
0xdf: {  	v12 =	vld.idx.msk [tilespmem:v19+s21+$0x0], $0xffff  }
0xe0: {  	[tilespmem:v17+s29+$0x0] =	vst.idx.add.f32.msk $0xffff, v14  }
0xe1: {  	s6 =	sadd.s32 $0x40, s6;
	v14 =	vld.idx.msk [tilespmem:v1+s20+$0x0], $0xffff  }
0xe2: {  	_ =	sdelay $0x3  }
0xe3: {  	v15 =	vld.idx.msk [tilespmem:v7+s20+$0x0], $0xffff  }
0xe4: {  	v13 =	vmul.f32 v13, v6;
	_ =	sdelay $0x1  }
0xe5: {  	[tilespmem:v3+s30+$0x0] =	vst.idx.add.f32.msk $0xffff, v13;
	v14 =	vmul.f32 v14, v4  }
0xe6: {  	v5 =	vld.idx.msk [tilespmem:v5+s21+$0x0], $0xffff  }
0xe7: {  	v13 =	vmul.f32 v15, v9;
	[tilespmem:v2+s30+$0x0] =	vst.idx.add.f32.msk $0xffff, v14  }
0xe8: {  	v1 =	vld.idx.msk [tilespmem:v1+s21+$0x0], $0xffff  }
0xe9: {  	[tilespmem:v8+s30+$0x0] =	vst.idx.add.f32.msk $0xffff, v13  }
0xea: {  	v7 =	vld.idx.msk [tilespmem:v7+s21+$0x0], $0xffff;
	_ =	sdelay $0x1  }
0xeb: {  	p0 =	seq.s32 s22, $0x1D;
	v11 =	vmul.f32 v12, v11  }
0xec: {  	s5 =	smul.u32 @!p0 $0x2B00, s22;
	v5 =	vmul.f32 v5, v6  }
0xed: {  	[tilespmem:v10+s31+$0x0] =	vst.idx.add.f32.msk $0xffff, v11;
	v1 =	vmul.f32 v1, v4  }
0xee: {  	s5 =	sshrl.u32 @!p0 s5, $0x3;
	[tilespmem:v3+s31+$0x0] =	vst.idx.add.f32.msk $0xffff, v5;
	v4 =	vmul.f32 v7, v9  }
0xef: {  	s5 =	sadd.s32 @!p0 $0x560, s5;
	[tilespmem:v2+s31+$0x0] =	vst.idx.add.f32.msk $0xffff, v1  }
0xf0: {  	s23 =	simm.s32 @!p0 $0x0;
	s7 =	simm.s32 @!p0 $0x13C00;
	s6 =	sadd.s32 @!p0 s1, s5;
	[tilespmem:v8+s31+$0x0] =	vst.idx.add.f32.msk $0xffff, v4  }
0xf1: {  	[tilespmem:s7], [sflag:$0x1] =	stream.linear.gather @!p0 [hbm4b:s6+s23], $0x1580, $0x38;
	[tilespmem:$0x19200] =	vst v63  }
0xf2: {  	s5 =	sadd.s32 @!p0 s3, s5;
	s6 =	simm.s32 @!p0 $0x15180  }
0xf3: {  	[tilespmem:s6], [sflag:$0x1] =	stream.linear.gather @!p0 [hbm4b:s5+s23], $0x1580, $0x38;
	[tilespmem:$0x19200] =	vst v63  }
0xf4: {  	_ =	swait.ge [sflag:s0], $0x1580  }
0xf5: {  	[sflag:s0] =	ssyncset.done $0x0  }
0xf6: {  	[sflag:s0] =	ssyncadd.s32 $0xFFFFEA80  }
0xf7: {  	_ =	swait.ge [sflag:s0], $0x1580  }
0xf8: {  	[sflag:s0] =	ssyncset.done $0x0  }
0xf9: {  	s23 =	simm.s32 $0x16720;
	[sflag:s0] =	ssyncadd.s32 $0xFFFFEA80  }
0xfa: {  	v3 =	vld [tilespmem:s23+$0x10];
	_ =	sdelay $0x1  }
0xfb: {  	v8 =	vld [tilespmem:s23+$0xFFFFFFE0]  }
0xfc: {  	v4 =	vld [tilespmem:s23+$0xFFFFFFF0]  }
0xfd: {  	v9 =	vld [tilespmem:s23+$0x0]  }
0xfe: {  	v12 =	vshrl.u32 v3, $0xE  }
0xff: {  	s23 =	simm.s32 $0x17CA0  }
0x100: {  	v11 =	vld [tilespmem:s23+$0x10];
	v2 =	vshrl.u32 v8, $0xE  }
0x101: {  	v7 =	vld [tilespmem:s23+$0xFFFFFFE0];
	v1 =	vshrl.u32 v4, $0xE  }
0x102: {  	v5 =	vld [tilespmem:s23+$0xFFFFFFF0];
	v6 =	vshrl.u32 v9, $0xE  }
0x103: {  	v13 =	vld.idx.msk [tilespmem:v12+s4+$0x0], $0xffff  }
0x104: {  	v10 =	vand.u32 $0x3FFF, v3;
	v3 =	vand.u32 $0x3FFF, v8;
	v8 =	vld [tilespmem:s23+$0x0]  }
0x105: {  	v15 =	vld.idx.msk [tilespmem:v2+s4+$0x0], $0xffff  }
0x106: {  	v14 =	vld.idx.msk [tilespmem:v1+s4+$0x0], $0xffff  }
0x107: {  	v16 =	vld.idx.msk [tilespmem:v6+s4+$0x0], $0xffff  }
0x108: {  	v4 =	vand.u32 $0x3FFF, v4;
	v13 =	vmul.f32 v13, v11  }
0x109: {  	v9 =	vand.u32 $0x3FFF, v9  }
0x10a: {  	v15 =	vmul.f32 v15, v7;
	[tilespmem:v10+s28+$0x0] =	vst.idx.add.f32.msk $0xffff, v13  }
0x10b: {  	v14 =	vmul.f32 v14, v5;
	v13 =	vld.idx.msk [tilespmem:v12+s19+$0x0], $0xffff  }
0x10c: {  	v16 =	vmul.f32 v16, v8;
	[tilespmem:v3+s28+$0x0] =	vst.idx.add.f32.msk $0xffff, v15  }
0x10d: {  	[tilespmem:v4+s28+$0x0] =	vst.idx.add.f32.msk $0xffff, v14  }
0x10e: {  	[tilespmem:v9+s28+$0x0] =	vst.idx.add.f32.msk $0xffff, v16  }
0x10f: {  	v15 =	vld.idx.msk [tilespmem:v1+s19+$0x0], $0xffff  }
0x110: {  	v14 =	vld.idx.msk [tilespmem:v2+s19+$0x0], $0xffff;
	v13 =	vmul.f32 v13, v11  }
0x111: {  	v16 =	vld.idx.msk [tilespmem:v6+s19+$0x0], $0xffff  }
0x112: {  	[tilespmem:v10+s29+$0x0] =	vst.idx.add.f32.msk $0xffff, v13  }
0x113: {  	v13 =	vld.idx.msk [tilespmem:v12+s20+$0x0], $0xffff  }
0x114: {  	v15 =	vmul.f32 v15, v5  }
0x115: {  	v14 =	vmul.f32 v14, v7  }
0x116: {  	[tilespmem:v4+s29+$0x0] =	vst.idx.add.f32.msk $0xffff, v15;
	v15 =	vmul.f32 v16, v8  }
0x117: {  	[tilespmem:v3+s29+$0x0] =	vst.idx.add.f32.msk $0xffff, v14  }
0x118: {  	[tilespmem:v9+s29+$0x0] =	vst.idx.add.f32.msk $0xffff, v15;
	v14 =	vmul.f32 v13, v11  }
0x119: {  	v13 =	vld.idx.msk [tilespmem:v2+s20+$0x0], $0xffff  }
0x11a: {  	[tilespmem:v10+s30+$0x0] =	vst.idx.add.f32.msk $0xffff, v14  }
0x11b: {  	v12 =	vld.idx.msk [tilespmem:v12+s21+$0x0], $0xffff  }
0x11c: {  	s5 =	simm.s32 $0x0;
	s6 =	simm.s32 $0x16760;
	v14 =	vld.idx.msk [tilespmem:v1+s20+$0x0], $0xffff  }
.LBB2_21:
0x11d: {  	v15 =	vld [tilespmem:s6+$0x10];
	s5 =	sadd.s32 $0x40, s5  }
0x11e: {  	v13 =	vmul.f32 v13, v7;
	v16 =	vld [tilespmem:s6+$0xFFFFFFF0];
	p1 =	slt.u32 s5, $0x1540  }
0x11f: {  	v17 =	vld [tilespmem:s6+$0x0]  }
0x120: {  	v11 =	vmul.f32 v12, v11;
	v18 =	vld [tilespmem:s6+$0xFFFFFFE0]  }
0x121: {  	v12 =	vld.idx.msk [tilespmem:v6+s20+$0x0], $0xffff  }
0x122: {  	v14 =	vmul.f32 v14, v5;
	v19 =	vshrl.u32 v15, $0xE;
	[tilespmem:v10+s31+$0x0] =	vst.idx.add.f32.msk $0xffff, v11  }
0x123: {  	v10 =	vshrl.u32 v16, $0xE;
	v16 =	vand.u32 $0x3FFF, v16;
	[tilespmem:v3+s30+$0x0] =	vst.idx.add.f32.msk $0xffff, v13  }
0x124: {  	v13 =	vshrl.u32 v17, $0xE;
	v17 =	vand.u32 $0x3FFF, v17;
	[tilespmem:v4+s30+$0x0] =	vst.idx.add.f32.msk $0xffff, v14  }
0x125: {  	v14 =	vand.u32 $0x3FFF, v18;
	v20 =	vld.idx.msk [tilespmem:v2+s21+$0x0], $0xffff;
	v2 =	vshrl.u32 v18, $0xE  }
0x126: {  	v18 =	vld.idx.msk [tilespmem:v1+s21+$0x0], $0xffff;
	v1 =	vmov v10  }
0x127: {  	s23 =	sadd.s32 $0x40, s23;
	v12 =	vmul.f32 v12, v8;
	v21 =	vld.idx.msk [tilespmem:v19+s4+$0x0], $0xffff  }
0x128: {  	v11 =	vld [tilespmem:s23+$0x10]  }
0x129: {  	v22 =	vld.idx.msk [tilespmem:v10+s4+$0x0], $0xffff  }
0x12a: {  	v10 =	vand.u32 $0x3FFF, v15;
	v23 =	vld.idx.msk [tilespmem:v2+s4+$0x0], $0xffff  }
0x12b: {  	v20 =	vmul.f32 v20, v7;
	v15 =	vld.idx.msk [tilespmem:v13+s4+$0x0], $0xffff  }
0x12c: {  	v18 =	vmul.f32 v18, v5;
	v7 =	vld [tilespmem:s23+$0xFFFFFFE0]  }
0x12d: {  	v5 =	vld [tilespmem:s23+$0xFFFFFFF0];
	v21 =	vmul.f32 v21, v11  }
0x12e: {  	v24 =	vld [tilespmem:s23+$0x0]  }
0x12f: {  	[tilespmem:v10+s28+$0x0] =	vst.idx.add.f32.msk $0xffff, v21  }
0x130: {  	v21 =	vld.idx.msk [tilespmem:v19+s19+$0x0], $0xffff  }
0x131: {  	v23 =	vmul.f32 v23, v7;
	[tilespmem:v9+s30+$0x0] =	vst.idx.add.f32.msk $0xffff, v12  }
0x132: {  	v12 =	vmul.f32 v22, v5;
	v22 =	vld.idx.msk [tilespmem:v6+s21+$0x0], $0xffff;
	v6 =	vmov v13  }
0x133: {  	[tilespmem:v14+s28+$0x0] =	vst.idx.add.f32.msk $0xffff, v23;
	v13 =	vmul.f32 v15, v24  }
0x134: {  	[tilespmem:v16+s28+$0x0] =	vst.idx.add.f32.msk $0xffff, v12  }
0x135: {  	[tilespmem:v17+s28+$0x0] =	vst.idx.add.f32.msk $0xffff, v13  }
0x136: {  	v13 =	vmul.f32 v21, v11;
	v12 =	vld.idx.msk [tilespmem:v2+s19+$0x0], $0xffff  }
0x137: {  	v15 =	vld.idx.msk [tilespmem:v1+s19+$0x0], $0xffff  }
0x138: {  	[tilespmem:v10+s29+$0x0] =	vst.idx.add.f32.msk $0xffff, v13;
	v13 =	vmul.f32 v22, v8;
	v8 =	vmov v24  }
0x139: {  	v21 =	vld.idx.msk [tilespmem:v19+s20+$0x0], $0xffff  }
0x13a: {  	v22 =	vld.idx.msk [tilespmem:v6+s19+$0x0], $0xffff  }
0x13b: {  	[tilespmem:v3+s31+$0x0] =	vst.idx.add.f32.msk $0xffff, v20;
	v3 =	vmov v14  }
0x13c: {  	v12 =	vmul.f32 v12, v7;
	[tilespmem:v4+s31+$0x0] =	vst.idx.add.f32.msk $0xffff, v18;
	v4 =	vmov v16  }
0x13d: {  	v15 =	vmul.f32 v15, v5;
	[tilespmem:v9+s31+$0x0] =	vst.idx.add.f32.msk $0xffff, v13;
	v9 =	vmov v17  }
0x13e: {  	[tilespmem:v14+s29+$0x0] =	vst.idx.add.f32.msk $0xffff, v12  }
0x13f: {  	v12 =	vmul.f32 v21, v11;
	[tilespmem:v16+s29+$0x0] =	vst.idx.add.f32.msk $0xffff, v15  }
.Ltmp11:
0x140: {  	v14 =	vmul.f32 v22, v8;
	v13 =	vld.idx.msk [tilespmem:v2+s20+$0x0], $0xffff;
	(pc) =	sbr.rel @p1 .LBB2_21-.Ltmp11, $4  }
0x141: {  	[tilespmem:v10+s30+$0x0] =	vst.idx.add.f32.msk $0xffff, v12  }
0x142: {  	v12 =	vld.idx.msk [tilespmem:v19+s21+$0x0], $0xffff  }
0x143: {  	[tilespmem:v17+s29+$0x0] =	vst.idx.add.f32.msk $0xffff, v14  }
0x144: {  	s6 =	sadd.s32 $0x40, s6;
	v14 =	vld.idx.msk [tilespmem:v1+s20+$0x0], $0xffff  }
0x145: {  	_ =	sdelay $0x3  }
0x146: {  	v15 =	vld.idx.msk [tilespmem:v6+s20+$0x0], $0xffff  }
0x147: {  	v13 =	vmul.f32 v13, v7;
	_ =	sdelay $0x1  }
0x148: {  	[tilespmem:v3+s30+$0x0] =	vst.idx.add.f32.msk $0xffff, v13;
	v14 =	vmul.f32 v14, v5  }
0x149: {  	v2 =	vld.idx.msk [tilespmem:v2+s21+$0x0], $0xffff  }
0x14a: {  	v61 =	vmul.f32 v15, v8;
	[tilespmem:v4+s30+$0x0] =	vst.idx.add.f32.msk $0xffff, v14  }
0x14b: {  	v1 =	vld.idx.msk [tilespmem:v1+s21+$0x0], $0xffff  }
0x14c: {  	[tilespmem:v9+s30+$0x0] =	vst.idx.add.f32.msk $0xffff, v61  }
0x14d: {  	v62 =	vld.idx.msk [tilespmem:v6+s21+$0x0], $0xffff;
	_ =	sdelay $0x1  }
0x14e: {  	v11 =	vmul.f32 v12, v11  }
.Ltmp12:
0x14f: {  	v2 =	vmul.f32 v2, v7;
	(pc) =	sbr.rel @p0 .LBB2_24-.Ltmp12, $4  }
0x150: {  	[tilespmem:v10+s31+$0x0] =	vst.idx.add.f32.msk $0xffff, v11;
	v1 =	vmul.f32 v1, v5  }
0x151: {  	[tilespmem:v3+s31+$0x0] =	vst.idx.add.f32.msk $0xffff, v2;
	v63 =	vmul.f32 v62, v8  }
0x152: {  	[tilespmem:v4+s31+$0x0] =	vst.idx.add.f32.msk $0xffff, v1  }
0x153: {  	[tilespmem:v9+s31+$0x0] =	vst.idx.add.f32.msk $0xffff, v63  }
0x154: {  	s5 =	smul.u32 $0x2B00, s22;
	_ =	sdelay $0x1  }
0x155: {  	s5 =	sshrl.u32 s5, $0x3  }
.Ltmp13:
0x156: {  	s5 =	sadd.s32 $0x810, s5;
	(pc) =	sbr.rel .LBB2_18-.Ltmp13, $4  }
0x157: {  	s6 =	sadd.s32 s1, s5  }
0x158: {  	[tilespmem:s24], [sflag:$0x2] =	stream.linear.gather [hbm4b:s6+s4], $0x1580, $0x38;
	[tilespmem:$0x19200] =	vst v63  }
0x159: {  	s22 =	sadd.s32 $0x1, s22;
	s5 =	sadd.s32 s3, s5  }
0x15a: {  	[tilespmem:s25], [sflag:$0x2] =	stream.linear.gather [hbm4b:s5+s4], $0x1580, $0x38;
	[tilespmem:$0x19200] =	vst v63  }
.LBB2_25:
0x15b: {  	_ =	sfence.sel $0x180000  }
0x15c: {  	[bflag:$0x0] =	sbarrier.arrive $0xFFFF  }
0x15d: {  	_ =	strace $0x9000004D  }
0x15e: {  	s0 =	stileid.u32;
	[bflag:$0x2] =	sbarrier.arrive $0xFFFF  }
0x15f: {  	p0 =	sne.s32 s0, $0x0;
	s0 =	rddreg [dreg:$0x3]  }
0x160: {  	s0 =	sadd.s32 @!p0 $0x100000, s0  }
0x161: {  	[sflag:s0] =	ssyncadd.tile.s32 @!p0 $0x1;
	_ =	shalt  }
.Lfunc_end2:
_tile_overlayer_lowered:
.L_overlay_start_2:
0x162: {  	(tag) =	ssettag $0x2  }
0x163: {  	s0 =	rddreg [dreg:$0x0];
	s2 =	stileid.u32  }
0x164: {  	s1 =	rddreg [dreg:$0x1];
	p0 =	sne.s32 s2, $0x0  }
0x165: {  	s3 =	rddreg [dreg:$0x2];
	[bflag:$0x3] =	sbarrier.arrive $0xFFFF;
	s2 =	simm.s32 @!p0 $0x1C03  }
0x166: {  	[timem:s3], [sflag:s2] =	dma.local @!p0 [hbm:s0], s1  }
0x167: {  	s0 =	simm.s32 @!p0 $0x3  }
0x168: {  	_ =	swait.ge @!p0 [sflag:s0], s1  }
0x169: {  	s1 =	ssub.s32 @!p0 $0x0, s1;
	[sflag:s0] =	ssyncset.done @!p0 $0x0  }
0x16a: {  	[sflag:s0] =	ssyncadd.s32 @!p0 s1  }
0x16b: {  	[bflag:$0x3] =	sbarrier.arrive $0xFFFF  }
0x16c: {  	_ =	shalt  }

// kernel: kernel.22.cloned.1.call-start
scs
__scs_entry_jumppad:
0x0: {  	(pc) =	sbr.rel $0x88, $3  }
0x1: {  	(tag) =	ssettag $0x0;
	lr =	simm.s32 $0x1  }
0x2: {  	[smem:$0x3F97] =	sst lr;
	_ =	strace $0xD0000000  }
0x3: {  	_ = 	snop  }
0x4: {  	_ = 	snop  }
0x5: {  	_ = 	snop  }
0x6: {  	_ = 	snop  }
0x7: {  	_ = 	snop  }
__scs_overlays_trampoline_lowered:
0x8: {  	[smem:$0x3FA6] =	sst s0  }
0x9: {  	[smem:$0x3FA7] =	sst s1  }
0xa: {  	[smem:$0x3FA8] =	sst s2  }
0xb: {  	[smem:$0x3FA9] =	sst s3  }
0xc: {  	[smem:$0x3FAA] =	sst s4  }
0xd: {  	[smem:$0x3FAB] =	sst s5  }
0xe: {  	[smem:$0x3FAC] =	sst s6  }
0xf: {  	[smem:$0x3FAD] =	sst s7  }
0x10: {  	[smem:$0x3FAE] =	sst s8  }
0x11: {  	[smem:$0x3FAF] =	sst s9;
	s0 =	simm.s32 @!p0 $0x0  }
0x12: {  	s1 =	sld [smem:$0x3F95];
	s0 =	simm.s32 @p0 $0x1  }
0x13: {  	[smem:$0x3FB0] =	sst s0;
	s0 =	simm.s32 @!p1 $0x0  }
0x14: {  	s2 =	sld [smem:$0x3F94];
	s0 =	simm.s32 @p1 $0x1  }
0x15: {  	[smem:$0x3FB1] =	sst s0;
	s0 =	simm.s32 @!p2 $0x0  }
0x16: {  	s3 =	sld [smem:$0x3FDB];
	s0 =	simm.s32 @p2 $0x1  }
0x17: {  	s4 =	simm.s32 $0x1BF5;
	[smem:$0x3FB3] =	sst s0  }
0x18: {  	s0 =	sld [smem:$0x3F96];
	_ =	swait.ge [sflag:s4], $0x0  }
0x19: {  	s7 =	sld [smem:$0x3F97]  }
0x1a: {  	s8 =	sadd.s32 $0xFFFFE003, lr  }
0x1b: {  	s9 =	sadd.s32 $0xFFFFFEF7, lr;
	s5 =	simm.s32 $0xFFFFFFFF;
	p2 =	slt.u32 s8, $0xFFFFF086  }
0x1c: {  	p1 =	slt.u32 s9, $0xF7A;
	s5 =	simm.s32 @!p2 $0x0  }
0x1d: {  	s5 =	simm.s32 @p1 $0x1;
	p0 =	seq.s32 s7, s2  }
0x1e: {  	s7 =	smul.u32 @!p0 $0xF7A, s2;
	p2 =	seq.s32 @!p0 s5, $0x0  }
0x1f: {  	s9 =	smul.u32 $0xF7A, s1;
	s8 =	simm.s32 @!p0 $0x1BF5;
	p2 =	por !p2, p0  }
0x20: {  	[sflag:s8] =	ssyncset.s32 @!p0 $0xFFFFF086;
	s6 =	sadd.s32 @!p0 s3, s7;
	s7 =	simm.s32 @!p0 $0x108  }
0x21: {  	s3 =	sadd.s32 s3, s9;
	s6 =	sadd.s32 @!p0 $0x88, s6;
	s7 =	simm.s32 @p2 $0x1082  }
0x22: {  	[simem:s7], [sflag:s8] =	dma.local @!p0 [hbm:s6], $0xF7A  }
0x23: {  	s9 =	sor.u32 $0xD0000000, s2;
	s6 =	simm.s32 $0x108;
	_ =	swait.ge @!p0 [sflag:s8], $0x0  }
0x24: {  	s3 =	sadd.s32 $0x88, s3;
	s6 =	simm.s32 @!p1 $0x1082;
	[sflag:s4] =	ssyncset.s32 $0xFFFFF086  }
0x25: {  	[simem:s6], [sflag:s4] =	dma.local [hbm:s3], $0xF7A  }
0x26: {  	[smem:$0x3F97] =	sst s1;
	(tag) =	ssettag s2;
	_ =	strace s9  }
0x27: {  	s1 =	sld [smem:$0x3FA7]  }
0x28: {  	s2 =	sld [smem:$0x3FA8]  }
0x29: {  	s4 =	sld [smem:$0x3FAA]  }
0x2a: {  	p0 =	seq.s32 s5, $0x0;
	s5 =	sld [smem:$0x3FAB]  }
0x2b: {  	s6 =	sld [smem:$0x3FAC]  }
0x2c: {  	s7 =	sld [smem:$0x3FAD]  }
0x2d: {  	s3 =	simm.s32 $0x108;
	s8 =	sld [smem:$0x3FAE]  }
0x2e: {  	s3 =	simm.s32 @!p0 $0x1082;
	s9 =	sld [smem:$0x3FAF]  }
0x2f: {  	lr =	sadd.s32 s0, s3;
	s0 =	sld [smem:$0x3FA6]  }
0x30: {  	s3 =	sld [smem:$0x3FA9]  }
0x31: {  	[smem:$0x3FB2] =	sst s10  }
0x32: {  	s10 =	sld [smem:$0x3FB0];
	_ =	sdelay $0x3  }
0x33: {  	p0 =	seq.s32 s10, $0x1;
	s10 =	sld [smem:$0x3FB2];
	_ =	sdelay $0x3  }
0x34: {  	[smem:$0x3FB2] =	sst s10  }
0x35: {  	s10 =	sld [smem:$0x3FB1];
	_ =	sdelay $0x3  }
0x36: {  	p1 =	seq.s32 s10, $0x1;
	s10 =	sld [smem:$0x3FB2];
	_ =	sdelay $0x3  }
0x37: {  	[smem:$0x3FB2] =	sst s10  }
0x38: {  	s10 =	sld [smem:$0x3FB3]  }
0x39: {  	_ = 	snop;
	(pc) =	sbr.ind lr, $3  }
0x3a: {  	_ = 	snop  }
0x3b: {  	_ = 	snop  }
0x3c: {  	p2 =	seq.s32 s10, $0x1;
	s10 =	sld [smem:$0x3FB2]  }
0x3d: {  	_ =	shalt  }
0x3e: {  	_ =	shalt  }
0x3f: {  	_ =	shalt  }
0x40: {  	_ =	shalt  }
0x41: {  	_ =	shalt  }
0x42: {  	_ =	shalt  }
0x43: {  	_ =	shalt  }
0x44: {  	_ =	shalt  }
0x45: {  	_ =	shalt  }
0x46: {  	_ =	shalt  }
0x47: {  	_ =	shalt  }
0x48: {  	_ =	shalt  }
0x49: {  	_ =	shalt  }
0x4a: {  	_ =	shalt  }
0x4b: {  	_ =	shalt  }
0x4c: {  	_ =	shalt  }
0x4d: {  	_ =	shalt  }
0x4e: {  	_ =	shalt  }
0x4f: {  	_ =	shalt  }
0x50: {  	_ =	shalt  }
0x51: {  	_ =	shalt  }
0x52: {  	_ =	shalt  }
0x53: {  	_ =	shalt  }
0x54: {  	_ =	shalt  }
0x55: {  	_ =	shalt  }
0x56: {  	_ =	shalt  }
0x57: {  	_ =	shalt  }
0x58: {  	_ =	shalt  }
0x59: {  	_ =	shalt  }
0x5a: {  	_ =	shalt  }
0x5b: {  	_ =	shalt  }
0x5c: {  	_ =	shalt  }
0x5d: {  	_ =	shalt  }
0x5e: {  	_ =	shalt  }
0x5f: {  	_ =	shalt  }
0x60: {  	_ =	shalt  }
0x61: {  	_ =	shalt  }
0x62: {  	_ =	shalt  }
0x63: {  	_ =	shalt  }
0x64: {  	_ =	shalt  }
0x65: {  	_ =	shalt  }
0x66: {  	_ =	shalt  }
0x67: {  	_ =	shalt  }
0x68: {  	_ =	shalt  }
0x69: {  	_ =	shalt  }
0x6a: {  	_ =	shalt  }
0x6b: {  	_ =	shalt  }
0x6c: {  	_ =	shalt  }
0x6d: {  	_ =	shalt  }
0x6e: {  	_ =	shalt  }
0x6f: {  	_ =	shalt  }
0x70: {  	_ =	shalt  }
0x71: {  	_ =	shalt  }
0x72: {  	_ =	shalt  }
0x73: {  	_ =	shalt  }
0x74: {  	_ =	shalt  }
0x75: {  	_ =	shalt  }
0x76: {  	_ =	shalt  }
0x77: {  	_ =	shalt  }
0x78: {  	_ =	shalt  }
0x79: {  	_ =	shalt  }
0x7a: {  	_ =	shalt  }
0x7b: {  	_ =	shalt  }
0x7c: {  	_ =	shalt  }
0x7d: {  	_ =	shalt  }
0x7e: {  	_ =	shalt  }
0x7f: {  	_ =	shalt  }
0x80: {  	_ =	shalt  }
0x81: {  	_ =	shalt  }
0x82: {  	_ =	shalt  }
0x83: {  	_ =	shalt  }
0x84: {  	_ =	shalt  }
0x85: {  	_ =	shalt  }
0x86: {  	_ =	shalt  }
0x87: {  	_ =	shalt  }
.Lfunc_end0:
.L_simem_size_0:
called_computation.3_lowered:
.L_overlay_start_0:
0x88: {  	s2 =	sld [smem:$0x3FD9]  }
0x89: {  	s3 =	sld [smem:$0x3FFE];
	_ =	sdelay $0x1  }
0x8a: {  	s1 =	srdreg.scid  }
0x8b: {  	s0 =	sand.u32 $0x1, s1  }
0x8c: {  	s14 =	sshll.u32 s0, $0xA;
	s2 =	sadd.s32 s3, s2  }
0x8d: {  	s2 =	sadd.s32 s2, s14  }
0x8e: {  	[smem:$0x3FBE] =	sst s2  }
0x8f: {  	_ = 	snop  }
0x90: {  	s2 =	sld [smem:$0x3FD0];
	_ =	sdelay $0x2  }
0x91: {  	s15 =	simm.s32 $0xA;
	s4 =	simm.s32 $0x10  }
0x92: {  	[smem:s4], [sflag:s15] =	dma.local [hbm:s2], $0x1  }
0x93: {  	_ =	swait.eq [sflag:s15], $0x1  }
0x94: {  	s16 =	sld [smem:$0x10]  }
0x95: {  	s17 =	sld [smem:$0x11];
	[sflag:s15] =	ssyncset.done $0x0  }
0x96: {  	s5 =	sld [smem:$0x13];
	[sflag:s15] =	ssyncadd.s32 $0xFFFFFFFF  }
0x97: {  	s18 =	sld [smem:$0x14];
	(tm) =	ssettm $0x1  }
0x98: {  	s6 =	sld [smem:$0x3FFB];
	_ =	sdelay $0x3  }
0x99: {  	_ =	strace s6  }
0x9a: {  	s6 =	sld [smem:$0x3FFC];
	_ =	sdelay $0x3  }
0x9b: {  	_ =	strace s6  }
0x9c: {  	s6 =	sld [smem:$0x3FFD];
	_ =	sdelay $0x3  }
0x9d: {  	_ =	strace s6  }
0x9e: {  	_ =	strace $0x8FFFFFFF  }
0x9f: {  	s19 =	sld [smem:$0x3FDB];
	_ =	sdelay $0x1  }
0xa0: {  	s7 =	simm.s32 $_scs_section_size  }
0xa1: {  	s8 =	simm.s32 $_size__tile_overlayer_lowered;
	s9 =	simm.s32 $_tile_overlayer_lowered  }
0xa2: {  	s22 =	simm.s32 $0x1BFF;
	s21 =	sshll.u32 s9, $0x1;
	s6 =	sadd.s32 s7, s19  }
0xa3: {  	s10 =	simm.s32 $0x0;
	s20 =	sshll.u32 s8, $0x1;
	s8 =	sadd.s32 s21, s6  }
0xa4: {  	[timem:s10], [sflag:s22] =	dma.local [hbm:s8], s20  }
0xa5: {  	_ =	swait.ge [sflag:s22], s20  }
0xa6: {  	s7 =	ssub.s32 $0x0, s20;
	[sflag:s22] =	ssyncset.done $0x0  }
0xa7: {  	[sflag:s22] =	ssyncadd.s32 s7;
	_ =	sdelay $0x1  }
0xa8: {  	s23 =	simm.s32 $0x1B8B  }
0xa9: {  	_ =	swait.ge [sflag:s23], $0x1  }
0xaa: {  	[sflag:s23] =	ssyncset.done $0x0  }
0xab: {  	s25 =	simm.s32 $0x1B8E;
	s24 =	sld [smem:$0x3FFE];
	[sflag:s23] =	ssyncadd.s32 $0xFFFFFFFF  }
0xac: {  	s26 =	simm.s32 $execute0_lowered;
	[smem:$0x3FD2] =	sst s25  }
0xad: {  	s8 =	sshll.u32 s26, $0x1;
	_ =	strace $0x8000004F;
	[dreg:$0x1] =	wrdreg $0xFFFFFFFF  }
0xae: {  	s28 =	simm.s32 $_size_execute0_lowered;
	s6 =	sadd.s32 s6, s8;
	[dreg:$0x0] =	wrdreg $0x0  }
0xaf: {  	s8 =	sshll.u32 s28, $0x1;
	[dreg:$0x2] =	wrdreg s6  }
0xb0: {  	[dreg:$0x3] =	wrdreg s8  }
0xb1: {  	[dreg:$0x4] =	wrdreg $0xC0  }
0xb2: {  	_ =	task [dreg:s10], $0x5FFFF  }
0xb3: {  	[dreg:$0x1] =	wrdreg $0xFFFFFFFF  }
0xb4: {  	[dreg:$0x0] =	wrdreg $0x60  }
0xb5: {  	[dreg:$0x2] =	wrdreg s18  }
0xb6: {  	[dreg:$0x3] =	wrdreg s5  }
0xb7: {  	[dreg:$0x4] =	wrdreg s24  }
0xb8: {  	[dreg:$0x5] =	wrdreg s17  }
0xb9: {  	[dreg:$0x6] =	wrdreg s16  }
0xba: {  	[dreg:$0x7] =	wrdreg $0x9  }
0xbb: {  	_ =	task.clear_ibuf [dreg:s10], $0x8FFFF;
	_ =	strace $0x9000004F  }
0xbc: {  	s29 =	simm.s32 $0x9;
	_ =	strace $0x80000051  }
0xbd: {  	_ =	swait.ge [sflag:s29], $0x1  }
0xbe: {  	[sflag:s29] =	ssyncadd.s32 $0xFFFFFFFF  }
0xbf: {  	_ =	strace $0x90000051  }
0xc0: {  	_ =	sfence  }
0xc1: {  	s30 =	sld [smem:$0x0];
	_ =	sdelay $0x2  }
0xc2: {  	s31 =	sshll.u32 s1, $0xD;
	s1 =	sshrl.u32 s1, $0x2  }
0xc3: {  	s3 =	sand.u32 $0x4000, s31;
	s1 =	sadd.s32 s1, s30  }
0xc4: {  	s0 =	sor.u32 s3, s0;
	s1 =	sshll.u32 s1, $0x11  }
0xc5: {  	s0 =	sor.u32 s1, s0  }
0xc6: {  	s0 =	sadd.s32 $0x8F2B, s0  }
0xc7: {  	[sflag:s0] =	ssyncadd.remote.s32 $0x1  }
0xc8: {  	_ =	sfence.sel $0xFFFF  }
0xc9: {  	[dreg:$0x0] =	wrdreg $0xFFFFFFFF;
	(pc) =	sbr.abs _section_cstart, $3  }
0xca: {  	[dreg:$0x1] =	wrdreg $0xFFFFFFFF  }
0xcb: {  	_ =	task.clear_ibuf [dreg:s10], $0x2FFFF;
	_ =	strace $0x9FFFFFFF  }
0xcc: {  	(tm) =	ssettm $0x7FFFFFFF  }
0xcd: {  	_ =	shalt  }
tec
execute0_lowered:
.L_overlay_start_1:
0x0: {  	(tag) =	ssettag $0x1  }
0x1: {  	s6 =	rddreg [dreg:$0x0]  }
0x2: {  	s7 =	rddreg [dreg:$0x1]  }
0x3: {  	s8 =	rddreg [dreg:$0x2]  }
0x4: {  	s9 =	rddreg [dreg:$0x3]  }
0x5: {  	s10 =	rddreg [dreg:$0x4]  }
0x6: {  	s2 =	srdreg.scid;
	s1 =	stileid.u32  }
0x7: {  	s0 =	rddreg [dreg:$0x5];
	s15 =	simm.s32 $0x7800;
	s16 =	simm.s32 $0x1  }
0x8: {  	s17 =	simm.s32 $0xC900;
	s18 =	simm.s32 $0xA080;
	s19 =	simm.s32 $0x2  }
0x9: {  	s20 =	simm.s32 $0xF080;
	s21 =	simm.s32 $0x80;
	s22 =	simm.s32 $0x400  }
0xa: {  	s23 =	simm.s32 $0x0;
	s5 =	sand.u32 $0x1, s2;
	s3 =	sshll.u32 s1, $0x1  }
0xb: {  	s2 =	simm.s32 $0x0;
	s30 =	sshrl.u32 s1, $0x2;
	s11 =	sor.u32 s5, s3  }
0xc: {  	[smem:$0x7FF] =	sst s2;
	s12 =	smul.u32 $0x13C00, s30;
	s3 =	sadd.s32 $0x29200, s8  }
0xd: {  	s31 =	ssub.s32 $0x2, s5;
	s5 =	sadd.s32 $0x29E00, s8;
	s4 =	sshll.u32 s11, $0x7  }
0xe: {  	_ =	strace $0x80000050;
	s11 =	smul.u32 $0x50A, s11;
	s13 =	sand.u32 $0x380, s4  }
0xf: {  	s14 =	sshrl.u32 s31, $0x1;
	s4 =	sadd.s32 $0x29800, s8;
	s12 =	sor.u32 s12, s13  }
0x10: {  	s13 =	ssub.s32 s31, s14;
	s6 =	sadd.s32 s6, s11;
	s12 =	sshrl.u32 s12, $0x3  }
0x11: {  	s7 =	sadd.s32 s7, s11;
	s14 =	simm.s32 $0x4F80;
	s12 =	sadd.s32 s12, s8  }
0x12: {  	s8 =	sadd.s32 s9, s11;
	s9 =	sadd.s32 s10, s11;
	s11 =	smax.u32 s13, $0x1  }
0x13: {  	v0 =	vimm.f32 $0.0e+00;
	s13 =	simm.s32 $0x4F00;
	s10 =	sadd.s32 $0x2A000, s12;
	s12 =	simm.s32 $0x2780  }
.LBB2_1:
0x14: {  	[tilespmem:s2], [sflag:$0x1] =	stream.linear.gather [hbm4b:s3+s2], $0x2780, $0x38;
	[tilespmem:$0x11900] =	vst v63  }
0x15: {  	_ = 	snop  }
0x16: {  	[tilespmem:s12], [sflag:$0x1] =	stream.linear.gather [hbm4b:s4+s2], $0x2780, $0x38;
	[tilespmem:$0x11900] =	vst v63  }
0x17: {  	_ = 	snop  }
0x18: {  	[tilespmem:s13], [sflag:$0x1] =	stream.linear.gather [hbm4b:s5+s2], $0x80, $0x38;
	[tilespmem:$0x11900] =	vst v63  }
0x19: {  	_ = 	snop  }
0x1a: {  	[tilespmem:s14], [sflag:$0x1] =	stream.linear.gather [hbm4b:s6+s2], $0x2850, $0x38;
	[tilespmem:$0x11900] =	vst v63  }
0x1b: {  	s24 =	simm.s32 $0xC940  }
0x1c: {  	[tilespmem:s15], [sflag:$0x1] =	stream.linear.gather [hbm4b:s7+s2], $0x2850, $0x38;
	[tilespmem:$0x11900] =	vst v63  }
0x1d: {  	[tilespmem:s24+$0xFFFFFFC0] =	vst v0  }
0x1e: {  	[tilespmem:s24+$0x30] =	vst v0  }
0x1f: {  	[tilespmem:s24+$0x20] =	vst v0  }
0x20: {  	[tilespmem:s24+$0x10] =	vst v0  }
0x21: {  	[tilespmem:s24+$0x0] =	vst v0  }
0x22: {  	[tilespmem:s24+$0xFFFFFFF0] =	vst v0  }
0x23: {  	s28 =	simm.s32 $0x0;
	s25 =	simm.s32 $0xF000;
	[tilespmem:s24+$0xFFFFFFE0] =	vst v0  }
.LBB2_2:
0x24: {  	s28 =	sadd.s32 $0x80, s28;
	[tilespmem:s24+$0xFFFFFFD0] =	vst v0;
	s24 =	sadd.s32 $0x80, s24;
	s26 =	simm.s32 $0x26F0  }
0x25: {  	[tilespmem:s24+$0xFFFFFFC0] =	vst v0;
	p0 =	slt.u32 s28, $0x2680  }
0x26: {  	[tilespmem:s24+$0x30] =	vst v0  }
.Ltmp0:
0x27: {  	[tilespmem:s24+$0x20] =	vst v0;
	(pc) =	sbr.rel @p0 .LBB2_2-.Ltmp0, $4  }
0x28: {  	[tilespmem:s24+$0x10] =	vst v0  }
0x29: {  	[tilespmem:s24+$0x0] =	vst v0  }
0x2a: {  	[tilespmem:s24+$0xFFFFFFF0] =	vst v0  }
0x2b: {  	[tilespmem:s24+$0xFFFFFFE0] =	vst v0  }
0x2c: {  	[tilespmem:s24+$0xFFFFFFD0] =	vst v0  }
.LBB2_4:
0x2d: {  	s26 =	sadd.s32 $0x10, s26  }
0x2e: {  	p0 =	slt.u32 s26, $0x2710  }
.Ltmp1:
0x2f: {  	_ = 	snop;
	(pc) =	sbr.rel @p0 .LBB2_4-.Ltmp1, $2  }
0x30: {  	_ =	sdelay $0x2  }
0x31: {  	[tilespmem:s25+$0x0] =	vst v0;
	s25 =	sadd.s32 $0x10, s25  }
0x32: {  	_ =	swait.ge [sflag:s16], $0x2780  }
0x33: {  	[sflag:s16] =	ssyncset.done $0x0  }
0x34: {  	[sflag:s16] =	ssyncadd.s32 $0xFFFFD880  }
0x35: {  	_ =	swait.ge [sflag:s16], $0x2780  }
0x36: {  	[sflag:s16] =	ssyncset.done $0x0  }
0x37: {  	[sflag:s16] =	ssyncadd.s32 $0xFFFFD880  }
0x38: {  	_ =	swait.ge [sflag:s16], $0x80  }
0x39: {  	[sflag:s16] =	ssyncset.done $0x0  }
0x3a: {  	[sflag:s16] =	ssyncadd.s32 $0xFFFFFF80  }
0x3b: {  	_ =	swait.ge [sflag:s16], $0x2850  }
0x3c: {  	[sflag:s16] =	ssyncset.done $0x0  }
0x3d: {  	[sflag:s16] =	ssyncadd.s32 $0xFFFFD7B0  }
0x3e: {  	_ =	swait.ge [sflag:s16], $0x2850  }
0x3f: {  	[sflag:s16] =	ssyncset.done $0x0  }
0x40: {  	[sflag:s16] =	ssyncadd.s32 $0xFFFFD7B0  }
0x41: {  	s24 =	simm.s32 $0x4FA0;
	v1 =	vld [tilespmem:$0x4F00]  }
0x42: {  	s25 =	simm.s32 $0x7820;
	v6 =	vld [tilespmem:s24+$0xFFFFFFE0]  }
0x43: {  	v2 =	vld [tilespmem:s25+$0xFFFFFFE0]  }
0x44: {  	v3 =	vld [tilespmem:s25+$0xFFFFFFF0]  }
0x45: {  	v7 =	vld [tilespmem:s24+$0xFFFFFFF0]  }
0x46: {  	v5 =	vld [tilespmem:s25+$0x10]  }
0x47: {  	v17 =	vld [tilespmem:s24+$0x10]  }
0x48: {  	v4 =	vld [tilespmem:s25+$0x0]  }
0x49: {  	v8 =	vld [tilespmem:s24+$0x0]  }
0x4a: {  	v10 =	vld.idx.msk [tilespmem:v6+s2+$0x0], $0xffff  }
0x4b: {  	v11 =	vld.idx.msk [tilespmem:v2+s12+$0x0], $0xffff  }
0x4c: {  	v12 =	vld.idx.msk [tilespmem:v3+s12+$0x0], $0xffff  }
0x4d: {  	v13 =	vld.idx.msk [tilespmem:v7+s2+$0x0], $0xffff  }
0x4e: {  	v14 =	vld.idx.msk [tilespmem:v5+s12+$0x0], $0xffff  }
0x4f: {  	v15 =	vld.idx.msk [tilespmem:v17+s2+$0x0], $0xffff  }
0x50: {  	v7 =	vshll.u32 v7, $0xE  }
0x51: {  	v9 =	vor.u32 v3, v7;
	v7 =	vadd.f32 v11, v10  }
0x52: {  	v16 =	vshll.u32 v6, $0xE;
	v10 =	vadd.f32 v11, v1;
	v13 =	vadd.f32 v12, v13  }
0x53: {  	v18 =	vshll.u32 v8, $0xE;
	v12 =	vadd.f32 v12, v1;
	v23 =	vadd.f32 v14, v1  }
0x54: {  	v11 =	vld.idx.msk [tilespmem:v4+s12+$0x0], $0xffff;
	v14 =	vadd.f32 v14, v15;
	vm0 =	vge.f32 v7, $0.0e+00;
	v19 =	vmul.f32 $2.000000030e-01, v7  }
0x55: {  	s25 =	simm.s32 $0x4FE0;
	v8 =	vld.idx.msk [tilespmem:v8+s2+$0x0], $0xffff;
	v20 =	vmul.f32 $2.000000030e-01, v10;
	vm1 =	vge.f32 v10, $0.0e+00;
	v22 =	vmul.f32 $2.000000030e-01, v13  }
0x56: {  	s26 =	simm.s32 $0x7860;
	v21 =	vld [tilespmem:s25+$0xFFFFFFE0];
	vm11 =	vge.f32 v12, $0.0e+00;
	vm12 =	vge.f32 v13, $0.0e+00;
	v24 =	vmul.f32 $2.000000030e-01, v14  }
0x57: {  	v6 =	vld [tilespmem:s26+$0xFFFFFFE0];
	vm13 =	vge.f32 v14, $0.0e+00;
	v10 =	vsel vm1, v10, v20;
	v15 =	vsel vm0, v7, v19  }
0x58: {  	vm14 =	vge.f32 v23, $0.0e+00;
	v7 =	vld [tilespmem:s26+$0xFFFFFFF0];
	v19 =	vmul.f32 $2.000000030e-01, v12;
	v15 =	vsub.f32 v15, v10  }
0x59: {  	v25 =	vld [tilespmem:s25+$0xFFFFFFF0];
	v13 =	vsel vm12, v13, v22;
	v22 =	vmul.f32 $2.000000030e-01, v23;
	v20 =	vadd.f32 v11, v1  }
0x5a: {  	v10 =	vld [tilespmem:s25+$0x10];
	v12 =	vsel vm11, v12, v19;
	v19 =	vadd.f32 v11, v8;
	v15 =	vmul.f32 $1.442695020e+00, v15  }
0x5b: {  	v14 =	vsel vm13, v14, v24;
	v11 =	vld [tilespmem:s26+$0x10];
	v26 =	vmul.f32 $2.000000030e-01, v20;
	v12 =	vsub.f32 v13, v12  }
0x5c: {  	v24 =	vld [tilespmem:s25+$0x0];
	v13 =	vsel vm14, v23, v22;
	(erf) = vpow2.f32 v15;
	v15 =	vmul.f32 $2.000000030e-01, v19  }
0x5d: {  	v8 =	vld [tilespmem:s26+$0x0];
	vm2 =	vge.f32 v20, $0.0e+00;
	vm15 =	vge.f32 v19, $0.0e+00;
	v23 =	vsub.f32 v14, v13  }
0x5e: {  	v27 =	vld.idx.msk [tilespmem:v21+s2+$0x0], $0xffff;
	v20 =	vsel vm2, v20, v26;
	v12 =	vmul.f32 $1.442695020e+00, v12;
	v15 =	vsel vm15, v19, v15  }
0x5f: {  	v22 =	vld.idx.msk [tilespmem:v6+s12+$0x0], $0xffff;
	v15 =	vsub.f32 v15, v20  }
0x60: {  	(erf) = vpow2.f32 v12;
	v19 =	vld.idx.msk [tilespmem:v7+s12+$0x0], $0xffff;
	v20 =	vmul.f32 $1.442695020e+00, v23  }
0x61: {  	v14 =	vor.u32 v2, v16;
	v16 =	vshll.u32 v25, $0xE;
	v23 =	vld.idx.msk [tilespmem:v25+s2+$0x0], $0xffff;
	v25 =	vmul.f32 $1.442695020e+00, v15  }
0x62: {  	v13 =	vor.u32 v4, v18;
	v18 =	vld.idx.msk [tilespmem:v10+s2+$0x0], $0xffff;
	(erf) = vpow2.f32 v20  }
0x63: {  	s29 =	simm.s32 $0x40;
	v26 =	vshll.u32 v21, $0xE;
	v12 =	vshll.u32 v24, $0xE;
	v21 =	vld.idx.msk [tilespmem:v11+s12+$0x0], $0xffff;
	(erf) = vpow2.f32 v25  }
0x64: {  	s30 =	simm.s32 $0x78A0;
	s31 =	simm.s32 $0x5020;
	s28 =	simm.s32 $0xF0A0;
	v16 =	vor.u32 v7, v16;
	v15 =	vor.u32 v8, v12;
	v12 =	vor.u32 v6, v26;
	v20 =	vld.idx.msk [tilespmem:v24+s2+$0x0], $0xffff  }
0x65: {  	s24 =	simm.s32 $0xF0A0;
	s25 =	simm.s32 $0xA0A0;
	s26 =	simm.s32 $0xA0A0;
	v26 =	vadd.f32 v22, v1;
	v24 =	vshll.u32 v17, $0xE;
	v25 =	vadd.f32 v22, v27;
	v22 =	vld.idx.msk [tilespmem:v8+s12+$0x0], $0xffff;
	v17 =	vpop (erf)  }
.LBB2_6:
0x66: {  	v27 =	vld [tilespmem:s31+$0xFFFFFFE0];
	s29 =	sadd.s32 $0x40, s29;
	v23 =	vadd.f32 v19, v23;
	v19 =	vadd.f32 v19, v1;
	v24 =	vor.u32 v5, v24;
	s24 =	sadd.s32 $0x40, s24;
	s25 =	sadd.s32 $0x40, s25;
	v28 =	vmovc v10  }
0x67: {  	v29 =	vld [tilespmem:s30+$0xFFFFFFE0];
	p0 =	slt.u32 s29, $0x2800;
	vm0 =	vge.f32 v25, $0.0e+00;
	v30 =	vmul.f32 $2.000000030e-01, v25;
	v10 =	vmul.f32 $2.000000030e-01, v26  }
0x68: {  	v33 =	vadd.f32 v21, v1;
	vm1 =	vge.f32 v26, $0.0e+00;
	v31 =	vld [tilespmem:s31+$0xFFFFFFF0];
	v32 =	vmul.f32 $2.000000030e-01, v23  }
0x69: {  	v18 =	vadd.f32 v21, v18;
	v34 =	vld [tilespmem:s30+$0xFFFFFFF0];
	v26 =	vsel vm1, v26, v10;
	vm1 =	vge.f32 v19, $0.0e+00;
	v35 =	vpop (erf)  }
0x6a: {  	v21 =	vsel vm0, v25, v30;
	vm0 =	vge.f32 v23, $0.0e+00;
	v25 =	vmul.f32 $2.000000030e-01, v19;
	v10 =	vld [tilespmem:s31+$0x10];
	[tilespmem:s26+$0xFFFFFFF0] =	vst v35  }
0x6b: {  	v36 =	vmul.f32 $2.000000030e-01, v18;
	v21 =	vsub.f32 v21, v26;
	v26 =	vadd.f32 v22, v1;
	v30 =	vld [tilespmem:s30+$0x0];
	[tilespmem:s28+$0xFFFFFFF0] =	vst v9;
	v37 =	vpop (erf)  }
0x6c: {  	v20 =	vadd.f32 v22, v20;
	v19 =	vsel vm1, v19, v25;
	vm1 =	vge.f32 v18, $0.0e+00;
	v38 =	vld [tilespmem:s31+$0x0];
	[tilespmem:s26+$0x10] =	vst v37;
	v22 =	vpop (erf)  }
0x6d: {  	v9 =	vmovc v16;
	v21 =	vmul.f32 $1.442695020e+00, v21;
	vm2 =	vge.f32 v26, $0.0e+00;
	v36 =	vsel vm1, v18, v36;
	v25 =	vld [tilespmem:s30+$0x10];
	[tilespmem:s26+$0x0] =	vst v22  }
0x6e: {  	v16 =	vsel vm0, v23, v32;
	v23 =	vmul.f32 $2.000000030e-01, v33;
	v18 =	vmul.f32 $2.000000030e-01, v20;
	v39 =	vld.idx.msk [tilespmem:v27+s2+$0x0], $0xffff;
	[tilespmem:s28+$0x10] =	vst v24  }
0x6f: {  	v16 =	vsub.f32 v16, v19;
	vm0 =	vge.f32 v20, $0.0e+00;
	v32 =	vmul.f32 $2.000000030e-01, v26;
	v24 =	vld.idx.msk [tilespmem:v29+s12+$0x0], $0xffff;
	[tilespmem:s28+$0x0] =	vst v13;
	v13 =	vmovc v15  }
0x70: {  	v15 =	vsel vm0, v20, v18;
	vm0 =	vge.f32 v33, $0.0e+00;
	(erf) = vpow2.f32 v21;
	[tilespmem:v5+s17+$0x0] =	vst.idx.add.f32.msk $0xffff, v37;
	v5 =	vmovc v11  }
0x71: {  	v20 =	vmul.f32 $1.442695020e+00, v16;
	v37 =	vsel vm2, v26, v32;
	v16 =	vsel vm0, v33, v23;
	v19 =	vld.idx.msk [tilespmem:v34+s12+$0x0], $0xffff  }
0x72: {  	v21 =	vshll.u32 v31, $0xE;
	v26 =	vsub.f32 v15, v37;
	v32 =	vsub.f32 v36, v16;
	v18 =	vld.idx.msk [tilespmem:v10+s2+$0x0], $0xffff;
	[tilespmem:s26+$0xFFFFFFE0] =	vst v17;
	s26 =	smov.u32 s25  }
0x73: {  	v27 =	vshll.u32 v27, $0xE;
	v16 =	vor.u32 v34, v21;
	v15 =	vshll.u32 v38, $0xE;
	v11 =	vmovc v25;
	v23 =	vld.idx.msk [tilespmem:v31+s2+$0x0], $0xffff;
	[tilespmem:s28+$0xFFFFFFE0] =	vst v14;
	s28 =	smov.u32 s24  }
0x74: {  	v15 =	vor.u32 v30, v15;
	v31 =	vmul.f32 $1.442695020e+00, v32;
	(erf) = vpow2.f32 v20;
	[tilespmem:v2+s17+$0x0] =	vst.idx.add.f32.msk $0xffff, v17;
	v2 =	vmovc v6  }
.Ltmp2:
0x75: {  	v14 =	vmovc v12;
	v12 =	vor.u32 v29, v27;
	v17 =	vmul.f32 $1.442695020e+00, v26;
	v6 =	vmov v29;
	v21 =	vld.idx.msk [tilespmem:v25+s12+$0x0], $0xffff;
	(pc) =	sbr.rel @p0 .LBB2_6-.Ltmp2, $4  }
0x76: {  	(erf) = vpow2.f32 v31;
	[tilespmem:v3+s17+$0x0] =	vst.idx.add.f32.msk $0xffff, v35;
	v3 =	vmov v7;
	v7 =	vmov v34  }
0x77: {  	(erf) = vpow2.f32 v17;
	[tilespmem:v4+s17+$0x0] =	vst.idx.add.f32.msk $0xffff, v22;
	v4 =	vmov v8;
	v8 =	vmov v30  }
0x78: {  	v20 =	vld.idx.msk [tilespmem:v38+s2+$0x0], $0xffff  }
0x79: {  	s31 =	sadd.s32 $0x40, s31;
	s30 =	sadd.s32 $0x40, s30;
	v26 =	vadd.f32 v24, v1;
	v25 =	vadd.f32 v24, v39;
	v24 =	vshll.u32 v28, $0xE;
	v22 =	vld.idx.msk [tilespmem:v30+s12+$0x0], $0xffff;
	v17 =	vpop (erf)  }
0x7a: {  	v23 =	vadd.f32 v19, v23  }
0x7b: {  	v45 =	vadd.f32 v19, v1;
	v30 =	vadd.f32 v21, v1  }
0x7c: {  	v18 =	vadd.f32 v21, v18;
	vm0 =	vge.f32 v25, $0.0e+00;
	v27 =	vmul.f32 $2.000000030e-01, v25  }
0x7d: {  	v28 =	vmul.f32 $2.000000030e-01, v26;
	vm1 =	vge.f32 v26, $0.0e+00;
	v29 =	vmul.f32 $2.000000030e-01, v23  }
0x7e: {  	vm9 =	vge.f32 v45, $0.0e+00;
	vm10 =	vge.f32 v23, $0.0e+00;
	v47 =	vmul.f32 $2.000000030e-01, v45  }
0x7f: {  	v49 =	vmul.f32 $2.000000030e-01, v18;
	v26 =	vsel vm1, v26, v28;
	v46 =	vsel vm0, v25, v27  }
0x80: {  	v21 =	vsub.f32 v46, v26;
	v19 =	vsel vm9, v45, v47;
	v50 =	vsel vm10, v23, v29  }
0x81: {  	vm11 =	vge.f32 v18, $0.0e+00;
	v52 =	vmul.f32 $2.000000030e-01, v30;
	v19 =	vsub.f32 v50, v19  }
0x82: {  	[tilespmem:s26+$0xFFFFFFE0] =	vst v17;
	vm13 =	vge.f32 v30, $0.0e+00;
	v20 =	vadd.f32 v22, v20;
	v21 =	vmul.f32 $1.442695020e+00, v21  }
0x83: {  	[tilespmem:s28+$0xFFFFFFE0] =	vst v14;
	v54 =	vpop (erf);
	v18 =	vsel vm11, v18, v49;
	v55 =	vsel vm13, v30, v52;
	v19 =	vmul.f32 $1.442695020e+00, v19  }
0x84: {  	[tilespmem:v2+s17+$0x0] =	vst.idx.add.f32.msk $0xffff, v17;
	v48 =	vadd.f32 v22, v1;
	v18 =	vsub.f32 v18, v55;
	v56 =	vpop (erf);
	(erf) = vpow2.f32 v21  }
0x85: {  	[tilespmem:s26+$0xFFFFFFF0] =	vst v54;
	v51 =	vmul.f32 $2.000000030e-01, v20;
	v57 =	vpop (erf);
	(erf) = vpow2.f32 v19  }
0x86: {  	[tilespmem:s28+$0xFFFFFFF0] =	vst v9;
	v53 =	vmul.f32 $2.000000030e-01, v48;
	v18 =	vmul.f32 $1.442695020e+00, v18  }
0x87: {  	vm12 =	vge.f32 v20, $0.0e+00;
	vm2 =	vge.f32 v48, $0.0e+00;
	[tilespmem:s26+$0x10] =	vst v56  }
0x88: {  	[tilespmem:v3+s17+$0x0] =	vst.idx.add.f32.msk $0xffff, v54;
	v20 =	vsel vm12, v20, v51;
	v22 =	vsel vm2, v48, v53;
	(erf) = vpow2.f32 v18  }
0x89: {  	v58 =	vor.u32 v5, v24;
	[tilespmem:s26+$0x0] =	vst v57;
	v20 =	vsub.f32 v20, v22  }
0x8a: {  	[tilespmem:s28+$0x10] =	vst v58  }
0x8b: {  	[tilespmem:s28+$0x0] =	vst v13;
	v20 =	vmul.f32 $1.442695020e+00, v20  }
0x8c: {  	[tilespmem:v5+s17+$0x0] =	vst.idx.add.f32.msk $0xffff, v56  }
0x8d: {  	s25 =	sadd.s32 $0x40, s25;
	[tilespmem:v4+s17+$0x0] =	vst.idx.add.f32.msk $0xffff, v57;
	(erf) = vpow2.f32 v20;
	v2 =	vpop (erf)  }
0x8e: {  	v3 =	vpop (erf);
	[tilespmem:s25+$0xFFFFFFE0] =	vst v2  }
0x8f: {  	s24 =	sadd.s32 $0x40, s24;
	[tilespmem:s25+$0xFFFFFFF0] =	vst v3  }
0x90: {  	[tilespmem:s24+$0xFFFFFFE0] =	vst v12  }
0x91: {  	v59 =	vpop (erf);
	[tilespmem:s24+$0xFFFFFFF0] =	vst v16  }
0x92: {  	v60 =	vshll.u32 v10, $0xE;
	[tilespmem:s25+$0x10] =	vst v59  }
0x93: {  	v5 =	vor.u32 v11, v60;
	[tilespmem:v6+s17+$0x0] =	vst.idx.add.f32.msk $0xffff, v2  }
0x94: {  	[tilespmem:s24+$0x10] =	vst v5  }
0x95: {  	[tilespmem:v7+s17+$0x0] =	vst.idx.add.f32.msk $0xffff, v3  }
0x96: {  	v61 =	vpop (erf);
	[tilespmem:v11+s17+$0x0] =	vst.idx.add.f32.msk $0xffff, v59  }
0x97: {  	[tilespmem:s25+$0x0] =	vst v61  }
0x98: {  	[tilespmem:s24+$0x0] =	vst v15  }
0x99: {  	[tilespmem:v8+s17+$0x0] =	vst.idx.add.f32.msk $0xffff, v61  }
0x9a: {  	v2 =	vld [tilespmem:$0x77C0]  }
0x9b: {  	v3 =	vld [tilespmem:$0xA040];
	_ =	sdelay $0x6  }
0x9c: {  	v4 =	vld.idx.msk [tilespmem:v2+s2+$0x0], $0xffff  }
0x9d: {  	v5 =	vld.idx.msk [tilespmem:v3+s12+$0x0], $0xffff;
	_ =	sdelay $0x4  }
0x9e: {  	v4 =	vadd.f32 v5, v4;
	v1 =	vadd.f32 v5, v1;
	_ =	sdelay $0x1  }
0x9f: {  	v62 =	vmul.f32 $2.000000030e-01, v4;
	v63 =	vmul.f32 $2.000000030e-01, v1  }
0xa0: {  	vm14 =	vge.f32 v4, $0.0e+00;
	vm15 =	vge.f32 v1, $0.0e+00  }
0xa1: {  	v4 =	vsel vm14, v4, v62;
	v1 =	vsel vm15, v1, v63  }
0xa2: {  	v1 =	vsub.f32 v4, v1;
	_ =	sdelay $0x1  }
0xa3: {  	v1 =	vmul.f32 $1.442695020e+00, v1;
	_ =	sdelay $0x1  }
0xa4: {  	(erf) = vpow2.f32 v1;
	_ =	sdelay $0x6  }
0xa5: {  	v2 =	vshll.u32 v2, $0xE  }
0xa6: {  	v2 =	vor.u32 v3, v2  }
0xa7: {  	[tilespmem:$0x118C0] =	vst v2;
	v1 =	vpop (erf)  }
0xa8: {  	[tilespmem:$0xC8C0] =	vst v1  }
0xa9: {  	[tilespmem:v3+s17+$0x0] =	vst.idx.add.f32.msk $0xffff, v1  }
0xaa: {  	[hbm4b:s8+s2] =	stream.linear.scatter [tilespmem:s18], [sflag:$0x2], $0x2850, $0x38;
	[tilespmem:$0x11900] =	vst v63  }
0xab: {  	_ =	swait.ge [sflag:s19], $0x2850  }
0xac: {  	[sflag:s19] =	ssyncset.done $0x0  }
0xad: {  	[sflag:s19] =	ssyncadd.s32 $0xFFFFD7B0  }
0xae: {  	[hbm4b:s9+s2] =	stream.linear.scatter [tilespmem:s20], [sflag:$0x2], $0x2850, $0x38;
	[tilespmem:$0x11900] =	vst v63  }
0xaf: {  	s23 =	sadd.s32 $0x1, s23;
	_ =	swait.ge [sflag:s19], $0x2850  }
0xb0: {  	p0 =	sne.s32 s23, s11;
	[sflag:s19] =	ssyncset.done $0x0  }
.Ltmp3:
0xb1: {  	[sflag:s19] =	ssyncadd.s32 $0xFFFFD7B0;
	(pc) =	sbr.rel @p0 .LBB2_1-.Ltmp3, $4  }
0xb2: {  	[hbm4b:s10+s21] =	stream.strided.scatter [tilespmem:s17], [sflag:$0x2], $0x2780, s22, s21, $0x38;
	[tilespmem:$0x11900] =	vst v63  }
0xb3: {  	_ =	swait.ge [sflag:s19], $0x2780  }
0xb4: {  	[sflag:s19] =	ssyncset.done $0x0  }
0xb5: {  	[sflag:s19] =	ssyncadd.s32 $0xFFFFD880  }
0xb6: {  	_ =	sfence.sel $0x180000  }
0xb7: {  	[bflag:$0x0] =	sbarrier.arrive $0xFFFF  }
0xb8: {  	p0 =	sne.s32 s1, $0x0;
	_ =	strace $0x90000050  }
0xb9: {  	s0 =	sadd.s32 @!p0 $0x100000, s0;
	[bflag:$0x2] =	sbarrier.arrive $0xFFFF  }
0xba: {  	[sflag:s0] =	ssyncadd.tile.s32 @!p0 $0x1;
	_ =	shalt  }
.Lfunc_end2:
_tile_overlayer_lowered:
.L_overlay_start_2:
0xbb: {  	(tag) =	ssettag $0x2  }
0xbc: {  	s0 =	rddreg [dreg:$0x0];
	s2 =	stileid.u32  }
0xbd: {  	s1 =	rddreg [dreg:$0x1];
	p0 =	sne.s32 s2, $0x0  }
0xbe: {  	s3 =	rddreg [dreg:$0x2];
	[bflag:$0x3] =	sbarrier.arrive $0xFFFF;
	s2 =	simm.s32 @!p0 $0x1C02  }
0xbf: {  	[timem:s3], [sflag:s2] =	dma.local @!p0 [hbm:s0], s1  }
0xc0: {  	s0 =	simm.s32 @!p0 $0x2  }
0xc1: {  	_ =	swait.ge @!p0 [sflag:s0], s1  }
0xc2: {  	s1 =	ssub.s32 @!p0 $0x0, s1;
	[sflag:s0] =	ssyncset.done @!p0 $0x0  }
0xc3: {  	[sflag:s0] =	ssyncadd.s32 @!p0 s1  }
0xc4: {  	[bflag:$0x3] =	sbarrier.arrive $0xFFFF  }
0xc5: {  	_ =	shalt  }

// kernel: kernel.25.cloned.1.call-start
scs
__scs_entry_jumppad:
0x0: {  	(pc) =	sbr.rel $0x88, $3  }
0x1: {  	(tag) =	ssettag $0x0;
	lr =	simm.s32 $0x1  }
0x2: {  	[smem:$0x3F97] =	sst lr;
	_ =	strace $0xD0000000  }
0x3: {  	_ = 	snop  }
0x4: {  	_ = 	snop  }
0x5: {  	_ = 	snop  }
0x6: {  	_ = 	snop  }
0x7: {  	_ = 	snop  }
__scs_overlays_trampoline_lowered:
0x8: {  	[smem:$0x3FA6] =	sst s0  }
0x9: {  	[smem:$0x3FA7] =	sst s1  }
0xa: {  	[smem:$0x3FA8] =	sst s2  }
0xb: {  	[smem:$0x3FA9] =	sst s3  }
0xc: {  	[smem:$0x3FAA] =	sst s4  }
0xd: {  	[smem:$0x3FAB] =	sst s5  }
0xe: {  	[smem:$0x3FAC] =	sst s6  }
0xf: {  	[smem:$0x3FAD] =	sst s7  }
0x10: {  	[smem:$0x3FAE] =	sst s8  }
0x11: {  	[smem:$0x3FAF] =	sst s9;
	s0 =	simm.s32 @!p0 $0x0  }
0x12: {  	s1 =	sld [smem:$0x3F95];
	s0 =	simm.s32 @p0 $0x1  }
0x13: {  	[smem:$0x3FB0] =	sst s0;
	s0 =	simm.s32 @!p1 $0x0  }
0x14: {  	s2 =	sld [smem:$0x3F94];
	s0 =	simm.s32 @p1 $0x1  }
0x15: {  	[smem:$0x3FB1] =	sst s0;
	s0 =	simm.s32 @!p2 $0x0  }
0x16: {  	s3 =	sld [smem:$0x3FDB];
	s0 =	simm.s32 @p2 $0x1  }
0x17: {  	s4 =	simm.s32 $0x1BF5;
	[smem:$0x3FB3] =	sst s0  }
0x18: {  	s0 =	sld [smem:$0x3F96];
	_ =	swait.ge [sflag:s4], $0x0  }
0x19: {  	s7 =	sld [smem:$0x3F97]  }
0x1a: {  	s8 =	sadd.s32 $0xFFFFE003, lr  }
0x1b: {  	s9 =	sadd.s32 $0xFFFFFEF7, lr;
	s5 =	simm.s32 $0xFFFFFFFF;
	p2 =	slt.u32 s8, $0xFFFFF086  }
0x1c: {  	p1 =	slt.u32 s9, $0xF7A;
	s5 =	simm.s32 @!p2 $0x0  }
0x1d: {  	s5 =	simm.s32 @p1 $0x1;
	p0 =	seq.s32 s7, s2  }
0x1e: {  	s7 =	smul.u32 @!p0 $0xF7A, s2;
	p2 =	seq.s32 @!p0 s5, $0x0  }
0x1f: {  	s9 =	smul.u32 $0xF7A, s1;
	s8 =	simm.s32 @!p0 $0x1BF5;
	p2 =	por !p2, p0  }
0x20: {  	[sflag:s8] =	ssyncset.s32 @!p0 $0xFFFFF086;
	s6 =	sadd.s32 @!p0 s3, s7;
	s7 =	simm.s32 @!p0 $0x108  }
0x21: {  	s3 =	sadd.s32 s3, s9;
	s6 =	sadd.s32 @!p0 $0x88, s6;
	s7 =	simm.s32 @p2 $0x1082  }
0x22: {  	[simem:s7], [sflag:s8] =	dma.local @!p0 [hbm:s6], $0xF7A  }
0x23: {  	s9 =	sor.u32 $0xD0000000, s2;
	s6 =	simm.s32 $0x108;
	_ =	swait.ge @!p0 [sflag:s8], $0x0  }
0x24: {  	s3 =	sadd.s32 $0x88, s3;
	s6 =	simm.s32 @!p1 $0x1082;
	[sflag:s4] =	ssyncset.s32 $0xFFFFF086  }
0x25: {  	[simem:s6], [sflag:s4] =	dma.local [hbm:s3], $0xF7A  }
0x26: {  	[smem:$0x3F97] =	sst s1;
	(tag) =	ssettag s2;
	_ =	strace s9  }
0x27: {  	s1 =	sld [smem:$0x3FA7]  }
0x28: {  	s2 =	sld [smem:$0x3FA8]  }
0x29: {  	s4 =	sld [smem:$0x3FAA]  }
0x2a: {  	p0 =	seq.s32 s5, $0x0;
	s5 =	sld [smem:$0x3FAB]  }
0x2b: {  	s6 =	sld [smem:$0x3FAC]  }
0x2c: {  	s7 =	sld [smem:$0x3FAD]  }
0x2d: {  	s3 =	simm.s32 $0x108;
	s8 =	sld [smem:$0x3FAE]  }
0x2e: {  	s3 =	simm.s32 @!p0 $0x1082;
	s9 =	sld [smem:$0x3FAF]  }
0x2f: {  	lr =	sadd.s32 s0, s3;
	s0 =	sld [smem:$0x3FA6]  }
0x30: {  	s3 =	sld [smem:$0x3FA9]  }
0x31: {  	[smem:$0x3FB2] =	sst s10  }
0x32: {  	s10 =	sld [smem:$0x3FB0];
	_ =	sdelay $0x3  }
0x33: {  	p0 =	seq.s32 s10, $0x1;
	s10 =	sld [smem:$0x3FB2];
	_ =	sdelay $0x3  }
0x34: {  	[smem:$0x3FB2] =	sst s10  }
0x35: {  	s10 =	sld [smem:$0x3FB1];
	_ =	sdelay $0x3  }
0x36: {  	p1 =	seq.s32 s10, $0x1;
	s10 =	sld [smem:$0x3FB2];
	_ =	sdelay $0x3  }
0x37: {  	[smem:$0x3FB2] =	sst s10  }
0x38: {  	s10 =	sld [smem:$0x3FB3]  }
0x39: {  	_ = 	snop;
	(pc) =	sbr.ind lr, $3  }
0x3a: {  	_ = 	snop  }
0x3b: {  	_ = 	snop  }
0x3c: {  	p2 =	seq.s32 s10, $0x1;
	s10 =	sld [smem:$0x3FB2]  }
0x3d: {  	_ =	shalt  }
0x3e: {  	_ =	shalt  }
0x3f: {  	_ =	shalt  }
0x40: {  	_ =	shalt  }
0x41: {  	_ =	shalt  }
0x42: {  	_ =	shalt  }
0x43: {  	_ =	shalt  }
0x44: {  	_ =	shalt  }
0x45: {  	_ =	shalt  }
0x46: {  	_ =	shalt  }
0x47: {  	_ =	shalt  }
0x48: {  	_ =	shalt  }
0x49: {  	_ =	shalt  }
0x4a: {  	_ =	shalt  }
0x4b: {  	_ =	shalt  }
0x4c: {  	_ =	shalt  }
0x4d: {  	_ =	shalt  }
0x4e: {  	_ =	shalt  }
0x4f: {  	_ =	shalt  }
0x50: {  	_ =	shalt  }
0x51: {  	_ =	shalt  }
0x52: {  	_ =	shalt  }
0x53: {  	_ =	shalt  }
0x54: {  	_ =	shalt  }
0x55: {  	_ =	shalt  }
0x56: {  	_ =	shalt  }
0x57: {  	_ =	shalt  }
0x58: {  	_ =	shalt  }
0x59: {  	_ =	shalt  }
0x5a: {  	_ =	shalt  }
0x5b: {  	_ =	shalt  }
0x5c: {  	_ =	shalt  }
0x5d: {  	_ =	shalt  }
0x5e: {  	_ =	shalt  }
0x5f: {  	_ =	shalt  }
0x60: {  	_ =	shalt  }
0x61: {  	_ =	shalt  }
0x62: {  	_ =	shalt  }
0x63: {  	_ =	shalt  }
0x64: {  	_ =	shalt  }
0x65: {  	_ =	shalt  }
0x66: {  	_ =	shalt  }
0x67: {  	_ =	shalt  }
0x68: {  	_ =	shalt  }
0x69: {  	_ =	shalt  }
0x6a: {  	_ =	shalt  }
0x6b: {  	_ =	shalt  }
0x6c: {  	_ =	shalt  }
0x6d: {  	_ =	shalt  }
0x6e: {  	_ =	shalt  }
0x6f: {  	_ =	shalt  }
0x70: {  	_ =	shalt  }
0x71: {  	_ =	shalt  }
0x72: {  	_ =	shalt  }
0x73: {  	_ =	shalt  }
0x74: {  	_ =	shalt  }
0x75: {  	_ =	shalt  }
0x76: {  	_ =	shalt  }
0x77: {  	_ =	shalt  }
0x78: {  	_ =	shalt  }
0x79: {  	_ =	shalt  }
0x7a: {  	_ =	shalt  }
0x7b: {  	_ =	shalt  }
0x7c: {  	_ =	shalt  }
0x7d: {  	_ =	shalt  }
0x7e: {  	_ =	shalt  }
0x7f: {  	_ =	shalt  }
0x80: {  	_ =	shalt  }
0x81: {  	_ =	shalt  }
0x82: {  	_ =	shalt  }
0x83: {  	_ =	shalt  }
0x84: {  	_ =	shalt  }
0x85: {  	_ =	shalt  }
0x86: {  	_ =	shalt  }
0x87: {  	_ =	shalt  }
.Lfunc_end0:
.L_simem_size_0:
called_computation.4_lowered:
.L_overlay_start_0:
0x88: {  	s2 =	sld [smem:$0x3FD9]  }
0x89: {  	s3 =	sld [smem:$0x3FFE];
	_ =	sdelay $0x1  }
0x8a: {  	s1 =	srdreg.scid  }
0x8b: {  	s0 =	sand.u32 $0x1, s1  }
0x8c: {  	s14 =	sshll.u32 s0, $0xA;
	s2 =	sadd.s32 s3, s2  }
0x8d: {  	s2 =	sadd.s32 s2, s14  }
0x8e: {  	[smem:$0x3FBE] =	sst s2  }
0x8f: {  	_ = 	snop  }
0x90: {  	s2 =	sld [smem:$0x3FD0];
	_ =	sdelay $0x2  }
0x91: {  	s15 =	simm.s32 $0xA;
	s4 =	simm.s32 $0x10  }
0x92: {  	[smem:s4], [sflag:s15] =	dma.local [hbm:s2], $0x1  }
0x93: {  	_ =	swait.eq [sflag:s15], $0x1  }
0x94: {  	s16 =	sld [smem:$0x11];
	[sflag:s15] =	ssyncset.done $0x0  }
0x95: {  	s17 =	sld [smem:$0x13];
	[sflag:s15] =	ssyncadd.s32 $0xFFFFFFFF  }
0x96: {  	s18 =	sld [smem:$0x14];
	(tm) =	ssettm $0x1  }
0x97: {  	s5 =	sld [smem:$0x3FFB];
	_ =	sdelay $0x3  }
0x98: {  	_ =	strace s5  }
0x99: {  	s5 =	sld [smem:$0x3FFC];
	_ =	sdelay $0x3  }
0x9a: {  	_ =	strace s5  }
0x9b: {  	s5 =	sld [smem:$0x3FFD];
	_ =	sdelay $0x3  }
0x9c: {  	_ =	strace s5  }
0x9d: {  	_ =	strace $0x8FFFFFFF  }
0x9e: {  	s19 =	sld [smem:$0x3FDB];
	_ =	sdelay $0x1  }
0x9f: {  	s6 =	simm.s32 $_scs_section_size  }
0xa0: {  	s7 =	simm.s32 $_size__tile_overlayer_lowered;
	s8 =	simm.s32 $_tile_overlayer_lowered  }
0xa1: {  	s22 =	simm.s32 $0x1BFF;
	s21 =	sshll.u32 s8, $0x1;
	s5 =	sadd.s32 s6, s19  }
0xa2: {  	s9 =	simm.s32 $0x0;
	s20 =	sshll.u32 s7, $0x1;
	s7 =	sadd.s32 s21, s5  }
0xa3: {  	[timem:s9], [sflag:s22] =	dma.local [hbm:s7], s20  }
0xa4: {  	_ =	swait.ge [sflag:s22], s20  }
0xa5: {  	s6 =	ssub.s32 $0x0, s20;
	[sflag:s22] =	ssyncset.done $0x0  }
0xa6: {  	[sflag:s22] =	ssyncadd.s32 s6;
	_ =	sdelay $0x1  }
0xa7: {  	s23 =	simm.s32 $0x1B8B  }
0xa8: {  	_ =	swait.ge [sflag:s23], $0x1  }
0xa9: {  	[sflag:s23] =	ssyncset.done $0x0  }
0xaa: {  	s25 =	simm.s32 $0x1B8E;
	s24 =	sld [smem:$0x3FFE];
	[sflag:s23] =	ssyncadd.s32 $0xFFFFFFFF  }
0xab: {  	s26 =	simm.s32 $execute0_lowered;
	[smem:$0x3FD2] =	sst s25  }
0xac: {  	s7 =	sshll.u32 s26, $0x1;
	_ =	strace $0x80000052;
	[dreg:$0x1] =	wrdreg $0xFFFFFFFF  }
0xad: {  	s28 =	simm.s32 $_size_execute0_lowered;
	s5 =	sadd.s32 s5, s7;
	[dreg:$0x0] =	wrdreg $0x0  }
0xae: {  	s7 =	sshll.u32 s28, $0x1;
	[dreg:$0x2] =	wrdreg s5  }
0xaf: {  	[dreg:$0x3] =	wrdreg s7  }
0xb0: {  	[dreg:$0x4] =	wrdreg $0xC0  }
0xb1: {  	_ =	task [dreg:s9], $0x5FFFF  }
0xb2: {  	[dreg:$0x1] =	wrdreg $0xFFFFFFFF  }
0xb3: {  	[dreg:$0x0] =	wrdreg $0x60  }
0xb4: {  	[dreg:$0x2] =	wrdreg s17  }
0xb5: {  	[dreg:$0x3] =	wrdreg s16  }
0xb6: {  	[dreg:$0x4] =	wrdreg s24  }
0xb7: {  	[dreg:$0x5] =	wrdreg s18  }
0xb8: {  	[dreg:$0x6] =	wrdreg $0x9  }
0xb9: {  	_ =	task.clear_ibuf [dreg:s9], $0x7FFFF;
	_ =	strace $0x90000052  }
0xba: {  	s29 =	simm.s32 $0x9;
	_ =	strace $0x80000054  }
0xbb: {  	_ =	swait.ge [sflag:s29], $0x1  }
0xbc: {  	[sflag:s29] =	ssyncadd.s32 $0xFFFFFFFF  }
0xbd: {  	_ =	strace $0x90000054  }
0xbe: {  	_ =	sfence  }
0xbf: {  	s30 =	sld [smem:$0x0];
	_ =	sdelay $0x2  }
0xc0: {  	s31 =	sshll.u32 s1, $0xD;
	s1 =	sshrl.u32 s1, $0x2  }
0xc1: {  	s3 =	sand.u32 $0x4000, s31;
	s1 =	sadd.s32 s1, s30  }
0xc2: {  	s0 =	sor.u32 s3, s0;
	s1 =	sshll.u32 s1, $0x11  }
0xc3: {  	s0 =	sor.u32 s1, s0  }
0xc4: {  	s0 =	sadd.s32 $0x8F2B, s0  }
0xc5: {  	[sflag:s0] =	ssyncadd.remote.s32 $0x1  }
0xc6: {  	_ =	sfence.sel $0xFFFF  }
0xc7: {  	[dreg:$0x0] =	wrdreg $0xFFFFFFFF;
	(pc) =	sbr.abs _section_cstart, $3  }
0xc8: {  	[dreg:$0x1] =	wrdreg $0xFFFFFFFF  }
0xc9: {  	_ =	task.clear_ibuf [dreg:s9], $0x2FFFF;
	_ =	strace $0x9FFFFFFF  }
0xca: {  	(tm) =	ssettm $0x7FFFFFFF  }
0xcb: {  	_ =	shalt  }
tec
execute0_lowered:
.L_overlay_start_1:
0x0: {  	(tag) =	ssettag $0x1  }
0x1: {  	s4 =	rddreg [dreg:$0x0]  }
0x2: {  	s5 =	rddreg [dreg:$0x1]  }
0x3: {  	s3 =	rddreg [dreg:$0x2]  }
0x4: {  	s1 =	srdreg.scid;
	s0 =	stileid.u32  }
0x5: {  	s6 =	rddreg [dreg:$0x3];
	s2 =	simm.s32 $0x0;
	s10 =	simm.s32 $0x5000  }
0x6: {  	s11 =	simm.s32 $0x0;
	s7 =	sand.u32 $0x1, s1;
	s8 =	sshll.u32 s0, $0x1  }
0x7: {  	s1 =	rddreg [dreg:$0x4];
	s8 =	sor.u32 s7, s8;
	s7 =	ssub.s32 $0x2, s7  }
0x8: {  	[smem:$0x7FF] =	sst s2;
	s8 =	smul.u32 $0x50A, s8;
	s9 =	sshrl.u32 s7, $0x1  }
0x9: {  	s3 =	sadd.s32 $0x29200, s3;
	_ =	strace $0x80000053;
	s7 =	ssub.s32 s7, s9  }
0xa: {  	s9 =	simm.s32 $0x2780;
	s4 =	sadd.s32 s4, s8;
	s5 =	sadd.s32 s5, s8  }
0xb: {  	s6 =	sadd.s32 s6, s8;
	s7 =	smax.u32 s7, $0x1;
	s8 =	simm.s32 $0x1  }
.LBB2_1:
0xc: {  	[tilespmem:s2], [sflag:$0x1] =	stream.linear.gather [hbm4b:s3+s2], $0x2780, $0x38;
	[tilespmem:$0x7880] =	vst v63  }
0xd: {  	_ =	swait.ge [sflag:s8], $0x2780  }
0xe: {  	[sflag:s8] =	ssyncset.done $0x0  }
0xf: {  	[sflag:s8] =	ssyncadd.s32 $0xFFFFD880  }
0x10: {  	[tilespmem:s9], [sflag:$0x1] =	stream.linear.gather [hbm4b:s4+s2], $0x2850, $0x38;
	[tilespmem:$0x7880] =	vst v63  }
0x11: {  	_ =	swait.ge [sflag:s8], $0x2850  }
0x12: {  	[sflag:s8] =	ssyncset.done $0x0  }
0x13: {  	[sflag:s8] =	ssyncadd.s32 $0xFFFFD7B0  }
0x14: {  	[tilespmem:s10], [sflag:$0x1] =	stream.linear.gather [hbm4b:s5+s2], $0x2850, $0x38;
	[tilespmem:$0x7880] =	vst v63  }
0x15: {  	_ =	swait.ge [sflag:s8], $0x2850  }
0x16: {  	[sflag:s8] =	ssyncset.done $0x0  }
0x17: {  	s12 =	simm.s32 $0x27A0;
	[sflag:s8] =	ssyncadd.s32 $0xFFFFD7B0  }
0x18: {  	v0 =	vld [tilespmem:s12+$0x10]  }
0x19: {  	v1 =	vld [tilespmem:s12+$0xFFFFFFF0]  }
0x1a: {  	v2 =	vld [tilespmem:s12+$0xFFFFFFE0]  }
0x1b: {  	s13 =	simm.s32 $0x27E0;
	v3 =	vld [tilespmem:s12+$0x0]  }
0x1c: {  	v4 =	vld [tilespmem:s13+$0x10]  }
0x1d: {  	v9 =	vld [tilespmem:s13+$0xFFFFFFF0]  }
0x1e: {  	s12 =	simm.s32 $0x5020;
	v10 =	vld [tilespmem:s13+$0xFFFFFFE0]  }
0x1f: {  	v6 =	vld [tilespmem:s12+$0x10]  }
0x20: {  	v11 =	vld [tilespmem:s12+$0xFFFFFFE0]  }
0x21: {  	v12 =	vld [tilespmem:s12+$0xFFFFFFF0]  }
0x22: {  	v5 =	vld [tilespmem:s12+$0x0]  }
0x23: {  	v0 =	vld.idx.msk [tilespmem:v0+s2+$0x0], $0xffff  }
0x24: {  	v8 =	vld.idx.msk [tilespmem:v1+s2+$0x0], $0xffff  }
0x25: {  	v7 =	vld.idx.msk [tilespmem:v2+s2+$0x0], $0xffff  }
0x26: {  	v1 =	vld [tilespmem:s13+$0x0]  }
0x27: {  	v2 =	vld.idx.msk [tilespmem:v3+s2+$0x0], $0xffff  }
0x28: {  	v4 =	vld.idx.msk [tilespmem:v4+s2+$0x0], $0xffff;
	s13 =	simm.s32 $0x5060  }
0x29: {  	v0 =	vmul.f32 v6, v0;
	v6 =	vld [tilespmem:s13+$0x10]  }
0x2a: {  	v3 =	vld.idx.msk [tilespmem:v9+s2+$0x0], $0xffff;
	v7 =	vmul.f32 v11, v7  }
0x2b: {  	s14 =	simm.s32 $0x40;
	s15 =	simm.s32 $0x2820;
	v8 =	vmul.f32 v12, v8;
	[tilespmem:s12+$0x10] =	vst v0;
	v0 =	vld.idx.msk [tilespmem:v10+s2+$0x0], $0xffff  }
.LBB2_2:
0x2c: {  	v9 =	vld [tilespmem:s15+$0x10];
	s14 =	sadd.s32 $0x40, s14;
	[tilespmem:s12+$0xFFFFFFE0] =	vst v7;
	v2 =	vmul.f32 v5, v2  }
0x2d: {  	v7 =	vld [tilespmem:s15+$0xFFFFFFF0];
	p0 =	slt.u32 s14, $0x2800;
	[tilespmem:s12+$0xFFFFFFF0] =	vst v8  }
0x2e: {  	v8 =	vld [tilespmem:s15+$0x0];
	v4 =	vmul.f32 v6, v4;
	[tilespmem:s12+$0x0] =	vst v2;
	s12 =	smov.u32 s13  }
0x2f: {  	v10 =	vld [tilespmem:s15+$0xFFFFFFE0]  }
0x30: {  	v11 =	vmov v3;
	v2 =	vld.idx.msk [tilespmem:v1+s2+$0x0], $0xffff;
	[tilespmem:s13+$0x10] =	vst v4  }
0x31: {  	v12 =	vld [tilespmem:s13+$0xFFFFFFE0]  }
0x32: {  	v13 =	vld [tilespmem:s13+$0xFFFFFFF0]  }
.Ltmp0:
0x33: {  	v5 =	vld [tilespmem:s13+$0x0];
	v1 =	vmov v8;
	(pc) =	sbr.rel @p0 .LBB2_2-.Ltmp0, $4  }
0x34: {  	s13 =	sadd.s32 $0x40, s13;
	v4 =	vld.idx.msk [tilespmem:v9+s2+$0x0], $0xffff  }
0x35: {  	v6 =	vld [tilespmem:s13+$0x10]  }
0x36: {  	v3 =	vld.idx.msk [tilespmem:v7+s2+$0x0], $0xffff;
	v7 =	vmul.f32 v12, v0  }
0x37: {  	s15 =	sadd.s32 $0x40, s15;
	v0 =	vld.idx.msk [tilespmem:v10+s2+$0x0], $0xffff;
	v8 =	vmul.f32 v13, v11  }
0x38: {  	_ =	sdelay $0x3  }
0x39: {  	v1 =	vld.idx.msk [tilespmem:v1+s2+$0x0], $0xffff  }
0x3a: {  	v9 =	vld [tilespmem:s13+$0xFFFFFFE0]  }
0x3b: {  	v10 =	vld [tilespmem:s13+$0xFFFFFFF0]  }
0x3c: {  	v11 =	vld [tilespmem:s13+$0x0]  }
0x3d: {  	[tilespmem:s12+$0xFFFFFFE0] =	vst v7;
	v2 =	vmul.f32 v5, v2  }
0x3e: {  	[tilespmem:s12+$0xFFFFFFF0] =	vst v8;
	v4 =	vmul.f32 v6, v4  }
0x3f: {  	[tilespmem:s12+$0x0] =	vst v2;
	v0 =	vmul.f32 v9, v0  }
0x40: {  	[tilespmem:s13+$0x10] =	vst v4;
	v61 =	vmul.f32 v10, v3  }
0x41: {  	v62 =	vmul.f32 v11, v1;
	[tilespmem:s13+$0xFFFFFFE0] =	vst v0  }
0x42: {  	[tilespmem:s13+$0xFFFFFFF0] =	vst v61  }
0x43: {  	[tilespmem:s13+$0x0] =	vst v62  }
0x44: {  	v0 =	vld [tilespmem:$0x4FC0];
	_ =	sdelay $0x6  }
0x45: {  	v63 =	vld [tilespmem:$0x7840]  }
0x46: {  	v0 =	vld.idx.msk [tilespmem:v0+s2+$0x0], $0xffff;
	_ =	sdelay $0x4  }
0x47: {  	s11 =	sadd.s32 $0x1, s11;
	v0 =	vmul.f32 v63, v0  }
0x48: {  	p0 =	sne.s32 s11, s7  }
.Ltmp1:
0x49: {  	[tilespmem:$0x7840] =	vst v0;
	(pc) =	sbr.rel @p0 .LBB2_1-.Ltmp1, $4  }
0x4a: {  	[hbm4b:s6+s2] =	stream.linear.scatter [tilespmem:s10], [sflag:$0x1], $0x2850, $0x38;
	[tilespmem:$0x7880] =	vst v63  }
0x4b: {  	_ =	swait.ge [sflag:s8], $0x2850  }
0x4c: {  	[sflag:s8] =	ssyncset.done $0x0  }
0x4d: {  	[sflag:s8] =	ssyncadd.s32 $0xFFFFD7B0  }
0x4e: {  	_ =	sfence.sel $0x180000  }
0x4f: {  	[bflag:$0x0] =	sbarrier.arrive $0xFFFF  }
0x50: {  	p0 =	sne.s32 s0, $0x0;
	_ =	strace $0x90000053  }
0x51: {  	s0 =	sadd.s32 @!p0 $0x100000, s1;
	[bflag:$0x2] =	sbarrier.arrive $0xFFFF  }
0x52: {  	[sflag:s0] =	ssyncadd.tile.s32 @!p0 $0x1;
	_ =	shalt  }
.Lfunc_end2:
_tile_overlayer_lowered:
.L_overlay_start_2:
0x53: {  	(tag) =	ssettag $0x2  }
0x54: {  	s0 =	rddreg [dreg:$0x0];
	s2 =	stileid.u32  }
0x55: {  	s1 =	rddreg [dreg:$0x1];
	p0 =	sne.s32 s2, $0x0  }
0x56: {  	s3 =	rddreg [dreg:$0x2];
	[bflag:$0x3] =	sbarrier.arrive $0xFFFF;
	s2 =	simm.s32 @!p0 $0x1C01  }
0x57: {  	[timem:s3], [sflag:s2] =	dma.local @!p0 [hbm:s0], s1  }
0x58: {  	s0 =	simm.s32 @!p0 $0x1  }
0x59: {  	_ =	swait.ge @!p0 [sflag:s0], s1  }
0x5a: {  	s1 =	ssub.s32 @!p0 $0x0, s1;
	[sflag:s0] =	ssyncset.done @!p0 $0x0  }
0x5b: {  	[sflag:s0] =	ssyncadd.s32 @!p0 s1  }
0x5c: {  	[bflag:$0x3] =	sbarrier.arrive $0xFFFF  }
0x5d: {  	_ =	shalt  }

// kernel: kernel.28.cloned.1.call-start
scs
__scs_entry_jumppad:
0x0: {  	(pc) =	sbr.rel $0x88, $3  }
0x1: {  	(tag) =	ssettag $0x0;
	lr =	simm.s32 $0x1  }
0x2: {  	[smem:$0x3F97] =	sst lr;
	_ =	strace $0xD0000000  }
0x3: {  	_ = 	snop  }
0x4: {  	_ = 	snop  }
0x5: {  	_ = 	snop  }
0x6: {  	_ = 	snop  }
0x7: {  	_ = 	snop  }
__scs_overlays_trampoline_lowered:
0x8: {  	[smem:$0x3FA6] =	sst s0  }
0x9: {  	[smem:$0x3FA7] =	sst s1  }
0xa: {  	[smem:$0x3FA8] =	sst s2  }
0xb: {  	[smem:$0x3FA9] =	sst s3  }
0xc: {  	[smem:$0x3FAA] =	sst s4  }
0xd: {  	[smem:$0x3FAB] =	sst s5  }
0xe: {  	[smem:$0x3FAC] =	sst s6  }
0xf: {  	[smem:$0x3FAD] =	sst s7  }
0x10: {  	[smem:$0x3FAE] =	sst s8  }
0x11: {  	[smem:$0x3FAF] =	sst s9;
	s0 =	simm.s32 @!p0 $0x0  }
0x12: {  	s1 =	sld [smem:$0x3F95];
	s0 =	simm.s32 @p0 $0x1  }
0x13: {  	[smem:$0x3FB0] =	sst s0;
	s0 =	simm.s32 @!p1 $0x0  }
0x14: {  	s2 =	sld [smem:$0x3F94];
	s0 =	simm.s32 @p1 $0x1  }
0x15: {  	[smem:$0x3FB1] =	sst s0;
	s0 =	simm.s32 @!p2 $0x0  }
0x16: {  	s3 =	sld [smem:$0x3FDB];
	s0 =	simm.s32 @p2 $0x1  }
0x17: {  	s4 =	simm.s32 $0x1BF5;
	[smem:$0x3FB3] =	sst s0  }
0x18: {  	s0 =	sld [smem:$0x3F96];
	_ =	swait.ge [sflag:s4], $0x0  }
0x19: {  	s7 =	sld [smem:$0x3F97]  }
0x1a: {  	s8 =	sadd.s32 $0xFFFFE003, lr  }
0x1b: {  	s9 =	sadd.s32 $0xFFFFFEF7, lr;
	s5 =	simm.s32 $0xFFFFFFFF;
	p2 =	slt.u32 s8, $0xFFFFF086  }
0x1c: {  	p1 =	slt.u32 s9, $0xF7A;
	s5 =	simm.s32 @!p2 $0x0  }
0x1d: {  	s5 =	simm.s32 @p1 $0x1;
	p0 =	seq.s32 s7, s2  }
0x1e: {  	s7 =	smul.u32 @!p0 $0xF7A, s2;
	p2 =	seq.s32 @!p0 s5, $0x0  }
0x1f: {  	s9 =	smul.u32 $0xF7A, s1;
	s8 =	simm.s32 @!p0 $0x1BF5;
	p2 =	por !p2, p0  }
0x20: {  	[sflag:s8] =	ssyncset.s32 @!p0 $0xFFFFF086;
	s6 =	sadd.s32 @!p0 s3, s7;
	s7 =	simm.s32 @!p0 $0x108  }
0x21: {  	s3 =	sadd.s32 s3, s9;
	s6 =	sadd.s32 @!p0 $0x88, s6;
	s7 =	simm.s32 @p2 $0x1082  }
0x22: {  	[simem:s7], [sflag:s8] =	dma.local @!p0 [hbm:s6], $0xF7A  }
0x23: {  	s9 =	sor.u32 $0xD0000000, s2;
	s6 =	simm.s32 $0x108;
	_ =	swait.ge @!p0 [sflag:s8], $0x0  }
0x24: {  	s3 =	sadd.s32 $0x88, s3;
	s6 =	simm.s32 @!p1 $0x1082;
	[sflag:s4] =	ssyncset.s32 $0xFFFFF086  }
0x25: {  	[simem:s6], [sflag:s4] =	dma.local [hbm:s3], $0xF7A  }
0x26: {  	[smem:$0x3F97] =	sst s1;
	(tag) =	ssettag s2;
	_ =	strace s9  }
0x27: {  	s1 =	sld [smem:$0x3FA7]  }
0x28: {  	s2 =	sld [smem:$0x3FA8]  }
0x29: {  	s4 =	sld [smem:$0x3FAA]  }
0x2a: {  	p0 =	seq.s32 s5, $0x0;
	s5 =	sld [smem:$0x3FAB]  }
0x2b: {  	s6 =	sld [smem:$0x3FAC]  }
0x2c: {  	s7 =	sld [smem:$0x3FAD]  }
0x2d: {  	s3 =	simm.s32 $0x108;
	s8 =	sld [smem:$0x3FAE]  }
0x2e: {  	s3 =	simm.s32 @!p0 $0x1082;
	s9 =	sld [smem:$0x3FAF]  }
0x2f: {  	lr =	sadd.s32 s0, s3;
	s0 =	sld [smem:$0x3FA6]  }
0x30: {  	s3 =	sld [smem:$0x3FA9]  }
0x31: {  	[smem:$0x3FB2] =	sst s10  }
0x32: {  	s10 =	sld [smem:$0x3FB0];
	_ =	sdelay $0x3  }
0x33: {  	p0 =	seq.s32 s10, $0x1;
	s10 =	sld [smem:$0x3FB2];
	_ =	sdelay $0x3  }
0x34: {  	[smem:$0x3FB2] =	sst s10  }
0x35: {  	s10 =	sld [smem:$0x3FB1];
	_ =	sdelay $0x3  }
0x36: {  	p1 =	seq.s32 s10, $0x1;
	s10 =	sld [smem:$0x3FB2];
	_ =	sdelay $0x3  }
0x37: {  	[smem:$0x3FB2] =	sst s10  }
0x38: {  	s10 =	sld [smem:$0x3FB3]  }
0x39: {  	_ = 	snop;
	(pc) =	sbr.ind lr, $3  }
0x3a: {  	_ = 	snop  }
0x3b: {  	_ = 	snop  }
0x3c: {  	p2 =	seq.s32 s10, $0x1;
	s10 =	sld [smem:$0x3FB2]  }
0x3d: {  	_ =	shalt  }
0x3e: {  	_ =	shalt  }
0x3f: {  	_ =	shalt  }
0x40: {  	_ =	shalt  }
0x41: {  	_ =	shalt  }
0x42: {  	_ =	shalt  }
0x43: {  	_ =	shalt  }
0x44: {  	_ =	shalt  }
0x45: {  	_ =	shalt  }
0x46: {  	_ =	shalt  }
0x47: {  	_ =	shalt  }
0x48: {  	_ =	shalt  }
0x49: {  	_ =	shalt  }
0x4a: {  	_ =	shalt  }
0x4b: {  	_ =	shalt  }
0x4c: {  	_ =	shalt  }
0x4d: {  	_ =	shalt  }
0x4e: {  	_ =	shalt  }
0x4f: {  	_ =	shalt  }
0x50: {  	_ =	shalt  }
0x51: {  	_ =	shalt  }
0x52: {  	_ =	shalt  }
0x53: {  	_ =	shalt  }
0x54: {  	_ =	shalt  }
0x55: {  	_ =	shalt  }
0x56: {  	_ =	shalt  }
0x57: {  	_ =	shalt  }
0x58: {  	_ =	shalt  }
0x59: {  	_ =	shalt  }
0x5a: {  	_ =	shalt  }
0x5b: {  	_ =	shalt  }
0x5c: {  	_ =	shalt  }
0x5d: {  	_ =	shalt  }
0x5e: {  	_ =	shalt  }
0x5f: {  	_ =	shalt  }
0x60: {  	_ =	shalt  }
0x61: {  	_ =	shalt  }
0x62: {  	_ =	shalt  }
0x63: {  	_ =	shalt  }
0x64: {  	_ =	shalt  }
0x65: {  	_ =	shalt  }
0x66: {  	_ =	shalt  }
0x67: {  	_ =	shalt  }
0x68: {  	_ =	shalt  }
0x69: {  	_ =	shalt  }
0x6a: {  	_ =	shalt  }
0x6b: {  	_ =	shalt  }
0x6c: {  	_ =	shalt  }
0x6d: {  	_ =	shalt  }
0x6e: {  	_ =	shalt  }
0x6f: {  	_ =	shalt  }
0x70: {  	_ =	shalt  }
0x71: {  	_ =	shalt  }
0x72: {  	_ =	shalt  }
0x73: {  	_ =	shalt  }
0x74: {  	_ =	shalt  }
0x75: {  	_ =	shalt  }
0x76: {  	_ =	shalt  }
0x77: {  	_ =	shalt  }
0x78: {  	_ =	shalt  }
0x79: {  	_ =	shalt  }
0x7a: {  	_ =	shalt  }
0x7b: {  	_ =	shalt  }
0x7c: {  	_ =	shalt  }
0x7d: {  	_ =	shalt  }
0x7e: {  	_ =	shalt  }
0x7f: {  	_ =	shalt  }
0x80: {  	_ =	shalt  }
0x81: {  	_ =	shalt  }
0x82: {  	_ =	shalt  }
0x83: {  	_ =	shalt  }
0x84: {  	_ =	shalt  }
0x85: {  	_ =	shalt  }
0x86: {  	_ =	shalt  }
0x87: {  	_ =	shalt  }
.Lfunc_end0:
.L_simem_size_0:
called_computation.5_lowered:
.L_overlay_start_0:
0x88: {  	s2 =	sld [smem:$0x3FD9]  }
0x89: {  	s3 =	sld [smem:$0x3FFE];
	_ =	sdelay $0x1  }
0x8a: {  	s1 =	srdreg.scid  }
0x8b: {  	s0 =	sand.u32 $0x1, s1  }
0x8c: {  	s14 =	sshll.u32 s0, $0xA;
	s2 =	sadd.s32 s3, s2  }
0x8d: {  	s2 =	sadd.s32 s2, s14  }
0x8e: {  	[smem:$0x3FBE] =	sst s2  }
0x8f: {  	_ = 	snop  }
0x90: {  	s2 =	sld [smem:$0x3FD0];
	_ =	sdelay $0x2  }
0x91: {  	s15 =	simm.s32 $0xA;
	s4 =	simm.s32 $0x10  }
0x92: {  	[smem:s4], [sflag:s15] =	dma.local [hbm:s2], $0x1  }
0x93: {  	_ =	swait.eq [sflag:s15], $0x1  }
0x94: {  	[sflag:s15] =	ssyncset.done $0x0  }
0x95: {  	s16 =	sld [smem:$0x10];
	[sflag:s15] =	ssyncadd.s32 $0xFFFFFFFF  }
0x96: {  	s17 =	sld [smem:$0x14];
	(tm) =	ssettm $0x1  }
0x97: {  	s18 =	sld [smem:$0x3FFB];
	_ =	sdelay $0x3  }
0x98: {  	_ =	strace s18  }
0x99: {  	s4 =	sld [smem:$0x3FFC];
	_ =	sdelay $0x3  }
0x9a: {  	_ =	strace s4  }
0x9b: {  	s4 =	sld [smem:$0x3FFD];
	_ =	sdelay $0x3  }
0x9c: {  	_ =	strace s4  }
0x9d: {  	_ =	strace $0x8FFFFFFF  }
0x9e: {  	s19 =	sld [smem:$0x3FDB];
	_ =	sdelay $0x1  }
0x9f: {  	s5 =	simm.s32 $_scs_section_size  }
0xa0: {  	s6 =	simm.s32 $_size__tile_overlayer_lowered;
	s7 =	simm.s32 $_tile_overlayer_lowered  }
0xa1: {  	s22 =	simm.s32 $0x1BFF;
	s21 =	sshll.u32 s7, $0x1;
	s4 =	sadd.s32 s5, s19  }
0xa2: {  	s8 =	simm.s32 $0x0;
	s20 =	sshll.u32 s6, $0x1;
	s6 =	sadd.s32 s21, s4  }
0xa3: {  	[timem:s8], [sflag:s22] =	dma.local [hbm:s6], s20  }
0xa4: {  	_ =	swait.ge [sflag:s22], s20  }
0xa5: {  	s5 =	ssub.s32 $0x0, s20;
	[sflag:s22] =	ssyncset.done $0x0  }
0xa6: {  	[sflag:s22] =	ssyncadd.s32 s5;
	_ =	sdelay $0x1  }
0xa7: {  	s23 =	simm.s32 $0x1B8B  }
0xa8: {  	_ =	swait.ge [sflag:s23], $0x1  }
0xa9: {  	[sflag:s23] =	ssyncset.done $0x0  }
0xaa: {  	s25 =	simm.s32 $0x1B8E;
	s24 =	sld [smem:$0x3FFE];
	[sflag:s23] =	ssyncadd.s32 $0xFFFFFFFF  }
0xab: {  	s26 =	simm.s32 $execute0_lowered;
	[smem:$0x3FD2] =	sst s25  }
0xac: {  	s6 =	sshll.u32 s26, $0x1;
	_ =	strace $0x80000055;
	[dreg:$0x1] =	wrdreg $0xFFFFFFFF  }
0xad: {  	s28 =	simm.s32 $_size_execute0_lowered;
	s4 =	sadd.s32 s4, s6;
	[dreg:$0x0] =	wrdreg $0x0  }
0xae: {  	s6 =	sshll.u32 s28, $0x1;
	[dreg:$0x2] =	wrdreg s4  }
0xaf: {  	[dreg:$0x3] =	wrdreg s6  }
0xb0: {  	[dreg:$0x4] =	wrdreg $0xC0  }
0xb1: {  	_ =	task [dreg:s8], $0x5FFFF  }
0xb2: {  	[dreg:$0x1] =	wrdreg $0xFFFFFFFF  }
0xb3: {  	[dreg:$0x0] =	wrdreg $0x60  }
0xb4: {  	[dreg:$0x2] =	wrdreg s16  }
0xb5: {  	[dreg:$0x3] =	wrdreg s17  }
0xb6: {  	[dreg:$0x4] =	wrdreg s24  }
0xb7: {  	[dreg:$0x5] =	wrdreg $0x9  }
0xb8: {  	_ =	task.clear_ibuf [dreg:s8], $0x6FFFF;
	_ =	strace $0x90000055  }
0xb9: {  	s29 =	simm.s32 $0x9;
	_ =	strace $0x80000057  }
0xba: {  	_ =	swait.ge [sflag:s29], $0x1  }
0xbb: {  	[sflag:s29] =	ssyncadd.s32 $0xFFFFFFFF  }
0xbc: {  	_ =	strace $0x90000057  }
0xbd: {  	_ =	sfence  }
0xbe: {  	s30 =	sld [smem:$0x0];
	_ =	sdelay $0x2  }
0xbf: {  	s31 =	sshll.u32 s1, $0xD;
	s1 =	sshrl.u32 s1, $0x2  }
0xc0: {  	s3 =	sand.u32 $0x4000, s31;
	s1 =	sadd.s32 s1, s30  }
0xc1: {  	s0 =	sor.u32 s3, s0;
	s1 =	sshll.u32 s1, $0x11  }
0xc2: {  	s0 =	sor.u32 s1, s0  }
0xc3: {  	s0 =	sadd.s32 $0x8F2B, s0  }
0xc4: {  	[sflag:s0] =	ssyncadd.remote.s32 $0x1  }
0xc5: {  	_ =	sfence.sel $0xFFFF  }
0xc6: {  	[dreg:$0x0] =	wrdreg $0xFFFFFFFF;
	(pc) =	sbr.abs _section_cstart, $3  }
0xc7: {  	[dreg:$0x1] =	wrdreg $0xFFFFFFFF  }
0xc8: {  	_ =	task.clear_ibuf [dreg:s8], $0x2FFFF;
	_ =	strace $0x9FFFFFFF  }
0xc9: {  	(tm) =	ssettm $0x7FFFFFFF  }
tec
execute0_lowered:
.L_overlay_start_1:
0x0: {  	(tag) =	ssettag $0x1  }
0x1: {  	s1 =	rddreg [dreg:$0x0]  }
0x2: {  	s3 =	rddreg [dreg:$0x1]  }
0x3: {  	s0 =	rddreg [dreg:$0x2]  }
0x4: {  	s2 =	srdreg.scid;
	s5 =	stileid.u32;
	s4 =	simm.s32 $0x0  }
0x5: {  	s16 =	simm.s32 $0x80;
	s17 =	simm.s32 $0x400;
	s18 =	simm.s32 $0x3  }
0x6: {  	s19 =	simm.s32 $0x2780;
	s20 =	simm.s32 $0x4F00;
	s21 =	simm.s32 $0x7680  }
0x7: {  	s28 =	simm.s32 $0x9E00;
	s29 =	simm.s32 $0xC580;
	s30 =	simm.s32 $0xED00  }
0x8: {  	s31 =	simm.s32 $0x11480;
	s2 =	sand.u32 $0x1, s2;
	s5 =	smul.u32 $0x13C00, s5  }
0x9: {  	[smem:$0x7FF] =	sst s4;
	s23 =	sadd.s32 $0x1A00, s0;
	s0 =	sadd.s32 $0x29200, s0  }
0xa: {  	s9 =	sadd.s32 $0x2B0, s1;
	s6 =	sshll.u32 s2, $0x9;
	s2 =	ssub.s32 $0x2, s2  }
0xb: {  	s10 =	sadd.s32 $0x2B0, s3;
	s5 =	sor.u32 s6, s5;
	s7 =	sshrl.u32 s2, $0x1  }
0xc: {  	_ =	strace $0x80000056;
	s5 =	sshrl.u32 s5, $0x3;
	s2 =	ssub.s32 s2, s7  }
0xd: {  	s24 =	sadd.s32 s23, s5;
	s12 =	sor.u32 $0x10, s5;
	s13 =	sor.u32 $0x20, s5  }
0xe: {  	s14 =	sor.u32 $0x30, s5;
	s11 =	sadd.s32 s0, s5;
	s15 =	smax.u32 s2, $0x1  }
.Ltmp0:
0xf: {  	s2 =	simm.s32 $0x0;
	[dreg:$0x4] =	wrdreg s24;
	(pc) =	sbr.rel .LBB2_1-.Ltmp0, $4  }
0x10: {  	s25 =	sadd.s32 s23, s12;
	s26 =	sadd.s32 s23, s13;
	s8 =	sadd.s32 s23, s14  }
0x11: {  	s12 =	sadd.s32 s0, s12;
	s13 =	sadd.s32 s0, s13;
	s14 =	sadd.s32 s0, s14  }
0x12: {  	s24 =	simm.s32 $0x16700;
	s0 =	simm.s32 $0x2;
	[dreg:$0x5] =	wrdreg s25  }
0x13: {  	v0 =	vimm.f32 $0.0e+00;
	[dreg:$0x6] =	wrdreg s26;
	s25 =	simm.s32 $0x17C80;
	s26 =	simm.s32 $0x1  }
.LBB2_24:
0x14: {  	[hbm4b:s11+s16] =	stream.strided.scatter [tilespmem:s28], [sflag:$0x3], $0x2780, s17, s16, $0x38;
	[tilespmem:$0x19200] =	vst v63  }
0x15: {  	_ =	swait.ge [sflag:s18], $0x2780  }
0x16: {  	[sflag:s18] =	ssyncset.done $0x0  }
0x17: {  	[sflag:s18] =	ssyncadd.s32 $0xFFFFD880  }
0x18: {  	[hbm4b:s12+s16] =	stream.strided.scatter [tilespmem:s29], [sflag:$0x3], $0x2780, s17, s16, $0x38;
	[tilespmem:$0x19200] =	vst v63  }
0x19: {  	_ =	swait.ge [sflag:s18], $0x2780  }
0x1a: {  	[sflag:s18] =	ssyncset.done $0x0  }
0x1b: {  	[sflag:s18] =	ssyncadd.s32 $0xFFFFD880  }
0x1c: {  	[hbm4b:s13+s16] =	stream.strided.scatter [tilespmem:s30], [sflag:$0x3], $0x2780, s17, s16, $0x38;
	[tilespmem:$0x19200] =	vst v63  }
0x1d: {  	s2 =	sadd.s32 $0x1, s2;
	_ =	swait.ge [sflag:s18], $0x2780  }
0x1e: {  	p0 =	sne.s32 s2, s15;
	[sflag:s18] =	ssyncset.done $0x0  }
.Ltmp1:
0x1f: {  	[sflag:s18] =	ssyncadd.s32 $0xFFFFD880;
	(pc) =	sbr.rel @!p0 .LBB2_25-.Ltmp1, $4  }
0x20: {  	[hbm4b:s14+s16] =	stream.strided.scatter [tilespmem:s31], [sflag:$0x3], $0x2780, s17, s16, $0x38;
	[tilespmem:$0x19200] =	vst v63  }
0x21: {  	_ =	swait.ge [sflag:s18], $0x2780  }
0x22: {  	[sflag:s18] =	ssyncset.done $0x0  }
0x23: {  	[sflag:s18] =	ssyncadd.s32 $0xFFFFD880  }
.LBB2_1:
0x24: {  	s5 =	rddreg [dreg:$0x4]  }
0x25: {  	[tilespmem:s4], [sflag:$0x3] =	stream.strided.gather [hbm4b:s5+s16], $0x2780, s17, s16, $0x38;
	[tilespmem:$0x19200] =	vst v63  }
0x26: {  	_ =	swait.ge [sflag:s18], $0x2780  }
0x27: {  	[sflag:s18] =	ssyncset.done $0x0  }
0x28: {  	s5 =	simm.s32 $0x9E40;
	[sflag:s18] =	ssyncadd.s32 $0xFFFFD880  }
0x29: {  	[tilespmem:s5+$0xFFFFFFC0] =	vst v0  }
0x2a: {  	[tilespmem:s5+$0x30] =	vst v0  }
0x2b: {  	[tilespmem:s5+$0x20] =	vst v0  }
0x2c: {  	[tilespmem:s5+$0x10] =	vst v0  }
0x2d: {  	[tilespmem:s5+$0x0] =	vst v0  }
0x2e: {  	[tilespmem:s5+$0xFFFFFFF0] =	vst v0  }
0x2f: {  	s23 =	simm.s32 $0x0;
	s6 =	simm.s32 $0xC500;
	[tilespmem:s5+$0xFFFFFFE0] =	vst v0  }
.LBB2_2:
0x30: {  	s23 =	sadd.s32 $0x80, s23;
	[tilespmem:s5+$0xFFFFFFD0] =	vst v0;
	s5 =	sadd.s32 $0x80, s5;
	s22 =	simm.s32 $0x26F0  }
0x31: {  	[tilespmem:s5+$0xFFFFFFC0] =	vst v0;
	p0 =	slt.u32 s23, $0x2680  }
0x32: {  	[tilespmem:s5+$0x30] =	vst v0  }
.Ltmp2:
0x33: {  	[tilespmem:s5+$0x20] =	vst v0;
	(pc) =	sbr.rel @p0 .LBB2_2-.Ltmp2, $4  }
0x34: {  	[tilespmem:s5+$0x10] =	vst v0  }
0x35: {  	[tilespmem:s5+$0x0] =	vst v0  }
0x36: {  	[tilespmem:s5+$0xFFFFFFF0] =	vst v0  }
0x37: {  	[tilespmem:s5+$0xFFFFFFE0] =	vst v0  }
0x38: {  	[tilespmem:s5+$0xFFFFFFD0] =	vst v0  }
.LBB2_4:
0x39: {  	s22 =	sadd.s32 $0x10, s22  }
0x3a: {  	p0 =	slt.u32 s22, $0x2710  }
.Ltmp3:
0x3b: {  	_ = 	snop;
	(pc) =	sbr.rel @p0 .LBB2_4-.Ltmp3, $2  }
0x3c: {  	_ =	sdelay $0x2  }
0x3d: {  	[tilespmem:s6+$0x0] =	vst v0;
	s6 =	sadd.s32 $0x10, s6  }
0x3e: {  	s5 =	rddreg [dreg:$0x5]  }
0x3f: {  	[tilespmem:s19], [sflag:$0x3] =	stream.strided.gather [hbm4b:s5+s16], $0x2780, s17, s16, $0x38;
	[tilespmem:$0x19200] =	vst v63  }
0x40: {  	_ =	swait.ge [sflag:s18], $0x2780  }
0x41: {  	[sflag:s18] =	ssyncset.done $0x0  }
0x42: {  	s6 =	simm.s32 $0xC5C0;
	[sflag:s18] =	ssyncadd.s32 $0xFFFFD880  }
0x43: {  	[tilespmem:s6+$0xFFFFFFC0] =	vst v0  }
0x44: {  	[tilespmem:s6+$0x30] =	vst v0  }
0x45: {  	[tilespmem:s6+$0x20] =	vst v0  }
0x46: {  	[tilespmem:s6+$0x10] =	vst v0  }
0x47: {  	[tilespmem:s6+$0x0] =	vst v0  }
0x48: {  	[tilespmem:s6+$0xFFFFFFF0] =	vst v0  }
0x49: {  	s22 =	simm.s32 $0x0;
	s5 =	simm.s32 $0xEC80;
	[tilespmem:s6+$0xFFFFFFE0] =	vst v0  }
.LBB2_6:
0x4a: {  	s22 =	sadd.s32 $0x80, s22;
	[tilespmem:s6+$0xFFFFFFD0] =	vst v0;
	s6 =	sadd.s32 $0x80, s6  }
0x4b: {  	[tilespmem:s6+$0xFFFFFFC0] =	vst v0;
	p0 =	slt.u32 s22, $0x2680  }
0x4c: {  	[tilespmem:s6+$0x30] =	vst v0  }
.Ltmp4:
0x4d: {  	[tilespmem:s6+$0x20] =	vst v0;
	(pc) =	sbr.rel @p0 .LBB2_6-.Ltmp4, $4  }
0x4e: {  	[tilespmem:s6+$0x10] =	vst v0  }
0x4f: {  	[tilespmem:s6+$0x0] =	vst v0  }
0x50: {  	[tilespmem:s6+$0xFFFFFFF0] =	vst v0  }
0x51: {  	[tilespmem:s6+$0xFFFFFFE0] =	vst v0  }
0x52: {  	[tilespmem:s6+$0xFFFFFFD0] =	vst v0;
	s6 =	simm.s32 $0x26F0  }
.LBB2_8:
0x53: {  	s6 =	sadd.s32 $0x10, s6  }
0x54: {  	p0 =	slt.u32 s6, $0x2710  }
.Ltmp5:
0x55: {  	_ = 	snop;
	(pc) =	sbr.rel @p0 .LBB2_8-.Ltmp5, $2  }
0x56: {  	_ =	sdelay $0x2  }
0x57: {  	[tilespmem:s5+$0x0] =	vst v0;
	s5 =	sadd.s32 $0x10, s5  }
0x58: {  	s5 =	rddreg [dreg:$0x6]  }
0x59: {  	[tilespmem:s20], [sflag:$0x3] =	stream.strided.gather [hbm4b:s5+s16], $0x2780, s17, s16, $0x38;
	[tilespmem:$0x19200] =	vst v63  }
0x5a: {  	_ =	swait.ge [sflag:s18], $0x2780  }
0x5b: {  	[sflag:s18] =	ssyncset.done $0x0  }
0x5c: {  	s6 =	simm.s32 $0xED40;
	[sflag:s18] =	ssyncadd.s32 $0xFFFFD880  }
0x5d: {  	[tilespmem:s6+$0xFFFFFFC0] =	vst v0  }
0x5e: {  	[tilespmem:s6+$0x30] =	vst v0  }
0x5f: {  	[tilespmem:s6+$0x20] =	vst v0  }
0x60: {  	[tilespmem:s6+$0x10] =	vst v0  }
0x61: {  	[tilespmem:s6+$0x0] =	vst v0  }
0x62: {  	[tilespmem:s6+$0xFFFFFFF0] =	vst v0  }
0x63: {  	s22 =	simm.s32 $0x0;
	s5 =	simm.s32 $0x11400;
	[tilespmem:s6+$0xFFFFFFE0] =	vst v0  }
.LBB2_10:
0x64: {  	s22 =	sadd.s32 $0x80, s22;
	[tilespmem:s6+$0xFFFFFFD0] =	vst v0;
	s6 =	sadd.s32 $0x80, s6  }
0x65: {  	[tilespmem:s6+$0xFFFFFFC0] =	vst v0;
	p0 =	slt.u32 s22, $0x2680  }
0x66: {  	[tilespmem:s6+$0x30] =	vst v0  }
.Ltmp6:
0x67: {  	[tilespmem:s6+$0x20] =	vst v0;
	(pc) =	sbr.rel @p0 .LBB2_10-.Ltmp6, $4  }
0x68: {  	[tilespmem:s6+$0x10] =	vst v0  }
0x69: {  	[tilespmem:s6+$0x0] =	vst v0  }
0x6a: {  	[tilespmem:s6+$0xFFFFFFF0] =	vst v0  }
0x6b: {  	[tilespmem:s6+$0xFFFFFFE0] =	vst v0  }
0x6c: {  	[tilespmem:s6+$0xFFFFFFD0] =	vst v0;
	s6 =	simm.s32 $0x26F0  }
.LBB2_12:
0x6d: {  	s6 =	sadd.s32 $0x10, s6  }
0x6e: {  	p0 =	slt.u32 s6, $0x2710  }
.Ltmp7:
0x6f: {  	_ = 	snop;
	(pc) =	sbr.rel @p0 .LBB2_12-.Ltmp7, $2  }
0x70: {  	_ =	sdelay $0x2  }
0x71: {  	[tilespmem:s5+$0x0] =	vst v0;
	s5 =	sadd.s32 $0x10, s5  }
0x72: {  	[tilespmem:s21], [sflag:$0x3] =	stream.strided.gather [hbm4b:s8+s16], $0x2780, s17, s16, $0x38;
	[tilespmem:$0x19200] =	vst v63  }
0x73: {  	_ =	swait.ge [sflag:s18], $0x2780  }
0x74: {  	[sflag:s18] =	ssyncset.done $0x0  }
0x75: {  	s6 =	simm.s32 $0x114C0;
	[sflag:s18] =	ssyncadd.s32 $0xFFFFD880  }
0x76: {  	[tilespmem:s6+$0xFFFFFFC0] =	vst v0  }
0x77: {  	[tilespmem:s6+$0x30] =	vst v0  }
0x78: {  	[tilespmem:s6+$0x20] =	vst v0  }
0x79: {  	[tilespmem:s6+$0x10] =	vst v0  }
0x7a: {  	[tilespmem:s6+$0x0] =	vst v0  }
0x7b: {  	[tilespmem:s6+$0xFFFFFFF0] =	vst v0  }
0x7c: {  	s22 =	simm.s32 $0x0;
	s5 =	simm.s32 $0x13B80;
	[tilespmem:s6+$0xFFFFFFE0] =	vst v0  }
.LBB2_14:
0x7d: {  	s22 =	sadd.s32 $0x80, s22;
	[tilespmem:s6+$0xFFFFFFD0] =	vst v0;
	s6 =	sadd.s32 $0x80, s6  }
0x7e: {  	[tilespmem:s6+$0xFFFFFFC0] =	vst v0;
	p0 =	slt.u32 s22, $0x2680  }
0x7f: {  	[tilespmem:s6+$0x30] =	vst v0  }
.Ltmp8:
0x80: {  	[tilespmem:s6+$0x20] =	vst v0;
	(pc) =	sbr.rel @p0 .LBB2_14-.Ltmp8, $4  }
0x81: {  	[tilespmem:s6+$0x10] =	vst v0  }
0x82: {  	[tilespmem:s6+$0x0] =	vst v0  }
0x83: {  	[tilespmem:s6+$0xFFFFFFF0] =	vst v0  }
0x84: {  	[tilespmem:s6+$0xFFFFFFE0] =	vst v0  }
0x85: {  	[tilespmem:s6+$0xFFFFFFD0] =	vst v0;
	s6 =	simm.s32 $0x26F0  }
.LBB2_16:
0x86: {  	s6 =	sadd.s32 $0x10, s6  }
0x87: {  	p0 =	slt.u32 s6, $0x2710  }
.Ltmp9:
0x88: {  	_ = 	snop;
	(pc) =	sbr.rel @p0 .LBB2_16-.Ltmp9, $2  }
0x89: {  	_ =	sdelay $0x2  }
0x8a: {  	[tilespmem:s5+$0x0] =	vst v0;
	s5 =	sadd.s32 $0x10, s5  }
0x8b: {  	s22 =	simm.s32 $0x0;
	s5 =	simm.s32 $0x13C00  }
0x8c: {  	[tilespmem:s5], [sflag:$0x1] =	stream.linear.gather [hbm4b:s1+s22], $0x1580, $0x38;
	[tilespmem:$0x19200] =	vst v63  }
0x8d: {  	s23 =	simm.s32 $0x15180  }
0x8e: {  	[tilespmem:s23], [sflag:$0x1] =	stream.linear.gather [hbm4b:s3+s22], $0x1580, $0x38;
	[tilespmem:$0x19200] =	vst v63  }
0x8f: {  	_ = 	snop  }
0x90: {  	[tilespmem:s24], [sflag:$0x2] =	stream.linear.gather [hbm4b:s9+s22], $0x1580, $0x38;
	[tilespmem:$0x19200] =	vst v63  }
0x91: {  	_ = 	snop  }
0x92: {  	[tilespmem:s25], [sflag:$0x2] =	stream.linear.gather [hbm4b:s10+s22], $0x1580, $0x38;
	[tilespmem:$0x19200] =	vst v63  }
.LBB2_18:
0x93: {  	_ =	swait.ge [sflag:s26], $0x1580  }
0x94: {  	[sflag:s26] =	ssyncset.done $0x0  }
0x95: {  	[sflag:s26] =	ssyncadd.s32 $0xFFFFEA80  }
0x96: {  	_ =	swait.ge [sflag:s26], $0x1580  }
0x97: {  	[sflag:s26] =	ssyncset.done $0x0  }
0x98: {  	s5 =	simm.s32 $0x13C20;
	[sflag:s26] =	ssyncadd.s32 $0xFFFFEA80  }
0x99: {  	v2 =	vld [tilespmem:s5+$0x10];
	_ =	sdelay $0x2  }
0x9a: {  	v3 =	vld [tilespmem:s5+$0xFFFFFFE0];
	_ =	sdelay $0x1  }
0x9b: {  	v8 =	vld [tilespmem:s5+$0xFFFFFFF0];
	v12 =	vshrl.u32 v2, $0xE  }
0x9c: {  	v13 =	vld [tilespmem:s5+$0x0];
	_ =	sdelay $0x1  }
0x9d: {  	s23 =	simm.s32 $0x151A0;
	v5 =	vshrl.u32 v3, $0xE  }
0x9e: {  	v11 =	vld [tilespmem:s23+$0x10]  }
0x9f: {  	v1 =	vshrl.u32 v8, $0xE;
	v9 =	vld.idx.msk [tilespmem:v12+s4+$0x0], $0xffff  }
0xa0: {  	v7 =	vshrl.u32 v13, $0xE  }
0xa1: {  	v6 =	vld [tilespmem:s23+$0xFFFFFFE0];
	v10 =	vand.u32 $0x3FFF, v2  }
0xa2: {  	v15 =	vld.idx.msk [tilespmem:v5+s4+$0x0], $0xffff  }
0xa3: {  	v4 =	vld [tilespmem:s23+$0xFFFFFFF0]  }
0xa4: {  	v3 =	vand.u32 $0x3FFF, v3;
	v14 =	vld.idx.msk [tilespmem:v1+s4+$0x0], $0xffff;
	v9 =	vmul.f32 v9, v11  }
0xa5: {  	v17 =	vld.idx.msk [tilespmem:v7+s4+$0x0], $0xffff  }
0xa6: {  	v2 =	vand.u32 $0x3FFF, v8;
	[tilespmem:v10+s28+$0x0] =	vst.idx.add.f32.msk $0xffff, v9  }
0xa7: {  	v8 =	vmul.f32 v15, v6;
	v9 =	vld [tilespmem:s23+$0x0]  }
0xa8: {  	v16 =	vld.idx.msk [tilespmem:v12+s19+$0x0], $0xffff  }
0xa9: {  	v14 =	vmul.f32 v14, v4;
	[tilespmem:v3+s28+$0x0] =	vst.idx.add.f32.msk $0xffff, v8;
	v8 =	vand.u32 $0x3FFF, v13;
	_ =	sdelay $0x1  }
0xaa: {  	[tilespmem:v2+s28+$0x0] =	vst.idx.add.f32.msk $0xffff, v14  }
0xab: {  	v13 =	vld.idx.msk [tilespmem:v5+s19+$0x0], $0xffff;
	v63 =	vmul.f32 v17, v9  }
0xac: {  	v15 =	vld.idx.msk [tilespmem:v1+s19+$0x0], $0xffff;
	v14 =	vmul.f32 v16, v11  }
0xad: {  	[tilespmem:v8+s28+$0x0] =	vst.idx.add.f32.msk $0xffff, v63  }
0xae: {  	[tilespmem:v10+s29+$0x0] =	vst.idx.add.f32.msk $0xffff, v14  }
0xaf: {  	v16 =	vld.idx.msk [tilespmem:v7+s19+$0x0], $0xffff  }
0xb0: {  	v14 =	vld.idx.msk [tilespmem:v12+s20+$0x0], $0xffff  }
0xb1: {  	v13 =	vmul.f32 v13, v6  }
0xb2: {  	v15 =	vmul.f32 v15, v4  }
0xb3: {  	[tilespmem:v3+s29+$0x0] =	vst.idx.add.f32.msk $0xffff, v13  }
0xb4: {  	[tilespmem:v2+s29+$0x0] =	vst.idx.add.f32.msk $0xffff, v15;
	v15 =	vmul.f32 v16, v9  }
0xb5: {  	v13 =	vld.idx.msk [tilespmem:v5+s20+$0x0], $0xffff;
	v14 =	vmul.f32 v14, v11  }
0xb6: {  	[tilespmem:v8+s29+$0x0] =	vst.idx.add.f32.msk $0xffff, v15  }
0xb7: {  	[tilespmem:v10+s30+$0x0] =	vst.idx.add.f32.msk $0xffff, v14  }
0xb8: {  	v12 =	vld.idx.msk [tilespmem:v12+s21+$0x0], $0xffff  }
0xb9: {  	s6 =	simm.s32 $0x13C60;
	s5 =	simm.s32 $0x0;
	v14 =	vld.idx.msk [tilespmem:v1+s20+$0x0], $0xffff  }
.LBB2_19:
0xba: {  	v15 =	vld [tilespmem:s6+$0x10];
	s5 =	sadd.s32 $0x40, s5  }
0xbb: {  	v13 =	vmul.f32 v13, v6;
	v16 =	vld [tilespmem:s6+$0xFFFFFFF0];
	p0 =	slt.u32 s5, $0x1540  }
0xbc: {  	v17 =	vld [tilespmem:s6+$0x0]  }
0xbd: {  	v11 =	vmul.f32 v12, v11;
	v18 =	vld [tilespmem:s6+$0xFFFFFFE0]  }
0xbe: {  	v12 =	vld.idx.msk [tilespmem:v7+s20+$0x0], $0xffff  }
0xbf: {  	v14 =	vmul.f32 v14, v4;
	v19 =	vshrl.u32 v15, $0xE;
	[tilespmem:v10+s31+$0x0] =	vst.idx.add.f32.msk $0xffff, v11  }
0xc0: {  	v10 =	vshrl.u32 v16, $0xE;
	v16 =	vand.u32 $0x3FFF, v16;
	[tilespmem:v3+s30+$0x0] =	vst.idx.add.f32.msk $0xffff, v13  }
0xc1: {  	v13 =	vshrl.u32 v17, $0xE;
	v17 =	vand.u32 $0x3FFF, v17;
	[tilespmem:v2+s30+$0x0] =	vst.idx.add.f32.msk $0xffff, v14  }
0xc2: {  	v14 =	vand.u32 $0x3FFF, v18;
	v20 =	vld.idx.msk [tilespmem:v5+s21+$0x0], $0xffff;
	v5 =	vshrl.u32 v18, $0xE  }
0xc3: {  	v18 =	vld.idx.msk [tilespmem:v1+s21+$0x0], $0xffff;
	v1 =	vmov v10  }
0xc4: {  	s23 =	sadd.s32 $0x40, s23;
	v12 =	vmul.f32 v12, v9;
	v21 =	vld.idx.msk [tilespmem:v19+s4+$0x0], $0xffff  }
0xc5: {  	v11 =	vld [tilespmem:s23+$0x10]  }
0xc6: {  	v22 =	vld.idx.msk [tilespmem:v10+s4+$0x0], $0xffff  }
0xc7: {  	v10 =	vand.u32 $0x3FFF, v15;
	v23 =	vld.idx.msk [tilespmem:v5+s4+$0x0], $0xffff  }
0xc8: {  	v20 =	vmul.f32 v20, v6;
	v15 =	vld.idx.msk [tilespmem:v13+s4+$0x0], $0xffff  }
0xc9: {  	v18 =	vmul.f32 v18, v4;
	v6 =	vld [tilespmem:s23+$0xFFFFFFE0]  }
0xca: {  	v4 =	vld [tilespmem:s23+$0xFFFFFFF0];
	v21 =	vmul.f32 v21, v11  }
0xcb: {  	v24 =	vld [tilespmem:s23+$0x0]  }
0xcc: {  	[tilespmem:v10+s28+$0x0] =	vst.idx.add.f32.msk $0xffff, v21  }
0xcd: {  	v21 =	vld.idx.msk [tilespmem:v19+s19+$0x0], $0xffff  }
0xce: {  	v23 =	vmul.f32 v23, v6;
	[tilespmem:v8+s30+$0x0] =	vst.idx.add.f32.msk $0xffff, v12  }
0xcf: {  	v12 =	vmul.f32 v22, v4;
	v22 =	vld.idx.msk [tilespmem:v7+s21+$0x0], $0xffff;
	v7 =	vmov v13  }
0xd0: {  	[tilespmem:v14+s28+$0x0] =	vst.idx.add.f32.msk $0xffff, v23;
	v13 =	vmul.f32 v15, v24  }
0xd1: {  	[tilespmem:v16+s28+$0x0] =	vst.idx.add.f32.msk $0xffff, v12  }
0xd2: {  	[tilespmem:v17+s28+$0x0] =	vst.idx.add.f32.msk $0xffff, v13  }
0xd3: {  	v13 =	vmul.f32 v21, v11;
	v12 =	vld.idx.msk [tilespmem:v5+s19+$0x0], $0xffff  }
0xd4: {  	v15 =	vld.idx.msk [tilespmem:v1+s19+$0x0], $0xffff  }
0xd5: {  	[tilespmem:v10+s29+$0x0] =	vst.idx.add.f32.msk $0xffff, v13;
	v13 =	vmul.f32 v22, v9;
	v9 =	vmov v24  }
0xd6: {  	v21 =	vld.idx.msk [tilespmem:v19+s20+$0x0], $0xffff  }
0xd7: {  	v22 =	vld.idx.msk [tilespmem:v7+s19+$0x0], $0xffff  }
0xd8: {  	[tilespmem:v3+s31+$0x0] =	vst.idx.add.f32.msk $0xffff, v20;
	v3 =	vmov v14  }
0xd9: {  	v12 =	vmul.f32 v12, v6;
	[tilespmem:v2+s31+$0x0] =	vst.idx.add.f32.msk $0xffff, v18;
	v2 =	vmov v16  }
0xda: {  	v15 =	vmul.f32 v15, v4;
	[tilespmem:v8+s31+$0x0] =	vst.idx.add.f32.msk $0xffff, v13;
	v8 =	vmov v17  }
0xdb: {  	[tilespmem:v14+s29+$0x0] =	vst.idx.add.f32.msk $0xffff, v12  }
0xdc: {  	v12 =	vmul.f32 v21, v11;
	[tilespmem:v16+s29+$0x0] =	vst.idx.add.f32.msk $0xffff, v15  }
.Ltmp10:
0xdd: {  	v14 =	vmul.f32 v22, v9;
	v13 =	vld.idx.msk [tilespmem:v5+s20+$0x0], $0xffff;
	(pc) =	sbr.rel @p0 .LBB2_19-.Ltmp10, $4  }
0xde: {  	[tilespmem:v10+s30+$0x0] =	vst.idx.add.f32.msk $0xffff, v12  }
0xdf: {  	v12 =	vld.idx.msk [tilespmem:v19+s21+$0x0], $0xffff  }
0xe0: {  	[tilespmem:v17+s29+$0x0] =	vst.idx.add.f32.msk $0xffff, v14  }
0xe1: {  	s6 =	sadd.s32 $0x40, s6;
	v14 =	vld.idx.msk [tilespmem:v1+s20+$0x0], $0xffff  }
0xe2: {  	_ =	sdelay $0x3  }
0xe3: {  	v15 =	vld.idx.msk [tilespmem:v7+s20+$0x0], $0xffff  }
0xe4: {  	v13 =	vmul.f32 v13, v6;
	_ =	sdelay $0x1  }
0xe5: {  	[tilespmem:v3+s30+$0x0] =	vst.idx.add.f32.msk $0xffff, v13;
	v14 =	vmul.f32 v14, v4  }
0xe6: {  	v5 =	vld.idx.msk [tilespmem:v5+s21+$0x0], $0xffff  }
0xe7: {  	v13 =	vmul.f32 v15, v9;
	[tilespmem:v2+s30+$0x0] =	vst.idx.add.f32.msk $0xffff, v14  }
0xe8: {  	v1 =	vld.idx.msk [tilespmem:v1+s21+$0x0], $0xffff  }
0xe9: {  	[tilespmem:v8+s30+$0x0] =	vst.idx.add.f32.msk $0xffff, v13  }
0xea: {  	v7 =	vld.idx.msk [tilespmem:v7+s21+$0x0], $0xffff;
	_ =	sdelay $0x1  }
0xeb: {  	p0 =	seq.s32 s22, $0x1D;
	v11 =	vmul.f32 v12, v11  }
0xec: {  	s5 =	smul.u32 @!p0 $0x2B00, s22;
	v5 =	vmul.f32 v5, v6  }
0xed: {  	[tilespmem:v10+s31+$0x0] =	vst.idx.add.f32.msk $0xffff, v11;
	v1 =	vmul.f32 v1, v4  }
0xee: {  	s5 =	sshrl.u32 @!p0 s5, $0x3;
	[tilespmem:v3+s31+$0x0] =	vst.idx.add.f32.msk $0xffff, v5;
	v4 =	vmul.f32 v7, v9  }
0xef: {  	s5 =	sadd.s32 @!p0 $0x560, s5;
	[tilespmem:v2+s31+$0x0] =	vst.idx.add.f32.msk $0xffff, v1  }
0xf0: {  	s23 =	simm.s32 @!p0 $0x0;
	s7 =	simm.s32 @!p0 $0x13C00;
	s6 =	sadd.s32 @!p0 s1, s5;
	[tilespmem:v8+s31+$0x0] =	vst.idx.add.f32.msk $0xffff, v4  }
0xf1: {  	[tilespmem:s7], [sflag:$0x1] =	stream.linear.gather @!p0 [hbm4b:s6+s23], $0x1580, $0x38;
	[tilespmem:$0x19200] =	vst v63  }
0xf2: {  	s5 =	sadd.s32 @!p0 s3, s5;
	s6 =	simm.s32 @!p0 $0x15180  }
0xf3: {  	[tilespmem:s6], [sflag:$0x1] =	stream.linear.gather @!p0 [hbm4b:s5+s23], $0x1580, $0x38;
	[tilespmem:$0x19200] =	vst v63  }
0xf4: {  	_ =	swait.ge [sflag:s0], $0x1580  }
0xf5: {  	[sflag:s0] =	ssyncset.done $0x0  }
0xf6: {  	[sflag:s0] =	ssyncadd.s32 $0xFFFFEA80  }
0xf7: {  	_ =	swait.ge [sflag:s0], $0x1580  }
0xf8: {  	[sflag:s0] =	ssyncset.done $0x0  }
0xf9: {  	s23 =	simm.s32 $0x16720;
	[sflag:s0] =	ssyncadd.s32 $0xFFFFEA80  }
0xfa: {  	v3 =	vld [tilespmem:s23+$0x10];
	_ =	sdelay $0x1  }
0xfb: {  	v8 =	vld [tilespmem:s23+$0xFFFFFFE0]  }
0xfc: {  	v4 =	vld [tilespmem:s23+$0xFFFFFFF0]  }
0xfd: {  	v9 =	vld [tilespmem:s23+$0x0]  }
0xfe: {  	v12 =	vshrl.u32 v3, $0xE  }
0xff: {  	s23 =	simm.s32 $0x17CA0  }
0x100: {  	v11 =	vld [tilespmem:s23+$0x10];
	v2 =	vshrl.u32 v8, $0xE  }
0x101: {  	v7 =	vld [tilespmem:s23+$0xFFFFFFE0];
	v1 =	vshrl.u32 v4, $0xE  }
0x102: {  	v5 =	vld [tilespmem:s23+$0xFFFFFFF0];
	v6 =	vshrl.u32 v9, $0xE  }
0x103: {  	v13 =	vld.idx.msk [tilespmem:v12+s4+$0x0], $0xffff  }
0x104: {  	v10 =	vand.u32 $0x3FFF, v3;
	v3 =	vand.u32 $0x3FFF, v8;
	v8 =	vld [tilespmem:s23+$0x0]  }
0x105: {  	v15 =	vld.idx.msk [tilespmem:v2+s4+$0x0], $0xffff  }
0x106: {  	v14 =	vld.idx.msk [tilespmem:v1+s4+$0x0], $0xffff  }
0x107: {  	v16 =	vld.idx.msk [tilespmem:v6+s4+$0x0], $0xffff  }
0x108: {  	v4 =	vand.u32 $0x3FFF, v4;
	v13 =	vmul.f32 v13, v11  }
0x109: {  	v9 =	vand.u32 $0x3FFF, v9  }
0x10a: {  	v15 =	vmul.f32 v15, v7;
	[tilespmem:v10+s28+$0x0] =	vst.idx.add.f32.msk $0xffff, v13  }
0x10b: {  	v14 =	vmul.f32 v14, v5;
	v13 =	vld.idx.msk [tilespmem:v12+s19+$0x0], $0xffff  }
0x10c: {  	v16 =	vmul.f32 v16, v8;
	[tilespmem:v3+s28+$0x0] =	vst.idx.add.f32.msk $0xffff, v15  }
0x10d: {  	[tilespmem:v4+s28+$0x0] =	vst.idx.add.f32.msk $0xffff, v14  }
0x10e: {  	[tilespmem:v9+s28+$0x0] =	vst.idx.add.f32.msk $0xffff, v16  }
0x10f: {  	v15 =	vld.idx.msk [tilespmem:v1+s19+$0x0], $0xffff  }
0x110: {  	v14 =	vld.idx.msk [tilespmem:v2+s19+$0x0], $0xffff;
	v13 =	vmul.f32 v13, v11  }
0x111: {  	v16 =	vld.idx.msk [tilespmem:v6+s19+$0x0], $0xffff  }
0x112: {  	[tilespmem:v10+s29+$0x0] =	vst.idx.add.f32.msk $0xffff, v13  }
0x113: {  	v13 =	vld.idx.msk [tilespmem:v12+s20+$0x0], $0xffff  }
0x114: {  	v15 =	vmul.f32 v15, v5  }
0x115: {  	v14 =	vmul.f32 v14, v7  }
0x116: {  	[tilespmem:v4+s29+$0x0] =	vst.idx.add.f32.msk $0xffff, v15;
	v15 =	vmul.f32 v16, v8  }
0x117: {  	[tilespmem:v3+s29+$0x0] =	vst.idx.add.f32.msk $0xffff, v14  }
0x118: {  	[tilespmem:v9+s29+$0x0] =	vst.idx.add.f32.msk $0xffff, v15;
	v14 =	vmul.f32 v13, v11  }
0x119: {  	v13 =	vld.idx.msk [tilespmem:v2+s20+$0x0], $0xffff  }
0x11a: {  	[tilespmem:v10+s30+$0x0] =	vst.idx.add.f32.msk $0xffff, v14  }
0x11b: {  	v12 =	vld.idx.msk [tilespmem:v12+s21+$0x0], $0xffff  }
0x11c: {  	s5 =	simm.s32 $0x0;
	s6 =	simm.s32 $0x16760;
	v14 =	vld.idx.msk [tilespmem:v1+s20+$0x0], $0xffff  }
.LBB2_21:
0x11d: {  	v15 =	vld [tilespmem:s6+$0x10];
	s5 =	sadd.s32 $0x40, s5  }
0x11e: {  	v13 =	vmul.f32 v13, v7;
	v16 =	vld [tilespmem:s6+$0xFFFFFFF0];
	p1 =	slt.u32 s5, $0x1540  }
0x11f: {  	v17 =	vld [tilespmem:s6+$0x0]  }
0x120: {  	v11 =	vmul.f32 v12, v11;
	v18 =	vld [tilespmem:s6+$0xFFFFFFE0]  }
0x121: {  	v12 =	vld.idx.msk [tilespmem:v6+s20+$0x0], $0xffff  }
0x122: {  	v14 =	vmul.f32 v14, v5;
	v19 =	vshrl.u32 v15, $0xE;
	[tilespmem:v10+s31+$0x0] =	vst.idx.add.f32.msk $0xffff, v11  }
0x123: {  	v10 =	vshrl.u32 v16, $0xE;
	v16 =	vand.u32 $0x3FFF, v16;
	[tilespmem:v3+s30+$0x0] =	vst.idx.add.f32.msk $0xffff, v13  }
0x124: {  	v13 =	vshrl.u32 v17, $0xE;
	v17 =	vand.u32 $0x3FFF, v17;
	[tilespmem:v4+s30+$0x0] =	vst.idx.add.f32.msk $0xffff, v14  }
0x125: {  	v14 =	vand.u32 $0x3FFF, v18;
	v20 =	vld.idx.msk [tilespmem:v2+s21+$0x0], $0xffff;
	v2 =	vshrl.u32 v18, $0xE  }
0x126: {  	v18 =	vld.idx.msk [tilespmem:v1+s21+$0x0], $0xffff;
	v1 =	vmov v10  }
0x127: {  	s23 =	sadd.s32 $0x40, s23;
	v12 =	vmul.f32 v12, v8;
	v21 =	vld.idx.msk [tilespmem:v19+s4+$0x0], $0xffff  }
0x128: {  	v11 =	vld [tilespmem:s23+$0x10]  }
0x129: {  	v22 =	vld.idx.msk [tilespmem:v10+s4+$0x0], $0xffff  }
0x12a: {  	v10 =	vand.u32 $0x3FFF, v15;
	v23 =	vld.idx.msk [tilespmem:v2+s4+$0x0], $0xffff  }
0x12b: {  	v20 =	vmul.f32 v20, v7;
	v15 =	vld.idx.msk [tilespmem:v13+s4+$0x0], $0xffff  }
0x12c: {  	v18 =	vmul.f32 v18, v5;
	v7 =	vld [tilespmem:s23+$0xFFFFFFE0]  }
0x12d: {  	v5 =	vld [tilespmem:s23+$0xFFFFFFF0];
	v21 =	vmul.f32 v21, v11  }
0x12e: {  	v24 =	vld [tilespmem:s23+$0x0]  }
0x12f: {  	[tilespmem:v10+s28+$0x0] =	vst.idx.add.f32.msk $0xffff, v21  }
0x130: {  	v21 =	vld.idx.msk [tilespmem:v19+s19+$0x0], $0xffff  }
0x131: {  	v23 =	vmul.f32 v23, v7;
	[tilespmem:v9+s30+$0x0] =	vst.idx.add.f32.msk $0xffff, v12  }
0x132: {  	v12 =	vmul.f32 v22, v5;
	v22 =	vld.idx.msk [tilespmem:v6+s21+$0x0], $0xffff;
	v6 =	vmov v13  }
0x133: {  	[tilespmem:v14+s28+$0x0] =	vst.idx.add.f32.msk $0xffff, v23;
	v13 =	vmul.f32 v15, v24  }
0x134: {  	[tilespmem:v16+s28+$0x0] =	vst.idx.add.f32.msk $0xffff, v12  }
0x135: {  	[tilespmem:v17+s28+$0x0] =	vst.idx.add.f32.msk $0xffff, v13  }
0x136: {  	v13 =	vmul.f32 v21, v11;
	v12 =	vld.idx.msk [tilespmem:v2+s19+$0x0], $0xffff  }
0x137: {  	v15 =	vld.idx.msk [tilespmem:v1+s19+$0x0], $0xffff  }
0x138: {  	[tilespmem:v10+s29+$0x0] =	vst.idx.add.f32.msk $0xffff, v13;
	v13 =	vmul.f32 v22, v8;
	v8 =	vmov v24  }
0x139: {  	v21 =	vld.idx.msk [tilespmem:v19+s20+$0x0], $0xffff  }
0x13a: {  	v22 =	vld.idx.msk [tilespmem:v6+s19+$0x0], $0xffff  }
0x13b: {  	[tilespmem:v3+s31+$0x0] =	vst.idx.add.f32.msk $0xffff, v20;
	v3 =	vmov v14  }
0x13c: {  	v12 =	vmul.f32 v12, v7;
	[tilespmem:v4+s31+$0x0] =	vst.idx.add.f32.msk $0xffff, v18;
	v4 =	vmov v16  }
0x13d: {  	v15 =	vmul.f32 v15, v5;
	[tilespmem:v9+s31+$0x0] =	vst.idx.add.f32.msk $0xffff, v13;
	v9 =	vmov v17  }
0x13e: {  	[tilespmem:v14+s29+$0x0] =	vst.idx.add.f32.msk $0xffff, v12  }
0x13f: {  	v12 =	vmul.f32 v21, v11;
	[tilespmem:v16+s29+$0x0] =	vst.idx.add.f32.msk $0xffff, v15  }
.Ltmp11:
0x140: {  	v14 =	vmul.f32 v22, v8;
	v13 =	vld.idx.msk [tilespmem:v2+s20+$0x0], $0xffff;
	(pc) =	sbr.rel @p1 .LBB2_21-.Ltmp11, $4  }
0x141: {  	[tilespmem:v10+s30+$0x0] =	vst.idx.add.f32.msk $0xffff, v12  }
0x142: {  	v12 =	vld.idx.msk [tilespmem:v19+s21+$0x0], $0xffff  }
0x143: {  	[tilespmem:v17+s29+$0x0] =	vst.idx.add.f32.msk $0xffff, v14  }
0x144: {  	s6 =	sadd.s32 $0x40, s6;
	v14 =	vld.idx.msk [tilespmem:v1+s20+$0x0], $0xffff  }
0x145: {  	_ =	sdelay $0x3  }
0x146: {  	v15 =	vld.idx.msk [tilespmem:v6+s20+$0x0], $0xffff  }
0x147: {  	v13 =	vmul.f32 v13, v7;
	_ =	sdelay $0x1  }
0x148: {  	[tilespmem:v3+s30+$0x0] =	vst.idx.add.f32.msk $0xffff, v13;
	v14 =	vmul.f32 v14, v5  }
0x149: {  	v2 =	vld.idx.msk [tilespmem:v2+s21+$0x0], $0xffff  }
0x14a: {  	v61 =	vmul.f32 v15, v8;
	[tilespmem:v4+s30+$0x0] =	vst.idx.add.f32.msk $0xffff, v14  }
0x14b: {  	v1 =	vld.idx.msk [tilespmem:v1+s21+$0x0], $0xffff  }
0x14c: {  	[tilespmem:v9+s30+$0x0] =	vst.idx.add.f32.msk $0xffff, v61  }
0x14d: {  	v62 =	vld.idx.msk [tilespmem:v6+s21+$0x0], $0xffff;
	_ =	sdelay $0x1  }
0x14e: {  	v11 =	vmul.f32 v12, v11  }
.Ltmp12:
0x14f: {  	v2 =	vmul.f32 v2, v7;
	(pc) =	sbr.rel @p0 .LBB2_24-.Ltmp12, $4  }
0x150: {  	[tilespmem:v10+s31+$0x0] =	vst.idx.add.f32.msk $0xffff, v11;
	v1 =	vmul.f32 v1, v5  }
0x151: {  	[tilespmem:v3+s31+$0x0] =	vst.idx.add.f32.msk $0xffff, v2;
	v63 =	vmul.f32 v62, v8  }
0x152: {  	[tilespmem:v4+s31+$0x0] =	vst.idx.add.f32.msk $0xffff, v1  }
0x153: {  	[tilespmem:v9+s31+$0x0] =	vst.idx.add.f32.msk $0xffff, v63  }
0x154: {  	s5 =	smul.u32 $0x2B00, s22;
	_ =	sdelay $0x1  }
0x155: {  	s5 =	sshrl.u32 s5, $0x3  }
.Ltmp13:
0x156: {  	s5 =	sadd.s32 $0x810, s5;
	(pc) =	sbr.rel .LBB2_18-.Ltmp13, $4  }
0x157: {  	s6 =	sadd.s32 s1, s5  }
0x158: {  	[tilespmem:s24], [sflag:$0x2] =	stream.linear.gather [hbm4b:s6+s4], $0x1580, $0x38;
	[tilespmem:$0x19200] =	vst v63  }
0x159: {  	s22 =	sadd.s32 $0x1, s22;
	s5 =	sadd.s32 s3, s5  }
0x15a: {  	[tilespmem:s25], [sflag:$0x2] =	stream.linear.gather [hbm4b:s5+s4], $0x1580, $0x38;
	[tilespmem:$0x19200] =	vst v63  }
.LBB2_25:
0x15b: {  	_ =	sfence.sel $0x180000  }
0x15c: {  	[bflag:$0x0] =	sbarrier.arrive $0xFFFF  }
0x15d: {  	_ =	strace $0x90000056  }
0x15e: {  	s0 =	stileid.u32;
	[bflag:$0x2] =	sbarrier.arrive $0xFFFF  }
0x15f: {  	p0 =	sne.s32 s0, $0x0;
	s0 =	rddreg [dreg:$0x3]  }
0x160: {  	s0 =	sadd.s32 @!p0 $0x100000, s0  }
0x161: {  	[sflag:s0] =	ssyncadd.tile.s32 @!p0 $0x1;
	_ =	shalt  }
.Lfunc_end2:
_tile_overlayer_lowered:
.L_overlay_start_2:
0x162: {  	(tag) =	ssettag $0x2  }
0x163: {  	s0 =	rddreg [dreg:$0x0];
	s2 =	stileid.u32  }
0x164: {  	s1 =	rddreg [dreg:$0x1];
	p0 =	sne.s32 s2, $0x0  }
0x165: {  	s3 =	rddreg [dreg:$0x2];
	[bflag:$0x3] =	sbarrier.arrive $0xFFFF;
	s2 =	simm.s32 @!p0 $0x1C03  }
0x166: {  	[timem:s3], [sflag:s2] =	dma.local @!p0 [hbm:s0], s1  }
0x167: {  	s0 =	simm.s32 @!p0 $0x3  }
0x168: {  	_ =	swait.ge @!p0 [sflag:s0], s1  }
0x169: {  	s1 =	ssub.s32 @!p0 $0x0, s1;
	[sflag:s0] =	ssyncset.done @!p0 $0x0  }
0x16a: {  	[sflag:s0] =	ssyncadd.s32 @!p0 s1  }
0x16b: {  	[bflag:$0x3] =	sbarrier.arrive $0xFFFF  }
0x16c: {  	_ =	shalt  }

</sc_bundles>
